<compile_context>
chip_gen: v7x
topology: tpu7x:2x2x1
jax: 0.10.2.dev20260603
libtpu: 0.0.44.dev20260713+nightly
codegen_flags: <defaults>
</compile_context>

<pallas_src>
import functools

import jax
import jax.numpy as jnp
from jax import lax
from jax.experimental import pallas as pl
from jax.experimental.pallas import tpu as pltpu
from jax.experimental.pallas import tpu_sc as plsc

_NC = 2
_NS = 16
_NW = _NC * _NS
_L = 16
_CH = 128
_MC = 10


@functools.lru_cache(maxsize=None)
def _build_sc_lookup(B, Q, V, D):
    N = B * Q
    n_per_w = N // _NW
    b_per_w = B // _NW
    nch = n_per_w // _CH
    nmg = nch // _MC
    rows = _MC * _CH
    mesh = plsc.VectorSubcoreMesh(core_axis_name="c", subcore_axis_name="s")

    @functools.partial(
        pl.kernel,
        mesh=mesh,
        out_type=jax.ShapeDtypeStruct((N, D), jnp.float32),
        compiler_params=pltpu.CompilerParams(
            use_tc_tiling_on_sc=False, needs_layout_passes=False),
        scratch_types=[
            pltpu.VMEM((nch, _CH), jnp.int32),
            pltpu.VMEM((b_per_w,), jnp.int32),
            pltpu.VMEM((2, rows, D), jnp.float32),
            pltpu.SemaphoreType.DMA,
            pltpu.SemaphoreType.DMA,
            pltpu.SemaphoreType.DMA,
            pltpu.SemaphoreType.DMA,
        ],
    )
    def k(idx_hbm, lens_hbm, table_hbm, out_hbm,
          idx_a, lens_v, obuf, g0, g1, s0, s1):
        wid = lax.axis_index("s") * _NC + lax.axis_index("c")
        base = wid * n_per_w
        bbase = wid * b_per_w
        gsem = (g0, g1)
        ssem = (s0, s1)

        pltpu.sync_copy(idx_hbm.at[wid], idx_a)
        pltpu.sync_copy(lens_hbm.at[pl.ds(bbase, b_per_w)], lens_v)

        def fire_gathers(m):
            slot = m % 2
            handles = []
            for c in range(_MC):
                handles.append(pltpu.async_copy(
                    table_hbm.at[idx_a.at[m * _MC + c]],
                    obuf.at[slot, pl.ds(c * _CH, _CH)],
                    gsem[slot]))
            return handles

        iota = lax.iota(jnp.int32, _L)
        qvec = jnp.full((_L,), Q, jnp.int32)
        zero16 = jnp.zeros((_L,), jnp.float32)

        def mask_zero(m):
            slot = jnp.full((_L,), m % 2, jnp.int32)
            mbase = base + m * rows

            def grp_body(g, _):
                rows16 = g * _L + iota
                p16 = mbase + rows16
                q16 = lax.rem(p16, qvec)
                b16 = lax.div(p16, qvec) - bbase
                ln16 = plsc.load_gather(lens_v, [b16])
                zmask = q16 >= ln16
                for d in range(D):
                    plsc.store_scatter(
                        obuf, [slot, rows16, jnp.full((_L,), d, jnp.int32)],
                        zero16, mask=zmask)
                return 0

            lax.fori_loop(0, rows // _L, grp_body, 0)

        gh = {0: fire_gathers(0)}
        sh = {}
        for m in range(nmg):
            nxt = m + 1
            if nxt < nmg:
                if nxt - 2 in sh:
                    sh.pop(nxt - 2).wait()
                gh[nxt] = fire_gathers(nxt)
            for h in gh.pop(m):
                h.wait()
            mask_zero(m)
            sh[m] = pltpu.async_copy(
                obuf.at[m % 2],
                out_hbm.at[pl.ds(base + m * rows, rows)],
                ssem[m % 2])
        for m in sorted(sh):
            sh.pop(m).wait()

    return k


def kernel(queries, query_lens, W):
    B, Q = queries.shape
    V, D = W.shape
    k = _build_sc_lookup(B, Q, V, D)
    out = k(queries.reshape(_NW, -1, _CH), query_lens, W)
    return out.reshape(B, Q, D)

# --- scband reference (transcript-rebuilt; emitter-appended) ---
"""Pipeline reference for scband-word-encoder-86741159510341 (READ-ONLY COPY).

The authoritative reference and input builder live on the scoring server;
editing this copy changes nothing except your own understanding.
"""

import jax, jax.numpy as jnp
import numpy as np

VOCAB = 1000000
EMBED_DIM = 32
BATCH = 4096
QMAX = 50


def setup_inputs(seed: int = 0) -> dict:
    key = jax.random.key(seed)
    k1, k2, k3 = jax.random.split(key, 3)
    queries = jax.random.randint(k1, (BATCH, QMAX), 0, VOCAB, dtype=jnp.int64 if jax.config.jax_enable_x64 else jnp.int32).astype(jnp.int32)
    query_lens = jax.random.randint(k2, (BATCH,), 0, QMAX, dtype=jnp.int32)
    # embedding table, kaiming-uniform-like init
    bound = float(np.sqrt(6.0 / VOCAB))
    W = jax.random.uniform(k3, (VOCAB, EMBED_DIM), minval=-bound, maxval=bound, dtype=jnp.float32)
    return {"queries": queries, "query_lens": query_lens, "W": W}


def reference(queries, query_lens, W):
    batch_size, query_max = queries.shape
    # embedding gather
    query_embeds = jnp.take(W, queries, axis=0)  # (B, L, D)
    # length mask: positions < query_lens
    mask = (jnp.arange(query_max)[None, :] < query_lens[:, None]).astype(query_embeds.dtype)
    query_embeds = query_embeds * mask[:, :, None]
    return query_embeds

if __name__ == "__main__":
    import jax
    _d = setup_inputs()
    print(jax.jit(kernel)(*tuple(_d.values())))

</pallas_src>

<mosaic_0001>
#map = affine_map<(d0, d1) -> (0, 0, 0)>
#map1 = affine_map<(d0, d1) -> (0)>
#map2 = affine_map<(d0, d1) -> (0, 0)>
module attributes {stable_mosaic.version = 14 : i64} {
  func.func @k(%arg0: i32, %arg1: i32, %arg2: memref<32x50x128xi32, #tpu.memory_space<hbm>>, %arg3: memref<4096xi32, #tpu.memory_space<hbm>>, %arg4: memref<1000000x32xf32, #tpu.memory_space<hbm>>, %arg5: memref<204800x32xf32, #tpu.memory_space<hbm>>, %arg6: memref<50x128xi32, #tpu.memory_space<vmem>>, %arg7: memref<128xi32, #tpu.memory_space<vmem>>, %arg8: memref<2x1280x32xf32, #tpu.memory_space<vmem>>, %arg9: memref<!tpu.dma_semaphore, #tpu.memory_space<semaphore_mem>>, %arg10: memref<!tpu.dma_semaphore, #tpu.memory_space<semaphore_mem>>, %arg11: memref<!tpu.dma_semaphore, #tpu.memory_space<semaphore_mem>>, %arg12: memref<!tpu.dma_semaphore, #tpu.memory_space<semaphore_mem>>) attributes {dimension_semantics = [#tpu.dimension_semantics<core_parallel>, #tpu.dimension_semantics<subcore_parallel>], iteration_bounds = array<i64: 2, 16>, scalar_prefetch = 0 : i64, scratch_operands = 7 : i64, tpu.core_type = #tpu.core_type<sc_vector_subcore>, window_params = [{transform_indices = #map}, {transform_indices = #map1}, {transform_indices = #map2}, {transform_indices = #map2}]} {
    %mul3A = arith.constant 2 : i32
    %mul3A_0 = arith.muli %arg1, %mul3A : i32
    %add3A = arith.addi %mul3A_0, %arg0 : i32
    %mul3A_1 = arith.constant 6400 : i32
    %mul3A_2 = arith.muli %add3A, %mul3A_1 : i32
    %mul3A_3 = arith.constant 128 : i32
    %mul3A_4 = arith.muli %add3A, %mul3A_3 : i32
    "tpu.region"() ({
      %run_scoped3A = tpu.sem_alloc : memref<!tpu.dma_semaphore, #tpu.memory_space<semaphore_mem>>
      %dma_start3A_1400 = arith.constant 0 : i32
      %dma_start3A_1401 = arith.constant 0 : i32
      %dma_start3A_1402 = tpu.memref_slice %arg2[%add3A, %dma_start3A_1400, %dma_start3A_1401] : memref<32x50x128xi32, #tpu.memory_space<hbm>> -> memref<1x50x128xi32, #tpu.memory_space<hbm>>
      %dma_start3A_1403 = tpu.memref_squeeze %dma_start3A_1402 : memref<1x50x128xi32, #tpu.memory_space<hbm>> -> memref<50x128xi32, #tpu.memory_space<hbm>>
      %dma_start3A_1404 = arith.constant 0 : i32
      %dma_start3A_1405 = arith.constant 0 : i32
      %dma_start3A_1406 = tpu.memref_slice %arg2[%add3A, %dma_start3A_1404, %dma_start3A_1405] : memref<32x50x128xi32, #tpu.memory_space<hbm>> -> memref<1x50x128xi32, #tpu.memory_space<hbm>>
      %dma_start3A_1407 = tpu.memref_squeeze %dma_start3A_1406 : memref<1x50x128xi32, #tpu.memory_space<hbm>> -> memref<50x128xi32, #tpu.memory_space<hbm>>
      tpu.enqueue_dma source(%dma_start3A_1407 : memref<50x128xi32, #tpu.memory_space<hbm>>) target(%arg6 : memref<50x128xi32, #tpu.memory_space<vmem>>) target_semaphore(%run_scoped3A : memref<!tpu.dma_semaphore, #tpu.memory_space<semaphore_mem>>)
      %dma_wait3A_1408 = arith.constant 0 : i32
      %dma_wait3A_1409 = arith.constant 0 : i32
      %dma_wait3A_1410 = tpu.memref_slice %arg2[%add3A, %dma_wait3A_1408, %dma_wait3A_1409] : memref<32x50x128xi32, #tpu.memory_space<hbm>> -> memref<1x50x128xi32, #tpu.memory_space<hbm>>
      %dma_wait3A_1411 = tpu.memref_squeeze %dma_wait3A_1410 : memref<1x50x128xi32, #tpu.memory_space<hbm>> -> memref<50x128xi32, #tpu.memory_space<hbm>>
      %dma_wait3A_1412 = arith.constant 0 : i32
      %dma_wait3A_1413 = arith.constant 0 : i32
      %dma_wait3A_1414 = tpu.memref_slice %arg2[%add3A, %dma_wait3A_1412, %dma_wait3A_1413] : memref<32x50x128xi32, #tpu.memory_space<hbm>> -> memref<1x50x128xi32, #tpu.memory_space<hbm>>
      %dma_wait3A_1415 = tpu.memref_squeeze %dma_wait3A_1414 : memref<1x50x128xi32, #tpu.memory_space<hbm>> -> memref<50x128xi32, #tpu.memory_space<hbm>>
      tpu.wait_dma2 semaphore(%run_scoped3A : memref<!tpu.dma_semaphore, #tpu.memory_space<semaphore_mem>>) src(%dma_wait3A_1415 : memref<50x128xi32, #tpu.memory_space<hbm>>) dst(%arg6 : memref<50x128xi32, #tpu.memory_space<vmem>>)
      tpu.yield
    }) : () -> ()
    "tpu.region"() ({
      %run_scoped3A = tpu.sem_alloc : memref<!tpu.dma_semaphore, #tpu.memory_space<semaphore_mem>>
      %dma_start3A_1400 = tpu.memref_slice %arg3[%mul3A_4] : memref<4096xi32, #tpu.memory_space<hbm>> -> memref<128xi32, #tpu.memory_space<hbm>>
      %dma_start3A_1401 = tpu.memref_slice %arg3[%mul3A_4] : memref<4096xi32, #tpu.memory_space<hbm>> -> memref<128xi32, #tpu.memory_space<hbm>>
      tpu.enqueue_dma source(%dma_start3A_1401 : memref<128xi32, #tpu.memory_space<hbm>>) target(%arg7 : memref<128xi32, #tpu.memory_space<vmem>>) target_semaphore(%run_scoped3A : memref<!tpu.dma_semaphore, #tpu.memory_space<semaphore_mem>>)
      %dma_wait3A_1402 = tpu.memref_slice %arg3[%mul3A_4] : memref<4096xi32, #tpu.memory_space<hbm>> -> memref<128xi32, #tpu.memory_space<hbm>>
      %dma_wait3A_1403 = tpu.memref_slice %arg3[%mul3A_4] : memref<4096xi32, #tpu.memory_space<hbm>> -> memref<128xi32, #tpu.memory_space<hbm>>
      tpu.wait_dma2 semaphore(%run_scoped3A : memref<!tpu.dma_semaphore, #tpu.memory_space<semaphore_mem>>) src(%dma_wait3A_1403 : memref<128xi32, #tpu.memory_space<hbm>>) dst(%arg7 : memref<128xi32, #tpu.memory_space<vmem>>)
      tpu.yield
    }) : () -> ()
    %iota3A = tpu.iota {dimensions = array<i32: 0>} : vector<16xi32>
    %broadcast_in_dim3A = arith.constant 50 : i32
    %broadcast_in_dim3A_5 = vector.broadcast %broadcast_in_dim3A : i32 to vector<16xi32>
    %broadcast_in_dim3A_6 = arith.constant 0.000000e+00 : f32
    %broadcast_in_dim3A_7 = vector.broadcast %broadcast_in_dim3A_6 : f32 to vector<16xf32>
    %dma_start3A = arith.constant 0 : i32
    %dma_start3A_8 = arith.constant 0 : i32
    %dma_start3A_9 = arith.constant 0 : i32
    %dma_start3A_10 = arith.constant 0 : i32
    %dma_start3A_11 = tpu.memref_slice %arg8[%dma_start3A_8, %dma_start3A_9, %dma_start3A_10] : memref<2x1280x32xf32, #tpu.memory_space<vmem>> -> memref<1x128x32xf32, #tpu.memory_space<vmem>>
    %dma_start3A_12 = tpu.memref_squeeze %dma_start3A_11 : memref<1x128x32xf32, #tpu.memory_space<vmem>> -> memref<128x32xf32, #tpu.memory_space<vmem>>
    %dma_start3A_13 = arith.constant 0 : i32
    %dma_start3A_14 = tpu.memref_slice %arg6[%dma_start3A, %dma_start3A_13] : memref<50x128xi32, #tpu.memory_space<vmem>> -> memref<1x128xi32, #tpu.memory_space<vmem>>
    %dma_start3A_15 = tpu.memref_squeeze %dma_start3A_14 : memref<1x128xi32, #tpu.memory_space<vmem>> -> memref<128xi32, #tpu.memory_space<vmem>>
    %dma_start3A_16 = arith.constant 0 : i32
    %dma_start3A_17 = arith.constant 0 : i32
    %dma_start3A_18 = tpu.memref_slice %arg4[%dma_start3A_16, %dma_start3A_17] : memref<1000000x32xf32, #tpu.memory_space<hbm>> -> memref<1000000x32xf32, #tpu.memory_space<hbm>>
    tpu.enqueue_indirect_dma source(%dma_start3A_18 : memref<1000000x32xf32, #tpu.memory_space<hbm>>) target(%dma_start3A_12 : memref<128x32xf32, #tpu.memory_space<vmem>>) offsets(%dma_start3A_15 : memref<128xi32, #tpu.memory_space<vmem>>) semaphore(%arg9 : memref<!tpu.dma_semaphore, #tpu.memory_space<semaphore_mem>>)
    %dma_start3A_19 = arith.constant 1 : i32
    %dma_start3A_20 = arith.constant 0 : i32
    %dma_start3A_21 = arith.constant 128 : i32
    %dma_start3A_22 = arith.constant 0 : i32
    %dma_start3A_23 = tpu.memref_slice %arg8[%dma_start3A_20, %dma_start3A_21, %dma_start3A_22] : memref<2x1280x32xf32, #tpu.memory_space<vmem>> -> memref<1x128x32xf32, #tpu.memory_space<vmem>>
    %dma_start3A_24 = tpu.memref_squeeze %dma_start3A_23 : memref<1x128x32xf32, #tpu.memory_space<vmem>> -> memref<128x32xf32, #tpu.memory_space<vmem>>
    %dma_start3A_25 = arith.constant 0 : i32
    %dma_start3A_26 = tpu.memref_slice %arg6[%dma_start3A_19, %dma_start3A_25] : memref<50x128xi32, #tpu.memory_space<vmem>> -> memref<1x128xi32, #tpu.memory_space<vmem>>
    %dma_start3A_27 = tpu.memref_squeeze %dma_start3A_26 : memref<1x128xi32, #tpu.memory_space<vmem>> -> memref<128xi32, #tpu.memory_space<vmem>>
    %dma_start3A_28 = arith.constant 0 : i32
    %dma_start3A_29 = arith.constant 0 : i32
    %dma_start3A_30 = tpu.memref_slice %arg4[%dma_start3A_28, %dma_start3A_29] : memref<1000000x32xf32, #tpu.memory_space<hbm>> -> memref<1000000x32xf32, #tpu.memory_space<hbm>>
    tpu.enqueue_indirect_dma source(%dma_start3A_30 : memref<1000000x32xf32, #tpu.memory_space<hbm>>) target(%dma_start3A_24 : memref<128x32xf32, #tpu.memory_space<vmem>>) offsets(%dma_start3A_27 : memref<128xi32, #tpu.memory_space<vmem>>) semaphore(%arg9 : memref<!tpu.dma_semaphore, #tpu.memory_space<semaphore_mem>>)
    %dma_start3A_31 = arith.constant 2 : i32
    %dma_start3A_32 = arith.constant 0 : i32
    %dma_start3A_33 = arith.constant 256 : i32
    %dma_start3A_34 = arith.constant 0 : i32
    %dma_start3A_35 = tpu.memref_slice %arg8[%dma_start3A_32, %dma_start3A_33, %dma_start3A_34] : memref<2x1280x32xf32, #tpu.memory_space<vmem>> -> memref<1x128x32xf32, #tpu.memory_space<vmem>>
    %dma_start3A_36 = tpu.memref_squeeze %dma_start3A_35 : memref<1x128x32xf32, #tpu.memory_space<vmem>> -> memref<128x32xf32, #tpu.memory_space<vmem>>
    %dma_start3A_37 = arith.constant 0 : i32
    %dma_start3A_38 = tpu.memref_slice %arg6[%dma_start3A_31, %dma_start3A_37] : memref<50x128xi32, #tpu.memory_space<vmem>> -> memref<1x128xi32, #tpu.memory_space<vmem>>
    %dma_start3A_39 = tpu.memref_squeeze %dma_start3A_38 : memref<1x128xi32, #tpu.memory_space<vmem>> -> memref<128xi32, #tpu.memory_space<vmem>>
    %dma_start3A_40 = arith.constant 0 : i32
    %dma_start3A_41 = arith.constant 0 : i32
    %dma_start3A_42 = tpu.memref_slice %arg4[%dma_start3A_40, %dma_start3A_41] : memref<1000000x32xf32, #tpu.memory_space<hbm>> -> memref<1000000x32xf32, #tpu.memory_space<hbm>>
    tpu.enqueue_indirect_dma source(%dma_start3A_42 : memref<1000000x32xf32, #tpu.memory_space<hbm>>) target(%dma_start3A_36 : memref<128x32xf32, #tpu.memory_space<vmem>>) offsets(%dma_start3A_39 : memref<128xi32, #tpu.memory_space<vmem>>) semaphore(%arg9 : memref<!tpu.dma_semaphore, #tpu.memory_space<semaphore_mem>>)
    %dma_start3A_43 = arith.constant 3 : i32
    %dma_start3A_44 = arith.constant 0 : i32
    %dma_start3A_45 = arith.constant 384 : i32
    %dma_start3A_46 = arith.constant 0 : i32
    %dma_start3A_47 = tpu.memref_slice %arg8[%dma_start3A_44, %dma_start3A_45, %dma_start3A_46] : memref<2x1280x32xf32, #tpu.memory_space<vmem>> -> memref<1x128x32xf32, #tpu.memory_space<vmem>>
    %dma_start3A_48 = tpu.memref_squeeze %dma_start3A_47 : memref<1x128x32xf32, #tpu.memory_space<vmem>> -> memref<128x32xf32, #tpu.memory_space<vmem>>
    %dma_start3A_49 = arith.constant 0 : i32
    %dma_start3A_50 = tpu.memref_slice %arg6[%dma_start3A_43, %dma_start3A_49] : memref<50x128xi32, #tpu.memory_space<vmem>> -> memref<1x128xi32, #tpu.memory_space<vmem>>
    %dma_start3A_51 = tpu.memref_squeeze %dma_start3A_50 : memref<1x128xi32, #tpu.memory_space<vmem>> -> memref<128xi32, #tpu.memory_space<vmem>>
    %dma_start3A_52 = arith.constant 0 : i32
    %dma_start3A_53 = arith.constant 0 : i32
    %dma_start3A_54 = tpu.memref_slice %arg4[%dma_start3A_52, %dma_start3A_53] : memref<1000000x32xf32, #tpu.memory_space<hbm>> -> memref<1000000x32xf32, #tpu.memory_space<hbm>>
    tpu.enqueue_indirect_dma source(%dma_start3A_54 : memref<1000000x32xf32, #tpu.memory_space<hbm>>) target(%dma_start3A_48 : memref<128x32xf32, #tpu.memory_space<vmem>>) offsets(%dma_start3A_51 : memref<128xi32, #tpu.memory_space<vmem>>) semaphore(%arg9 : memref<!tpu.dma_semaphore, #tpu.memory_space<semaphore_mem>>)
    %dma_start3A_55 = arith.constant 4 : i32
    %dma_start3A_56 = arith.constant 0 : i32
    %dma_start3A_57 = arith.constant 512 : i32
    %dma_start3A_58 = arith.constant 0 : i32
    %dma_start3A_59 = tpu.memref_slice %arg8[%dma_start3A_56, %dma_start3A_57, %dma_start3A_58] : memref<2x1280x32xf32, #tpu.memory_space<vmem>> -> memref<1x128x32xf32, #tpu.memory_space<vmem>>
    %dma_start3A_60 = tpu.memref_squeeze %dma_start3A_59 : memref<1x128x32xf32, #tpu.memory_space<vmem>> -> memref<128x32xf32, #tpu.memory_space<vmem>>
    %dma_start3A_61 = arith.constant 0 : i32
    %dma_start3A_62 = tpu.memref_slice %arg6[%dma_start3A_55, %dma_start3A_61] : memref<50x128xi32, #tpu.memory_space<vmem>> -> memref<1x128xi32, #tpu.memory_space<vmem>>
    %dma_start3A_63 = tpu.memref_squeeze %dma_start3A_62 : memref<1x128xi32, #tpu.memory_space<vmem>> -> memref<128xi32, #tpu.memory_space<vmem>>
    %dma_start3A_64 = arith.constant 0 : i32
    %dma_start3A_65 = arith.constant 0 : i32
    %dma_start3A_66 = tpu.memref_slice %arg4[%dma_start3A_64, %dma_start3A_65] : memref<1000000x32xf32, #tpu.memory_space<hbm>> -> memref<1000000x32xf32, #tpu.memory_space<hbm>>
    tpu.enqueue_indirect_dma source(%dma_start3A_66 : memref<1000000x32xf32, #tpu.memory_space<hbm>>) target(%dma_start3A_60 : memref<128x32xf32, #tpu.memory_space<vmem>>) offsets(%dma_start3A_63 : memref<128xi32, #tpu.memory_space<vmem>>) semaphore(%arg9 : memref<!tpu.dma_semaphore, #tpu.memory_space<semaphore_mem>>)
    %dma_start3A_67 = arith.constant 5 : i32
    %dma_start3A_68 = arith.constant 0 : i32
    %dma_start3A_69 = arith.constant 640 : i32
    %dma_start3A_70 = arith.constant 0 : i32
    %dma_start3A_71 = tpu.memref_slice %arg8[%dma_start3A_68, %dma_start3A_69, %dma_start3A_70] : memref<2x1280x32xf32, #tpu.memory_space<vmem>> -> memref<1x128x32xf32, #tpu.memory_space<vmem>>
    %dma_start3A_72 = tpu.memref_squeeze %dma_start3A_71 : memref<1x128x32xf32, #tpu.memory_space<vmem>> -> memref<128x32xf32, #tpu.memory_space<vmem>>
    %dma_start3A_73 = arith.constant 0 : i32
    %dma_start3A_74 = tpu.memref_slice %arg6[%dma_start3A_67, %dma_start3A_73] : memref<50x128xi32, #tpu.memory_space<vmem>> -> memref<1x128xi32, #tpu.memory_space<vmem>>
    %dma_start3A_75 = tpu.memref_squeeze %dma_start3A_74 : memref<1x128xi32, #tpu.memory_space<vmem>> -> memref<128xi32, #tpu.memory_space<vmem>>
    %dma_start3A_76 = arith.constant 0 : i32
    %dma_start3A_77 = arith.constant 0 : i32
    %dma_start3A_78 = tpu.memref_slice %arg4[%dma_start3A_76, %dma_start3A_77] : memref<1000000x32xf32, #tpu.memory_space<hbm>> -> memref<1000000x32xf32, #tpu.memory_space<hbm>>
    tpu.enqueue_indirect_dma source(%dma_start3A_78 : memref<1000000x32xf32, #tpu.memory_space<hbm>>) target(%dma_start3A_72 : memref<128x32xf32, #tpu.memory_space<vmem>>) offsets(%dma_start3A_75 : memref<128xi32, #tpu.memory_space<vmem>>) semaphore(%arg9 : memref<!tpu.dma_semaphore, #tpu.memory_space<semaphore_mem>>)
    %dma_start3A_79 = arith.constant 6 : i32
    %dma_start3A_80 = arith.constant 0 : i32
    %dma_start3A_81 = arith.constant 768 : i32
    %dma_start3A_82 = arith.constant 0 : i32
    %dma_start3A_83 = tpu.memref_slice %arg8[%dma_start3A_80, %dma_start3A_81, %dma_start3A_82] : memref<2x1280x32xf32, #tpu.memory_space<vmem>> -> memref<1x128x32xf32, #tpu.memory_space<vmem>>
    %dma_start3A_84 = tpu.memref_squeeze %dma_start3A_83 : memref<1x128x32xf32, #tpu.memory_space<vmem>> -> memref<128x32xf32, #tpu.memory_space<vmem>>
    %dma_start3A_85 = arith.constant 0 : i32
    %dma_start3A_86 = tpu.memref_slice %arg6[%dma_start3A_79, %dma_start3A_85] : memref<50x128xi32, #tpu.memory_space<vmem>> -> memref<1x128xi32, #tpu.memory_space<vmem>>
    %dma_start3A_87 = tpu.memref_squeeze %dma_start3A_86 : memref<1x128xi32, #tpu.memory_space<vmem>> -> memref<128xi32, #tpu.memory_space<vmem>>
    %dma_start3A_88 = arith.constant 0 : i32
    %dma_start3A_89 = arith.constant 0 : i32
    %dma_start3A_90 = tpu.memref_slice %arg4[%dma_start3A_88, %dma_start3A_89] : memref<1000000x32xf32, #tpu.memory_space<hbm>> -> memref<1000000x32xf32, #tpu.memory_space<hbm>>
    tpu.enqueue_indirect_dma source(%dma_start3A_90 : memref<1000000x32xf32, #tpu.memory_space<hbm>>) target(%dma_start3A_84 : memref<128x32xf32, #tpu.memory_space<vmem>>) offsets(%dma_start3A_87 : memref<128xi32, #tpu.memory_space<vmem>>) semaphore(%arg9 : memref<!tpu.dma_semaphore, #tpu.memory_space<semaphore_mem>>)
    %dma_start3A_91 = arith.constant 7 : i32
    %dma_start3A_92 = arith.constant 0 : i32
    %dma_start3A_93 = arith.constant 896 : i32
    %dma_start3A_94 = arith.constant 0 : i32
    %dma_start3A_95 = tpu.memref_slice %arg8[%dma_start3A_92, %dma_start3A_93, %dma_start3A_94] : memref<2x1280x32xf32, #tpu.memory_space<vmem>> -> memref<1x128x32xf32, #tpu.memory_space<vmem>>
    %dma_start3A_96 = tpu.memref_squeeze %dma_start3A_95 : memref<1x128x32xf32, #tpu.memory_space<vmem>> -> memref<128x32xf32, #tpu.memory_space<vmem>>
    %dma_start3A_97 = arith.constant 0 : i32
    %dma_start3A_98 = tpu.memref_slice %arg6[%dma_start3A_91, %dma_start3A_97] : memref<50x128xi32, #tpu.memory_space<vmem>> -> memref<1x128xi32, #tpu.memory_space<vmem>>
    %dma_start3A_99 = tpu.memref_squeeze %dma_start3A_98 : memref<1x128xi32, #tpu.memory_space<vmem>> -> memref<128xi32, #tpu.memory_space<vmem>>
    %dma_start3A_100 = arith.constant 0 : i32
    %dma_start3A_101 = arith.constant 0 : i32
    %dma_start3A_102 = tpu.memref_slice %arg4[%dma_start3A_100, %dma_start3A_101] : memref<1000000x32xf32, #tpu.memory_space<hbm>> -> memref<1000000x32xf32, #tpu.memory_space<hbm>>
    tpu.enqueue_indirect_dma source(%dma_start3A_102 : memref<1000000x32xf32, #tpu.memory_space<hbm>>) target(%dma_start3A_96 : memref<128x32xf32, #tpu.memory_space<vmem>>) offsets(%dma_start3A_99 : memref<128xi32, #tpu.memory_space<vmem>>) semaphore(%arg9 : memref<!tpu.dma_semaphore, #tpu.memory_space<semaphore_mem>>)
    %dma_start3A_103 = arith.constant 8 : i32
    %dma_start3A_104 = arith.constant 0 : i32
    %dma_start3A_105 = arith.constant 1024 : i32
    %dma_start3A_106 = arith.constant 0 : i32
    %dma_start3A_107 = tpu.memref_slice %arg8[%dma_start3A_104, %dma_start3A_105, %dma_start3A_106] : memref<2x1280x32xf32, #tpu.memory_space<vmem>> -> memref<1x128x32xf32, #tpu.memory_space<vmem>>
    %dma_start3A_108 = tpu.memref_squeeze %dma_start3A_107 : memref<1x128x32xf32, #tpu.memory_space<vmem>> -> memref<128x32xf32, #tpu.memory_space<vmem>>
    %dma_start3A_109 = arith.constant 0 : i32
    %dma_start3A_110 = tpu.memref_slice %arg6[%dma_start3A_103, %dma_start3A_109] : memref<50x128xi32, #tpu.memory_space<vmem>> -> memref<1x128xi32, #tpu.memory_space<vmem>>
    %dma_start3A_111 = tpu.memref_squeeze %dma_start3A_110 : memref<1x128xi32, #tpu.memory_space<vmem>> -> memref<128xi32, #tpu.memory_space<vmem>>
    %dma_start3A_112 = arith.constant 0 : i32
    %dma_start3A_113 = arith.constant 0 : i32
    %dma_start3A_114 = tpu.memref_slice %arg4[%dma_start3A_112, %dma_start3A_113] : memref<1000000x32xf32, #tpu.memory_space<hbm>> -> memref<1000000x32xf32, #tpu.memory_space<hbm>>
    tpu.enqueue_indirect_dma source(%dma_start3A_114 : memref<1000000x32xf32, #tpu.memory_space<hbm>>) target(%dma_start3A_108 : memref<128x32xf32, #tpu.memory_space<vmem>>) offsets(%dma_start3A_111 : memref<128xi32, #tpu.memory_space<vmem>>) semaphore(%arg9 : memref<!tpu.dma_semaphore, #tpu.memory_space<semaphore_mem>>)
    %dma_start3A_115 = arith.constant 9 : i32
    %dma_start3A_116 = arith.constant 0 : i32
    %dma_start3A_117 = arith.constant 1152 : i32
    %dma_start3A_118 = arith.constant 0 : i32
    %dma_start3A_119 = tpu.memref_slice %arg8[%dma_start3A_116, %dma_start3A_117, %dma_start3A_118] : memref<2x1280x32xf32, #tpu.memory_space<vmem>> -> memref<1x128x32xf32, #tpu.memory_space<vmem>>
    %dma_start3A_120 = tpu.memref_squeeze %dma_start3A_119 : memref<1x128x32xf32, #tpu.memory_space<vmem>> -> memref<128x32xf32, #tpu.memory_space<vmem>>
    %dma_start3A_121 = arith.constant 0 : i32
    %dma_start3A_122 = tpu.memref_slice %arg6[%dma_start3A_115, %dma_start3A_121] : memref<50x128xi32, #tpu.memory_space<vmem>> -> memref<1x128xi32, #tpu.memory_space<vmem>>
    %dma_start3A_123 = tpu.memref_squeeze %dma_start3A_122 : memref<1x128xi32, #tpu.memory_space<vmem>> -> memref<128xi32, #tpu.memory_space<vmem>>
    %dma_start3A_124 = arith.constant 0 : i32
    %dma_start3A_125 = arith.constant 0 : i32
    %dma_start3A_126 = tpu.memref_slice %arg4[%dma_start3A_124, %dma_start3A_125] : memref<1000000x32xf32, #tpu.memory_space<hbm>> -> memref<1000000x32xf32, #tpu.memory_space<hbm>>
    tpu.enqueue_indirect_dma source(%dma_start3A_126 : memref<1000000x32xf32, #tpu.memory_space<hbm>>) target(%dma_start3A_120 : memref<128x32xf32, #tpu.memory_space<vmem>>) offsets(%dma_start3A_123 : memref<128xi32, #tpu.memory_space<vmem>>) semaphore(%arg9 : memref<!tpu.dma_semaphore, #tpu.memory_space<semaphore_mem>>)
    %dma_start3A_127 = arith.constant 10 : i32
    %dma_start3A_128 = arith.constant 1 : i32
    %dma_start3A_129 = arith.constant 0 : i32
    %dma_start3A_130 = arith.constant 0 : i32
    %dma_start3A_131 = tpu.memref_slice %arg8[%dma_start3A_128, %dma_start3A_129, %dma_start3A_130] : memref<2x1280x32xf32, #tpu.memory_space<vmem>> -> memref<1x128x32xf32, #tpu.memory_space<vmem>>
    %dma_start3A_132 = tpu.memref_squeeze %dma_start3A_131 : memref<1x128x32xf32, #tpu.memory_space<vmem>> -> memref<128x32xf32, #tpu.memory_space<vmem>>
    %dma_start3A_133 = arith.constant 0 : i32
    %dma_start3A_134 = tpu.memref_slice %arg6[%dma_start3A_127, %dma_start3A_133] : memref<50x128xi32, #tpu.memory_space<vmem>> -> memref<1x128xi32, #tpu.memory_space<vmem>>
    %dma_start3A_135 = tpu.memref_squeeze %dma_start3A_134 : memref<1x128xi32, #tpu.memory_space<vmem>> -> memref<128xi32, #tpu.memory_space<vmem>>
    %dma_start3A_136 = arith.constant 0 : i32
    %dma_start3A_137 = arith.constant 0 : i32
    %dma_start3A_138 = tpu.memref_slice %arg4[%dma_start3A_136, %dma_start3A_137] : memref<1000000x32xf32, #tpu.memory_space<hbm>> -> memref<1000000x32xf32, #tpu.memory_space<hbm>>
    tpu.enqueue_indirect_dma source(%dma_start3A_138 : memref<1000000x32xf32, #tpu.memory_space<hbm>>) target(%dma_start3A_132 : memref<128x32xf32, #tpu.memory_space<vmem>>) offsets(%dma_start3A_135 : memref<128xi32, #tpu.memory_space<vmem>>) semaphore(%arg10 : memref<!tpu.dma_semaphore, #tpu.memory_space<semaphore_mem>>)
    %dma_start3A_139 = arith.constant 11 : i32
    %dma_start3A_140 = arith.constant 1 : i32
    %dma_start3A_141 = arith.constant 128 : i32
    %dma_start3A_142 = arith.constant 0 : i32
    %dma_start3A_143 = tpu.memref_slice %arg8[%dma_start3A_140, %dma_start3A_141, %dma_start3A_142] : memref<2x1280x32xf32, #tpu.memory_space<vmem>> -> memref<1x128x32xf32, #tpu.memory_space<vmem>>
    %dma_start3A_144 = tpu.memref_squeeze %dma_start3A_143 : memref<1x128x32xf32, #tpu.memory_space<vmem>> -> memref<128x32xf32, #tpu.memory_space<vmem>>
    %dma_start3A_145 = arith.constant 0 : i32
    %dma_start3A_146 = tpu.memref_slice %arg6[%dma_start3A_139, %dma_start3A_145] : memref<50x128xi32, #tpu.memory_space<vmem>> -> memref<1x128xi32, #tpu.memory_space<vmem>>
    %dma_start3A_147 = tpu.memref_squeeze %dma_start3A_146 : memref<1x128xi32, #tpu.memory_space<vmem>> -> memref<128xi32, #tpu.memory_space<vmem>>
    %dma_start3A_148 = arith.constant 0 : i32
    %dma_start3A_149 = arith.constant 0 : i32
    %dma_start3A_150 = tpu.memref_slice %arg4[%dma_start3A_148, %dma_start3A_149] : memref<1000000x32xf32, #tpu.memory_space<hbm>> -> memref<1000000x32xf32, #tpu.memory_space<hbm>>
    tpu.enqueue_indirect_dma source(%dma_start3A_150 : memref<1000000x32xf32, #tpu.memory_space<hbm>>) target(%dma_start3A_144 : memref<128x32xf32, #tpu.memory_space<vmem>>) offsets(%dma_start3A_147 : memref<128xi32, #tpu.memory_space<vmem>>) semaphore(%arg10 : memref<!tpu.dma_semaphore, #tpu.memory_space<semaphore_mem>>)
    %dma_start3A_151 = arith.constant 12 : i32
    %dma_start3A_152 = arith.constant 1 : i32
    %dma_start3A_153 = arith.constant 256 : i32
    %dma_start3A_154 = arith.constant 0 : i32
    %dma_start3A_155 = tpu.memref_slice %arg8[%dma_start3A_152, %dma_start3A_153, %dma_start3A_154] : memref<2x1280x32xf32, #tpu.memory_space<vmem>> -> memref<1x128x32xf32, #tpu.memory_space<vmem>>
    %dma_start3A_156 = tpu.memref_squeeze %dma_start3A_155 : memref<1x128x32xf32, #tpu.memory_space<vmem>> -> memref<128x32xf32, #tpu.memory_space<vmem>>
    %dma_start3A_157 = arith.constant 0 : i32
    %dma_start3A_158 = tpu.memref_slice %arg6[%dma_start3A_151, %dma_start3A_157] : memref<50x128xi32, #tpu.memory_space<vmem>> -> memref<1x128xi32, #tpu.memory_space<vmem>>
    %dma_start3A_159 = tpu.memref_squeeze %dma_start3A_158 : memref<1x128xi32, #tpu.memory_space<vmem>> -> memref<128xi32, #tpu.memory_space<vmem>>
    %dma_start3A_160 = arith.constant 0 : i32
    %dma_start3A_161 = arith.constant 0 : i32
    %dma_start3A_162 = tpu.memref_slice %arg4[%dma_start3A_160, %dma_start3A_161] : memref<1000000x32xf32, #tpu.memory_space<hbm>> -> memref<1000000x32xf32, #tpu.memory_space<hbm>>
    tpu.enqueue_indirect_dma source(%dma_start3A_162 : memref<1000000x32xf32, #tpu.memory_space<hbm>>) target(%dma_start3A_156 : memref<128x32xf32, #tpu.memory_space<vmem>>) offsets(%dma_start3A_159 : memref<128xi32, #tpu.memory_space<vmem>>) semaphore(%arg10 : memref<!tpu.dma_semaphore, #tpu.memory_space<semaphore_mem>>)
    %dma_start3A_163 = arith.constant 13 : i32
    %dma_start3A_164 = arith.constant 1 : i32
    %dma_start3A_165 = arith.constant 384 : i32
    %dma_start3A_166 = arith.constant 0 : i32
    %dma_start3A_167 = tpu.memref_slice %arg8[%dma_start3A_164, %dma_start3A_165, %dma_start3A_166] : memref<2x1280x32xf32, #tpu.memory_space<vmem>> -> memref<1x128x32xf32, #tpu.memory_space<vmem>>
    %dma_start3A_168 = tpu.memref_squeeze %dma_start3A_167 : memref<1x128x32xf32, #tpu.memory_space<vmem>> -> memref<128x32xf32, #tpu.memory_space<vmem>>
    %dma_start3A_169 = arith.constant 0 : i32
    %dma_start3A_170 = tpu.memref_slice %arg6[%dma_start3A_163, %dma_start3A_169] : memref<50x128xi32, #tpu.memory_space<vmem>> -> memref<1x128xi32, #tpu.memory_space<vmem>>
    %dma_start3A_171 = tpu.memref_squeeze %dma_start3A_170 : memref<1x128xi32, #tpu.memory_space<vmem>> -> memref<128xi32, #tpu.memory_space<vmem>>
    %dma_start3A_172 = arith.constant 0 : i32
    %dma_start3A_173 = arith.constant 0 : i32
    %dma_start3A_174 = tpu.memref_slice %arg4[%dma_start3A_172, %dma_start3A_173] : memref<1000000x32xf32, #tpu.memory_space<hbm>> -> memref<1000000x32xf32, #tpu.memory_space<hbm>>
    tpu.enqueue_indirect_dma source(%dma_start3A_174 : memref<1000000x32xf32, #tpu.memory_space<hbm>>) target(%dma_start3A_168 : memref<128x32xf32, #tpu.memory_space<vmem>>) offsets(%dma_start3A_171 : memref<128xi32, #tpu.memory_space<vmem>>) semaphore(%arg10 : memref<!tpu.dma_semaphore, #tpu.memory_space<semaphore_mem>>)
    %dma_start3A_175 = arith.constant 14 : i32
    %dma_start3A_176 = arith.constant 1 : i32
    %dma_start3A_177 = arith.constant 512 : i32
    %dma_start3A_178 = arith.constant 0 : i32
    %dma_start3A_179 = tpu.memref_slice %arg8[%dma_start3A_176, %dma_start3A_177, %dma_start3A_178] : memref<2x1280x32xf32, #tpu.memory_space<vmem>> -> memref<1x128x32xf32, #tpu.memory_space<vmem>>
    %dma_start3A_180 = tpu.memref_squeeze %dma_start3A_179 : memref<1x128x32xf32, #tpu.memory_space<vmem>> -> memref<128x32xf32, #tpu.memory_space<vmem>>
    %dma_start3A_181 = arith.constant 0 : i32
    %dma_start3A_182 = tpu.memref_slice %arg6[%dma_start3A_175, %dma_start3A_181] : memref<50x128xi32, #tpu.memory_space<vmem>> -> memref<1x128xi32, #tpu.memory_space<vmem>>
    %dma_start3A_183 = tpu.memref_squeeze %dma_start3A_182 : memref<1x128xi32, #tpu.memory_space<vmem>> -> memref<128xi32, #tpu.memory_space<vmem>>
    %dma_start3A_184 = arith.constant 0 : i32
    %dma_start3A_185 = arith.constant 0 : i32
    %dma_start3A_186 = tpu.memref_slice %arg4[%dma_start3A_184, %dma_start3A_185] : memref<1000000x32xf32, #tpu.memory_space<hbm>> -> memref<1000000x32xf32, #tpu.memory_space<hbm>>
    tpu.enqueue_indirect_dma source(%dma_start3A_186 : memref<1000000x32xf32, #tpu.memory_space<hbm>>) target(%dma_start3A_180 : memref<128x32xf32, #tpu.memory_space<vmem>>) offsets(%dma_start3A_183 : memref<128xi32, #tpu.memory_space<vmem>>) semaphore(%arg10 : memref<!tpu.dma_semaphore, #tpu.memory_space<semaphore_mem>>)
    %dma_start3A_187 = arith.constant 15 : i32
    %dma_start3A_188 = arith.constant 1 : i32
    %dma_start3A_189 = arith.constant 640 : i32
    %dma_start3A_190 = arith.constant 0 : i32
    %dma_start3A_191 = tpu.memref_slice %arg8[%dma_start3A_188, %dma_start3A_189, %dma_start3A_190] : memref<2x1280x32xf32, #tpu.memory_space<vmem>> -> memref<1x128x32xf32, #tpu.memory_space<vmem>>
    %dma_start3A_192 = tpu.memref_squeeze %dma_start3A_191 : memref<1x128x32xf32, #tpu.memory_space<vmem>> -> memref<128x32xf32, #tpu.memory_space<vmem>>
    %dma_start3A_193 = arith.constant 0 : i32
    %dma_start3A_194 = tpu.memref_slice %arg6[%dma_start3A_187, %dma_start3A_193] : memref<50x128xi32, #tpu.memory_space<vmem>> -> memref<1x128xi32, #tpu.memory_space<vmem>>
    %dma_start3A_195 = tpu.memref_squeeze %dma_start3A_194 : memref<1x128xi32, #tpu.memory_space<vmem>> -> memref<128xi32, #tpu.memory_space<vmem>>
    %dma_start3A_196 = arith.constant 0 : i32
    %dma_start3A_197 = arith.constant 0 : i32
    %dma_start3A_198 = tpu.memref_slice %arg4[%dma_start3A_196, %dma_start3A_197] : memref<1000000x32xf32, #tpu.memory_space<hbm>> -> memref<1000000x32xf32, #tpu.memory_space<hbm>>
    tpu.enqueue_indirect_dma source(%dma_start3A_198 : memref<1000000x32xf32, #tpu.memory_space<hbm>>) target(%dma_start3A_192 : memref<128x32xf32, #tpu.memory_space<vmem>>) offsets(%dma_start3A_195 : memref<128xi32, #tpu.memory_space<vmem>>) semaphore(%arg10 : memref<!tpu.dma_semaphore, #tpu.memory_space<semaphore_mem>>)
    %dma_start3A_199 = arith.constant 16 : i32
    %dma_start3A_200 = arith.constant 1 : i32
    %dma_start3A_201 = arith.constant 768 : i32
    %dma_start3A_202 = arith.constant 0 : i32
    %dma_start3A_203 = tpu.memref_slice %arg8[%dma_start3A_200, %dma_start3A_201, %dma_start3A_202] : memref<2x1280x32xf32, #tpu.memory_space<vmem>> -> memref<1x128x32xf32, #tpu.memory_space<vmem>>
    %dma_start3A_204 = tpu.memref_squeeze %dma_start3A_203 : memref<1x128x32xf32, #tpu.memory_space<vmem>> -> memref<128x32xf32, #tpu.memory_space<vmem>>
    %dma_start3A_205 = arith.constant 0 : i32
    %dma_start3A_206 = tpu.memref_slice %arg6[%dma_start3A_199, %dma_start3A_205] : memref<50x128xi32, #tpu.memory_space<vmem>> -> memref<1x128xi32, #tpu.memory_space<vmem>>
    %dma_start3A_207 = tpu.memref_squeeze %dma_start3A_206 : memref<1x128xi32, #tpu.memory_space<vmem>> -> memref<128xi32, #tpu.memory_space<vmem>>
    %dma_start3A_208 = arith.constant 0 : i32
    %dma_start3A_209 = arith.constant 0 : i32
    %dma_start3A_210 = tpu.memref_slice %arg4[%dma_start3A_208, %dma_start3A_209] : memref<1000000x32xf32, #tpu.memory_space<hbm>> -> memref<1000000x32xf32, #tpu.memory_space<hbm>>
    tpu.enqueue_indirect_dma source(%dma_start3A_210 : memref<1000000x32xf32, #tpu.memory_space<hbm>>) target(%dma_start3A_204 : memref<128x32xf32, #tpu.memory_space<vmem>>) offsets(%dma_start3A_207 : memref<128xi32, #tpu.memory_space<vmem>>) semaphore(%arg10 : memref<!tpu.dma_semaphore, #tpu.memory_space<semaphore_mem>>)
    %dma_start3A_211 = arith.constant 17 : i32
    %dma_start3A_212 = arith.constant 1 : i32
    %dma_start3A_213 = arith.constant 896 : i32
    %dma_start3A_214 = arith.constant 0 : i32
    %dma_start3A_215 = tpu.memref_slice %arg8[%dma_start3A_212, %dma_start3A_213, %dma_start3A_214] : memref<2x1280x32xf32, #tpu.memory_space<vmem>> -> memref<1x128x32xf32, #tpu.memory_space<vmem>>
    %dma_start3A_216 = tpu.memref_squeeze %dma_start3A_215 : memref<1x128x32xf32, #tpu.memory_space<vmem>> -> memref<128x32xf32, #tpu.memory_space<vmem>>
    %dma_start3A_217 = arith.constant 0 : i32
    %dma_start3A_218 = tpu.memref_slice %arg6[%dma_start3A_211, %dma_start3A_217] : memref<50x128xi32, #tpu.memory_space<vmem>> -> memref<1x128xi32, #tpu.memory_space<vmem>>
    %dma_start3A_219 = tpu.memref_squeeze %dma_start3A_218 : memref<1x128xi32, #tpu.memory_space<vmem>> -> memref<128xi32, #tpu.memory_space<vmem>>
    %dma_start3A_220 = arith.constant 0 : i32
    %dma_start3A_221 = arith.constant 0 : i32
    %dma_start3A_222 = tpu.memref_slice %arg4[%dma_start3A_220, %dma_start3A_221] : memref<1000000x32xf32, #tpu.memory_space<hbm>> -> memref<1000000x32xf32, #tpu.memory_space<hbm>>
    tpu.enqueue_indirect_dma source(%dma_start3A_222 : memref<1000000x32xf32, #tpu.memory_space<hbm>>) target(%dma_start3A_216 : memref<128x32xf32, #tpu.memory_space<vmem>>) offsets(%dma_start3A_219 : memref<128xi32, #tpu.memory_space<vmem>>) semaphore(%arg10 : memref<!tpu.dma_semaphore, #tpu.memory_space<semaphore_mem>>)
    %dma_start3A_223 = arith.constant 18 : i32
    %dma_start3A_224 = arith.constant 1 : i32
    %dma_start3A_225 = arith.constant 1024 : i32
    %dma_start3A_226 = arith.constant 0 : i32
    %dma_start3A_227 = tpu.memref_slice %arg8[%dma_start3A_224, %dma_start3A_225, %dma_start3A_226] : memref<2x1280x32xf32, #tpu.memory_space<vmem>> -> memref<1x128x32xf32, #tpu.memory_space<vmem>>
    %dma_start3A_228 = tpu.memref_squeeze %dma_start3A_227 : memref<1x128x32xf32, #tpu.memory_space<vmem>> -> memref<128x32xf32, #tpu.memory_space<vmem>>
    %dma_start3A_229 = arith.constant 0 : i32
    %dma_start3A_230 = tpu.memref_slice %arg6[%dma_start3A_223, %dma_start3A_229] : memref<50x128xi32, #tpu.memory_space<vmem>> -> memref<1x128xi32, #tpu.memory_space<vmem>>
    %dma_start3A_231 = tpu.memref_squeeze %dma_start3A_230 : memref<1x128xi32, #tpu.memory_space<vmem>> -> memref<128xi32, #tpu.memory_space<vmem>>
    %dma_start3A_232 = arith.constant 0 : i32
    %dma_start3A_233 = arith.constant 0 : i32
    %dma_start3A_234 = tpu.memref_slice %arg4[%dma_start3A_232, %dma_start3A_233] : memref<1000000x32xf32, #tpu.memory_space<hbm>> -> memref<1000000x32xf32, #tpu.memory_space<hbm>>
    tpu.enqueue_indirect_dma source(%dma_start3A_234 : memref<1000000x32xf32, #tpu.memory_space<hbm>>) target(%dma_start3A_228 : memref<128x32xf32, #tpu.memory_space<vmem>>) offsets(%dma_start3A_231 : memref<128xi32, #tpu.memory_space<vmem>>) semaphore(%arg10 : memref<!tpu.dma_semaphore, #tpu.memory_space<semaphore_mem>>)
    %dma_start3A_235 = arith.constant 19 : i32
    %dma_start3A_236 = arith.constant 1 : i32
    %dma_start3A_237 = arith.constant 1152 : i32
    %dma_start3A_238 = arith.constant 0 : i32
    %dma_start3A_239 = tpu.memref_slice %arg8[%dma_start3A_236, %dma_start3A_237, %dma_start3A_238] : memref<2x1280x32xf32, #tpu.memory_space<vmem>> -> memref<1x128x32xf32, #tpu.memory_space<vmem>>
    %dma_start3A_240 = tpu.memref_squeeze %dma_start3A_239 : memref<1x128x32xf32, #tpu.memory_space<vmem>> -> memref<128x32xf32, #tpu.memory_space<vmem>>
    %dma_start3A_241 = arith.constant 0 : i32
    %dma_start3A_242 = tpu.memref_slice %arg6[%dma_start3A_235, %dma_start3A_241] : memref<50x128xi32, #tpu.memory_space<vmem>> -> memref<1x128xi32, #tpu.memory_space<vmem>>
    %dma_start3A_243 = tpu.memref_squeeze %dma_start3A_242 : memref<1x128xi32, #tpu.memory_space<vmem>> -> memref<128xi32, #tpu.memory_space<vmem>>
    %dma_start3A_244 = arith.constant 0 : i32
    %dma_start3A_245 = arith.constant 0 : i32
    %dma_start3A_246 = tpu.memref_slice %arg4[%dma_start3A_244, %dma_start3A_245] : memref<1000000x32xf32, #tpu.memory_space<hbm>> -> memref<1000000x32xf32, #tpu.memory_space<hbm>>
    tpu.enqueue_indirect_dma source(%dma_start3A_246 : memref<1000000x32xf32, #tpu.memory_space<hbm>>) target(%dma_start3A_240 : memref<128x32xf32, #tpu.memory_space<vmem>>) offsets(%dma_start3A_243 : memref<128xi32, #tpu.memory_space<vmem>>) semaphore(%arg10 : memref<!tpu.dma_semaphore, #tpu.memory_space<semaphore_mem>>)
    %dma_wait3A = arith.constant 0 : i32
    %dma_wait3A_247 = arith.constant 0 : i32
    %dma_wait3A_248 = arith.constant 0 : i32
    %dma_wait3A_249 = arith.constant 0 : i32
    %dma_wait3A_250 = tpu.memref_slice %arg8[%dma_wait3A_247, %dma_wait3A_248, %dma_wait3A_249] : memref<2x1280x32xf32, #tpu.memory_space<vmem>> -> memref<1x128x32xf32, #tpu.memory_space<vmem>>
    %dma_wait3A_251 = tpu.memref_squeeze %dma_wait3A_250 : memref<1x128x32xf32, #tpu.memory_space<vmem>> -> memref<128x32xf32, #tpu.memory_space<vmem>>
    %dma_wait3A_252 = arith.constant 0 : i32
    %dma_wait3A_253 = tpu.memref_slice %arg6[%dma_wait3A, %dma_wait3A_252] : memref<50x128xi32, #tpu.memory_space<vmem>> -> memref<1x128xi32, #tpu.memory_space<vmem>>
    %dma_wait3A_254 = tpu.memref_squeeze %dma_wait3A_253 : memref<1x128xi32, #tpu.memory_space<vmem>> -> memref<128xi32, #tpu.memory_space<vmem>>
    %dma_wait3A_255 = arith.constant 0 : i32
    %dma_wait3A_256 = arith.constant 0 : i32
    %dma_wait3A_257 = tpu.memref_slice %arg4[%dma_wait3A_255, %dma_wait3A_256] : memref<1000000x32xf32, #tpu.memory_space<hbm>> -> memref<1000000x32xf32, #tpu.memory_space<hbm>>
    tpu.wait_indirect_dma semaphore(%arg9 : memref<!tpu.dma_semaphore, #tpu.memory_space<semaphore_mem>>) src(%dma_wait3A_257 : memref<1000000x32xf32, #tpu.memory_space<hbm>>) dst(%dma_wait3A_251 : memref<128x32xf32, #tpu.memory_space<vmem>>)
    %dma_wait3A_258 = arith.constant 1 : i32
    %dma_wait3A_259 = arith.constant 0 : i32
    %dma_wait3A_260 = arith.constant 128 : i32
    %dma_wait3A_261 = arith.constant 0 : i32
    %dma_wait3A_262 = tpu.memref_slice %arg8[%dma_wait3A_259, %dma_wait3A_260, %dma_wait3A_261] : memref<2x1280x32xf32, #tpu.memory_space<vmem>> -> memref<1x128x32xf32, #tpu.memory_space<vmem>>
    %dma_wait3A_263 = tpu.memref_squeeze %dma_wait3A_262 : memref<1x128x32xf32, #tpu.memory_space<vmem>> -> memref<128x32xf32, #tpu.memory_space<vmem>>
    %dma_wait3A_264 = arith.constant 0 : i32
    %dma_wait3A_265 = tpu.memref_slice %arg6[%dma_wait3A_258, %dma_wait3A_264] : memref<50x128xi32, #tpu.memory_space<vmem>> -> memref<1x128xi32, #tpu.memory_space<vmem>>
    %dma_wait3A_266 = tpu.memref_squeeze %dma_wait3A_265 : memref<1x128xi32, #tpu.memory_space<vmem>> -> memref<128xi32, #tpu.memory_space<vmem>>
    %dma_wait3A_267 = arith.constant 0 : i32
    %dma_wait3A_268 = arith.constant 0 : i32
    %dma_wait3A_269 = tpu.memref_slice %arg4[%dma_wait3A_267, %dma_wait3A_268] : memref<1000000x32xf32, #tpu.memory_space<hbm>> -> memref<1000000x32xf32, #tpu.memory_space<hbm>>
    tpu.wait_indirect_dma semaphore(%arg9 : memref<!tpu.dma_semaphore, #tpu.memory_space<semaphore_mem>>) src(%dma_wait3A_269 : memref<1000000x32xf32, #tpu.memory_space<hbm>>) dst(%dma_wait3A_263 : memref<128x32xf32, #tpu.memory_space<vmem>>)
    %dma_wait3A_270 = arith.constant 2 : i32
    %dma_wait3A_271 = arith.constant 0 : i32
    %dma_wait3A_272 = arith.constant 256 : i32
    %dma_wait3A_273 = arith.constant 0 : i32
    %dma_wait3A_274 = tpu.memref_slice %arg8[%dma_wait3A_271, %dma_wait3A_272, %dma_wait3A_273] : memref<2x1280x32xf32, #tpu.memory_space<vmem>> -> memref<1x128x32xf32, #tpu.memory_space<vmem>>
    %dma_wait3A_275 = tpu.memref_squeeze %dma_wait3A_274 : memref<1x128x32xf32, #tpu.memory_space<vmem>> -> memref<128x32xf32, #tpu.memory_space<vmem>>
    %dma_wait3A_276 = arith.constant 0 : i32
    %dma_wait3A_277 = tpu.memref_slice %arg6[%dma_wait3A_270, %dma_wait3A_276] : memref<50x128xi32, #tpu.memory_space<vmem>> -> memref<1x128xi32, #tpu.memory_space<vmem>>
    %dma_wait3A_278 = tpu.memref_squeeze %dma_wait3A_277 : memref<1x128xi32, #tpu.memory_space<vmem>> -> memref<128xi32, #tpu.memory_space<vmem>>
    %dma_wait3A_279 = arith.constant 0 : i32
    %dma_wait3A_280 = arith.constant 0 : i32
    %dma_wait3A_281 = tpu.memref_slice %arg4[%dma_wait3A_279, %dma_wait3A_280] : memref<1000000x32xf32, #tpu.memory_space<hbm>> -> memref<1000000x32xf32, #tpu.memory_space<hbm>>
    tpu.wait_indirect_dma semaphore(%arg9 : memref<!tpu.dma_semaphore, #tpu.memory_space<semaphore_mem>>) src(%dma_wait3A_281 : memref<1000000x32xf32, #tpu.memory_space<hbm>>) dst(%dma_wait3A_275 : memref<128x32xf32, #tpu.memory_space<vmem>>)
    %dma_wait3A_282 = arith.constant 3 : i32
    %dma_wait3A_283 = arith.constant 0 : i32
    %dma_wait3A_284 = arith.constant 384 : i32
    %dma_wait3A_285 = arith.constant 0 : i32
    %dma_wait3A_286 = tpu.memref_slice %arg8[%dma_wait3A_283, %dma_wait3A_284, %dma_wait3A_285] : memref<2x1280x32xf32, #tpu.memory_space<vmem>> -> memref<1x128x32xf32, #tpu.memory_space<vmem>>
    %dma_wait3A_287 = tpu.memref_squeeze %dma_wait3A_286 : memref<1x128x32xf32, #tpu.memory_space<vmem>> -> memref<128x32xf32, #tpu.memory_space<vmem>>
    %dma_wait3A_288 = arith.constant 0 : i32
    %dma_wait3A_289 = tpu.memref_slice %arg6[%dma_wait3A_282, %dma_wait3A_288] : memref<50x128xi32, #tpu.memory_space<vmem>> -> memref<1x128xi32, #tpu.memory_space<vmem>>
    %dma_wait3A_290 = tpu.memref_squeeze %dma_wait3A_289 : memref<1x128xi32, #tpu.memory_space<vmem>> -> memref<128xi32, #tpu.memory_space<vmem>>
    %dma_wait3A_291 = arith.constant 0 : i32
    %dma_wait3A_292 = arith.constant 0 : i32
    %dma_wait3A_293 = tpu.memref_slice %arg4[%dma_wait3A_291, %dma_wait3A_292] : memref<1000000x32xf32, #tpu.memory_space<hbm>> -> memref<1000000x32xf32, #tpu.memory_space<hbm>>
    tpu.wait_indirect_dma semaphore(%arg9 : memref<!tpu.dma_semaphore, #tpu.memory_space<semaphore_mem>>) src(%dma_wait3A_293 : memref<1000000x32xf32, #tpu.memory_space<hbm>>) dst(%dma_wait3A_287 : memref<128x32xf32, #tpu.memory_space<vmem>>)
    %dma_wait3A_294 = arith.constant 4 : i32
    %dma_wait3A_295 = arith.constant 0 : i32
    %dma_wait3A_296 = arith.constant 512 : i32
    %dma_wait3A_297 = arith.constant 0 : i32
    %dma_wait3A_298 = tpu.memref_slice %arg8[%dma_wait3A_295, %dma_wait3A_296, %dma_wait3A_297] : memref<2x1280x32xf32, #tpu.memory_space<vmem>> -> memref<1x128x32xf32, #tpu.memory_space<vmem>>
    %dma_wait3A_299 = tpu.memref_squeeze %dma_wait3A_298 : memref<1x128x32xf32, #tpu.memory_space<vmem>> -> memref<128x32xf32, #tpu.memory_space<vmem>>
    %dma_wait3A_300 = arith.constant 0 : i32
    %dma_wait3A_301 = tpu.memref_slice %arg6[%dma_wait3A_294, %dma_wait3A_300] : memref<50x128xi32, #tpu.memory_space<vmem>> -> memref<1x128xi32, #tpu.memory_space<vmem>>
    %dma_wait3A_302 = tpu.memref_squeeze %dma_wait3A_301 : memref<1x128xi32, #tpu.memory_space<vmem>> -> memref<128xi32, #tpu.memory_space<vmem>>
    %dma_wait3A_303 = arith.constant 0 : i32
    %dma_wait3A_304 = arith.constant 0 : i32
    %dma_wait3A_305 = tpu.memref_slice %arg4[%dma_wait3A_303, %dma_wait3A_304] : memref<1000000x32xf32, #tpu.memory_space<hbm>> -> memref<1000000x32xf32, #tpu.memory_space<hbm>>
    tpu.wait_indirect_dma semaphore(%arg9 : memref<!tpu.dma_semaphore, #tpu.memory_space<semaphore_mem>>) src(%dma_wait3A_305 : memref<1000000x32xf32, #tpu.memory_space<hbm>>) dst(%dma_wait3A_299 : memref<128x32xf32, #tpu.memory_space<vmem>>)
    %dma_wait3A_306 = arith.constant 5 : i32
    %dma_wait3A_307 = arith.constant 0 : i32
    %dma_wait3A_308 = arith.constant 640 : i32
    %dma_wait3A_309 = arith.constant 0 : i32
    %dma_wait3A_310 = tpu.memref_slice %arg8[%dma_wait3A_307, %dma_wait3A_308, %dma_wait3A_309] : memref<2x1280x32xf32, #tpu.memory_space<vmem>> -> memref<1x128x32xf32, #tpu.memory_space<vmem>>
    %dma_wait3A_311 = tpu.memref_squeeze %dma_wait3A_310 : memref<1x128x32xf32, #tpu.memory_space<vmem>> -> memref<128x32xf32, #tpu.memory_space<vmem>>
    %dma_wait3A_312 = arith.constant 0 : i32
    %dma_wait3A_313 = tpu.memref_slice %arg6[%dma_wait3A_306, %dma_wait3A_312] : memref<50x128xi32, #tpu.memory_space<vmem>> -> memref<1x128xi32, #tpu.memory_space<vmem>>
    %dma_wait3A_314 = tpu.memref_squeeze %dma_wait3A_313 : memref<1x128xi32, #tpu.memory_space<vmem>> -> memref<128xi32, #tpu.memory_space<vmem>>
    %dma_wait3A_315 = arith.constant 0 : i32
    %dma_wait3A_316 = arith.constant 0 : i32
    %dma_wait3A_317 = tpu.memref_slice %arg4[%dma_wait3A_315, %dma_wait3A_316] : memref<1000000x32xf32, #tpu.memory_space<hbm>> -> memref<1000000x32xf32, #tpu.memory_space<hbm>>
    tpu.wait_indirect_dma semaphore(%arg9 : memref<!tpu.dma_semaphore, #tpu.memory_space<semaphore_mem>>) src(%dma_wait3A_317 : memref<1000000x32xf32, #tpu.memory_space<hbm>>) dst(%dma_wait3A_311 : memref<128x32xf32, #tpu.memory_space<vmem>>)
    %dma_wait3A_318 = arith.constant 6 : i32
    %dma_wait3A_319 = arith.constant 0 : i32
    %dma_wait3A_320 = arith.constant 768 : i32
    %dma_wait3A_321 = arith.constant 0 : i32
    %dma_wait3A_322 = tpu.memref_slice %arg8[%dma_wait3A_319, %dma_wait3A_320, %dma_wait3A_321] : memref<2x1280x32xf32, #tpu.memory_space<vmem>> -> memref<1x128x32xf32, #tpu.memory_space<vmem>>
    %dma_wait3A_323 = tpu.memref_squeeze %dma_wait3A_322 : memref<1x128x32xf32, #tpu.memory_space<vmem>> -> memref<128x32xf32, #tpu.memory_space<vmem>>
    %dma_wait3A_324 = arith.constant 0 : i32
    %dma_wait3A_325 = tpu.memref_slice %arg6[%dma_wait3A_318, %dma_wait3A_324] : memref<50x128xi32, #tpu.memory_space<vmem>> -> memref<1x128xi32, #tpu.memory_space<vmem>>
    %dma_wait3A_326 = tpu.memref_squeeze %dma_wait3A_325 : memref<1x128xi32, #tpu.memory_space<vmem>> -> memref<128xi32, #tpu.memory_space<vmem>>
    %dma_wait3A_327 = arith.constant 0 : i32
    %dma_wait3A_328 = arith.constant 0 : i32
    %dma_wait3A_329 = tpu.memref_slice %arg4[%dma_wait3A_327, %dma_wait3A_328] : memref<1000000x32xf32, #tpu.memory_space<hbm>> -> memref<1000000x32xf32, #tpu.memory_space<hbm>>
    tpu.wait_indirect_dma semaphore(%arg9 : memref<!tpu.dma_semaphore, #tpu.memory_space<semaphore_mem>>) src(%dma_wait3A_329 : memref<1000000x32xf32, #tpu.memory_space<hbm>>) dst(%dma_wait3A_323 : memref<128x32xf32, #tpu.memory_space<vmem>>)
    %dma_wait3A_330 = arith.constant 7 : i32
    %dma_wait3A_331 = arith.constant 0 : i32
    %dma_wait3A_332 = arith.constant 896 : i32
    %dma_wait3A_333 = arith.constant 0 : i32
    %dma_wait3A_334 = tpu.memref_slice %arg8[%dma_wait3A_331, %dma_wait3A_332, %dma_wait3A_333] : memref<2x1280x32xf32, #tpu.memory_space<vmem>> -> memref<1x128x32xf32, #tpu.memory_space<vmem>>
    %dma_wait3A_335 = tpu.memref_squeeze %dma_wait3A_334 : memref<1x128x32xf32, #tpu.memory_space<vmem>> -> memref<128x32xf32, #tpu.memory_space<vmem>>
    %dma_wait3A_336 = arith.constant 0 : i32
    %dma_wait3A_337 = tpu.memref_slice %arg6[%dma_wait3A_330, %dma_wait3A_336] : memref<50x128xi32, #tpu.memory_space<vmem>> -> memref<1x128xi32, #tpu.memory_space<vmem>>
    %dma_wait3A_338 = tpu.memref_squeeze %dma_wait3A_337 : memref<1x128xi32, #tpu.memory_space<vmem>> -> memref<128xi32, #tpu.memory_space<vmem>>
    %dma_wait3A_339 = arith.constant 0 : i32
    %dma_wait3A_340 = arith.constant 0 : i32
    %dma_wait3A_341 = tpu.memref_slice %arg4[%dma_wait3A_339, %dma_wait3A_340] : memref<1000000x32xf32, #tpu.memory_space<hbm>> -> memref<1000000x32xf32, #tpu.memory_space<hbm>>
    tpu.wait_indirect_dma semaphore(%arg9 : memref<!tpu.dma_semaphore, #tpu.memory_space<semaphore_mem>>) src(%dma_wait3A_341 : memref<1000000x32xf32, #tpu.memory_space<hbm>>) dst(%dma_wait3A_335 : memref<128x32xf32, #tpu.memory_space<vmem>>)
    %dma_wait3A_342 = arith.constant 8 : i32
    %dma_wait3A_343 = arith.constant 0 : i32
    %dma_wait3A_344 = arith.constant 1024 : i32
    %dma_wait3A_345 = arith.constant 0 : i32
    %dma_wait3A_346 = tpu.memref_slice %arg8[%dma_wait3A_343, %dma_wait3A_344, %dma_wait3A_345] : memref<2x1280x32xf32, #tpu.memory_space<vmem>> -> memref<1x128x32xf32, #tpu.memory_space<vmem>>
    %dma_wait3A_347 = tpu.memref_squeeze %dma_wait3A_346 : memref<1x128x32xf32, #tpu.memory_space<vmem>> -> memref<128x32xf32, #tpu.memory_space<vmem>>
    %dma_wait3A_348 = arith.constant 0 : i32
    %dma_wait3A_349 = tpu.memref_slice %arg6[%dma_wait3A_342, %dma_wait3A_348] : memref<50x128xi32, #tpu.memory_space<vmem>> -> memref<1x128xi32, #tpu.memory_space<vmem>>
    %dma_wait3A_350 = tpu.memref_squeeze %dma_wait3A_349 : memref<1x128xi32, #tpu.memory_space<vmem>> -> memref<128xi32, #tpu.memory_space<vmem>>
    %dma_wait3A_351 = arith.constant 0 : i32
    %dma_wait3A_352 = arith.constant 0 : i32
    %dma_wait3A_353 = tpu.memref_slice %arg4[%dma_wait3A_351, %dma_wait3A_352] : memref<1000000x32xf32, #tpu.memory_space<hbm>> -> memref<1000000x32xf32, #tpu.memory_space<hbm>>
    tpu.wait_indirect_dma semaphore(%arg9 : memref<!tpu.dma_semaphore, #tpu.memory_space<semaphore_mem>>) src(%dma_wait3A_353 : memref<1000000x32xf32, #tpu.memory_space<hbm>>) dst(%dma_wait3A_347 : memref<128x32xf32, #tpu.memory_space<vmem>>)
    %dma_wait3A_354 = arith.constant 9 : i32
    %dma_wait3A_355 = arith.constant 0 : i32
    %dma_wait3A_356 = arith.constant 1152 : i32
    %dma_wait3A_357 = arith.constant 0 : i32
    %dma_wait3A_358 = tpu.memref_slice %arg8[%dma_wait3A_355, %dma_wait3A_356, %dma_wait3A_357] : memref<2x1280x32xf32, #tpu.memory_space<vmem>> -> memref<1x128x32xf32, #tpu.memory_space<vmem>>
    %dma_wait3A_359 = tpu.memref_squeeze %dma_wait3A_358 : memref<1x128x32xf32, #tpu.memory_space<vmem>> -> memref<128x32xf32, #tpu.memory_space<vmem>>
    %dma_wait3A_360 = arith.constant 0 : i32
    %dma_wait3A_361 = tpu.memref_slice %arg6[%dma_wait3A_354, %dma_wait3A_360] : memref<50x128xi32, #tpu.memory_space<vmem>> -> memref<1x128xi32, #tpu.memory_space<vmem>>
    %dma_wait3A_362 = tpu.memref_squeeze %dma_wait3A_361 : memref<1x128xi32, #tpu.memory_space<vmem>> -> memref<128xi32, #tpu.memory_space<vmem>>
    %dma_wait3A_363 = arith.constant 0 : i32
    %dma_wait3A_364 = arith.constant 0 : i32
    %dma_wait3A_365 = tpu.memref_slice %arg4[%dma_wait3A_363, %dma_wait3A_364] : memref<1000000x32xf32, #tpu.memory_space<hbm>> -> memref<1000000x32xf32, #tpu.memory_space<hbm>>
    tpu.wait_indirect_dma semaphore(%arg9 : memref<!tpu.dma_semaphore, #tpu.memory_space<semaphore_mem>>) src(%dma_wait3A_365 : memref<1000000x32xf32, #tpu.memory_space<hbm>>) dst(%dma_wait3A_359 : memref<128x32xf32, #tpu.memory_space<vmem>>)
    %broadcast_in_dim3A_366 = arith.constant 0 : i32
    %broadcast_in_dim3A_367 = vector.broadcast %broadcast_in_dim3A_366 : i32 to vector<16xi32>
    %add3A_368 = arith.constant 0 : i32
    %add3A_369 = arith.addi %mul3A_2, %add3A_368 : i32
    %scan3A = arith.constant 0 : i32
    %scan3A_370 = arith.constant 0 : i32
    %scan3A_371 = arith.constant 80 : i32
    %scan3A_372 = arith.addi %scan3A_370, %scan3A_371 : i32
    %scan3A_373 = arith.constant 1 : i32
    %scan3A_374 = scf.for %scan3A_1400 = %scan3A_370 to %scan3A_372 step %scan3A_373 iter_args(%scan3A_1401 = %scan3A) -> (i32)  : i32 {
      %mul3A_1402 = arith.constant 16 : i32
      %mul3A_1403 = arith.muli %scan3A_1400, %mul3A_1402 : i32
      %add3A_1404 = vector.broadcast %mul3A_1403 : i32 to vector<16xi32>
      %add3A_1405 = arith.addi %add3A_1404, %iota3A : vector<16xi32>
      %add3A_1406 = vector.broadcast %add3A_369 : i32 to vector<16xi32>
      %add3A_1407 = arith.addi %add3A_1406, %add3A_1405 : vector<16xi32>
      %rem3A = arith.remsi %add3A_1407, %broadcast_in_dim3A_5 : vector<16xi32>
      %div3A = arith.divsi %add3A_1407, %broadcast_in_dim3A_5 : vector<16xi32>
      %sub3A = vector.broadcast %mul3A_4 : i32 to vector<16xi32>
      %sub3A_1408 = arith.subi %div3A, %sub3A : vector<16xi32>
      %gather3A = tpu.vector_load_idx %arg7[%sub3A_1408] : memref<128xi32, #tpu.memory_space<vmem>>[vector<16xi32>], vector<16xi32>,
      %ge3A = arith.cmpi sge, %rem3A, %gather3A : vector<16xi32>
      %broadcast_in_dim3A_1409 = arith.constant 0 : i32
      %broadcast_in_dim3A_1410 = vector.broadcast %broadcast_in_dim3A_1409 : i32 to vector<16xi32>
      tpu.vector_store_idx %arg8[%broadcast_in_dim3A_367, %add3A_1405, %broadcast_in_dim3A_1410], %broadcast_in_dim3A_7 masked %ge3A : memref<2x1280x32xf32, #tpu.memory_space<vmem>>[vector<16xi32>, vector<16xi32>, vector<16xi32>], vector<16xf32>, vector<16xi1>
      %broadcast_in_dim3A_1411 = arith.constant 1 : i32
      %broadcast_in_dim3A_1412 = vector.broadcast %broadcast_in_dim3A_1411 : i32 to vector<16xi32>
      tpu.vector_store_idx %arg8[%broadcast_in_dim3A_367, %add3A_1405, %broadcast_in_dim3A_1412], %broadcast_in_dim3A_7 masked %ge3A : memref<2x1280x32xf32, #tpu.memory_space<vmem>>[vector<16xi32>, vector<16xi32>, vector<16xi32>], vector<16xf32>, vector<16xi1>
      %broadcast_in_dim3A_1413 = arith.constant 2 : i32
      %broadcast_in_dim3A_1414 = vector.broadcast %broadcast_in_dim3A_1413 : i32 to vector<16xi32>
      tpu.vector_store_idx %arg8[%broadcast_in_dim3A_367, %add3A_1405, %broadcast_in_dim3A_1414], %broadcast_in_dim3A_7 masked %ge3A : memref<2x1280x32xf32, #tpu.memory_space<vmem>>[vector<16xi32>, vector<16xi32>, vector<16xi32>], vector<16xf32>, vector<16xi1>
      %broadcast_in_dim3A_1415 = arith.constant 3 : i32
      %broadcast_in_dim3A_1416 = vector.broadcast %broadcast_in_dim3A_1415 : i32 to vector<16xi32>
      tpu.vector_store_idx %arg8[%broadcast_in_dim3A_367, %add3A_1405, %broadcast_in_dim3A_1416], %broadcast_in_dim3A_7 masked %ge3A : memref<2x1280x32xf32, #tpu.memory_space<vmem>>[vector<16xi32>, vector<16xi32>, vector<16xi32>], vector<16xf32>, vector<16xi1>
      %broadcast_in_dim3A_1417 = arith.constant 4 : i32
      %broadcast_in_dim3A_1418 = vector.broadcast %broadcast_in_dim3A_1417 : i32 to vector<16xi32>
      tpu.vector_store_idx %arg8[%broadcast_in_dim3A_367, %add3A_1405, %broadcast_in_dim3A_1418], %broadcast_in_dim3A_7 masked %ge3A : memref<2x1280x32xf32, #tpu.memory_space<vmem>>[vector<16xi32>, vector<16xi32>, vector<16xi32>], vector<16xf32>, vector<16xi1>
      %broadcast_in_dim3A_1419 = arith.constant 5 : i32
      %broadcast_in_dim3A_1420 = vector.broadcast %broadcast_in_dim3A_1419 : i32 to vector<16xi32>
      tpu.vector_store_idx %arg8[%broadcast_in_dim3A_367, %add3A_1405, %broadcast_in_dim3A_1420], %broadcast_in_dim3A_7 masked %ge3A : memref<2x1280x32xf32, #tpu.memory_space<vmem>>[vector<16xi32>, vector<16xi32>, vector<16xi32>], vector<16xf32>, vector<16xi1>
      %broadcast_in_dim3A_1421 = arith.constant 6 : i32
      %broadcast_in_dim3A_1422 = vector.broadcast %broadcast_in_dim3A_1421 : i32 to vector<16xi32>
      tpu.vector_store_idx %arg8[%broadcast_in_dim3A_367, %add3A_1405, %broadcast_in_dim3A_1422], %broadcast_in_dim3A_7 masked %ge3A : memref<2x1280x32xf32, #tpu.memory_space<vmem>>[vector<16xi32>, vector<16xi32>, vector<16xi32>], vector<16xf32>, vector<16xi1>
      %broadcast_in_dim3A_1423 = arith.constant 7 : i32
      %broadcast_in_dim3A_1424 = vector.broadcast %broadcast_in_dim3A_1423 : i32 to vector<16xi32>
      tpu.vector_store_idx %arg8[%broadcast_in_dim3A_367, %add3A_1405, %broadcast_in_dim3A_1424], %broadcast_in_dim3A_7 masked %ge3A : memref<2x1280x32xf32, #tpu.memory_space<vmem>>[vector<16xi32>, vector<16xi32>, vector<16xi32>], vector<16xf32>, vector<16xi1>
      %broadcast_in_dim3A_1425 = arith.constant 8 : i32
      %broadcast_in_dim3A_1426 = vector.broadcast %broadcast_in_dim3A_1425 : i32 to vector<16xi32>
      tpu.vector_store_idx %arg8[%broadcast_in_dim3A_367, %add3A_1405, %broadcast_in_dim3A_1426], %broadcast_in_dim3A_7 masked %ge3A : memref<2x1280x32xf32, #tpu.memory_space<vmem>>[vector<16xi32>, vector<16xi32>, vector<16xi32>], vector<16xf32>, vector<16xi1>
      %broadcast_in_dim3A_1427 = arith.constant 9 : i32
      %broadcast_in_dim3A_1428 = vector.broadcast %broadcast_in_dim3A_1427 : i32 to vector<16xi32>
      tpu.vector_store_idx %arg8[%broadcast_in_dim3A_367, %add3A_1405, %broadcast_in_dim3A_1428], %broadcast_in_dim3A_7 masked %ge3A : memref<2x1280x32xf32, #tpu.memory_space<vmem>>[vector<16xi32>, vector<16xi32>, vector<16xi32>], vector<16xf32>, vector<16xi1>
      %broadcast_in_dim3A_1429 = arith.constant 10 : i32
      %broadcast_in_dim3A_1430 = vector.broadcast %broadcast_in_dim3A_1429 : i32 to vector<16xi32>
      tpu.vector_store_idx %arg8[%broadcast_in_dim3A_367, %add3A_1405, %broadcast_in_dim3A_1430], %broadcast_in_dim3A_7 masked %ge3A : memref<2x1280x32xf32, #tpu.memory_space<vmem>>[vector<16xi32>, vector<16xi32>, vector<16xi32>], vector<16xf32>, vector<16xi1>
      %broadcast_in_dim3A_1431 = arith.constant 11 : i32
      %broadcast_in_dim3A_1432 = vector.broadcast %broadcast_in_dim3A_1431 : i32 to vector<16xi32>
      tpu.vector_store_idx %arg8[%broadcast_in_dim3A_367, %add3A_1405, %broadcast_in_dim3A_1432], %broadcast_in_dim3A_7 masked %ge3A : memref<2x1280x32xf32, #tpu.memory_space<vmem>>[vector<16xi32>, vector<16xi32>, vector<16xi32>], vector<16xf32>, vector<16xi1>
      %broadcast_in_dim3A_1433 = arith.constant 12 : i32
      %broadcast_in_dim3A_1434 = vector.broadcast %broadcast_in_dim3A_1433 : i32 to vector<16xi32>
      tpu.vector_store_idx %arg8[%broadcast_in_dim3A_367, %add3A_1405, %broadcast_in_dim3A_1434], %broadcast_in_dim3A_7 masked %ge3A : memref<2x1280x32xf32, #tpu.memory_space<vmem>>[vector<16xi32>, vector<16xi32>, vector<16xi32>], vector<16xf32>, vector<16xi1>
      %broadcast_in_dim3A_1435 = arith.constant 13 : i32
      %broadcast_in_dim3A_1436 = vector.broadcast %broadcast_in_dim3A_1435 : i32 to vector<16xi32>
      tpu.vector_store_idx %arg8[%broadcast_in_dim3A_367, %add3A_1405, %broadcast_in_dim3A_1436], %broadcast_in_dim3A_7 masked %ge3A : memref<2x1280x32xf32, #tpu.memory_space<vmem>>[vector<16xi32>, vector<16xi32>, vector<16xi32>], vector<16xf32>, vector<16xi1>
      %broadcast_in_dim3A_1437 = arith.constant 14 : i32
      %broadcast_in_dim3A_1438 = vector.broadcast %broadcast_in_dim3A_1437 : i32 to vector<16xi32>
      tpu.vector_store_idx %arg8[%broadcast_in_dim3A_367, %add3A_1405, %broadcast_in_dim3A_1438], %broadcast_in_dim3A_7 masked %ge3A : memref<2x1280x32xf32, #tpu.memory_space<vmem>>[vector<16xi32>, vector<16xi32>, vector<16xi32>], vector<16xf32>, vector<16xi1>
      %broadcast_in_dim3A_1439 = arith.constant 15 : i32
      %broadcast_in_dim3A_1440 = vector.broadcast %broadcast_in_dim3A_1439 : i32 to vector<16xi32>
      tpu.vector_store_idx %arg8[%broadcast_in_dim3A_367, %add3A_1405, %broadcast_in_dim3A_1440], %broadcast_in_dim3A_7 masked %ge3A : memref<2x1280x32xf32, #tpu.memory_space<vmem>>[vector<16xi32>, vector<16xi32>, vector<16xi32>], vector<16xf32>, vector<16xi1>
      %broadcast_in_dim3A_1441 = arith.constant 16 : i32
      %broadcast_in_dim3A_1442 = vector.broadcast %broadcast_in_dim3A_1441 : i32 to vector<16xi32>
      tpu.vector_store_idx %arg8[%broadcast_in_dim3A_367, %add3A_1405, %broadcast_in_dim3A_1442], %broadcast_in_dim3A_7 masked %ge3A : memref<2x1280x32xf32, #tpu.memory_space<vmem>>[vector<16xi32>, vector<16xi32>, vector<16xi32>], vector<16xf32>, vector<16xi1>
      %broadcast_in_dim3A_1443 = arith.constant 17 : i32
      %broadcast_in_dim3A_1444 = vector.broadcast %broadcast_in_dim3A_1443 : i32 to vector<16xi32>
      tpu.vector_store_idx %arg8[%broadcast_in_dim3A_367, %add3A_1405, %broadcast_in_dim3A_1444], %broadcast_in_dim3A_7 masked %ge3A : memref<2x1280x32xf32, #tpu.memory_space<vmem>>[vector<16xi32>, vector<16xi32>, vector<16xi32>], vector<16xf32>, vector<16xi1>
      %broadcast_in_dim3A_1445 = arith.constant 18 : i32
      %broadcast_in_dim3A_1446 = vector.broadcast %broadcast_in_dim3A_1445 : i32 to vector<16xi32>
      tpu.vector_store_idx %arg8[%broadcast_in_dim3A_367, %add3A_1405, %broadcast_in_dim3A_1446], %broadcast_in_dim3A_7 masked %ge3A : memref<2x1280x32xf32, #tpu.memory_space<vmem>>[vector<16xi32>, vector<16xi32>, vector<16xi32>], vector<16xf32>, vector<16xi1>
      %broadcast_in_dim3A_1447 = arith.constant 19 : i32
      %broadcast_in_dim3A_1448 = vector.broadcast %broadcast_in_dim3A_1447 : i32 to vector<16xi32>
      tpu.vector_store_idx %arg8[%broadcast_in_dim3A_367, %add3A_1405, %broadcast_in_dim3A_1448], %broadcast_in_dim3A_7 masked %ge3A : memref<2x1280x32xf32, #tpu.memory_space<vmem>>[vector<16xi32>, vector<16xi32>, vector<16xi32>], vector<16xf32>, vector<16xi1>
      %broadcast_in_dim3A_1449 = arith.constant 20 : i32
      %broadcast_in_dim3A_1450 = vector.broadcast %broadcast_in_dim3A_1449 : i32 to vector<16xi32>
      tpu.vector_store_idx %arg8[%broadcast_in_dim3A_367, %add3A_1405, %broadcast_in_dim3A_1450], %broadcast_in_dim3A_7 masked %ge3A : memref<2x1280x32xf32, #tpu.memory_space<vmem>>[vector<16xi32>, vector<16xi32>, vector<16xi32>], vector<16xf32>, vector<16xi1>
      %broadcast_in_dim3A_1451 = arith.constant 21 : i32
      %broadcast_in_dim3A_1452 = vector.broadcast %broadcast_in_dim3A_1451 : i32 to vector<16xi32>
      tpu.vector_store_idx %arg8[%broadcast_in_dim3A_367, %add3A_1405, %broadcast_in_dim3A_1452], %broadcast_in_dim3A_7 masked %ge3A : memref<2x1280x32xf32, #tpu.memory_space<vmem>>[vector<16xi32>, vector<16xi32>, vector<16xi32>], vector<16xf32>, vector<16xi1>
      %broadcast_in_dim3A_1453 = arith.constant 22 : i32
      %broadcast_in_dim3A_1454 = vector.broadcast %broadcast_in_dim3A_1453 : i32 to vector<16xi32>
      tpu.vector_store_idx %arg8[%broadcast_in_dim3A_367, %add3A_1405, %broadcast_in_dim3A_1454], %broadcast_in_dim3A_7 masked %ge3A : memref<2x1280x32xf32, #tpu.memory_space<vmem>>[vector<16xi32>, vector<16xi32>, vector<16xi32>], vector<16xf32>, vector<16xi1>
      %broadcast_in_dim3A_1455 = arith.constant 23 : i32
      %broadcast_in_dim3A_1456 = vector.broadcast %broadcast_in_dim3A_1455 : i32 to vector<16xi32>
      tpu.vector_store_idx %arg8[%broadcast_in_dim3A_367, %add3A_1405, %broadcast_in_dim3A_1456], %broadcast_in_dim3A_7 masked %ge3A : memref<2x1280x32xf32, #tpu.memory_space<vmem>>[vector<16xi32>, vector<16xi32>, vector<16xi32>], vector<16xf32>, vector<16xi1>
      %broadcast_in_dim3A_1457 = arith.constant 24 : i32
      %broadcast_in_dim3A_1458 = vector.broadcast %broadcast_in_dim3A_1457 : i32 to vector<16xi32>
      tpu.vector_store_idx %arg8[%broadcast_in_dim3A_367, %add3A_1405, %broadcast_in_dim3A_1458], %broadcast_in_dim3A_7 masked %ge3A : memref<2x1280x32xf32, #tpu.memory_space<vmem>>[vector<16xi32>, vector<16xi32>, vector<16xi32>], vector<16xf32>, vector<16xi1>
      %broadcast_in_dim3A_1459 = arith.constant 25 : i32
      %broadcast_in_dim3A_1460 = vector.broadcast %broadcast_in_dim3A_1459 : i32 to vector<16xi32>
      tpu.vector_store_idx %arg8[%broadcast_in_dim3A_367, %add3A_1405, %broadcast_in_dim3A_1460], %broadcast_in_dim3A_7 masked %ge3A : memref<2x1280x32xf32, #tpu.memory_space<vmem>>[vector<16xi32>, vector<16xi32>, vector<16xi32>], vector<16xf32>, vector<16xi1>
      %broadcast_in_dim3A_1461 = arith.constant 26 : i32
      %broadcast_in_dim3A_1462 = vector.broadcast %broadcast_in_dim3A_1461 : i32 to vector<16xi32>
      tpu.vector_store_idx %arg8[%broadcast_in_dim3A_367, %add3A_1405, %broadcast_in_dim3A_1462], %broadcast_in_dim3A_7 masked %ge3A : memref<2x1280x32xf32, #tpu.memory_space<vmem>>[vector<16xi32>, vector<16xi32>, vector<16xi32>], vector<16xf32>, vector<16xi1>
      %broadcast_in_dim3A_1463 = arith.constant 27 : i32
      %broadcast_in_dim3A_1464 = vector.broadcast %broadcast_in_dim3A_1463 : i32 to vector<16xi32>
      tpu.vector_store_idx %arg8[%broadcast_in_dim3A_367, %add3A_1405, %broadcast_in_dim3A_1464], %broadcast_in_dim3A_7 masked %ge3A : memref<2x1280x32xf32, #tpu.memory_space<vmem>>[vector<16xi32>, vector<16xi32>, vector<16xi32>], vector<16xf32>, vector<16xi1>
      %broadcast_in_dim3A_1465 = arith.constant 28 : i32
      %broadcast_in_dim3A_1466 = vector.broadcast %broadcast_in_dim3A_1465 : i32 to vector<16xi32>
      tpu.vector_store_idx %arg8[%broadcast_in_dim3A_367, %add3A_1405, %broadcast_in_dim3A_1466], %broadcast_in_dim3A_7 masked %ge3A : memref<2x1280x32xf32, #tpu.memory_space<vmem>>[vector<16xi32>, vector<16xi32>, vector<16xi32>], vector<16xf32>, vector<16xi1>
      %broadcast_in_dim3A_1467 = arith.constant 29 : i32
      %broadcast_in_dim3A_1468 = vector.broadcast %broadcast_in_dim3A_1467 : i32 to vector<16xi32>
      tpu.vector_store_idx %arg8[%broadcast_in_dim3A_367, %add3A_1405, %broadcast_in_dim3A_1468], %broadcast_in_dim3A_7 masked %ge3A : memref<2x1280x32xf32, #tpu.memory_space<vmem>>[vector<16xi32>, vector<16xi32>, vector<16xi32>], vector<16xf32>, vector<16xi1>
      %broadcast_in_dim3A_1469 = arith.constant 30 : i32
      %broadcast_in_dim3A_1470 = vector.broadcast %broadcast_in_dim3A_1469 : i32 to vector<16xi32>
      tpu.vector_store_idx %arg8[%broadcast_in_dim3A_367, %add3A_1405, %broadcast_in_dim3A_1470], %broadcast_in_dim3A_7 masked %ge3A : memref<2x1280x32xf32, #tpu.memory_space<vmem>>[vector<16xi32>, vector<16xi32>, vector<16xi32>], vector<16xf32>, vector<16xi1>
      %broadcast_in_dim3A_1471 = arith.constant 31 : i32
      %broadcast_in_dim3A_1472 = vector.broadcast %broadcast_in_dim3A_1471 : i32 to vector<16xi32>
      tpu.vector_store_idx %arg8[%broadcast_in_dim3A_367, %add3A_1405, %broadcast_in_dim3A_1472], %broadcast_in_dim3A_7 masked %ge3A : memref<2x1280x32xf32, #tpu.memory_space<vmem>>[vector<16xi32>, vector<16xi32>, vector<16xi32>], vector<16xf32>, vector<16xi1>
      %scan3A_1473 = arith.constant 0 : i32
      scf.yield %scan3A_1473 : i32
    }
    %scan3A_375 = arith.constant 80 : i32
    %add3A_376 = arith.constant 0 : i32
    %add3A_377 = arith.addi %mul3A_2, %add3A_376 : i32
    %dma_start3A_378 = arith.constant 0 : i32
    %dma_start3A_379 = arith.constant 0 : i32
    %dma_start3A_380 = arith.constant 0 : i32
    %dma_start3A_381 = tpu.memref_slice %arg8[%dma_start3A_378, %dma_start3A_379, %dma_start3A_380] : memref<2x1280x32xf32, #tpu.memory_space<vmem>> -> memref<1x1280x32xf32, #tpu.memory_space<vmem>>
    %dma_start3A_382 = tpu.memref_squeeze %dma_start3A_381 : memref<1x1280x32xf32, #tpu.memory_space<vmem>> -> memref<1280x32xf32, #tpu.memory_space<vmem>>
    %dma_start3A_383 = arith.constant 0 : i32
    %dma_start3A_384 = tpu.memref_slice %arg5[%add3A_377, %dma_start3A_383] : memref<204800x32xf32, #tpu.memory_space<hbm>> -> memref<1280x32xf32, #tpu.memory_space<hbm>>
    %dma_start3A_385 = arith.constant 0 : i32
    %dma_start3A_386 = tpu.memref_slice %arg5[%add3A_377, %dma_start3A_385] : memref<204800x32xf32, #tpu.memory_space<hbm>> -> memref<1280x32xf32, #tpu.memory_space<hbm>>
    %dma_start3A_387 = arith.constant 0 : i32
    %dma_start3A_388 = arith.constant 0 : i32
    %dma_start3A_389 = tpu.memref_slice %arg8[%dma_start3A_378, %dma_start3A_387, %dma_start3A_388] : memref<2x1280x32xf32, #tpu.memory_space<vmem>> -> memref<1x1280x32xf32, #tpu.memory_space<vmem>>
    %dma_start3A_390 = tpu.memref_squeeze %dma_start3A_389 : memref<1x1280x32xf32, #tpu.memory_space<vmem>> -> memref<1280x32xf32, #tpu.memory_space<vmem>>
    tpu.enqueue_dma source(%dma_start3A_390 : memref<1280x32xf32, #tpu.memory_space<vmem>>) target(%dma_start3A_386 : memref<1280x32xf32, #tpu.memory_space<hbm>>) target_semaphore(%arg11 : memref<!tpu.dma_semaphore, #tpu.memory_space<semaphore_mem>>)
    %dma_wait3A_391 = arith.constant 0 : i32
    %dma_wait3A_392 = arith.constant 0 : i32
    %dma_wait3A_393 = arith.constant 0 : i32
    %dma_wait3A_394 = tpu.memref_slice %arg8[%dma_wait3A_391, %dma_wait3A_392, %dma_wait3A_393] : memref<2x1280x32xf32, #tpu.memory_space<vmem>> -> memref<1x1280x32xf32, #tpu.memory_space<vmem>>
    %dma_wait3A_395 = tpu.memref_squeeze %dma_wait3A_394 : memref<1x1280x32xf32, #tpu.memory_space<vmem>> -> memref<1280x32xf32, #tpu.memory_space<vmem>>
    %dma_wait3A_396 = arith.constant 0 : i32
    %dma_wait3A_397 = tpu.memref_slice %arg5[%add3A_377, %dma_wait3A_396] : memref<204800x32xf32, #tpu.memory_space<hbm>> -> memref<1280x32xf32, #tpu.memory_space<hbm>>
    %dma_wait3A_398 = arith.constant 0 : i32
    %dma_wait3A_399 = tpu.memref_slice %arg5[%add3A_377, %dma_wait3A_398] : memref<204800x32xf32, #tpu.memory_space<hbm>> -> memref<1280x32xf32, #tpu.memory_space<hbm>>
    %dma_wait3A_400 = arith.constant 0 : i32
    %dma_wait3A_401 = arith.constant 0 : i32
    %dma_wait3A_402 = tpu.memref_slice %arg8[%dma_wait3A_391, %dma_wait3A_400, %dma_wait3A_401] : memref<2x1280x32xf32, #tpu.memory_space<vmem>> -> memref<1x1280x32xf32, #tpu.memory_space<vmem>>
    %dma_wait3A_403 = tpu.memref_squeeze %dma_wait3A_402 : memref<1x1280x32xf32, #tpu.memory_space<vmem>> -> memref<1280x32xf32, #tpu.memory_space<vmem>>
    tpu.wait_dma2 semaphore(%arg11 : memref<!tpu.dma_semaphore, #tpu.memory_space<semaphore_mem>>) src(%dma_wait3A_403 : memref<1280x32xf32, #tpu.memory_space<vmem>>) dst(%dma_wait3A_399 : memref<1280x32xf32, #tpu.memory_space<hbm>>)
    %dma_start3A_404 = arith.constant 20 : i32
    %dma_start3A_405 = arith.constant 0 : i32
    %dma_start3A_406 = arith.constant 0 : i32
    %dma_start3A_407 = arith.constant 0 : i32
    %dma_start3A_408 = tpu.memref_slice %arg8[%dma_start3A_405, %dma_start3A_406, %dma_start3A_407] : memref<2x1280x32xf32, #tpu.memory_space<vmem>> -> memref<1x128x32xf32, #tpu.memory_space<vmem>>
    %dma_start3A_409 = tpu.memref_squeeze %dma_start3A_408 : memref<1x128x32xf32, #tpu.memory_space<vmem>> -> memref<128x32xf32, #tpu.memory_space<vmem>>
    %dma_start3A_410 = arith.constant 0 : i32
    %dma_start3A_411 = tpu.memref_slice %arg6[%dma_start3A_404, %dma_start3A_410] : memref<50x128xi32, #tpu.memory_space<vmem>> -> memref<1x128xi32, #tpu.memory_space<vmem>>
    %dma_start3A_412 = tpu.memref_squeeze %dma_start3A_411 : memref<1x128xi32, #tpu.memory_space<vmem>> -> memref<128xi32, #tpu.memory_space<vmem>>
    %dma_start3A_413 = arith.constant 0 : i32
    %dma_start3A_414 = arith.constant 0 : i32
    %dma_start3A_415 = tpu.memref_slice %arg4[%dma_start3A_413, %dma_start3A_414] : memref<1000000x32xf32, #tpu.memory_space<hbm>> -> memref<1000000x32xf32, #tpu.memory_space<hbm>>
    tpu.enqueue_indirect_dma source(%dma_start3A_415 : memref<1000000x32xf32, #tpu.memory_space<hbm>>) target(%dma_start3A_409 : memref<128x32xf32, #tpu.memory_space<vmem>>) offsets(%dma_start3A_412 : memref<128xi32, #tpu.memory_space<vmem>>) semaphore(%arg9 : memref<!tpu.dma_semaphore, #tpu.memory_space<semaphore_mem>>)
    %dma_start3A_416 = arith.constant 21 : i32
    %dma_start3A_417 = arith.constant 0 : i32
    %dma_start3A_418 = arith.constant 128 : i32
    %dma_start3A_419 = arith.constant 0 : i32
    %dma_start3A_420 = tpu.memref_slice %arg8[%dma_start3A_417, %dma_start3A_418, %dma_start3A_419] : memref<2x1280x32xf32, #tpu.memory_space<vmem>> -> memref<1x128x32xf32, #tpu.memory_space<vmem>>
    %dma_start3A_421 = tpu.memref_squeeze %dma_start3A_420 : memref<1x128x32xf32, #tpu.memory_space<vmem>> -> memref<128x32xf32, #tpu.memory_space<vmem>>
    %dma_start3A_422 = arith.constant 0 : i32
    %dma_start3A_423 = tpu.memref_slice %arg6[%dma_start3A_416, %dma_start3A_422] : memref<50x128xi32, #tpu.memory_space<vmem>> -> memref<1x128xi32, #tpu.memory_space<vmem>>
    %dma_start3A_424 = tpu.memref_squeeze %dma_start3A_423 : memref<1x128xi32, #tpu.memory_space<vmem>> -> memref<128xi32, #tpu.memory_space<vmem>>
    %dma_start3A_425 = arith.constant 0 : i32
    %dma_start3A_426 = arith.constant 0 : i32
    %dma_start3A_427 = tpu.memref_slice %arg4[%dma_start3A_425, %dma_start3A_426] : memref<1000000x32xf32, #tpu.memory_space<hbm>> -> memref<1000000x32xf32, #tpu.memory_space<hbm>>
    tpu.enqueue_indirect_dma source(%dma_start3A_427 : memref<1000000x32xf32, #tpu.memory_space<hbm>>) target(%dma_start3A_421 : memref<128x32xf32, #tpu.memory_space<vmem>>) offsets(%dma_start3A_424 : memref<128xi32, #tpu.memory_space<vmem>>) semaphore(%arg9 : memref<!tpu.dma_semaphore, #tpu.memory_space<semaphore_mem>>)
    %dma_start3A_428 = arith.constant 22 : i32
    %dma_start3A_429 = arith.constant 0 : i32
    %dma_start3A_430 = arith.constant 256 : i32
    %dma_start3A_431 = arith.constant 0 : i32
    %dma_start3A_432 = tpu.memref_slice %arg8[%dma_start3A_429, %dma_start3A_430, %dma_start3A_431] : memref<2x1280x32xf32, #tpu.memory_space<vmem>> -> memref<1x128x32xf32, #tpu.memory_space<vmem>>
    %dma_start3A_433 = tpu.memref_squeeze %dma_start3A_432 : memref<1x128x32xf32, #tpu.memory_space<vmem>> -> memref<128x32xf32, #tpu.memory_space<vmem>>
    %dma_start3A_434 = arith.constant 0 : i32
    %dma_start3A_435 = tpu.memref_slice %arg6[%dma_start3A_428, %dma_start3A_434] : memref<50x128xi32, #tpu.memory_space<vmem>> -> memref<1x128xi32, #tpu.memory_space<vmem>>
    %dma_start3A_436 = tpu.memref_squeeze %dma_start3A_435 : memref<1x128xi32, #tpu.memory_space<vmem>> -> memref<128xi32, #tpu.memory_space<vmem>>
    %dma_start3A_437 = arith.constant 0 : i32
    %dma_start3A_438 = arith.constant 0 : i32
    %dma_start3A_439 = tpu.memref_slice %arg4[%dma_start3A_437, %dma_start3A_438] : memref<1000000x32xf32, #tpu.memory_space<hbm>> -> memref<1000000x32xf32, #tpu.memory_space<hbm>>
    tpu.enqueue_indirect_dma source(%dma_start3A_439 : memref<1000000x32xf32, #tpu.memory_space<hbm>>) target(%dma_start3A_433 : memref<128x32xf32, #tpu.memory_space<vmem>>) offsets(%dma_start3A_436 : memref<128xi32, #tpu.memory_space<vmem>>) semaphore(%arg9 : memref<!tpu.dma_semaphore, #tpu.memory_space<semaphore_mem>>)
    %dma_start3A_440 = arith.constant 23 : i32
    %dma_start3A_441 = arith.constant 0 : i32
    %dma_start3A_442 = arith.constant 384 : i32
    %dma_start3A_443 = arith.constant 0 : i32
    %dma_start3A_444 = tpu.memref_slice %arg8[%dma_start3A_441, %dma_start3A_442, %dma_start3A_443] : memref<2x1280x32xf32, #tpu.memory_space<vmem>> -> memref<1x128x32xf32, #tpu.memory_space<vmem>>
    %dma_start3A_445 = tpu.memref_squeeze %dma_start3A_444 : memref<1x128x32xf32, #tpu.memory_space<vmem>> -> memref<128x32xf32, #tpu.memory_space<vmem>>
    %dma_start3A_446 = arith.constant 0 : i32
    %dma_start3A_447 = tpu.memref_slice %arg6[%dma_start3A_440, %dma_start3A_446] : memref<50x128xi32, #tpu.memory_space<vmem>> -> memref<1x128xi32, #tpu.memory_space<vmem>>
    %dma_start3A_448 = tpu.memref_squeeze %dma_start3A_447 : memref<1x128xi32, #tpu.memory_space<vmem>> -> memref<128xi32, #tpu.memory_space<vmem>>
    %dma_start3A_449 = arith.constant 0 : i32
    %dma_start3A_450 = arith.constant 0 : i32
    %dma_start3A_451 = tpu.memref_slice %arg4[%dma_start3A_449, %dma_start3A_450] : memref<1000000x32xf32, #tpu.memory_space<hbm>> -> memref<1000000x32xf32, #tpu.memory_space<hbm>>
    tpu.enqueue_indirect_dma source(%dma_start3A_451 : memref<1000000x32xf32, #tpu.memory_space<hbm>>) target(%dma_start3A_445 : memref<128x32xf32, #tpu.memory_space<vmem>>) offsets(%dma_start3A_448 : memref<128xi32, #tpu.memory_space<vmem>>) semaphore(%arg9 : memref<!tpu.dma_semaphore, #tpu.memory_space<semaphore_mem>>)
    %dma_start3A_452 = arith.constant 24 : i32
    %dma_start3A_453 = arith.constant 0 : i32
    %dma_start3A_454 = arith.constant 512 : i32
    %dma_start3A_455 = arith.constant 0 : i32
    %dma_start3A_456 = tpu.memref_slice %arg8[%dma_start3A_453, %dma_start3A_454, %dma_start3A_455] : memref<2x1280x32xf32, #tpu.memory_space<vmem>> -> memref<1x128x32xf32, #tpu.memory_space<vmem>>
    %dma_start3A_457 = tpu.memref_squeeze %dma_start3A_456 : memref<1x128x32xf32, #tpu.memory_space<vmem>> -> memref<128x32xf32, #tpu.memory_space<vmem>>
    %dma_start3A_458 = arith.constant 0 : i32
    %dma_start3A_459 = tpu.memref_slice %arg6[%dma_start3A_452, %dma_start3A_458] : memref<50x128xi32, #tpu.memory_space<vmem>> -> memref<1x128xi32, #tpu.memory_space<vmem>>
    %dma_start3A_460 = tpu.memref_squeeze %dma_start3A_459 : memref<1x128xi32, #tpu.memory_space<vmem>> -> memref<128xi32, #tpu.memory_space<vmem>>
    %dma_start3A_461 = arith.constant 0 : i32
    %dma_start3A_462 = arith.constant 0 : i32
    %dma_start3A_463 = tpu.memref_slice %arg4[%dma_start3A_461, %dma_start3A_462] : memref<1000000x32xf32, #tpu.memory_space<hbm>> -> memref<1000000x32xf32, #tpu.memory_space<hbm>>
    tpu.enqueue_indirect_dma source(%dma_start3A_463 : memref<1000000x32xf32, #tpu.memory_space<hbm>>) target(%dma_start3A_457 : memref<128x32xf32, #tpu.memory_space<vmem>>) offsets(%dma_start3A_460 : memref<128xi32, #tpu.memory_space<vmem>>) semaphore(%arg9 : memref<!tpu.dma_semaphore, #tpu.memory_space<semaphore_mem>>)
    %dma_start3A_464 = arith.constant 25 : i32
    %dma_start3A_465 = arith.constant 0 : i32
    %dma_start3A_466 = arith.constant 640 : i32
    %dma_start3A_467 = arith.constant 0 : i32
    %dma_start3A_468 = tpu.memref_slice %arg8[%dma_start3A_465, %dma_start3A_466, %dma_start3A_467] : memref<2x1280x32xf32, #tpu.memory_space<vmem>> -> memref<1x128x32xf32, #tpu.memory_space<vmem>>
    %dma_start3A_469 = tpu.memref_squeeze %dma_start3A_468 : memref<1x128x32xf32, #tpu.memory_space<vmem>> -> memref<128x32xf32, #tpu.memory_space<vmem>>
    %dma_start3A_470 = arith.constant 0 : i32
    %dma_start3A_471 = tpu.memref_slice %arg6[%dma_start3A_464, %dma_start3A_470] : memref<50x128xi32, #tpu.memory_space<vmem>> -> memref<1x128xi32, #tpu.memory_space<vmem>>
    %dma_start3A_472 = tpu.memref_squeeze %dma_start3A_471 : memref<1x128xi32, #tpu.memory_space<vmem>> -> memref<128xi32, #tpu.memory_space<vmem>>
    %dma_start3A_473 = arith.constant 0 : i32
    %dma_start3A_474 = arith.constant 0 : i32
    %dma_start3A_475 = tpu.memref_slice %arg4[%dma_start3A_473, %dma_start3A_474] : memref<1000000x32xf32, #tpu.memory_space<hbm>> -> memref<1000000x32xf32, #tpu.memory_space<hbm>>
    tpu.enqueue_indirect_dma source(%dma_start3A_475 : memref<1000000x32xf32, #tpu.memory_space<hbm>>) target(%dma_start3A_469 : memref<128x32xf32, #tpu.memory_space<vmem>>) offsets(%dma_start3A_472 : memref<128xi32, #tpu.memory_space<vmem>>) semaphore(%arg9 : memref<!tpu.dma_semaphore, #tpu.memory_space<semaphore_mem>>)
    %dma_start3A_476 = arith.constant 26 : i32
    %dma_start3A_477 = arith.constant 0 : i32
    %dma_start3A_478 = arith.constant 768 : i32
    %dma_start3A_479 = arith.constant 0 : i32
    %dma_start3A_480 = tpu.memref_slice %arg8[%dma_start3A_477, %dma_start3A_478, %dma_start3A_479] : memref<2x1280x32xf32, #tpu.memory_space<vmem>> -> memref<1x128x32xf32, #tpu.memory_space<vmem>>
    %dma_start3A_481 = tpu.memref_squeeze %dma_start3A_480 : memref<1x128x32xf32, #tpu.memory_space<vmem>> -> memref<128x32xf32, #tpu.memory_space<vmem>>
    %dma_start3A_482 = arith.constant 0 : i32
    %dma_start3A_483 = tpu.memref_slice %arg6[%dma_start3A_476, %dma_start3A_482] : memref<50x128xi32, #tpu.memory_space<vmem>> -> memref<1x128xi32, #tpu.memory_space<vmem>>
    %dma_start3A_484 = tpu.memref_squeeze %dma_start3A_483 : memref<1x128xi32, #tpu.memory_space<vmem>> -> memref<128xi32, #tpu.memory_space<vmem>>
    %dma_start3A_485 = arith.constant 0 : i32
    %dma_start3A_486 = arith.constant 0 : i32
    %dma_start3A_487 = tpu.memref_slice %arg4[%dma_start3A_485, %dma_start3A_486] : memref<1000000x32xf32, #tpu.memory_space<hbm>> -> memref<1000000x32xf32, #tpu.memory_space<hbm>>
    tpu.enqueue_indirect_dma source(%dma_start3A_487 : memref<1000000x32xf32, #tpu.memory_space<hbm>>) target(%dma_start3A_481 : memref<128x32xf32, #tpu.memory_space<vmem>>) offsets(%dma_start3A_484 : memref<128xi32, #tpu.memory_space<vmem>>) semaphore(%arg9 : memref<!tpu.dma_semaphore, #tpu.memory_space<semaphore_mem>>)
    %dma_start3A_488 = arith.constant 27 : i32
    %dma_start3A_489 = arith.constant 0 : i32
    %dma_start3A_490 = arith.constant 896 : i32
    %dma_start3A_491 = arith.constant 0 : i32
    %dma_start3A_492 = tpu.memref_slice %arg8[%dma_start3A_489, %dma_start3A_490, %dma_start3A_491] : memref<2x1280x32xf32, #tpu.memory_space<vmem>> -> memref<1x128x32xf32, #tpu.memory_space<vmem>>
    %dma_start3A_493 = tpu.memref_squeeze %dma_start3A_492 : memref<1x128x32xf32, #tpu.memory_space<vmem>> -> memref<128x32xf32, #tpu.memory_space<vmem>>
    %dma_start3A_494 = arith.constant 0 : i32
    %dma_start3A_495 = tpu.memref_slice %arg6[%dma_start3A_488, %dma_start3A_494] : memref<50x128xi32, #tpu.memory_space<vmem>> -> memref<1x128xi32, #tpu.memory_space<vmem>>
    %dma_start3A_496 = tpu.memref_squeeze %dma_start3A_495 : memref<1x128xi32, #tpu.memory_space<vmem>> -> memref<128xi32, #tpu.memory_space<vmem>>
    %dma_start3A_497 = arith.constant 0 : i32
    %dma_start3A_498 = arith.constant 0 : i32
    %dma_start3A_499 = tpu.memref_slice %arg4[%dma_start3A_497, %dma_start3A_498] : memref<1000000x32xf32, #tpu.memory_space<hbm>> -> memref<1000000x32xf32, #tpu.memory_space<hbm>>
    tpu.enqueue_indirect_dma source(%dma_start3A_499 : memref<1000000x32xf32, #tpu.memory_space<hbm>>) target(%dma_start3A_493 : memref<128x32xf32, #tpu.memory_space<vmem>>) offsets(%dma_start3A_496 : memref<128xi32, #tpu.memory_space<vmem>>) semaphore(%arg9 : memref<!tpu.dma_semaphore, #tpu.memory_space<semaphore_mem>>)
    %dma_start3A_500 = arith.constant 28 : i32
    %dma_start3A_501 = arith.constant 0 : i32
    %dma_start3A_502 = arith.constant 1024 : i32
    %dma_start3A_503 = arith.constant 0 : i32
    %dma_start3A_504 = tpu.memref_slice %arg8[%dma_start3A_501, %dma_start3A_502, %dma_start3A_503] : memref<2x1280x32xf32, #tpu.memory_space<vmem>> -> memref<1x128x32xf32, #tpu.memory_space<vmem>>
    %dma_start3A_505 = tpu.memref_squeeze %dma_start3A_504 : memref<1x128x32xf32, #tpu.memory_space<vmem>> -> memref<128x32xf32, #tpu.memory_space<vmem>>
    %dma_start3A_506 = arith.constant 0 : i32
    %dma_start3A_507 = tpu.memref_slice %arg6[%dma_start3A_500, %dma_start3A_506] : memref<50x128xi32, #tpu.memory_space<vmem>> -> memref<1x128xi32, #tpu.memory_space<vmem>>
    %dma_start3A_508 = tpu.memref_squeeze %dma_start3A_507 : memref<1x128xi32, #tpu.memory_space<vmem>> -> memref<128xi32, #tpu.memory_space<vmem>>
    %dma_start3A_509 = arith.constant 0 : i32
    %dma_start3A_510 = arith.constant 0 : i32
    %dma_start3A_511 = tpu.memref_slice %arg4[%dma_start3A_509, %dma_start3A_510] : memref<1000000x32xf32, #tpu.memory_space<hbm>> -> memref<1000000x32xf32, #tpu.memory_space<hbm>>
    tpu.enqueue_indirect_dma source(%dma_start3A_511 : memref<1000000x32xf32, #tpu.memory_space<hbm>>) target(%dma_start3A_505 : memref<128x32xf32, #tpu.memory_space<vmem>>) offsets(%dma_start3A_508 : memref<128xi32, #tpu.memory_space<vmem>>) semaphore(%arg9 : memref<!tpu.dma_semaphore, #tpu.memory_space<semaphore_mem>>)
    %dma_start3A_512 = arith.constant 29 : i32
    %dma_start3A_513 = arith.constant 0 : i32
    %dma_start3A_514 = arith.constant 1152 : i32
    %dma_start3A_515 = arith.constant 0 : i32
    %dma_start3A_516 = tpu.memref_slice %arg8[%dma_start3A_513, %dma_start3A_514, %dma_start3A_515] : memref<2x1280x32xf32, #tpu.memory_space<vmem>> -> memref<1x128x32xf32, #tpu.memory_space<vmem>>
    %dma_start3A_517 = tpu.memref_squeeze %dma_start3A_516 : memref<1x128x32xf32, #tpu.memory_space<vmem>> -> memref<128x32xf32, #tpu.memory_space<vmem>>
    %dma_start3A_518 = arith.constant 0 : i32
    %dma_start3A_519 = tpu.memref_slice %arg6[%dma_start3A_512, %dma_start3A_518] : memref<50x128xi32, #tpu.memory_space<vmem>> -> memref<1x128xi32, #tpu.memory_space<vmem>>
    %dma_start3A_520 = tpu.memref_squeeze %dma_start3A_519 : memref<1x128xi32, #tpu.memory_space<vmem>> -> memref<128xi32, #tpu.memory_space<vmem>>
    %dma_start3A_521 = arith.constant 0 : i32
    %dma_start3A_522 = arith.constant 0 : i32
    %dma_start3A_523 = tpu.memref_slice %arg4[%dma_start3A_521, %dma_start3A_522] : memref<1000000x32xf32, #tpu.memory_space<hbm>> -> memref<1000000x32xf32, #tpu.memory_space<hbm>>
    tpu.enqueue_indirect_dma source(%dma_start3A_523 : memref<1000000x32xf32, #tpu.memory_space<hbm>>) target(%dma_start3A_517 : memref<128x32xf32, #tpu.memory_space<vmem>>) offsets(%dma_start3A_520 : memref<128xi32, #tpu.memory_space<vmem>>) semaphore(%arg9 : memref<!tpu.dma_semaphore, #tpu.memory_space<semaphore_mem>>)
    %dma_wait3A_524 = arith.constant 10 : i32
    %dma_wait3A_525 = arith.constant 1 : i32
    %dma_wait3A_526 = arith.constant 0 : i32
    %dma_wait3A_527 = arith.constant 0 : i32
    %dma_wait3A_528 = tpu.memref_slice %arg8[%dma_wait3A_525, %dma_wait3A_526, %dma_wait3A_527] : memref<2x1280x32xf32, #tpu.memory_space<vmem>> -> memref<1x128x32xf32, #tpu.memory_space<vmem>>
    %dma_wait3A_529 = tpu.memref_squeeze %dma_wait3A_528 : memref<1x128x32xf32, #tpu.memory_space<vmem>> -> memref<128x32xf32, #tpu.memory_space<vmem>>
    %dma_wait3A_530 = arith.constant 0 : i32
    %dma_wait3A_531 = tpu.memref_slice %arg6[%dma_wait3A_524, %dma_wait3A_530] : memref<50x128xi32, #tpu.memory_space<vmem>> -> memref<1x128xi32, #tpu.memory_space<vmem>>
    %dma_wait3A_532 = tpu.memref_squeeze %dma_wait3A_531 : memref<1x128xi32, #tpu.memory_space<vmem>> -> memref<128xi32, #tpu.memory_space<vmem>>
    %dma_wait3A_533 = arith.constant 0 : i32
    %dma_wait3A_534 = arith.constant 0 : i32
    %dma_wait3A_535 = tpu.memref_slice %arg4[%dma_wait3A_533, %dma_wait3A_534] : memref<1000000x32xf32, #tpu.memory_space<hbm>> -> memref<1000000x32xf32, #tpu.memory_space<hbm>>
    tpu.wait_indirect_dma semaphore(%arg10 : memref<!tpu.dma_semaphore, #tpu.memory_space<semaphore_mem>>) src(%dma_wait3A_535 : memref<1000000x32xf32, #tpu.memory_space<hbm>>) dst(%dma_wait3A_529 : memref<128x32xf32, #tpu.memory_space<vmem>>)
    %dma_wait3A_536 = arith.constant 11 : i32
    %dma_wait3A_537 = arith.constant 1 : i32
    %dma_wait3A_538 = arith.constant 128 : i32
    %dma_wait3A_539 = arith.constant 0 : i32
    %dma_wait3A_540 = tpu.memref_slice %arg8[%dma_wait3A_537, %dma_wait3A_538, %dma_wait3A_539] : memref<2x1280x32xf32, #tpu.memory_space<vmem>> -> memref<1x128x32xf32, #tpu.memory_space<vmem>>
    %dma_wait3A_541 = tpu.memref_squeeze %dma_wait3A_540 : memref<1x128x32xf32, #tpu.memory_space<vmem>> -> memref<128x32xf32, #tpu.memory_space<vmem>>
    %dma_wait3A_542 = arith.constant 0 : i32
    %dma_wait3A_543 = tpu.memref_slice %arg6[%dma_wait3A_536, %dma_wait3A_542] : memref<50x128xi32, #tpu.memory_space<vmem>> -> memref<1x128xi32, #tpu.memory_space<vmem>>
    %dma_wait3A_544 = tpu.memref_squeeze %dma_wait3A_543 : memref<1x128xi32, #tpu.memory_space<vmem>> -> memref<128xi32, #tpu.memory_space<vmem>>
    %dma_wait3A_545 = arith.constant 0 : i32
    %dma_wait3A_546 = arith.constant 0 : i32
    %dma_wait3A_547 = tpu.memref_slice %arg4[%dma_wait3A_545, %dma_wait3A_546] : memref<1000000x32xf32, #tpu.memory_space<hbm>> -> memref<1000000x32xf32, #tpu.memory_space<hbm>>
    tpu.wait_indirect_dma semaphore(%arg10 : memref<!tpu.dma_semaphore, #tpu.memory_space<semaphore_mem>>) src(%dma_wait3A_547 : memref<1000000x32xf32, #tpu.memory_space<hbm>>) dst(%dma_wait3A_541 : memref<128x32xf32, #tpu.memory_space<vmem>>)
    %dma_wait3A_548 = arith.constant 12 : i32
    %dma_wait3A_549 = arith.constant 1 : i32
    %dma_wait3A_550 = arith.constant 256 : i32
    %dma_wait3A_551 = arith.constant 0 : i32
    %dma_wait3A_552 = tpu.memref_slice %arg8[%dma_wait3A_549, %dma_wait3A_550, %dma_wait3A_551] : memref<2x1280x32xf32, #tpu.memory_space<vmem>> -> memref<1x128x32xf32, #tpu.memory_space<vmem>>
    %dma_wait3A_553 = tpu.memref_squeeze %dma_wait3A_552 : memref<1x128x32xf32, #tpu.memory_space<vmem>> -> memref<128x32xf32, #tpu.memory_space<vmem>>
    %dma_wait3A_554 = arith.constant 0 : i32
    %dma_wait3A_555 = tpu.memref_slice %arg6[%dma_wait3A_548, %dma_wait3A_554] : memref<50x128xi32, #tpu.memory_space<vmem>> -> memref<1x128xi32, #tpu.memory_space<vmem>>
    %dma_wait3A_556 = tpu.memref_squeeze %dma_wait3A_555 : memref<1x128xi32, #tpu.memory_space<vmem>> -> memref<128xi32, #tpu.memory_space<vmem>>
    %dma_wait3A_557 = arith.constant 0 : i32
    %dma_wait3A_558 = arith.constant 0 : i32
    %dma_wait3A_559 = tpu.memref_slice %arg4[%dma_wait3A_557, %dma_wait3A_558] : memref<1000000x32xf32, #tpu.memory_space<hbm>> -> memref<1000000x32xf32, #tpu.memory_space<hbm>>
    tpu.wait_indirect_dma semaphore(%arg10 : memref<!tpu.dma_semaphore, #tpu.memory_space<semaphore_mem>>) src(%dma_wait3A_559 : memref<1000000x32xf32, #tpu.memory_space<hbm>>) dst(%dma_wait3A_553 : memref<128x32xf32, #tpu.memory_space<vmem>>)
    %dma_wait3A_560 = arith.constant 13 : i32
    %dma_wait3A_561 = arith.constant 1 : i32
    %dma_wait3A_562 = arith.constant 384 : i32
    %dma_wait3A_563 = arith.constant 0 : i32
    %dma_wait3A_564 = tpu.memref_slice %arg8[%dma_wait3A_561, %dma_wait3A_562, %dma_wait3A_563] : memref<2x1280x32xf32, #tpu.memory_space<vmem>> -> memref<1x128x32xf32, #tpu.memory_space<vmem>>
    %dma_wait3A_565 = tpu.memref_squeeze %dma_wait3A_564 : memref<1x128x32xf32, #tpu.memory_space<vmem>> -> memref<128x32xf32, #tpu.memory_space<vmem>>
    %dma_wait3A_566 = arith.constant 0 : i32
    %dma_wait3A_567 = tpu.memref_slice %arg6[%dma_wait3A_560, %dma_wait3A_566] : memref<50x128xi32, #tpu.memory_space<vmem>> -> memref<1x128xi32, #tpu.memory_space<vmem>>
    %dma_wait3A_568 = tpu.memref_squeeze %dma_wait3A_567 : memref<1x128xi32, #tpu.memory_space<vmem>> -> memref<128xi32, #tpu.memory_space<vmem>>
    %dma_wait3A_569 = arith.constant 0 : i32
    %dma_wait3A_570 = arith.constant 0 : i32
    %dma_wait3A_571 = tpu.memref_slice %arg4[%dma_wait3A_569, %dma_wait3A_570] : memref<1000000x32xf32, #tpu.memory_space<hbm>> -> memref<1000000x32xf32, #tpu.memory_space<hbm>>
    tpu.wait_indirect_dma semaphore(%arg10 : memref<!tpu.dma_semaphore, #tpu.memory_space<semaphore_mem>>) src(%dma_wait3A_571 : memref<1000000x32xf32, #tpu.memory_space<hbm>>) dst(%dma_wait3A_565 : memref<128x32xf32, #tpu.memory_space<vmem>>)
    %dma_wait3A_572 = arith.constant 14 : i32
    %dma_wait3A_573 = arith.constant 1 : i32
    %dma_wait3A_574 = arith.constant 512 : i32
    %dma_wait3A_575 = arith.constant 0 : i32
    %dma_wait3A_576 = tpu.memref_slice %arg8[%dma_wait3A_573, %dma_wait3A_574, %dma_wait3A_575] : memref<2x1280x32xf32, #tpu.memory_space<vmem>> -> memref<1x128x32xf32, #tpu.memory_space<vmem>>
    %dma_wait3A_577 = tpu.memref_squeeze %dma_wait3A_576 : memref<1x128x32xf32, #tpu.memory_space<vmem>> -> memref<128x32xf32, #tpu.memory_space<vmem>>
    %dma_wait3A_578 = arith.constant 0 : i32
    %dma_wait3A_579 = tpu.memref_slice %arg6[%dma_wait3A_572, %dma_wait3A_578] : memref<50x128xi32, #tpu.memory_space<vmem>> -> memref<1x128xi32, #tpu.memory_space<vmem>>
    %dma_wait3A_580 = tpu.memref_squeeze %dma_wait3A_579 : memref<1x128xi32, #tpu.memory_space<vmem>> -> memref<128xi32, #tpu.memory_space<vmem>>
    %dma_wait3A_581 = arith.constant 0 : i32
    %dma_wait3A_582 = arith.constant 0 : i32
    %dma_wait3A_583 = tpu.memref_slice %arg4[%dma_wait3A_581, %dma_wait3A_582] : memref<1000000x32xf32, #tpu.memory_space<hbm>> -> memref<1000000x32xf32, #tpu.memory_space<hbm>>
    tpu.wait_indirect_dma semaphore(%arg10 : memref<!tpu.dma_semaphore, #tpu.memory_space<semaphore_mem>>) src(%dma_wait3A_583 : memref<1000000x32xf32, #tpu.memory_space<hbm>>) dst(%dma_wait3A_577 : memref<128x32xf32, #tpu.memory_space<vmem>>)
    %dma_wait3A_584 = arith.constant 15 : i32
    %dma_wait3A_585 = arith.constant 1 : i32
    %dma_wait3A_586 = arith.constant 640 : i32
    %dma_wait3A_587 = arith.constant 0 : i32
    %dma_wait3A_588 = tpu.memref_slice %arg8[%dma_wait3A_585, %dma_wait3A_586, %dma_wait3A_587] : memref<2x1280x32xf32, #tpu.memory_space<vmem>> -> memref<1x128x32xf32, #tpu.memory_space<vmem>>
    %dma_wait3A_589 = tpu.memref_squeeze %dma_wait3A_588 : memref<1x128x32xf32, #tpu.memory_space<vmem>> -> memref<128x32xf32, #tpu.memory_space<vmem>>
    %dma_wait3A_590 = arith.constant 0 : i32
    %dma_wait3A_591 = tpu.memref_slice %arg6[%dma_wait3A_584, %dma_wait3A_590] : memref<50x128xi32, #tpu.memory_space<vmem>> -> memref<1x128xi32, #tpu.memory_space<vmem>>
    %dma_wait3A_592 = tpu.memref_squeeze %dma_wait3A_591 : memref<1x128xi32, #tpu.memory_space<vmem>> -> memref<128xi32, #tpu.memory_space<vmem>>
    %dma_wait3A_593 = arith.constant 0 : i32
    %dma_wait3A_594 = arith.constant 0 : i32
    %dma_wait3A_595 = tpu.memref_slice %arg4[%dma_wait3A_593, %dma_wait3A_594] : memref<1000000x32xf32, #tpu.memory_space<hbm>> -> memref<1000000x32xf32, #tpu.memory_space<hbm>>
    tpu.wait_indirect_dma semaphore(%arg10 : memref<!tpu.dma_semaphore, #tpu.memory_space<semaphore_mem>>) src(%dma_wait3A_595 : memref<1000000x32xf32, #tpu.memory_space<hbm>>) dst(%dma_wait3A_589 : memref<128x32xf32, #tpu.memory_space<vmem>>)
    %dma_wait3A_596 = arith.constant 16 : i32
    %dma_wait3A_597 = arith.constant 1 : i32
    %dma_wait3A_598 = arith.constant 768 : i32
    %dma_wait3A_599 = arith.constant 0 : i32
    %dma_wait3A_600 = tpu.memref_slice %arg8[%dma_wait3A_597, %dma_wait3A_598, %dma_wait3A_599] : memref<2x1280x32xf32, #tpu.memory_space<vmem>> -> memref<1x128x32xf32, #tpu.memory_space<vmem>>
    %dma_wait3A_601 = tpu.memref_squeeze %dma_wait3A_600 : memref<1x128x32xf32, #tpu.memory_space<vmem>> -> memref<128x32xf32, #tpu.memory_space<vmem>>
    %dma_wait3A_602 = arith.constant 0 : i32
    %dma_wait3A_603 = tpu.memref_slice %arg6[%dma_wait3A_596, %dma_wait3A_602] : memref<50x128xi32, #tpu.memory_space<vmem>> -> memref<1x128xi32, #tpu.memory_space<vmem>>
    %dma_wait3A_604 = tpu.memref_squeeze %dma_wait3A_603 : memref<1x128xi32, #tpu.memory_space<vmem>> -> memref<128xi32, #tpu.memory_space<vmem>>
    %dma_wait3A_605 = arith.constant 0 : i32
    %dma_wait3A_606 = arith.constant 0 : i32
    %dma_wait3A_607 = tpu.memref_slice %arg4[%dma_wait3A_605, %dma_wait3A_606] : memref<1000000x32xf32, #tpu.memory_space<hbm>> -> memref<1000000x32xf32, #tpu.memory_space<hbm>>
    tpu.wait_indirect_dma semaphore(%arg10 : memref<!tpu.dma_semaphore, #tpu.memory_space<semaphore_mem>>) src(%dma_wait3A_607 : memref<1000000x32xf32, #tpu.memory_space<hbm>>) dst(%dma_wait3A_601 : memref<128x32xf32, #tpu.memory_space<vmem>>)
    %dma_wait3A_608 = arith.constant 17 : i32
    %dma_wait3A_609 = arith.constant 1 : i32
    %dma_wait3A_610 = arith.constant 896 : i32
    %dma_wait3A_611 = arith.constant 0 : i32
    %dma_wait3A_612 = tpu.memref_slice %arg8[%dma_wait3A_609, %dma_wait3A_610, %dma_wait3A_611] : memref<2x1280x32xf32, #tpu.memory_space<vmem>> -> memref<1x128x32xf32, #tpu.memory_space<vmem>>
    %dma_wait3A_613 = tpu.memref_squeeze %dma_wait3A_612 : memref<1x128x32xf32, #tpu.memory_space<vmem>> -> memref<128x32xf32, #tpu.memory_space<vmem>>
    %dma_wait3A_614 = arith.constant 0 : i32
    %dma_wait3A_615 = tpu.memref_slice %arg6[%dma_wait3A_608, %dma_wait3A_614] : memref<50x128xi32, #tpu.memory_space<vmem>> -> memref<1x128xi32, #tpu.memory_space<vmem>>
    %dma_wait3A_616 = tpu.memref_squeeze %dma_wait3A_615 : memref<1x128xi32, #tpu.memory_space<vmem>> -> memref<128xi32, #tpu.memory_space<vmem>>
    %dma_wait3A_617 = arith.constant 0 : i32
    %dma_wait3A_618 = arith.constant 0 : i32
    %dma_wait3A_619 = tpu.memref_slice %arg4[%dma_wait3A_617, %dma_wait3A_618] : memref<1000000x32xf32, #tpu.memory_space<hbm>> -> memref<1000000x32xf32, #tpu.memory_space<hbm>>
    tpu.wait_indirect_dma semaphore(%arg10 : memref<!tpu.dma_semaphore, #tpu.memory_space<semaphore_mem>>) src(%dma_wait3A_619 : memref<1000000x32xf32, #tpu.memory_space<hbm>>) dst(%dma_wait3A_613 : memref<128x32xf32, #tpu.memory_space<vmem>>)
    %dma_wait3A_620 = arith.constant 18 : i32
    %dma_wait3A_621 = arith.constant 1 : i32
    %dma_wait3A_622 = arith.constant 1024 : i32
    %dma_wait3A_623 = arith.constant 0 : i32
    %dma_wait3A_624 = tpu.memref_slice %arg8[%dma_wait3A_621, %dma_wait3A_622, %dma_wait3A_623] : memref<2x1280x32xf32, #tpu.memory_space<vmem>> -> memref<1x128x32xf32, #tpu.memory_space<vmem>>
    %dma_wait3A_625 = tpu.memref_squeeze %dma_wait3A_624 : memref<1x128x32xf32, #tpu.memory_space<vmem>> -> memref<128x32xf32, #tpu.memory_space<vmem>>
    %dma_wait3A_626 = arith.constant 0 : i32
    %dma_wait3A_627 = tpu.memref_slice %arg6[%dma_wait3A_620, %dma_wait3A_626] : memref<50x128xi32, #tpu.memory_space<vmem>> -> memref<1x128xi32, #tpu.memory_space<vmem>>
    %dma_wait3A_628 = tpu.memref_squeeze %dma_wait3A_627 : memref<1x128xi32, #tpu.memory_space<vmem>> -> memref<128xi32, #tpu.memory_space<vmem>>
    %dma_wait3A_629 = arith.constant 0 : i32
    %dma_wait3A_630 = arith.constant 0 : i32
    %dma_wait3A_631 = tpu.memref_slice %arg4[%dma_wait3A_629, %dma_wait3A_630] : memref<1000000x32xf32, #tpu.memory_space<hbm>> -> memref<1000000x32xf32, #tpu.memory_space<hbm>>
    tpu.wait_indirect_dma semaphore(%arg10 : memref<!tpu.dma_semaphore, #tpu.memory_space<semaphore_mem>>) src(%dma_wait3A_631 : memref<1000000x32xf32, #tpu.memory_space<hbm>>) dst(%dma_wait3A_625 : memref<128x32xf32, #tpu.memory_space<vmem>>)
    %dma_wait3A_632 = arith.constant 19 : i32
    %dma_wait3A_633 = arith.constant 1 : i32
    %dma_wait3A_634 = arith.constant 1152 : i32
    %dma_wait3A_635 = arith.constant 0 : i32
    %dma_wait3A_636 = tpu.memref_slice %arg8[%dma_wait3A_633, %dma_wait3A_634, %dma_wait3A_635] : memref<2x1280x32xf32, #tpu.memory_space<vmem>> -> memref<1x128x32xf32, #tpu.memory_space<vmem>>
    %dma_wait3A_637 = tpu.memref_squeeze %dma_wait3A_636 : memref<1x128x32xf32, #tpu.memory_space<vmem>> -> memref<128x32xf32, #tpu.memory_space<vmem>>
    %dma_wait3A_638 = arith.constant 0 : i32
    %dma_wait3A_639 = tpu.memref_slice %arg6[%dma_wait3A_632, %dma_wait3A_638] : memref<50x128xi32, #tpu.memory_space<vmem>> -> memref<1x128xi32, #tpu.memory_space<vmem>>
    %dma_wait3A_640 = tpu.memref_squeeze %dma_wait3A_639 : memref<1x128xi32, #tpu.memory_space<vmem>> -> memref<128xi32, #tpu.memory_space<vmem>>
    %dma_wait3A_641 = arith.constant 0 : i32
    %dma_wait3A_642 = arith.constant 0 : i32
    %dma_wait3A_643 = tpu.memref_slice %arg4[%dma_wait3A_641, %dma_wait3A_642] : memref<1000000x32xf32, #tpu.memory_space<hbm>> -> memref<1000000x32xf32, #tpu.memory_space<hbm>>
    tpu.wait_indirect_dma semaphore(%arg10 : memref<!tpu.dma_semaphore, #tpu.memory_space<semaphore_mem>>) src(%dma_wait3A_643 : memref<1000000x32xf32, #tpu.memory_space<hbm>>) dst(%dma_wait3A_637 : memref<128x32xf32, #tpu.memory_space<vmem>>)
    %broadcast_in_dim3A_644 = arith.constant 1 : i32
    %broadcast_in_dim3A_645 = vector.broadcast %broadcast_in_dim3A_644 : i32 to vector<16xi32>
    %add3A_646 = arith.constant 1280 : i32
    %add3A_647 = arith.addi %mul3A_2, %add3A_646 : i32
    %scan3A_648 = arith.constant 0 : i32
    %scan3A_649 = arith.constant 0 : i32
    %scan3A_650 = arith.constant 80 : i32
    %scan3A_651 = arith.addi %scan3A_649, %scan3A_650 : i32
    %scan3A_652 = arith.constant 1 : i32
    %scan3A_653 = scf.for %scan3A_1400 = %scan3A_649 to %scan3A_651 step %scan3A_652 iter_args(%scan3A_1401 = %scan3A_648) -> (i32)  : i32 {
      %mul3A_1402 = arith.constant 16 : i32
      %mul3A_1403 = arith.muli %scan3A_1400, %mul3A_1402 : i32
      %add3A_1404 = vector.broadcast %mul3A_1403 : i32 to vector<16xi32>
      %add3A_1405 = arith.addi %add3A_1404, %iota3A : vector<16xi32>
      %add3A_1406 = vector.broadcast %add3A_647 : i32 to vector<16xi32>
      %add3A_1407 = arith.addi %add3A_1406, %add3A_1405 : vector<16xi32>
      %rem3A = arith.remsi %add3A_1407, %broadcast_in_dim3A_5 : vector<16xi32>
      %div3A = arith.divsi %add3A_1407, %broadcast_in_dim3A_5 : vector<16xi32>
      %sub3A = vector.broadcast %mul3A_4 : i32 to vector<16xi32>
      %sub3A_1408 = arith.subi %div3A, %sub3A : vector<16xi32>
      %gather3A = tpu.vector_load_idx %arg7[%sub3A_1408] : memref<128xi32, #tpu.memory_space<vmem>>[vector<16xi32>], vector<16xi32>,
      %ge3A = arith.cmpi sge, %rem3A, %gather3A : vector<16xi32>
      %broadcast_in_dim3A_1409 = arith.constant 0 : i32
      %broadcast_in_dim3A_1410 = vector.broadcast %broadcast_in_dim3A_1409 : i32 to vector<16xi32>
      tpu.vector_store_idx %arg8[%broadcast_in_dim3A_645, %add3A_1405, %broadcast_in_dim3A_1410], %broadcast_in_dim3A_7 masked %ge3A : memref<2x1280x32xf32, #tpu.memory_space<vmem>>[vector<16xi32>, vector<16xi32>, vector<16xi32>], vector<16xf32>, vector<16xi1>
      %broadcast_in_dim3A_1411 = arith.constant 1 : i32
      %broadcast_in_dim3A_1412 = vector.broadcast %broadcast_in_dim3A_1411 : i32 to vector<16xi32>
      tpu.vector_store_idx %arg8[%broadcast_in_dim3A_645, %add3A_1405, %broadcast_in_dim3A_1412], %broadcast_in_dim3A_7 masked %ge3A : memref<2x1280x32xf32, #tpu.memory_space<vmem>>[vector<16xi32>, vector<16xi32>, vector<16xi32>], vector<16xf32>, vector<16xi1>
      %broadcast_in_dim3A_1413 = arith.constant 2 : i32
      %broadcast_in_dim3A_1414 = vector.broadcast %broadcast_in_dim3A_1413 : i32 to vector<16xi32>
      tpu.vector_store_idx %arg8[%broadcast_in_dim3A_645, %add3A_1405, %broadcast_in_dim3A_1414], %broadcast_in_dim3A_7 masked %ge3A : memref<2x1280x32xf32, #tpu.memory_space<vmem>>[vector<16xi32>, vector<16xi32>, vector<16xi32>], vector<16xf32>, vector<16xi1>
      %broadcast_in_dim3A_1415 = arith.constant 3 : i32
      %broadcast_in_dim3A_1416 = vector.broadcast %broadcast_in_dim3A_1415 : i32 to vector<16xi32>
      tpu.vector_store_idx %arg8[%broadcast_in_dim3A_645, %add3A_1405, %broadcast_in_dim3A_1416], %broadcast_in_dim3A_7 masked %ge3A : memref<2x1280x32xf32, #tpu.memory_space<vmem>>[vector<16xi32>, vector<16xi32>, vector<16xi32>], vector<16xf32>, vector<16xi1>
      %broadcast_in_dim3A_1417 = arith.constant 4 : i32
      %broadcast_in_dim3A_1418 = vector.broadcast %broadcast_in_dim3A_1417 : i32 to vector<16xi32>
      tpu.vector_store_idx %arg8[%broadcast_in_dim3A_645, %add3A_1405, %broadcast_in_dim3A_1418], %broadcast_in_dim3A_7 masked %ge3A : memref<2x1280x32xf32, #tpu.memory_space<vmem>>[vector<16xi32>, vector<16xi32>, vector<16xi32>], vector<16xf32>, vector<16xi1>
      %broadcast_in_dim3A_1419 = arith.constant 5 : i32
      %broadcast_in_dim3A_1420 = vector.broadcast %broadcast_in_dim3A_1419 : i32 to vector<16xi32>
      tpu.vector_store_idx %arg8[%broadcast_in_dim3A_645, %add3A_1405, %broadcast_in_dim3A_1420], %broadcast_in_dim3A_7 masked %ge3A : memref<2x1280x32xf32, #tpu.memory_space<vmem>>[vector<16xi32>, vector<16xi32>, vector<16xi32>], vector<16xf32>, vector<16xi1>
      %broadcast_in_dim3A_1421 = arith.constant 6 : i32
      %broadcast_in_dim3A_1422 = vector.broadcast %broadcast_in_dim3A_1421 : i32 to vector<16xi32>
      tpu.vector_store_idx %arg8[%broadcast_in_dim3A_645, %add3A_1405, %broadcast_in_dim3A_1422], %broadcast_in_dim3A_7 masked %ge3A : memref<2x1280x32xf32, #tpu.memory_space<vmem>>[vector<16xi32>, vector<16xi32>, vector<16xi32>], vector<16xf32>, vector<16xi1>
      %broadcast_in_dim3A_1423 = arith.constant 7 : i32
      %broadcast_in_dim3A_1424 = vector.broadcast %broadcast_in_dim3A_1423 : i32 to vector<16xi32>
      tpu.vector_store_idx %arg8[%broadcast_in_dim3A_645, %add3A_1405, %broadcast_in_dim3A_1424], %broadcast_in_dim3A_7 masked %ge3A : memref<2x1280x32xf32, #tpu.memory_space<vmem>>[vector<16xi32>, vector<16xi32>, vector<16xi32>], vector<16xf32>, vector<16xi1>
      %broadcast_in_dim3A_1425 = arith.constant 8 : i32
      %broadcast_in_dim3A_1426 = vector.broadcast %broadcast_in_dim3A_1425 : i32 to vector<16xi32>
      tpu.vector_store_idx %arg8[%broadcast_in_dim3A_645, %add3A_1405, %broadcast_in_dim3A_1426], %broadcast_in_dim3A_7 masked %ge3A : memref<2x1280x32xf32, #tpu.memory_space<vmem>>[vector<16xi32>, vector<16xi32>, vector<16xi32>], vector<16xf32>, vector<16xi1>
      %broadcast_in_dim3A_1427 = arith.constant 9 : i32
      %broadcast_in_dim3A_1428 = vector.broadcast %broadcast_in_dim3A_1427 : i32 to vector<16xi32>
      tpu.vector_store_idx %arg8[%broadcast_in_dim3A_645, %add3A_1405, %broadcast_in_dim3A_1428], %broadcast_in_dim3A_7 masked %ge3A : memref<2x1280x32xf32, #tpu.memory_space<vmem>>[vector<16xi32>, vector<16xi32>, vector<16xi32>], vector<16xf32>, vector<16xi1>
      %broadcast_in_dim3A_1429 = arith.constant 10 : i32
      %broadcast_in_dim3A_1430 = vector.broadcast %broadcast_in_dim3A_1429 : i32 to vector<16xi32>
      tpu.vector_store_idx %arg8[%broadcast_in_dim3A_645, %add3A_1405, %broadcast_in_dim3A_1430], %broadcast_in_dim3A_7 masked %ge3A : memref<2x1280x32xf32, #tpu.memory_space<vmem>>[vector<16xi32>, vector<16xi32>, vector<16xi32>], vector<16xf32>, vector<16xi1>
      %broadcast_in_dim3A_1431 = arith.constant 11 : i32
      %broadcast_in_dim3A_1432 = vector.broadcast %broadcast_in_dim3A_1431 : i32 to vector<16xi32>
      tpu.vector_store_idx %arg8[%broadcast_in_dim3A_645, %add3A_1405, %broadcast_in_dim3A_1432], %broadcast_in_dim3A_7 masked %ge3A : memref<2x1280x32xf32, #tpu.memory_space<vmem>>[vector<16xi32>, vector<16xi32>, vector<16xi32>], vector<16xf32>, vector<16xi1>
      %broadcast_in_dim3A_1433 = arith.constant 12 : i32
      %broadcast_in_dim3A_1434 = vector.broadcast %broadcast_in_dim3A_1433 : i32 to vector<16xi32>
      tpu.vector_store_idx %arg8[%broadcast_in_dim3A_645, %add3A_1405, %broadcast_in_dim3A_1434], %broadcast_in_dim3A_7 masked %ge3A : memref<2x1280x32xf32, #tpu.memory_space<vmem>>[vector<16xi32>, vector<16xi32>, vector<16xi32>], vector<16xf32>, vector<16xi1>
      %broadcast_in_dim3A_1435 = arith.constant 13 : i32
      %broadcast_in_dim3A_1436 = vector.broadcast %broadcast_in_dim3A_1435 : i32 to vector<16xi32>
      tpu.vector_store_idx %arg8[%broadcast_in_dim3A_645, %add3A_1405, %broadcast_in_dim3A_1436], %broadcast_in_dim3A_7 masked %ge3A : memref<2x1280x32xf32, #tpu.memory_space<vmem>>[vector<16xi32>, vector<16xi32>, vector<16xi32>], vector<16xf32>, vector<16xi1>
      %broadcast_in_dim3A_1437 = arith.constant 14 : i32
      %broadcast_in_dim3A_1438 = vector.broadcast %broadcast_in_dim3A_1437 : i32 to vector<16xi32>
      tpu.vector_store_idx %arg8[%broadcast_in_dim3A_645, %add3A_1405, %broadcast_in_dim3A_1438], %broadcast_in_dim3A_7 masked %ge3A : memref<2x1280x32xf32, #tpu.memory_space<vmem>>[vector<16xi32>, vector<16xi32>, vector<16xi32>], vector<16xf32>, vector<16xi1>
      %broadcast_in_dim3A_1439 = arith.constant 15 : i32
      %broadcast_in_dim3A_1440 = vector.broadcast %broadcast_in_dim3A_1439 : i32 to vector<16xi32>
      tpu.vector_store_idx %arg8[%broadcast_in_dim3A_645, %add3A_1405, %broadcast_in_dim3A_1440], %broadcast_in_dim3A_7 masked %ge3A : memref<2x1280x32xf32, #tpu.memory_space<vmem>>[vector<16xi32>, vector<16xi32>, vector<16xi32>], vector<16xf32>, vector<16xi1>
      %broadcast_in_dim3A_1441 = arith.constant 16 : i32
      %broadcast_in_dim3A_1442 = vector.broadcast %broadcast_in_dim3A_1441 : i32 to vector<16xi32>
      tpu.vector_store_idx %arg8[%broadcast_in_dim3A_645, %add3A_1405, %broadcast_in_dim3A_1442], %broadcast_in_dim3A_7 masked %ge3A : memref<2x1280x32xf32, #tpu.memory_space<vmem>>[vector<16xi32>, vector<16xi32>, vector<16xi32>], vector<16xf32>, vector<16xi1>
      %broadcast_in_dim3A_1443 = arith.constant 17 : i32
      %broadcast_in_dim3A_1444 = vector.broadcast %broadcast_in_dim3A_1443 : i32 to vector<16xi32>
      tpu.vector_store_idx %arg8[%broadcast_in_dim3A_645, %add3A_1405, %broadcast_in_dim3A_1444], %broadcast_in_dim3A_7 masked %ge3A : memref<2x1280x32xf32, #tpu.memory_space<vmem>>[vector<16xi32>, vector<16xi32>, vector<16xi32>], vector<16xf32>, vector<16xi1>
      %broadcast_in_dim3A_1445 = arith.constant 18 : i32
      %broadcast_in_dim3A_1446 = vector.broadcast %broadcast_in_dim3A_1445 : i32 to vector<16xi32>
      tpu.vector_store_idx %arg8[%broadcast_in_dim3A_645, %add3A_1405, %broadcast_in_dim3A_1446], %broadcast_in_dim3A_7 masked %ge3A : memref<2x1280x32xf32, #tpu.memory_space<vmem>>[vector<16xi32>, vector<16xi32>, vector<16xi32>], vector<16xf32>, vector<16xi1>
      %broadcast_in_dim3A_1447 = arith.constant 19 : i32
      %broadcast_in_dim3A_1448 = vector.broadcast %broadcast_in_dim3A_1447 : i32 to vector<16xi32>
      tpu.vector_store_idx %arg8[%broadcast_in_dim3A_645, %add3A_1405, %broadcast_in_dim3A_1448], %broadcast_in_dim3A_7 masked %ge3A : memref<2x1280x32xf32, #tpu.memory_space<vmem>>[vector<16xi32>, vector<16xi32>, vector<16xi32>], vector<16xf32>, vector<16xi1>
      %broadcast_in_dim3A_1449 = arith.constant 20 : i32
      %broadcast_in_dim3A_1450 = vector.broadcast %broadcast_in_dim3A_1449 : i32 to vector<16xi32>
      tpu.vector_store_idx %arg8[%broadcast_in_dim3A_645, %add3A_1405, %broadcast_in_dim3A_1450], %broadcast_in_dim3A_7 masked %ge3A : memref<2x1280x32xf32, #tpu.memory_space<vmem>>[vector<16xi32>, vector<16xi32>, vector<16xi32>], vector<16xf32>, vector<16xi1>
      %broadcast_in_dim3A_1451 = arith.constant 21 : i32
      %broadcast_in_dim3A_1452 = vector.broadcast %broadcast_in_dim3A_1451 : i32 to vector<16xi32>
      tpu.vector_store_idx %arg8[%broadcast_in_dim3A_645, %add3A_1405, %broadcast_in_dim3A_1452], %broadcast_in_dim3A_7 masked %ge3A : memref<2x1280x32xf32, #tpu.memory_space<vmem>>[vector<16xi32>, vector<16xi32>, vector<16xi32>], vector<16xf32>, vector<16xi1>
      %broadcast_in_dim3A_1453 = arith.constant 22 : i32
      %broadcast_in_dim3A_1454 = vector.broadcast %broadcast_in_dim3A_1453 : i32 to vector<16xi32>
      tpu.vector_store_idx %arg8[%broadcast_in_dim3A_645, %add3A_1405, %broadcast_in_dim3A_1454], %broadcast_in_dim3A_7 masked %ge3A : memref<2x1280x32xf32, #tpu.memory_space<vmem>>[vector<16xi32>, vector<16xi32>, vector<16xi32>], vector<16xf32>, vector<16xi1>
      %broadcast_in_dim3A_1455 = arith.constant 23 : i32
      %broadcast_in_dim3A_1456 = vector.broadcast %broadcast_in_dim3A_1455 : i32 to vector<16xi32>
      tpu.vector_store_idx %arg8[%broadcast_in_dim3A_645, %add3A_1405, %broadcast_in_dim3A_1456], %broadcast_in_dim3A_7 masked %ge3A : memref<2x1280x32xf32, #tpu.memory_space<vmem>>[vector<16xi32>, vector<16xi32>, vector<16xi32>], vector<16xf32>, vector<16xi1>
      %broadcast_in_dim3A_1457 = arith.constant 24 : i32
      %broadcast_in_dim3A_1458 = vector.broadcast %broadcast_in_dim3A_1457 : i32 to vector<16xi32>
      tpu.vector_store_idx %arg8[%broadcast_in_dim3A_645, %add3A_1405, %broadcast_in_dim3A_1458], %broadcast_in_dim3A_7 masked %ge3A : memref<2x1280x32xf32, #tpu.memory_space<vmem>>[vector<16xi32>, vector<16xi32>, vector<16xi32>], vector<16xf32>, vector<16xi1>
      %broadcast_in_dim3A_1459 = arith.constant 25 : i32
      %broadcast_in_dim3A_1460 = vector.broadcast %broadcast_in_dim3A_1459 : i32 to vector<16xi32>
      tpu.vector_store_idx %arg8[%broadcast_in_dim3A_645, %add3A_1405, %broadcast_in_dim3A_1460], %broadcast_in_dim3A_7 masked %ge3A : memref<2x1280x32xf32, #tpu.memory_space<vmem>>[vector<16xi32>, vector<16xi32>, vector<16xi32>], vector<16xf32>, vector<16xi1>
      %broadcast_in_dim3A_1461 = arith.constant 26 : i32
      %broadcast_in_dim3A_1462 = vector.broadcast %broadcast_in_dim3A_1461 : i32 to vector<16xi32>
      tpu.vector_store_idx %arg8[%broadcast_in_dim3A_645, %add3A_1405, %broadcast_in_dim3A_1462], %broadcast_in_dim3A_7 masked %ge3A : memref<2x1280x32xf32, #tpu.memory_space<vmem>>[vector<16xi32>, vector<16xi32>, vector<16xi32>], vector<16xf32>, vector<16xi1>
      %broadcast_in_dim3A_1463 = arith.constant 27 : i32
      %broadcast_in_dim3A_1464 = vector.broadcast %broadcast_in_dim3A_1463 : i32 to vector<16xi32>
      tpu.vector_store_idx %arg8[%broadcast_in_dim3A_645, %add3A_1405, %broadcast_in_dim3A_1464], %broadcast_in_dim3A_7 masked %ge3A : memref<2x1280x32xf32, #tpu.memory_space<vmem>>[vector<16xi32>, vector<16xi32>, vector<16xi32>], vector<16xf32>, vector<16xi1>
      %broadcast_in_dim3A_1465 = arith.constant 28 : i32
      %broadcast_in_dim3A_1466 = vector.broadcast %broadcast_in_dim3A_1465 : i32 to vector<16xi32>
      tpu.vector_store_idx %arg8[%broadcast_in_dim3A_645, %add3A_1405, %broadcast_in_dim3A_1466], %broadcast_in_dim3A_7 masked %ge3A : memref<2x1280x32xf32, #tpu.memory_space<vmem>>[vector<16xi32>, vector<16xi32>, vector<16xi32>], vector<16xf32>, vector<16xi1>
      %broadcast_in_dim3A_1467 = arith.constant 29 : i32
      %broadcast_in_dim3A_1468 = vector.broadcast %broadcast_in_dim3A_1467 : i32 to vector<16xi32>
      tpu.vector_store_idx %arg8[%broadcast_in_dim3A_645, %add3A_1405, %broadcast_in_dim3A_1468], %broadcast_in_dim3A_7 masked %ge3A : memref<2x1280x32xf32, #tpu.memory_space<vmem>>[vector<16xi32>, vector<16xi32>, vector<16xi32>], vector<16xf32>, vector<16xi1>
      %broadcast_in_dim3A_1469 = arith.constant 30 : i32
      %broadcast_in_dim3A_1470 = vector.broadcast %broadcast_in_dim3A_1469 : i32 to vector<16xi32>
      tpu.vector_store_idx %arg8[%broadcast_in_dim3A_645, %add3A_1405, %broadcast_in_dim3A_1470], %broadcast_in_dim3A_7 masked %ge3A : memref<2x1280x32xf32, #tpu.memory_space<vmem>>[vector<16xi32>, vector<16xi32>, vector<16xi32>], vector<16xf32>, vector<16xi1>
      %broadcast_in_dim3A_1471 = arith.constant 31 : i32
      %broadcast_in_dim3A_1472 = vector.broadcast %broadcast_in_dim3A_1471 : i32 to vector<16xi32>
      tpu.vector_store_idx %arg8[%broadcast_in_dim3A_645, %add3A_1405, %broadcast_in_dim3A_1472], %broadcast_in_dim3A_7 masked %ge3A : memref<2x1280x32xf32, #tpu.memory_space<vmem>>[vector<16xi32>, vector<16xi32>, vector<16xi32>], vector<16xf32>, vector<16xi1>
      %scan3A_1473 = arith.constant 0 : i32
      scf.yield %scan3A_1473 : i32
    }
    %scan3A_654 = arith.constant 80 : i32
    %add3A_655 = arith.constant 1280 : i32
    %add3A_656 = arith.addi %mul3A_2, %add3A_655 : i32
    %dma_start3A_657 = arith.constant 1 : i32
    %dma_start3A_658 = arith.constant 0 : i32
    %dma_start3A_659 = arith.constant 0 : i32
    %dma_start3A_660 = tpu.memref_slice %arg8[%dma_start3A_657, %dma_start3A_658, %dma_start3A_659] : memref<2x1280x32xf32, #tpu.memory_space<vmem>> -> memref<1x1280x32xf32, #tpu.memory_space<vmem>>
    %dma_start3A_661 = tpu.memref_squeeze %dma_start3A_660 : memref<1x1280x32xf32, #tpu.memory_space<vmem>> -> memref<1280x32xf32, #tpu.memory_space<vmem>>
    %dma_start3A_662 = arith.constant 0 : i32
    %dma_start3A_663 = tpu.memref_slice %arg5[%add3A_656, %dma_start3A_662] : memref<204800x32xf32, #tpu.memory_space<hbm>> -> memref<1280x32xf32, #tpu.memory_space<hbm>>
    %dma_start3A_664 = arith.constant 0 : i32
    %dma_start3A_665 = tpu.memref_slice %arg5[%add3A_656, %dma_start3A_664] : memref<204800x32xf32, #tpu.memory_space<hbm>> -> memref<1280x32xf32, #tpu.memory_space<hbm>>
    %dma_start3A_666 = arith.constant 0 : i32
    %dma_start3A_667 = arith.constant 0 : i32
    %dma_start3A_668 = tpu.memref_slice %arg8[%dma_start3A_657, %dma_start3A_666, %dma_start3A_667] : memref<2x1280x32xf32, #tpu.memory_space<vmem>> -> memref<1x1280x32xf32, #tpu.memory_space<vmem>>
    %dma_start3A_669 = tpu.memref_squeeze %dma_start3A_668 : memref<1x1280x32xf32, #tpu.memory_space<vmem>> -> memref<1280x32xf32, #tpu.memory_space<vmem>>
    tpu.enqueue_dma source(%dma_start3A_669 : memref<1280x32xf32, #tpu.memory_space<vmem>>) target(%dma_start3A_665 : memref<1280x32xf32, #tpu.memory_space<hbm>>) target_semaphore(%arg12 : memref<!tpu.dma_semaphore, #tpu.memory_space<semaphore_mem>>)
    %dma_wait3A_670 = arith.constant 1 : i32
    %dma_wait3A_671 = arith.constant 0 : i32
    %dma_wait3A_672 = arith.constant 0 : i32
    %dma_wait3A_673 = tpu.memref_slice %arg8[%dma_wait3A_670, %dma_wait3A_671, %dma_wait3A_672] : memref<2x1280x32xf32, #tpu.memory_space<vmem>> -> memref<1x1280x32xf32, #tpu.memory_space<vmem>>
    %dma_wait3A_674 = tpu.memref_squeeze %dma_wait3A_673 : memref<1x1280x32xf32, #tpu.memory_space<vmem>> -> memref<1280x32xf32, #tpu.memory_space<vmem>>
    %dma_wait3A_675 = arith.constant 0 : i32
    %dma_wait3A_676 = tpu.memref_slice %arg5[%add3A_656, %dma_wait3A_675] : memref<204800x32xf32, #tpu.memory_space<hbm>> -> memref<1280x32xf32, #tpu.memory_space<hbm>>
    %dma_wait3A_677 = arith.constant 0 : i32
    %dma_wait3A_678 = tpu.memref_slice %arg5[%add3A_656, %dma_wait3A_677] : memref<204800x32xf32, #tpu.memory_space<hbm>> -> memref<1280x32xf32, #tpu.memory_space<hbm>>
    %dma_wait3A_679 = arith.constant 0 : i32
    %dma_wait3A_680 = arith.constant 0 : i32
    %dma_wait3A_681 = tpu.memref_slice %arg8[%dma_wait3A_670, %dma_wait3A_679, %dma_wait3A_680] : memref<2x1280x32xf32, #tpu.memory_space<vmem>> -> memref<1x1280x32xf32, #tpu.memory_space<vmem>>
    %dma_wait3A_682 = tpu.memref_squeeze %dma_wait3A_681 : memref<1x1280x32xf32, #tpu.memory_space<vmem>> -> memref<1280x32xf32, #tpu.memory_space<vmem>>
    tpu.wait_dma2 semaphore(%arg12 : memref<!tpu.dma_semaphore, #tpu.memory_space<semaphore_mem>>) src(%dma_wait3A_682 : memref<1280x32xf32, #tpu.memory_space<vmem>>) dst(%dma_wait3A_678 : memref<1280x32xf32, #tpu.memory_space<hbm>>)
    %dma_start3A_683 = arith.constant 30 : i32
    %dma_start3A_684 = arith.constant 1 : i32
    %dma_start3A_685 = arith.constant 0 : i32
    %dma_start3A_686 = arith.constant 0 : i32
    %dma_start3A_687 = tpu.memref_slice %arg8[%dma_start3A_684, %dma_start3A_685, %dma_start3A_686] : memref<2x1280x32xf32, #tpu.memory_space<vmem>> -> memref<1x128x32xf32, #tpu.memory_space<vmem>>
    %dma_start3A_688 = tpu.memref_squeeze %dma_start3A_687 : memref<1x128x32xf32, #tpu.memory_space<vmem>> -> memref<128x32xf32, #tpu.memory_space<vmem>>
    %dma_start3A_689 = arith.constant 0 : i32
    %dma_start3A_690 = tpu.memref_slice %arg6[%dma_start3A_683, %dma_start3A_689] : memref<50x128xi32, #tpu.memory_space<vmem>> -> memref<1x128xi32, #tpu.memory_space<vmem>>
    %dma_start3A_691 = tpu.memref_squeeze %dma_start3A_690 : memref<1x128xi32, #tpu.memory_space<vmem>> -> memref<128xi32, #tpu.memory_space<vmem>>
    %dma_start3A_692 = arith.constant 0 : i32
    %dma_start3A_693 = arith.constant 0 : i32
    %dma_start3A_694 = tpu.memref_slice %arg4[%dma_start3A_692, %dma_start3A_693] : memref<1000000x32xf32, #tpu.memory_space<hbm>> -> memref<1000000x32xf32, #tpu.memory_space<hbm>>
    tpu.enqueue_indirect_dma source(%dma_start3A_694 : memref<1000000x32xf32, #tpu.memory_space<hbm>>) target(%dma_start3A_688 : memref<128x32xf32, #tpu.memory_space<vmem>>) offsets(%dma_start3A_691 : memref<128xi32, #tpu.memory_space<vmem>>) semaphore(%arg10 : memref<!tpu.dma_semaphore, #tpu.memory_space<semaphore_mem>>)
    %dma_start3A_695 = arith.constant 31 : i32
    %dma_start3A_696 = arith.constant 1 : i32
    %dma_start3A_697 = arith.constant 128 : i32
    %dma_start3A_698 = arith.constant 0 : i32
    %dma_start3A_699 = tpu.memref_slice %arg8[%dma_start3A_696, %dma_start3A_697, %dma_start3A_698] : memref<2x1280x32xf32, #tpu.memory_space<vmem>> -> memref<1x128x32xf32, #tpu.memory_space<vmem>>
    %dma_start3A_700 = tpu.memref_squeeze %dma_start3A_699 : memref<1x128x32xf32, #tpu.memory_space<vmem>> -> memref<128x32xf32, #tpu.memory_space<vmem>>
    %dma_start3A_701 = arith.constant 0 : i32
    %dma_start3A_702 = tpu.memref_slice %arg6[%dma_start3A_695, %dma_start3A_701] : memref<50x128xi32, #tpu.memory_space<vmem>> -> memref<1x128xi32, #tpu.memory_space<vmem>>
    %dma_start3A_703 = tpu.memref_squeeze %dma_start3A_702 : memref<1x128xi32, #tpu.memory_space<vmem>> -> memref<128xi32, #tpu.memory_space<vmem>>
    %dma_start3A_704 = arith.constant 0 : i32
    %dma_start3A_705 = arith.constant 0 : i32
    %dma_start3A_706 = tpu.memref_slice %arg4[%dma_start3A_704, %dma_start3A_705] : memref<1000000x32xf32, #tpu.memory_space<hbm>> -> memref<1000000x32xf32, #tpu.memory_space<hbm>>
    tpu.enqueue_indirect_dma source(%dma_start3A_706 : memref<1000000x32xf32, #tpu.memory_space<hbm>>) target(%dma_start3A_700 : memref<128x32xf32, #tpu.memory_space<vmem>>) offsets(%dma_start3A_703 : memref<128xi32, #tpu.memory_space<vmem>>) semaphore(%arg10 : memref<!tpu.dma_semaphore, #tpu.memory_space<semaphore_mem>>)
    %dma_start3A_707 = arith.constant 32 : i32
    %dma_start3A_708 = arith.constant 1 : i32
    %dma_start3A_709 = arith.constant 256 : i32
    %dma_start3A_710 = arith.constant 0 : i32
    %dma_start3A_711 = tpu.memref_slice %arg8[%dma_start3A_708, %dma_start3A_709, %dma_start3A_710] : memref<2x1280x32xf32, #tpu.memory_space<vmem>> -> memref<1x128x32xf32, #tpu.memory_space<vmem>>
    %dma_start3A_712 = tpu.memref_squeeze %dma_start3A_711 : memref<1x128x32xf32, #tpu.memory_space<vmem>> -> memref<128x32xf32, #tpu.memory_space<vmem>>
    %dma_start3A_713 = arith.constant 0 : i32
    %dma_start3A_714 = tpu.memref_slice %arg6[%dma_start3A_707, %dma_start3A_713] : memref<50x128xi32, #tpu.memory_space<vmem>> -> memref<1x128xi32, #tpu.memory_space<vmem>>
    %dma_start3A_715 = tpu.memref_squeeze %dma_start3A_714 : memref<1x128xi32, #tpu.memory_space<vmem>> -> memref<128xi32, #tpu.memory_space<vmem>>
    %dma_start3A_716 = arith.constant 0 : i32
    %dma_start3A_717 = arith.constant 0 : i32
    %dma_start3A_718 = tpu.memref_slice %arg4[%dma_start3A_716, %dma_start3A_717] : memref<1000000x32xf32, #tpu.memory_space<hbm>> -> memref<1000000x32xf32, #tpu.memory_space<hbm>>
    tpu.enqueue_indirect_dma source(%dma_start3A_718 : memref<1000000x32xf32, #tpu.memory_space<hbm>>) target(%dma_start3A_712 : memref<128x32xf32, #tpu.memory_space<vmem>>) offsets(%dma_start3A_715 : memref<128xi32, #tpu.memory_space<vmem>>) semaphore(%arg10 : memref<!tpu.dma_semaphore, #tpu.memory_space<semaphore_mem>>)
    %dma_start3A_719 = arith.constant 33 : i32
    %dma_start3A_720 = arith.constant 1 : i32
    %dma_start3A_721 = arith.constant 384 : i32
    %dma_start3A_722 = arith.constant 0 : i32
    %dma_start3A_723 = tpu.memref_slice %arg8[%dma_start3A_720, %dma_start3A_721, %dma_start3A_722] : memref<2x1280x32xf32, #tpu.memory_space<vmem>> -> memref<1x128x32xf32, #tpu.memory_space<vmem>>
    %dma_start3A_724 = tpu.memref_squeeze %dma_start3A_723 : memref<1x128x32xf32, #tpu.memory_space<vmem>> -> memref<128x32xf32, #tpu.memory_space<vmem>>
    %dma_start3A_725 = arith.constant 0 : i32
    %dma_start3A_726 = tpu.memref_slice %arg6[%dma_start3A_719, %dma_start3A_725] : memref<50x128xi32, #tpu.memory_space<vmem>> -> memref<1x128xi32, #tpu.memory_space<vmem>>
    %dma_start3A_727 = tpu.memref_squeeze %dma_start3A_726 : memref<1x128xi32, #tpu.memory_space<vmem>> -> memref<128xi32, #tpu.memory_space<vmem>>
    %dma_start3A_728 = arith.constant 0 : i32
    %dma_start3A_729 = arith.constant 0 : i32
    %dma_start3A_730 = tpu.memref_slice %arg4[%dma_start3A_728, %dma_start3A_729] : memref<1000000x32xf32, #tpu.memory_space<hbm>> -> memref<1000000x32xf32, #tpu.memory_space<hbm>>
    tpu.enqueue_indirect_dma source(%dma_start3A_730 : memref<1000000x32xf32, #tpu.memory_space<hbm>>) target(%dma_start3A_724 : memref<128x32xf32, #tpu.memory_space<vmem>>) offsets(%dma_start3A_727 : memref<128xi32, #tpu.memory_space<vmem>>) semaphore(%arg10 : memref<!tpu.dma_semaphore, #tpu.memory_space<semaphore_mem>>)
    %dma_start3A_731 = arith.constant 34 : i32
    %dma_start3A_732 = arith.constant 1 : i32
    %dma_start3A_733 = arith.constant 512 : i32
    %dma_start3A_734 = arith.constant 0 : i32
    %dma_start3A_735 = tpu.memref_slice %arg8[%dma_start3A_732, %dma_start3A_733, %dma_start3A_734] : memref<2x1280x32xf32, #tpu.memory_space<vmem>> -> memref<1x128x32xf32, #tpu.memory_space<vmem>>
    %dma_start3A_736 = tpu.memref_squeeze %dma_start3A_735 : memref<1x128x32xf32, #tpu.memory_space<vmem>> -> memref<128x32xf32, #tpu.memory_space<vmem>>
    %dma_start3A_737 = arith.constant 0 : i32
    %dma_start3A_738 = tpu.memref_slice %arg6[%dma_start3A_731, %dma_start3A_737] : memref<50x128xi32, #tpu.memory_space<vmem>> -> memref<1x128xi32, #tpu.memory_space<vmem>>
    %dma_start3A_739 = tpu.memref_squeeze %dma_start3A_738 : memref<1x128xi32, #tpu.memory_space<vmem>> -> memref<128xi32, #tpu.memory_space<vmem>>
    %dma_start3A_740 = arith.constant 0 : i32
    %dma_start3A_741 = arith.constant 0 : i32
    %dma_start3A_742 = tpu.memref_slice %arg4[%dma_start3A_740, %dma_start3A_741] : memref<1000000x32xf32, #tpu.memory_space<hbm>> -> memref<1000000x32xf32, #tpu.memory_space<hbm>>
    tpu.enqueue_indirect_dma source(%dma_start3A_742 : memref<1000000x32xf32, #tpu.memory_space<hbm>>) target(%dma_start3A_736 : memref<128x32xf32, #tpu.memory_space<vmem>>) offsets(%dma_start3A_739 : memref<128xi32, #tpu.memory_space<vmem>>) semaphore(%arg10 : memref<!tpu.dma_semaphore, #tpu.memory_space<semaphore_mem>>)
    %dma_start3A_743 = arith.constant 35 : i32
    %dma_start3A_744 = arith.constant 1 : i32
    %dma_start3A_745 = arith.constant 640 : i32
    %dma_start3A_746 = arith.constant 0 : i32
    %dma_start3A_747 = tpu.memref_slice %arg8[%dma_start3A_744, %dma_start3A_745, %dma_start3A_746] : memref<2x1280x32xf32, #tpu.memory_space<vmem>> -> memref<1x128x32xf32, #tpu.memory_space<vmem>>
    %dma_start3A_748 = tpu.memref_squeeze %dma_start3A_747 : memref<1x128x32xf32, #tpu.memory_space<vmem>> -> memref<128x32xf32, #tpu.memory_space<vmem>>
    %dma_start3A_749 = arith.constant 0 : i32
    %dma_start3A_750 = tpu.memref_slice %arg6[%dma_start3A_743, %dma_start3A_749] : memref<50x128xi32, #tpu.memory_space<vmem>> -> memref<1x128xi32, #tpu.memory_space<vmem>>
    %dma_start3A_751 = tpu.memref_squeeze %dma_start3A_750 : memref<1x128xi32, #tpu.memory_space<vmem>> -> memref<128xi32, #tpu.memory_space<vmem>>
    %dma_start3A_752 = arith.constant 0 : i32
    %dma_start3A_753 = arith.constant 0 : i32
    %dma_start3A_754 = tpu.memref_slice %arg4[%dma_start3A_752, %dma_start3A_753] : memref<1000000x32xf32, #tpu.memory_space<hbm>> -> memref<1000000x32xf32, #tpu.memory_space<hbm>>
    tpu.enqueue_indirect_dma source(%dma_start3A_754 : memref<1000000x32xf32, #tpu.memory_space<hbm>>) target(%dma_start3A_748 : memref<128x32xf32, #tpu.memory_space<vmem>>) offsets(%dma_start3A_751 : memref<128xi32, #tpu.memory_space<vmem>>) semaphore(%arg10 : memref<!tpu.dma_semaphore, #tpu.memory_space<semaphore_mem>>)
    %dma_start3A_755 = arith.constant 36 : i32
    %dma_start3A_756 = arith.constant 1 : i32
    %dma_start3A_757 = arith.constant 768 : i32
    %dma_start3A_758 = arith.constant 0 : i32
    %dma_start3A_759 = tpu.memref_slice %arg8[%dma_start3A_756, %dma_start3A_757, %dma_start3A_758] : memref<2x1280x32xf32, #tpu.memory_space<vmem>> -> memref<1x128x32xf32, #tpu.memory_space<vmem>>
    %dma_start3A_760 = tpu.memref_squeeze %dma_start3A_759 : memref<1x128x32xf32, #tpu.memory_space<vmem>> -> memref<128x32xf32, #tpu.memory_space<vmem>>
    %dma_start3A_761 = arith.constant 0 : i32
    %dma_start3A_762 = tpu.memref_slice %arg6[%dma_start3A_755, %dma_start3A_761] : memref<50x128xi32, #tpu.memory_space<vmem>> -> memref<1x128xi32, #tpu.memory_space<vmem>>
    %dma_start3A_763 = tpu.memref_squeeze %dma_start3A_762 : memref<1x128xi32, #tpu.memory_space<vmem>> -> memref<128xi32, #tpu.memory_space<vmem>>
    %dma_start3A_764 = arith.constant 0 : i32
    %dma_start3A_765 = arith.constant 0 : i32
    %dma_start3A_766 = tpu.memref_slice %arg4[%dma_start3A_764, %dma_start3A_765] : memref<1000000x32xf32, #tpu.memory_space<hbm>> -> memref<1000000x32xf32, #tpu.memory_space<hbm>>
    tpu.enqueue_indirect_dma source(%dma_start3A_766 : memref<1000000x32xf32, #tpu.memory_space<hbm>>) target(%dma_start3A_760 : memref<128x32xf32, #tpu.memory_space<vmem>>) offsets(%dma_start3A_763 : memref<128xi32, #tpu.memory_space<vmem>>) semaphore(%arg10 : memref<!tpu.dma_semaphore, #tpu.memory_space<semaphore_mem>>)
    %dma_start3A_767 = arith.constant 37 : i32
    %dma_start3A_768 = arith.constant 1 : i32
    %dma_start3A_769 = arith.constant 896 : i32
    %dma_start3A_770 = arith.constant 0 : i32
    %dma_start3A_771 = tpu.memref_slice %arg8[%dma_start3A_768, %dma_start3A_769, %dma_start3A_770] : memref<2x1280x32xf32, #tpu.memory_space<vmem>> -> memref<1x128x32xf32, #tpu.memory_space<vmem>>
    %dma_start3A_772 = tpu.memref_squeeze %dma_start3A_771 : memref<1x128x32xf32, #tpu.memory_space<vmem>> -> memref<128x32xf32, #tpu.memory_space<vmem>>
    %dma_start3A_773 = arith.constant 0 : i32
    %dma_start3A_774 = tpu.memref_slice %arg6[%dma_start3A_767, %dma_start3A_773] : memref<50x128xi32, #tpu.memory_space<vmem>> -> memref<1x128xi32, #tpu.memory_space<vmem>>
    %dma_start3A_775 = tpu.memref_squeeze %dma_start3A_774 : memref<1x128xi32, #tpu.memory_space<vmem>> -> memref<128xi32, #tpu.memory_space<vmem>>
    %dma_start3A_776 = arith.constant 0 : i32
    %dma_start3A_777 = arith.constant 0 : i32
    %dma_start3A_778 = tpu.memref_slice %arg4[%dma_start3A_776, %dma_start3A_777] : memref<1000000x32xf32, #tpu.memory_space<hbm>> -> memref<1000000x32xf32, #tpu.memory_space<hbm>>
    tpu.enqueue_indirect_dma source(%dma_start3A_778 : memref<1000000x32xf32, #tpu.memory_space<hbm>>) target(%dma_start3A_772 : memref<128x32xf32, #tpu.memory_space<vmem>>) offsets(%dma_start3A_775 : memref<128xi32, #tpu.memory_space<vmem>>) semaphore(%arg10 : memref<!tpu.dma_semaphore, #tpu.memory_space<semaphore_mem>>)
    %dma_start3A_779 = arith.constant 38 : i32
    %dma_start3A_780 = arith.constant 1 : i32
    %dma_start3A_781 = arith.constant 1024 : i32
    %dma_start3A_782 = arith.constant 0 : i32
    %dma_start3A_783 = tpu.memref_slice %arg8[%dma_start3A_780, %dma_start3A_781, %dma_start3A_782] : memref<2x1280x32xf32, #tpu.memory_space<vmem>> -> memref<1x128x32xf32, #tpu.memory_space<vmem>>
    %dma_start3A_784 = tpu.memref_squeeze %dma_start3A_783 : memref<1x128x32xf32, #tpu.memory_space<vmem>> -> memref<128x32xf32, #tpu.memory_space<vmem>>
    %dma_start3A_785 = arith.constant 0 : i32
    %dma_start3A_786 = tpu.memref_slice %arg6[%dma_start3A_779, %dma_start3A_785] : memref<50x128xi32, #tpu.memory_space<vmem>> -> memref<1x128xi32, #tpu.memory_space<vmem>>
    %dma_start3A_787 = tpu.memref_squeeze %dma_start3A_786 : memref<1x128xi32, #tpu.memory_space<vmem>> -> memref<128xi32, #tpu.memory_space<vmem>>
    %dma_start3A_788 = arith.constant 0 : i32
    %dma_start3A_789 = arith.constant 0 : i32
    %dma_start3A_790 = tpu.memref_slice %arg4[%dma_start3A_788, %dma_start3A_789] : memref<1000000x32xf32, #tpu.memory_space<hbm>> -> memref<1000000x32xf32, #tpu.memory_space<hbm>>
    tpu.enqueue_indirect_dma source(%dma_start3A_790 : memref<1000000x32xf32, #tpu.memory_space<hbm>>) target(%dma_start3A_784 : memref<128x32xf32, #tpu.memory_space<vmem>>) offsets(%dma_start3A_787 : memref<128xi32, #tpu.memory_space<vmem>>) semaphore(%arg10 : memref<!tpu.dma_semaphore, #tpu.memory_space<semaphore_mem>>)
    %dma_start3A_791 = arith.constant 39 : i32
    %dma_start3A_792 = arith.constant 1 : i32
    %dma_start3A_793 = arith.constant 1152 : i32
    %dma_start3A_794 = arith.constant 0 : i32
    %dma_start3A_795 = tpu.memref_slice %arg8[%dma_start3A_792, %dma_start3A_793, %dma_start3A_794] : memref<2x1280x32xf32, #tpu.memory_space<vmem>> -> memref<1x128x32xf32, #tpu.memory_space<vmem>>
    %dma_start3A_796 = tpu.memref_squeeze %dma_start3A_795 : memref<1x128x32xf32, #tpu.memory_space<vmem>> -> memref<128x32xf32, #tpu.memory_space<vmem>>
    %dma_start3A_797 = arith.constant 0 : i32
    %dma_start3A_798 = tpu.memref_slice %arg6[%dma_start3A_791, %dma_start3A_797] : memref<50x128xi32, #tpu.memory_space<vmem>> -> memref<1x128xi32, #tpu.memory_space<vmem>>
    %dma_start3A_799 = tpu.memref_squeeze %dma_start3A_798 : memref<1x128xi32, #tpu.memory_space<vmem>> -> memref<128xi32, #tpu.memory_space<vmem>>
    %dma_start3A_800 = arith.constant 0 : i32
    %dma_start3A_801 = arith.constant 0 : i32
    %dma_start3A_802 = tpu.memref_slice %arg4[%dma_start3A_800, %dma_start3A_801] : memref<1000000x32xf32, #tpu.memory_space<hbm>> -> memref<1000000x32xf32, #tpu.memory_space<hbm>>
    tpu.enqueue_indirect_dma source(%dma_start3A_802 : memref<1000000x32xf32, #tpu.memory_space<hbm>>) target(%dma_start3A_796 : memref<128x32xf32, #tpu.memory_space<vmem>>) offsets(%dma_start3A_799 : memref<128xi32, #tpu.memory_space<vmem>>) semaphore(%arg10 : memref<!tpu.dma_semaphore, #tpu.memory_space<semaphore_mem>>)
    %dma_wait3A_803 = arith.constant 20 : i32
    %dma_wait3A_804 = arith.constant 0 : i32
    %dma_wait3A_805 = arith.constant 0 : i32
    %dma_wait3A_806 = arith.constant 0 : i32
    %dma_wait3A_807 = tpu.memref_slice %arg8[%dma_wait3A_804, %dma_wait3A_805, %dma_wait3A_806] : memref<2x1280x32xf32, #tpu.memory_space<vmem>> -> memref<1x128x32xf32, #tpu.memory_space<vmem>>
    %dma_wait3A_808 = tpu.memref_squeeze %dma_wait3A_807 : memref<1x128x32xf32, #tpu.memory_space<vmem>> -> memref<128x32xf32, #tpu.memory_space<vmem>>
    %dma_wait3A_809 = arith.constant 0 : i32
    %dma_wait3A_810 = tpu.memref_slice %arg6[%dma_wait3A_803, %dma_wait3A_809] : memref<50x128xi32, #tpu.memory_space<vmem>> -> memref<1x128xi32, #tpu.memory_space<vmem>>
    %dma_wait3A_811 = tpu.memref_squeeze %dma_wait3A_810 : memref<1x128xi32, #tpu.memory_space<vmem>> -> memref<128xi32, #tpu.memory_space<vmem>>
    %dma_wait3A_812 = arith.constant 0 : i32
    %dma_wait3A_813 = arith.constant 0 : i32
    %dma_wait3A_814 = tpu.memref_slice %arg4[%dma_wait3A_812, %dma_wait3A_813] : memref<1000000x32xf32, #tpu.memory_space<hbm>> -> memref<1000000x32xf32, #tpu.memory_space<hbm>>
    tpu.wait_indirect_dma semaphore(%arg9 : memref<!tpu.dma_semaphore, #tpu.memory_space<semaphore_mem>>) src(%dma_wait3A_814 : memref<1000000x32xf32, #tpu.memory_space<hbm>>) dst(%dma_wait3A_808 : memref<128x32xf32, #tpu.memory_space<vmem>>)
    %dma_wait3A_815 = arith.constant 21 : i32
    %dma_wait3A_816 = arith.constant 0 : i32
    %dma_wait3A_817 = arith.constant 128 : i32
    %dma_wait3A_818 = arith.constant 0 : i32
    %dma_wait3A_819 = tpu.memref_slice %arg8[%dma_wait3A_816, %dma_wait3A_817, %dma_wait3A_818] : memref<2x1280x32xf32, #tpu.memory_space<vmem>> -> memref<1x128x32xf32, #tpu.memory_space<vmem>>
    %dma_wait3A_820 = tpu.memref_squeeze %dma_wait3A_819 : memref<1x128x32xf32, #tpu.memory_space<vmem>> -> memref<128x32xf32, #tpu.memory_space<vmem>>
    %dma_wait3A_821 = arith.constant 0 : i32
    %dma_wait3A_822 = tpu.memref_slice %arg6[%dma_wait3A_815, %dma_wait3A_821] : memref<50x128xi32, #tpu.memory_space<vmem>> -> memref<1x128xi32, #tpu.memory_space<vmem>>
    %dma_wait3A_823 = tpu.memref_squeeze %dma_wait3A_822 : memref<1x128xi32, #tpu.memory_space<vmem>> -> memref<128xi32, #tpu.memory_space<vmem>>
    %dma_wait3A_824 = arith.constant 0 : i32
    %dma_wait3A_825 = arith.constant 0 : i32
    %dma_wait3A_826 = tpu.memref_slice %arg4[%dma_wait3A_824, %dma_wait3A_825] : memref<1000000x32xf32, #tpu.memory_space<hbm>> -> memref<1000000x32xf32, #tpu.memory_space<hbm>>
    tpu.wait_indirect_dma semaphore(%arg9 : memref<!tpu.dma_semaphore, #tpu.memory_space<semaphore_mem>>) src(%dma_wait3A_826 : memref<1000000x32xf32, #tpu.memory_space<hbm>>) dst(%dma_wait3A_820 : memref<128x32xf32, #tpu.memory_space<vmem>>)
    %dma_wait3A_827 = arith.constant 22 : i32
    %dma_wait3A_828 = arith.constant 0 : i32
    %dma_wait3A_829 = arith.constant 256 : i32
    %dma_wait3A_830 = arith.constant 0 : i32
    %dma_wait3A_831 = tpu.memref_slice %arg8[%dma_wait3A_828, %dma_wait3A_829, %dma_wait3A_830] : memref<2x1280x32xf32, #tpu.memory_space<vmem>> -> memref<1x128x32xf32, #tpu.memory_space<vmem>>
    %dma_wait3A_832 = tpu.memref_squeeze %dma_wait3A_831 : memref<1x128x32xf32, #tpu.memory_space<vmem>> -> memref<128x32xf32, #tpu.memory_space<vmem>>
    %dma_wait3A_833 = arith.constant 0 : i32
    %dma_wait3A_834 = tpu.memref_slice %arg6[%dma_wait3A_827, %dma_wait3A_833] : memref<50x128xi32, #tpu.memory_space<vmem>> -> memref<1x128xi32, #tpu.memory_space<vmem>>
    %dma_wait3A_835 = tpu.memref_squeeze %dma_wait3A_834 : memref<1x128xi32, #tpu.memory_space<vmem>> -> memref<128xi32, #tpu.memory_space<vmem>>
    %dma_wait3A_836 = arith.constant 0 : i32
    %dma_wait3A_837 = arith.constant 0 : i32
    %dma_wait3A_838 = tpu.memref_slice %arg4[%dma_wait3A_836, %dma_wait3A_837] : memref<1000000x32xf32, #tpu.memory_space<hbm>> -> memref<1000000x32xf32, #tpu.memory_space<hbm>>
    tpu.wait_indirect_dma semaphore(%arg9 : memref<!tpu.dma_semaphore, #tpu.memory_space<semaphore_mem>>) src(%dma_wait3A_838 : memref<1000000x32xf32, #tpu.memory_space<hbm>>) dst(%dma_wait3A_832 : memref<128x32xf32, #tpu.memory_space<vmem>>)
    %dma_wait3A_839 = arith.constant 23 : i32
    %dma_wait3A_840 = arith.constant 0 : i32
    %dma_wait3A_841 = arith.constant 384 : i32
    %dma_wait3A_842 = arith.constant 0 : i32
    %dma_wait3A_843 = tpu.memref_slice %arg8[%dma_wait3A_840, %dma_wait3A_841, %dma_wait3A_842] : memref<2x1280x32xf32, #tpu.memory_space<vmem>> -> memref<1x128x32xf32, #tpu.memory_space<vmem>>
    %dma_wait3A_844 = tpu.memref_squeeze %dma_wait3A_843 : memref<1x128x32xf32, #tpu.memory_space<vmem>> -> memref<128x32xf32, #tpu.memory_space<vmem>>
    %dma_wait3A_845 = arith.constant 0 : i32
    %dma_wait3A_846 = tpu.memref_slice %arg6[%dma_wait3A_839, %dma_wait3A_845] : memref<50x128xi32, #tpu.memory_space<vmem>> -> memref<1x128xi32, #tpu.memory_space<vmem>>
    %dma_wait3A_847 = tpu.memref_squeeze %dma_wait3A_846 : memref<1x128xi32, #tpu.memory_space<vmem>> -> memref<128xi32, #tpu.memory_space<vmem>>
    %dma_wait3A_848 = arith.constant 0 : i32
    %dma_wait3A_849 = arith.constant 0 : i32
    %dma_wait3A_850 = tpu.memref_slice %arg4[%dma_wait3A_848, %dma_wait3A_849] : memref<1000000x32xf32, #tpu.memory_space<hbm>> -> memref<1000000x32xf32, #tpu.memory_space<hbm>>
    tpu.wait_indirect_dma semaphore(%arg9 : memref<!tpu.dma_semaphore, #tpu.memory_space<semaphore_mem>>) src(%dma_wait3A_850 : memref<1000000x32xf32, #tpu.memory_space<hbm>>) dst(%dma_wait3A_844 : memref<128x32xf32, #tpu.memory_space<vmem>>)
    %dma_wait3A_851 = arith.constant 24 : i32
    %dma_wait3A_852 = arith.constant 0 : i32
    %dma_wait3A_853 = arith.constant 512 : i32
    %dma_wait3A_854 = arith.constant 0 : i32
    %dma_wait3A_855 = tpu.memref_slice %arg8[%dma_wait3A_852, %dma_wait3A_853, %dma_wait3A_854] : memref<2x1280x32xf32, #tpu.memory_space<vmem>> -> memref<1x128x32xf32, #tpu.memory_space<vmem>>
    %dma_wait3A_856 = tpu.memref_squeeze %dma_wait3A_855 : memref<1x128x32xf32, #tpu.memory_space<vmem>> -> memref<128x32xf32, #tpu.memory_space<vmem>>
    %dma_wait3A_857 = arith.constant 0 : i32
    %dma_wait3A_858 = tpu.memref_slice %arg6[%dma_wait3A_851, %dma_wait3A_857] : memref<50x128xi32, #tpu.memory_space<vmem>> -> memref<1x128xi32, #tpu.memory_space<vmem>>
    %dma_wait3A_859 = tpu.memref_squeeze %dma_wait3A_858 : memref<1x128xi32, #tpu.memory_space<vmem>> -> memref<128xi32, #tpu.memory_space<vmem>>
    %dma_wait3A_860 = arith.constant 0 : i32
    %dma_wait3A_861 = arith.constant 0 : i32
    %dma_wait3A_862 = tpu.memref_slice %arg4[%dma_wait3A_860, %dma_wait3A_861] : memref<1000000x32xf32, #tpu.memory_space<hbm>> -> memref<1000000x32xf32, #tpu.memory_space<hbm>>
    tpu.wait_indirect_dma semaphore(%arg9 : memref<!tpu.dma_semaphore, #tpu.memory_space<semaphore_mem>>) src(%dma_wait3A_862 : memref<1000000x32xf32, #tpu.memory_space<hbm>>) dst(%dma_wait3A_856 : memref<128x32xf32, #tpu.memory_space<vmem>>)
    %dma_wait3A_863 = arith.constant 25 : i32
    %dma_wait3A_864 = arith.constant 0 : i32
    %dma_wait3A_865 = arith.constant 640 : i32
    %dma_wait3A_866 = arith.constant 0 : i32
    %dma_wait3A_867 = tpu.memref_slice %arg8[%dma_wait3A_864, %dma_wait3A_865, %dma_wait3A_866] : memref<2x1280x32xf32, #tpu.memory_space<vmem>> -> memref<1x128x32xf32, #tpu.memory_space<vmem>>
    %dma_wait3A_868 = tpu.memref_squeeze %dma_wait3A_867 : memref<1x128x32xf32, #tpu.memory_space<vmem>> -> memref<128x32xf32, #tpu.memory_space<vmem>>
    %dma_wait3A_869 = arith.constant 0 : i32
    %dma_wait3A_870 = tpu.memref_slice %arg6[%dma_wait3A_863, %dma_wait3A_869] : memref<50x128xi32, #tpu.memory_space<vmem>> -> memref<1x128xi32, #tpu.memory_space<vmem>>
    %dma_wait3A_871 = tpu.memref_squeeze %dma_wait3A_870 : memref<1x128xi32, #tpu.memory_space<vmem>> -> memref<128xi32, #tpu.memory_space<vmem>>
    %dma_wait3A_872 = arith.constant 0 : i32
    %dma_wait3A_873 = arith.constant 0 : i32
    %dma_wait3A_874 = tpu.memref_slice %arg4[%dma_wait3A_872, %dma_wait3A_873] : memref<1000000x32xf32, #tpu.memory_space<hbm>> -> memref<1000000x32xf32, #tpu.memory_space<hbm>>
    tpu.wait_indirect_dma semaphore(%arg9 : memref<!tpu.dma_semaphore, #tpu.memory_space<semaphore_mem>>) src(%dma_wait3A_874 : memref<1000000x32xf32, #tpu.memory_space<hbm>>) dst(%dma_wait3A_868 : memref<128x32xf32, #tpu.memory_space<vmem>>)
    %dma_wait3A_875 = arith.constant 26 : i32
    %dma_wait3A_876 = arith.constant 0 : i32
    %dma_wait3A_877 = arith.constant 768 : i32
    %dma_wait3A_878 = arith.constant 0 : i32
    %dma_wait3A_879 = tpu.memref_slice %arg8[%dma_wait3A_876, %dma_wait3A_877, %dma_wait3A_878] : memref<2x1280x32xf32, #tpu.memory_space<vmem>> -> memref<1x128x32xf32, #tpu.memory_space<vmem>>
    %dma_wait3A_880 = tpu.memref_squeeze %dma_wait3A_879 : memref<1x128x32xf32, #tpu.memory_space<vmem>> -> memref<128x32xf32, #tpu.memory_space<vmem>>
    %dma_wait3A_881 = arith.constant 0 : i32
    %dma_wait3A_882 = tpu.memref_slice %arg6[%dma_wait3A_875, %dma_wait3A_881] : memref<50x128xi32, #tpu.memory_space<vmem>> -> memref<1x128xi32, #tpu.memory_space<vmem>>
    %dma_wait3A_883 = tpu.memref_squeeze %dma_wait3A_882 : memref<1x128xi32, #tpu.memory_space<vmem>> -> memref<128xi32, #tpu.memory_space<vmem>>
    %dma_wait3A_884 = arith.constant 0 : i32
    %dma_wait3A_885 = arith.constant 0 : i32
    %dma_wait3A_886 = tpu.memref_slice %arg4[%dma_wait3A_884, %dma_wait3A_885] : memref<1000000x32xf32, #tpu.memory_space<hbm>> -> memref<1000000x32xf32, #tpu.memory_space<hbm>>
    tpu.wait_indirect_dma semaphore(%arg9 : memref<!tpu.dma_semaphore, #tpu.memory_space<semaphore_mem>>) src(%dma_wait3A_886 : memref<1000000x32xf32, #tpu.memory_space<hbm>>) dst(%dma_wait3A_880 : memref<128x32xf32, #tpu.memory_space<vmem>>)
    %dma_wait3A_887 = arith.constant 27 : i32
    %dma_wait3A_888 = arith.constant 0 : i32
    %dma_wait3A_889 = arith.constant 896 : i32
    %dma_wait3A_890 = arith.constant 0 : i32
    %dma_wait3A_891 = tpu.memref_slice %arg8[%dma_wait3A_888, %dma_wait3A_889, %dma_wait3A_890] : memref<2x1280x32xf32, #tpu.memory_space<vmem>> -> memref<1x128x32xf32, #tpu.memory_space<vmem>>
    %dma_wait3A_892 = tpu.memref_squeeze %dma_wait3A_891 : memref<1x128x32xf32, #tpu.memory_space<vmem>> -> memref<128x32xf32, #tpu.memory_space<vmem>>
    %dma_wait3A_893 = arith.constant 0 : i32
    %dma_wait3A_894 = tpu.memref_slice %arg6[%dma_wait3A_887, %dma_wait3A_893] : memref<50x128xi32, #tpu.memory_space<vmem>> -> memref<1x128xi32, #tpu.memory_space<vmem>>
    %dma_wait3A_895 = tpu.memref_squeeze %dma_wait3A_894 : memref<1x128xi32, #tpu.memory_space<vmem>> -> memref<128xi32, #tpu.memory_space<vmem>>
    %dma_wait3A_896 = arith.constant 0 : i32
    %dma_wait3A_897 = arith.constant 0 : i32
    %dma_wait3A_898 = tpu.memref_slice %arg4[%dma_wait3A_896, %dma_wait3A_897] : memref<1000000x32xf32, #tpu.memory_space<hbm>> -> memref<1000000x32xf32, #tpu.memory_space<hbm>>
    tpu.wait_indirect_dma semaphore(%arg9 : memref<!tpu.dma_semaphore, #tpu.memory_space<semaphore_mem>>) src(%dma_wait3A_898 : memref<1000000x32xf32, #tpu.memory_space<hbm>>) dst(%dma_wait3A_892 : memref<128x32xf32, #tpu.memory_space<vmem>>)
    %dma_wait3A_899 = arith.constant 28 : i32
    %dma_wait3A_900 = arith.constant 0 : i32
    %dma_wait3A_901 = arith.constant 1024 : i32
    %dma_wait3A_902 = arith.constant 0 : i32
    %dma_wait3A_903 = tpu.memref_slice %arg8[%dma_wait3A_900, %dma_wait3A_901, %dma_wait3A_902] : memref<2x1280x32xf32, #tpu.memory_space<vmem>> -> memref<1x128x32xf32, #tpu.memory_space<vmem>>
    %dma_wait3A_904 = tpu.memref_squeeze %dma_wait3A_903 : memref<1x128x32xf32, #tpu.memory_space<vmem>> -> memref<128x32xf32, #tpu.memory_space<vmem>>
    %dma_wait3A_905 = arith.constant 0 : i32
    %dma_wait3A_906 = tpu.memref_slice %arg6[%dma_wait3A_899, %dma_wait3A_905] : memref<50x128xi32, #tpu.memory_space<vmem>> -> memref<1x128xi32, #tpu.memory_space<vmem>>
    %dma_wait3A_907 = tpu.memref_squeeze %dma_wait3A_906 : memref<1x128xi32, #tpu.memory_space<vmem>> -> memref<128xi32, #tpu.memory_space<vmem>>
    %dma_wait3A_908 = arith.constant 0 : i32
    %dma_wait3A_909 = arith.constant 0 : i32
    %dma_wait3A_910 = tpu.memref_slice %arg4[%dma_wait3A_908, %dma_wait3A_909] : memref<1000000x32xf32, #tpu.memory_space<hbm>> -> memref<1000000x32xf32, #tpu.memory_space<hbm>>
    tpu.wait_indirect_dma semaphore(%arg9 : memref<!tpu.dma_semaphore, #tpu.memory_space<semaphore_mem>>) src(%dma_wait3A_910 : memref<1000000x32xf32, #tpu.memory_space<hbm>>) dst(%dma_wait3A_904 : memref<128x32xf32, #tpu.memory_space<vmem>>)
    %dma_wait3A_911 = arith.constant 29 : i32
    %dma_wait3A_912 = arith.constant 0 : i32
    %dma_wait3A_913 = arith.constant 1152 : i32
    %dma_wait3A_914 = arith.constant 0 : i32
    %dma_wait3A_915 = tpu.memref_slice %arg8[%dma_wait3A_912, %dma_wait3A_913, %dma_wait3A_914] : memref<2x1280x32xf32, #tpu.memory_space<vmem>> -> memref<1x128x32xf32, #tpu.memory_space<vmem>>
    %dma_wait3A_916 = tpu.memref_squeeze %dma_wait3A_915 : memref<1x128x32xf32, #tpu.memory_space<vmem>> -> memref<128x32xf32, #tpu.memory_space<vmem>>
    %dma_wait3A_917 = arith.constant 0 : i32
    %dma_wait3A_918 = tpu.memref_slice %arg6[%dma_wait3A_911, %dma_wait3A_917] : memref<50x128xi32, #tpu.memory_space<vmem>> -> memref<1x128xi32, #tpu.memory_space<vmem>>
    %dma_wait3A_919 = tpu.memref_squeeze %dma_wait3A_918 : memref<1x128xi32, #tpu.memory_space<vmem>> -> memref<128xi32, #tpu.memory_space<vmem>>
    %dma_wait3A_920 = arith.constant 0 : i32
    %dma_wait3A_921 = arith.constant 0 : i32
    %dma_wait3A_922 = tpu.memref_slice %arg4[%dma_wait3A_920, %dma_wait3A_921] : memref<1000000x32xf32, #tpu.memory_space<hbm>> -> memref<1000000x32xf32, #tpu.memory_space<hbm>>
    tpu.wait_indirect_dma semaphore(%arg9 : memref<!tpu.dma_semaphore, #tpu.memory_space<semaphore_mem>>) src(%dma_wait3A_922 : memref<1000000x32xf32, #tpu.memory_space<hbm>>) dst(%dma_wait3A_916 : memref<128x32xf32, #tpu.memory_space<vmem>>)
    %broadcast_in_dim3A_923 = arith.constant 0 : i32
    %broadcast_in_dim3A_924 = vector.broadcast %broadcast_in_dim3A_923 : i32 to vector<16xi32>
    %add3A_925 = arith.constant 2560 : i32
    %add3A_926 = arith.addi %mul3A_2, %add3A_925 : i32
    %scan3A_927 = arith.constant 0 : i32
    %scan3A_928 = arith.constant 0 : i32
    %scan3A_929 = arith.constant 80 : i32
    %scan3A_930 = arith.addi %scan3A_928, %scan3A_929 : i32
    %scan3A_931 = arith.constant 1 : i32
    %scan3A_932 = scf.for %scan3A_1400 = %scan3A_928 to %scan3A_930 step %scan3A_931 iter_args(%scan3A_1401 = %scan3A_927) -> (i32)  : i32 {
      %mul3A_1402 = arith.constant 16 : i32
      %mul3A_1403 = arith.muli %scan3A_1400, %mul3A_1402 : i32
      %add3A_1404 = vector.broadcast %mul3A_1403 : i32 to vector<16xi32>
      %add3A_1405 = arith.addi %add3A_1404, %iota3A : vector<16xi32>
      %add3A_1406 = vector.broadcast %add3A_926 : i32 to vector<16xi32>
      %add3A_1407 = arith.addi %add3A_1406, %add3A_1405 : vector<16xi32>
      %rem3A = arith.remsi %add3A_1407, %broadcast_in_dim3A_5 : vector<16xi32>
      %div3A = arith.divsi %add3A_1407, %broadcast_in_dim3A_5 : vector<16xi32>
      %sub3A = vector.broadcast %mul3A_4 : i32 to vector<16xi32>
      %sub3A_1408 = arith.subi %div3A, %sub3A : vector<16xi32>
      %gather3A = tpu.vector_load_idx %arg7[%sub3A_1408] : memref<128xi32, #tpu.memory_space<vmem>>[vector<16xi32>], vector<16xi32>,
      %ge3A = arith.cmpi sge, %rem3A, %gather3A : vector<16xi32>
      %broadcast_in_dim3A_1409 = arith.constant 0 : i32
      %broadcast_in_dim3A_1410 = vector.broadcast %broadcast_in_dim3A_1409 : i32 to vector<16xi32>
      tpu.vector_store_idx %arg8[%broadcast_in_dim3A_924, %add3A_1405, %broadcast_in_dim3A_1410], %broadcast_in_dim3A_7 masked %ge3A : memref<2x1280x32xf32, #tpu.memory_space<vmem>>[vector<16xi32>, vector<16xi32>, vector<16xi32>], vector<16xf32>, vector<16xi1>
      %broadcast_in_dim3A_1411 = arith.constant 1 : i32
      %broadcast_in_dim3A_1412 = vector.broadcast %broadcast_in_dim3A_1411 : i32 to vector<16xi32>
      tpu.vector_store_idx %arg8[%broadcast_in_dim3A_924, %add3A_1405, %broadcast_in_dim3A_1412], %broadcast_in_dim3A_7 masked %ge3A : memref<2x1280x32xf32, #tpu.memory_space<vmem>>[vector<16xi32>, vector<16xi32>, vector<16xi32>], vector<16xf32>, vector<16xi1>
      %broadcast_in_dim3A_1413 = arith.constant 2 : i32
      %broadcast_in_dim3A_1414 = vector.broadcast %broadcast_in_dim3A_1413 : i32 to vector<16xi32>
      tpu.vector_store_idx %arg8[%broadcast_in_dim3A_924, %add3A_1405, %broadcast_in_dim3A_1414], %broadcast_in_dim3A_7 masked %ge3A : memref<2x1280x32xf32, #tpu.memory_space<vmem>>[vector<16xi32>, vector<16xi32>, vector<16xi32>], vector<16xf32>, vector<16xi1>
      %broadcast_in_dim3A_1415 = arith.constant 3 : i32
      %broadcast_in_dim3A_1416 = vector.broadcast %broadcast_in_dim3A_1415 : i32 to vector<16xi32>
      tpu.vector_store_idx %arg8[%broadcast_in_dim3A_924, %add3A_1405, %broadcast_in_dim3A_1416], %broadcast_in_dim3A_7 masked %ge3A : memref<2x1280x32xf32, #tpu.memory_space<vmem>>[vector<16xi32>, vector<16xi32>, vector<16xi32>], vector<16xf32>, vector<16xi1>
      %broadcast_in_dim3A_1417 = arith.constant 4 : i32
      %broadcast_in_dim3A_1418 = vector.broadcast %broadcast_in_dim3A_1417 : i32 to vector<16xi32>
      tpu.vector_store_idx %arg8[%broadcast_in_dim3A_924, %add3A_1405, %broadcast_in_dim3A_1418], %broadcast_in_dim3A_7 masked %ge3A : memref<2x1280x32xf32, #tpu.memory_space<vmem>>[vector<16xi32>, vector<16xi32>, vector<16xi32>], vector<16xf32>, vector<16xi1>
      %broadcast_in_dim3A_1419 = arith.constant 5 : i32
      %broadcast_in_dim3A_1420 = vector.broadcast %broadcast_in_dim3A_1419 : i32 to vector<16xi32>
      tpu.vector_store_idx %arg8[%broadcast_in_dim3A_924, %add3A_1405, %broadcast_in_dim3A_1420], %broadcast_in_dim3A_7 masked %ge3A : memref<2x1280x32xf32, #tpu.memory_space<vmem>>[vector<16xi32>, vector<16xi32>, vector<16xi32>], vector<16xf32>, vector<16xi1>
      %broadcast_in_dim3A_1421 = arith.constant 6 : i32
      %broadcast_in_dim3A_1422 = vector.broadcast %broadcast_in_dim3A_1421 : i32 to vector<16xi32>
      tpu.vector_store_idx %arg8[%broadcast_in_dim3A_924, %add3A_1405, %broadcast_in_dim3A_1422], %broadcast_in_dim3A_7 masked %ge3A : memref<2x1280x32xf32, #tpu.memory_space<vmem>>[vector<16xi32>, vector<16xi32>, vector<16xi32>], vector<16xf32>, vector<16xi1>
      %broadcast_in_dim3A_1423 = arith.constant 7 : i32
      %broadcast_in_dim3A_1424 = vector.broadcast %broadcast_in_dim3A_1423 : i32 to vector<16xi32>
      tpu.vector_store_idx %arg8[%broadcast_in_dim3A_924, %add3A_1405, %broadcast_in_dim3A_1424], %broadcast_in_dim3A_7 masked %ge3A : memref<2x1280x32xf32, #tpu.memory_space<vmem>>[vector<16xi32>, vector<16xi32>, vector<16xi32>], vector<16xf32>, vector<16xi1>
      %broadcast_in_dim3A_1425 = arith.constant 8 : i32
      %broadcast_in_dim3A_1426 = vector.broadcast %broadcast_in_dim3A_1425 : i32 to vector<16xi32>
      tpu.vector_store_idx %arg8[%broadcast_in_dim3A_924, %add3A_1405, %broadcast_in_dim3A_1426], %broadcast_in_dim3A_7 masked %ge3A : memref<2x1280x32xf32, #tpu.memory_space<vmem>>[vector<16xi32>, vector<16xi32>, vector<16xi32>], vector<16xf32>, vector<16xi1>
      %broadcast_in_dim3A_1427 = arith.constant 9 : i32
      %broadcast_in_dim3A_1428 = vector.broadcast %broadcast_in_dim3A_1427 : i32 to vector<16xi32>
      tpu.vector_store_idx %arg8[%broadcast_in_dim3A_924, %add3A_1405, %broadcast_in_dim3A_1428], %broadcast_in_dim3A_7 masked %ge3A : memref<2x1280x32xf32, #tpu.memory_space<vmem>>[vector<16xi32>, vector<16xi32>, vector<16xi32>], vector<16xf32>, vector<16xi1>
      %broadcast_in_dim3A_1429 = arith.constant 10 : i32
      %broadcast_in_dim3A_1430 = vector.broadcast %broadcast_in_dim3A_1429 : i32 to vector<16xi32>
      tpu.vector_store_idx %arg8[%broadcast_in_dim3A_924, %add3A_1405, %broadcast_in_dim3A_1430], %broadcast_in_dim3A_7 masked %ge3A : memref<2x1280x32xf32, #tpu.memory_space<vmem>>[vector<16xi32>, vector<16xi32>, vector<16xi32>], vector<16xf32>, vector<16xi1>
      %broadcast_in_dim3A_1431 = arith.constant 11 : i32
      %broadcast_in_dim3A_1432 = vector.broadcast %broadcast_in_dim3A_1431 : i32 to vector<16xi32>
      tpu.vector_store_idx %arg8[%broadcast_in_dim3A_924, %add3A_1405, %broadcast_in_dim3A_1432], %broadcast_in_dim3A_7 masked %ge3A : memref<2x1280x32xf32, #tpu.memory_space<vmem>>[vector<16xi32>, vector<16xi32>, vector<16xi32>], vector<16xf32>, vector<16xi1>
      %broadcast_in_dim3A_1433 = arith.constant 12 : i32
      %broadcast_in_dim3A_1434 = vector.broadcast %broadcast_in_dim3A_1433 : i32 to vector<16xi32>
      tpu.vector_store_idx %arg8[%broadcast_in_dim3A_924, %add3A_1405, %broadcast_in_dim3A_1434], %broadcast_in_dim3A_7 masked %ge3A : memref<2x1280x32xf32, #tpu.memory_space<vmem>>[vector<16xi32>, vector<16xi32>, vector<16xi32>], vector<16xf32>, vector<16xi1>
      %broadcast_in_dim3A_1435 = arith.constant 13 : i32
      %broadcast_in_dim3A_1436 = vector.broadcast %broadcast_in_dim3A_1435 : i32 to vector<16xi32>
      tpu.vector_store_idx %arg8[%broadcast_in_dim3A_924, %add3A_1405, %broadcast_in_dim3A_1436], %broadcast_in_dim3A_7 masked %ge3A : memref<2x1280x32xf32, #tpu.memory_space<vmem>>[vector<16xi32>, vector<16xi32>, vector<16xi32>], vector<16xf32>, vector<16xi1>
      %broadcast_in_dim3A_1437 = arith.constant 14 : i32
      %broadcast_in_dim3A_1438 = vector.broadcast %broadcast_in_dim3A_1437 : i32 to vector<16xi32>
      tpu.vector_store_idx %arg8[%broadcast_in_dim3A_924, %add3A_1405, %broadcast_in_dim3A_1438], %broadcast_in_dim3A_7 masked %ge3A : memref<2x1280x32xf32, #tpu.memory_space<vmem>>[vector<16xi32>, vector<16xi32>, vector<16xi32>], vector<16xf32>, vector<16xi1>
      %broadcast_in_dim3A_1439 = arith.constant 15 : i32
      %broadcast_in_dim3A_1440 = vector.broadcast %broadcast_in_dim3A_1439 : i32 to vector<16xi32>
      tpu.vector_store_idx %arg8[%broadcast_in_dim3A_924, %add3A_1405, %broadcast_in_dim3A_1440], %broadcast_in_dim3A_7 masked %ge3A : memref<2x1280x32xf32, #tpu.memory_space<vmem>>[vector<16xi32>, vector<16xi32>, vector<16xi32>], vector<16xf32>, vector<16xi1>
      %broadcast_in_dim3A_1441 = arith.constant 16 : i32
      %broadcast_in_dim3A_1442 = vector.broadcast %broadcast_in_dim3A_1441 : i32 to vector<16xi32>
      tpu.vector_store_idx %arg8[%broadcast_in_dim3A_924, %add3A_1405, %broadcast_in_dim3A_1442], %broadcast_in_dim3A_7 masked %ge3A : memref<2x1280x32xf32, #tpu.memory_space<vmem>>[vector<16xi32>, vector<16xi32>, vector<16xi32>], vector<16xf32>, vector<16xi1>
      %broadcast_in_dim3A_1443 = arith.constant 17 : i32
      %broadcast_in_dim3A_1444 = vector.broadcast %broadcast_in_dim3A_1443 : i32 to vector<16xi32>
      tpu.vector_store_idx %arg8[%broadcast_in_dim3A_924, %add3A_1405, %broadcast_in_dim3A_1444], %broadcast_in_dim3A_7 masked %ge3A : memref<2x1280x32xf32, #tpu.memory_space<vmem>>[vector<16xi32>, vector<16xi32>, vector<16xi32>], vector<16xf32>, vector<16xi1>
      %broadcast_in_dim3A_1445 = arith.constant 18 : i32
      %broadcast_in_dim3A_1446 = vector.broadcast %broadcast_in_dim3A_1445 : i32 to vector<16xi32>
      tpu.vector_store_idx %arg8[%broadcast_in_dim3A_924, %add3A_1405, %broadcast_in_dim3A_1446], %broadcast_in_dim3A_7 masked %ge3A : memref<2x1280x32xf32, #tpu.memory_space<vmem>>[vector<16xi32>, vector<16xi32>, vector<16xi32>], vector<16xf32>, vector<16xi1>
      %broadcast_in_dim3A_1447 = arith.constant 19 : i32
      %broadcast_in_dim3A_1448 = vector.broadcast %broadcast_in_dim3A_1447 : i32 to vector<16xi32>
      tpu.vector_store_idx %arg8[%broadcast_in_dim3A_924, %add3A_1405, %broadcast_in_dim3A_1448], %broadcast_in_dim3A_7 masked %ge3A : memref<2x1280x32xf32, #tpu.memory_space<vmem>>[vector<16xi32>, vector<16xi32>, vector<16xi32>], vector<16xf32>, vector<16xi1>
      %broadcast_in_dim3A_1449 = arith.constant 20 : i32
      %broadcast_in_dim3A_1450 = vector.broadcast %broadcast_in_dim3A_1449 : i32 to vector<16xi32>
      tpu.vector_store_idx %arg8[%broadcast_in_dim3A_924, %add3A_1405, %broadcast_in_dim3A_1450], %broadcast_in_dim3A_7 masked %ge3A : memref<2x1280x32xf32, #tpu.memory_space<vmem>>[vector<16xi32>, vector<16xi32>, vector<16xi32>], vector<16xf32>, vector<16xi1>
      %broadcast_in_dim3A_1451 = arith.constant 21 : i32
      %broadcast_in_dim3A_1452 = vector.broadcast %broadcast_in_dim3A_1451 : i32 to vector<16xi32>
      tpu.vector_store_idx %arg8[%broadcast_in_dim3A_924, %add3A_1405, %broadcast_in_dim3A_1452], %broadcast_in_dim3A_7 masked %ge3A : memref<2x1280x32xf32, #tpu.memory_space<vmem>>[vector<16xi32>, vector<16xi32>, vector<16xi32>], vector<16xf32>, vector<16xi1>
      %broadcast_in_dim3A_1453 = arith.constant 22 : i32
      %broadcast_in_dim3A_1454 = vector.broadcast %broadcast_in_dim3A_1453 : i32 to vector<16xi32>
      tpu.vector_store_idx %arg8[%broadcast_in_dim3A_924, %add3A_1405, %broadcast_in_dim3A_1454], %broadcast_in_dim3A_7 masked %ge3A : memref<2x1280x32xf32, #tpu.memory_space<vmem>>[vector<16xi32>, vector<16xi32>, vector<16xi32>], vector<16xf32>, vector<16xi1>
      %broadcast_in_dim3A_1455 = arith.constant 23 : i32
      %broadcast_in_dim3A_1456 = vector.broadcast %broadcast_in_dim3A_1455 : i32 to vector<16xi32>
      tpu.vector_store_idx %arg8[%broadcast_in_dim3A_924, %add3A_1405, %broadcast_in_dim3A_1456], %broadcast_in_dim3A_7 masked %ge3A : memref<2x1280x32xf32, #tpu.memory_space<vmem>>[vector<16xi32>, vector<16xi32>, vector<16xi32>], vector<16xf32>, vector<16xi1>
      %broadcast_in_dim3A_1457 = arith.constant 24 : i32
      %broadcast_in_dim3A_1458 = vector.broadcast %broadcast_in_dim3A_1457 : i32 to vector<16xi32>
      tpu.vector_store_idx %arg8[%broadcast_in_dim3A_924, %add3A_1405, %broadcast_in_dim3A_1458], %broadcast_in_dim3A_7 masked %ge3A : memref<2x1280x32xf32, #tpu.memory_space<vmem>>[vector<16xi32>, vector<16xi32>, vector<16xi32>], vector<16xf32>, vector<16xi1>
      %broadcast_in_dim3A_1459 = arith.constant 25 : i32
      %broadcast_in_dim3A_1460 = vector.broadcast %broadcast_in_dim3A_1459 : i32 to vector<16xi32>
      tpu.vector_store_idx %arg8[%broadcast_in_dim3A_924, %add3A_1405, %broadcast_in_dim3A_1460], %broadcast_in_dim3A_7 masked %ge3A : memref<2x1280x32xf32, #tpu.memory_space<vmem>>[vector<16xi32>, vector<16xi32>, vector<16xi32>], vector<16xf32>, vector<16xi1>
      %broadcast_in_dim3A_1461 = arith.constant 26 : i32
      %broadcast_in_dim3A_1462 = vector.broadcast %broadcast_in_dim3A_1461 : i32 to vector<16xi32>
      tpu.vector_store_idx %arg8[%broadcast_in_dim3A_924, %add3A_1405, %broadcast_in_dim3A_1462], %broadcast_in_dim3A_7 masked %ge3A : memref<2x1280x32xf32, #tpu.memory_space<vmem>>[vector<16xi32>, vector<16xi32>, vector<16xi32>], vector<16xf32>, vector<16xi1>
      %broadcast_in_dim3A_1463 = arith.constant 27 : i32
      %broadcast_in_dim3A_1464 = vector.broadcast %broadcast_in_dim3A_1463 : i32 to vector<16xi32>
      tpu.vector_store_idx %arg8[%broadcast_in_dim3A_924, %add3A_1405, %broadcast_in_dim3A_1464], %broadcast_in_dim3A_7 masked %ge3A : memref<2x1280x32xf32, #tpu.memory_space<vmem>>[vector<16xi32>, vector<16xi32>, vector<16xi32>], vector<16xf32>, vector<16xi1>
      %broadcast_in_dim3A_1465 = arith.constant 28 : i32
      %broadcast_in_dim3A_1466 = vector.broadcast %broadcast_in_dim3A_1465 : i32 to vector<16xi32>
      tpu.vector_store_idx %arg8[%broadcast_in_dim3A_924, %add3A_1405, %broadcast_in_dim3A_1466], %broadcast_in_dim3A_7 masked %ge3A : memref<2x1280x32xf32, #tpu.memory_space<vmem>>[vector<16xi32>, vector<16xi32>, vector<16xi32>], vector<16xf32>, vector<16xi1>
      %broadcast_in_dim3A_1467 = arith.constant 29 : i32
      %broadcast_in_dim3A_1468 = vector.broadcast %broadcast_in_dim3A_1467 : i32 to vector<16xi32>
      tpu.vector_store_idx %arg8[%broadcast_in_dim3A_924, %add3A_1405, %broadcast_in_dim3A_1468], %broadcast_in_dim3A_7 masked %ge3A : memref<2x1280x32xf32, #tpu.memory_space<vmem>>[vector<16xi32>, vector<16xi32>, vector<16xi32>], vector<16xf32>, vector<16xi1>
      %broadcast_in_dim3A_1469 = arith.constant 30 : i32
      %broadcast_in_dim3A_1470 = vector.broadcast %broadcast_in_dim3A_1469 : i32 to vector<16xi32>
      tpu.vector_store_idx %arg8[%broadcast_in_dim3A_924, %add3A_1405, %broadcast_in_dim3A_1470], %broadcast_in_dim3A_7 masked %ge3A : memref<2x1280x32xf32, #tpu.memory_space<vmem>>[vector<16xi32>, vector<16xi32>, vector<16xi32>], vector<16xf32>, vector<16xi1>
      %broadcast_in_dim3A_1471 = arith.constant 31 : i32
      %broadcast_in_dim3A_1472 = vector.broadcast %broadcast_in_dim3A_1471 : i32 to vector<16xi32>
      tpu.vector_store_idx %arg8[%broadcast_in_dim3A_924, %add3A_1405, %broadcast_in_dim3A_1472], %broadcast_in_dim3A_7 masked %ge3A : memref<2x1280x32xf32, #tpu.memory_space<vmem>>[vector<16xi32>, vector<16xi32>, vector<16xi32>], vector<16xf32>, vector<16xi1>
      %scan3A_1473 = arith.constant 0 : i32
      scf.yield %scan3A_1473 : i32
    }
    %scan3A_933 = arith.constant 80 : i32
    %add3A_934 = arith.constant 2560 : i32
    %add3A_935 = arith.addi %mul3A_2, %add3A_934 : i32
    %dma_start3A_936 = arith.constant 0 : i32
    %dma_start3A_937 = arith.constant 0 : i32
    %dma_start3A_938 = arith.constant 0 : i32
    %dma_start3A_939 = tpu.memref_slice %arg8[%dma_start3A_936, %dma_start3A_937, %dma_start3A_938] : memref<2x1280x32xf32, #tpu.memory_space<vmem>> -> memref<1x1280x32xf32, #tpu.memory_space<vmem>>
    %dma_start3A_940 = tpu.memref_squeeze %dma_start3A_939 : memref<1x1280x32xf32, #tpu.memory_space<vmem>> -> memref<1280x32xf32, #tpu.memory_space<vmem>>
    %dma_start3A_941 = arith.constant 0 : i32
    %dma_start3A_942 = tpu.memref_slice %arg5[%add3A_935, %dma_start3A_941] : memref<204800x32xf32, #tpu.memory_space<hbm>> -> memref<1280x32xf32, #tpu.memory_space<hbm>>
    %dma_start3A_943 = arith.constant 0 : i32
    %dma_start3A_944 = tpu.memref_slice %arg5[%add3A_935, %dma_start3A_943] : memref<204800x32xf32, #tpu.memory_space<hbm>> -> memref<1280x32xf32, #tpu.memory_space<hbm>>
    %dma_start3A_945 = arith.constant 0 : i32
    %dma_start3A_946 = arith.constant 0 : i32
    %dma_start3A_947 = tpu.memref_slice %arg8[%dma_start3A_936, %dma_start3A_945, %dma_start3A_946] : memref<2x1280x32xf32, #tpu.memory_space<vmem>> -> memref<1x1280x32xf32, #tpu.memory_space<vmem>>
    %dma_start3A_948 = tpu.memref_squeeze %dma_start3A_947 : memref<1x1280x32xf32, #tpu.memory_space<vmem>> -> memref<1280x32xf32, #tpu.memory_space<vmem>>
    tpu.enqueue_dma source(%dma_start3A_948 : memref<1280x32xf32, #tpu.memory_space<vmem>>) target(%dma_start3A_944 : memref<1280x32xf32, #tpu.memory_space<hbm>>) target_semaphore(%arg11 : memref<!tpu.dma_semaphore, #tpu.memory_space<semaphore_mem>>)
    %dma_wait3A_949 = arith.constant 0 : i32
    %dma_wait3A_950 = arith.constant 0 : i32
    %dma_wait3A_951 = arith.constant 0 : i32
    %dma_wait3A_952 = tpu.memref_slice %arg8[%dma_wait3A_949, %dma_wait3A_950, %dma_wait3A_951] : memref<2x1280x32xf32, #tpu.memory_space<vmem>> -> memref<1x1280x32xf32, #tpu.memory_space<vmem>>
    %dma_wait3A_953 = tpu.memref_squeeze %dma_wait3A_952 : memref<1x1280x32xf32, #tpu.memory_space<vmem>> -> memref<1280x32xf32, #tpu.memory_space<vmem>>
    %dma_wait3A_954 = arith.constant 0 : i32
    %dma_wait3A_955 = tpu.memref_slice %arg5[%add3A_935, %dma_wait3A_954] : memref<204800x32xf32, #tpu.memory_space<hbm>> -> memref<1280x32xf32, #tpu.memory_space<hbm>>
    %dma_wait3A_956 = arith.constant 0 : i32
    %dma_wait3A_957 = tpu.memref_slice %arg5[%add3A_935, %dma_wait3A_956] : memref<204800x32xf32, #tpu.memory_space<hbm>> -> memref<1280x32xf32, #tpu.memory_space<hbm>>
    %dma_wait3A_958 = arith.constant 0 : i32
    %dma_wait3A_959 = arith.constant 0 : i32
    %dma_wait3A_960 = tpu.memref_slice %arg8[%dma_wait3A_949, %dma_wait3A_958, %dma_wait3A_959] : memref<2x1280x32xf32, #tpu.memory_space<vmem>> -> memref<1x1280x32xf32, #tpu.memory_space<vmem>>
    %dma_wait3A_961 = tpu.memref_squeeze %dma_wait3A_960 : memref<1x1280x32xf32, #tpu.memory_space<vmem>> -> memref<1280x32xf32, #tpu.memory_space<vmem>>
    tpu.wait_dma2 semaphore(%arg11 : memref<!tpu.dma_semaphore, #tpu.memory_space<semaphore_mem>>) src(%dma_wait3A_961 : memref<1280x32xf32, #tpu.memory_space<vmem>>) dst(%dma_wait3A_957 : memref<1280x32xf32, #tpu.memory_space<hbm>>)
    %dma_start3A_962 = arith.constant 40 : i32
    %dma_start3A_963 = arith.constant 0 : i32
    %dma_start3A_964 = arith.constant 0 : i32
    %dma_start3A_965 = arith.constant 0 : i32
    %dma_start3A_966 = tpu.memref_slice %arg8[%dma_start3A_963, %dma_start3A_964, %dma_start3A_965] : memref<2x1280x32xf32, #tpu.memory_space<vmem>> -> memref<1x128x32xf32, #tpu.memory_space<vmem>>
    %dma_start3A_967 = tpu.memref_squeeze %dma_start3A_966 : memref<1x128x32xf32, #tpu.memory_space<vmem>> -> memref<128x32xf32, #tpu.memory_space<vmem>>
    %dma_start3A_968 = arith.constant 0 : i32
    %dma_start3A_969 = tpu.memref_slice %arg6[%dma_start3A_962, %dma_start3A_968] : memref<50x128xi32, #tpu.memory_space<vmem>> -> memref<1x128xi32, #tpu.memory_space<vmem>>
    %dma_start3A_970 = tpu.memref_squeeze %dma_start3A_969 : memref<1x128xi32, #tpu.memory_space<vmem>> -> memref<128xi32, #tpu.memory_space<vmem>>
    %dma_start3A_971 = arith.constant 0 : i32
    %dma_start3A_972 = arith.constant 0 : i32
    %dma_start3A_973 = tpu.memref_slice %arg4[%dma_start3A_971, %dma_start3A_972] : memref<1000000x32xf32, #tpu.memory_space<hbm>> -> memref<1000000x32xf32, #tpu.memory_space<hbm>>
    tpu.enqueue_indirect_dma source(%dma_start3A_973 : memref<1000000x32xf32, #tpu.memory_space<hbm>>) target(%dma_start3A_967 : memref<128x32xf32, #tpu.memory_space<vmem>>) offsets(%dma_start3A_970 : memref<128xi32, #tpu.memory_space<vmem>>) semaphore(%arg9 : memref<!tpu.dma_semaphore, #tpu.memory_space<semaphore_mem>>)
    %dma_start3A_974 = arith.constant 41 : i32
    %dma_start3A_975 = arith.constant 0 : i32
    %dma_start3A_976 = arith.constant 128 : i32
    %dma_start3A_977 = arith.constant 0 : i32
    %dma_start3A_978 = tpu.memref_slice %arg8[%dma_start3A_975, %dma_start3A_976, %dma_start3A_977] : memref<2x1280x32xf32, #tpu.memory_space<vmem>> -> memref<1x128x32xf32, #tpu.memory_space<vmem>>
    %dma_start3A_979 = tpu.memref_squeeze %dma_start3A_978 : memref<1x128x32xf32, #tpu.memory_space<vmem>> -> memref<128x32xf32, #tpu.memory_space<vmem>>
    %dma_start3A_980 = arith.constant 0 : i32
    %dma_start3A_981 = tpu.memref_slice %arg6[%dma_start3A_974, %dma_start3A_980] : memref<50x128xi32, #tpu.memory_space<vmem>> -> memref<1x128xi32, #tpu.memory_space<vmem>>
    %dma_start3A_982 = tpu.memref_squeeze %dma_start3A_981 : memref<1x128xi32, #tpu.memory_space<vmem>> -> memref<128xi32, #tpu.memory_space<vmem>>
    %dma_start3A_983 = arith.constant 0 : i32
    %dma_start3A_984 = arith.constant 0 : i32
    %dma_start3A_985 = tpu.memref_slice %arg4[%dma_start3A_983, %dma_start3A_984] : memref<1000000x32xf32, #tpu.memory_space<hbm>> -> memref<1000000x32xf32, #tpu.memory_space<hbm>>
    tpu.enqueue_indirect_dma source(%dma_start3A_985 : memref<1000000x32xf32, #tpu.memory_space<hbm>>) target(%dma_start3A_979 : memref<128x32xf32, #tpu.memory_space<vmem>>) offsets(%dma_start3A_982 : memref<128xi32, #tpu.memory_space<vmem>>) semaphore(%arg9 : memref<!tpu.dma_semaphore, #tpu.memory_space<semaphore_mem>>)
    %dma_start3A_986 = arith.constant 42 : i32
    %dma_start3A_987 = arith.constant 0 : i32
    %dma_start3A_988 = arith.constant 256 : i32
    %dma_start3A_989 = arith.constant 0 : i32
    %dma_start3A_990 = tpu.memref_slice %arg8[%dma_start3A_987, %dma_start3A_988, %dma_start3A_989] : memref<2x1280x32xf32, #tpu.memory_space<vmem>> -> memref<1x128x32xf32, #tpu.memory_space<vmem>>
    %dma_start3A_991 = tpu.memref_squeeze %dma_start3A_990 : memref<1x128x32xf32, #tpu.memory_space<vmem>> -> memref<128x32xf32, #tpu.memory_space<vmem>>
    %dma_start3A_992 = arith.constant 0 : i32
    %dma_start3A_993 = tpu.memref_slice %arg6[%dma_start3A_986, %dma_start3A_992] : memref<50x128xi32, #tpu.memory_space<vmem>> -> memref<1x128xi32, #tpu.memory_space<vmem>>
    %dma_start3A_994 = tpu.memref_squeeze %dma_start3A_993 : memref<1x128xi32, #tpu.memory_space<vmem>> -> memref<128xi32, #tpu.memory_space<vmem>>
    %dma_start3A_995 = arith.constant 0 : i32
    %dma_start3A_996 = arith.constant 0 : i32
    %dma_start3A_997 = tpu.memref_slice %arg4[%dma_start3A_995, %dma_start3A_996] : memref<1000000x32xf32, #tpu.memory_space<hbm>> -> memref<1000000x32xf32, #tpu.memory_space<hbm>>
    tpu.enqueue_indirect_dma source(%dma_start3A_997 : memref<1000000x32xf32, #tpu.memory_space<hbm>>) target(%dma_start3A_991 : memref<128x32xf32, #tpu.memory_space<vmem>>) offsets(%dma_start3A_994 : memref<128xi32, #tpu.memory_space<vmem>>) semaphore(%arg9 : memref<!tpu.dma_semaphore, #tpu.memory_space<semaphore_mem>>)
    %dma_start3A_998 = arith.constant 43 : i32
    %dma_start3A_999 = arith.constant 0 : i32
    %dma_start3A_1000 = arith.constant 384 : i32
    %dma_start3A_1001 = arith.constant 0 : i32
    %dma_start3A_1002 = tpu.memref_slice %arg8[%dma_start3A_999, %dma_start3A_1000, %dma_start3A_1001] : memref<2x1280x32xf32, #tpu.memory_space<vmem>> -> memref<1x128x32xf32, #tpu.memory_space<vmem>>
    %dma_start3A_1003 = tpu.memref_squeeze %dma_start3A_1002 : memref<1x128x32xf32, #tpu.memory_space<vmem>> -> memref<128x32xf32, #tpu.memory_space<vmem>>
    %dma_start3A_1004 = arith.constant 0 : i32
    %dma_start3A_1005 = tpu.memref_slice %arg6[%dma_start3A_998, %dma_start3A_1004] : memref<50x128xi32, #tpu.memory_space<vmem>> -> memref<1x128xi32, #tpu.memory_space<vmem>>
    %dma_start3A_1006 = tpu.memref_squeeze %dma_start3A_1005 : memref<1x128xi32, #tpu.memory_space<vmem>> -> memref<128xi32, #tpu.memory_space<vmem>>
    %dma_start3A_1007 = arith.constant 0 : i32
    %dma_start3A_1008 = arith.constant 0 : i32
    %dma_start3A_1009 = tpu.memref_slice %arg4[%dma_start3A_1007, %dma_start3A_1008] : memref<1000000x32xf32, #tpu.memory_space<hbm>> -> memref<1000000x32xf32, #tpu.memory_space<hbm>>
    tpu.enqueue_indirect_dma source(%dma_start3A_1009 : memref<1000000x32xf32, #tpu.memory_space<hbm>>) target(%dma_start3A_1003 : memref<128x32xf32, #tpu.memory_space<vmem>>) offsets(%dma_start3A_1006 : memref<128xi32, #tpu.memory_space<vmem>>) semaphore(%arg9 : memref<!tpu.dma_semaphore, #tpu.memory_space<semaphore_mem>>)
    %dma_start3A_1010 = arith.constant 44 : i32
    %dma_start3A_1011 = arith.constant 0 : i32
    %dma_start3A_1012 = arith.constant 512 : i32
    %dma_start3A_1013 = arith.constant 0 : i32
    %dma_start3A_1014 = tpu.memref_slice %arg8[%dma_start3A_1011, %dma_start3A_1012, %dma_start3A_1013] : memref<2x1280x32xf32, #tpu.memory_space<vmem>> -> memref<1x128x32xf32, #tpu.memory_space<vmem>>
    %dma_start3A_1015 = tpu.memref_squeeze %dma_start3A_1014 : memref<1x128x32xf32, #tpu.memory_space<vmem>> -> memref<128x32xf32, #tpu.memory_space<vmem>>
    %dma_start3A_1016 = arith.constant 0 : i32
    %dma_start3A_1017 = tpu.memref_slice %arg6[%dma_start3A_1010, %dma_start3A_1016] : memref<50x128xi32, #tpu.memory_space<vmem>> -> memref<1x128xi32, #tpu.memory_space<vmem>>
    %dma_start3A_1018 = tpu.memref_squeeze %dma_start3A_1017 : memref<1x128xi32, #tpu.memory_space<vmem>> -> memref<128xi32, #tpu.memory_space<vmem>>
    %dma_start3A_1019 = arith.constant 0 : i32
    %dma_start3A_1020 = arith.constant 0 : i32
    %dma_start3A_1021 = tpu.memref_slice %arg4[%dma_start3A_1019, %dma_start3A_1020] : memref<1000000x32xf32, #tpu.memory_space<hbm>> -> memref<1000000x32xf32, #tpu.memory_space<hbm>>
    tpu.enqueue_indirect_dma source(%dma_start3A_1021 : memref<1000000x32xf32, #tpu.memory_space<hbm>>) target(%dma_start3A_1015 : memref<128x32xf32, #tpu.memory_space<vmem>>) offsets(%dma_start3A_1018 : memref<128xi32, #tpu.memory_space<vmem>>) semaphore(%arg9 : memref<!tpu.dma_semaphore, #tpu.memory_space<semaphore_mem>>)
    %dma_start3A_1022 = arith.constant 45 : i32
    %dma_start3A_1023 = arith.constant 0 : i32
    %dma_start3A_1024 = arith.constant 640 : i32
    %dma_start3A_1025 = arith.constant 0 : i32
    %dma_start3A_1026 = tpu.memref_slice %arg8[%dma_start3A_1023, %dma_start3A_1024, %dma_start3A_1025] : memref<2x1280x32xf32, #tpu.memory_space<vmem>> -> memref<1x128x32xf32, #tpu.memory_space<vmem>>
    %dma_start3A_1027 = tpu.memref_squeeze %dma_start3A_1026 : memref<1x128x32xf32, #tpu.memory_space<vmem>> -> memref<128x32xf32, #tpu.memory_space<vmem>>
    %dma_start3A_1028 = arith.constant 0 : i32
    %dma_start3A_1029 = tpu.memref_slice %arg6[%dma_start3A_1022, %dma_start3A_1028] : memref<50x128xi32, #tpu.memory_space<vmem>> -> memref<1x128xi32, #tpu.memory_space<vmem>>
    %dma_start3A_1030 = tpu.memref_squeeze %dma_start3A_1029 : memref<1x128xi32, #tpu.memory_space<vmem>> -> memref<128xi32, #tpu.memory_space<vmem>>
    %dma_start3A_1031 = arith.constant 0 : i32
    %dma_start3A_1032 = arith.constant 0 : i32
    %dma_start3A_1033 = tpu.memref_slice %arg4[%dma_start3A_1031, %dma_start3A_1032] : memref<1000000x32xf32, #tpu.memory_space<hbm>> -> memref<1000000x32xf32, #tpu.memory_space<hbm>>
    tpu.enqueue_indirect_dma source(%dma_start3A_1033 : memref<1000000x32xf32, #tpu.memory_space<hbm>>) target(%dma_start3A_1027 : memref<128x32xf32, #tpu.memory_space<vmem>>) offsets(%dma_start3A_1030 : memref<128xi32, #tpu.memory_space<vmem>>) semaphore(%arg9 : memref<!tpu.dma_semaphore, #tpu.memory_space<semaphore_mem>>)
    %dma_start3A_1034 = arith.constant 46 : i32
    %dma_start3A_1035 = arith.constant 0 : i32
    %dma_start3A_1036 = arith.constant 768 : i32
    %dma_start3A_1037 = arith.constant 0 : i32
    %dma_start3A_1038 = tpu.memref_slice %arg8[%dma_start3A_1035, %dma_start3A_1036, %dma_start3A_1037] : memref<2x1280x32xf32, #tpu.memory_space<vmem>> -> memref<1x128x32xf32, #tpu.memory_space<vmem>>
    %dma_start3A_1039 = tpu.memref_squeeze %dma_start3A_1038 : memref<1x128x32xf32, #tpu.memory_space<vmem>> -> memref<128x32xf32, #tpu.memory_space<vmem>>
    %dma_start3A_1040 = arith.constant 0 : i32
    %dma_start3A_1041 = tpu.memref_slice %arg6[%dma_start3A_1034, %dma_start3A_1040] : memref<50x128xi32, #tpu.memory_space<vmem>> -> memref<1x128xi32, #tpu.memory_space<vmem>>
    %dma_start3A_1042 = tpu.memref_squeeze %dma_start3A_1041 : memref<1x128xi32, #tpu.memory_space<vmem>> -> memref<128xi32, #tpu.memory_space<vmem>>
    %dma_start3A_1043 = arith.constant 0 : i32
    %dma_start3A_1044 = arith.constant 0 : i32
    %dma_start3A_1045 = tpu.memref_slice %arg4[%dma_start3A_1043, %dma_start3A_1044] : memref<1000000x32xf32, #tpu.memory_space<hbm>> -> memref<1000000x32xf32, #tpu.memory_space<hbm>>
    tpu.enqueue_indirect_dma source(%dma_start3A_1045 : memref<1000000x32xf32, #tpu.memory_space<hbm>>) target(%dma_start3A_1039 : memref<128x32xf32, #tpu.memory_space<vmem>>) offsets(%dma_start3A_1042 : memref<128xi32, #tpu.memory_space<vmem>>) semaphore(%arg9 : memref<!tpu.dma_semaphore, #tpu.memory_space<semaphore_mem>>)
    %dma_start3A_1046 = arith.constant 47 : i32
    %dma_start3A_1047 = arith.constant 0 : i32
    %dma_start3A_1048 = arith.constant 896 : i32
    %dma_start3A_1049 = arith.constant 0 : i32
    %dma_start3A_1050 = tpu.memref_slice %arg8[%dma_start3A_1047, %dma_start3A_1048, %dma_start3A_1049] : memref<2x1280x32xf32, #tpu.memory_space<vmem>> -> memref<1x128x32xf32, #tpu.memory_space<vmem>>
    %dma_start3A_1051 = tpu.memref_squeeze %dma_start3A_1050 : memref<1x128x32xf32, #tpu.memory_space<vmem>> -> memref<128x32xf32, #tpu.memory_space<vmem>>
    %dma_start3A_1052 = arith.constant 0 : i32
    %dma_start3A_1053 = tpu.memref_slice %arg6[%dma_start3A_1046, %dma_start3A_1052] : memref<50x128xi32, #tpu.memory_space<vmem>> -> memref<1x128xi32, #tpu.memory_space<vmem>>
    %dma_start3A_1054 = tpu.memref_squeeze %dma_start3A_1053 : memref<1x128xi32, #tpu.memory_space<vmem>> -> memref<128xi32, #tpu.memory_space<vmem>>
    %dma_start3A_1055 = arith.constant 0 : i32
    %dma_start3A_1056 = arith.constant 0 : i32
    %dma_start3A_1057 = tpu.memref_slice %arg4[%dma_start3A_1055, %dma_start3A_1056] : memref<1000000x32xf32, #tpu.memory_space<hbm>> -> memref<1000000x32xf32, #tpu.memory_space<hbm>>
    tpu.enqueue_indirect_dma source(%dma_start3A_1057 : memref<1000000x32xf32, #tpu.memory_space<hbm>>) target(%dma_start3A_1051 : memref<128x32xf32, #tpu.memory_space<vmem>>) offsets(%dma_start3A_1054 : memref<128xi32, #tpu.memory_space<vmem>>) semaphore(%arg9 : memref<!tpu.dma_semaphore, #tpu.memory_space<semaphore_mem>>)
    %dma_start3A_1058 = arith.constant 48 : i32
    %dma_start3A_1059 = arith.constant 0 : i32
    %dma_start3A_1060 = arith.constant 1024 : i32
    %dma_start3A_1061 = arith.constant 0 : i32
    %dma_start3A_1062 = tpu.memref_slice %arg8[%dma_start3A_1059, %dma_start3A_1060, %dma_start3A_1061] : memref<2x1280x32xf32, #tpu.memory_space<vmem>> -> memref<1x128x32xf32, #tpu.memory_space<vmem>>
    %dma_start3A_1063 = tpu.memref_squeeze %dma_start3A_1062 : memref<1x128x32xf32, #tpu.memory_space<vmem>> -> memref<128x32xf32, #tpu.memory_space<vmem>>
    %dma_start3A_1064 = arith.constant 0 : i32
    %dma_start3A_1065 = tpu.memref_slice %arg6[%dma_start3A_1058, %dma_start3A_1064] : memref<50x128xi32, #tpu.memory_space<vmem>> -> memref<1x128xi32, #tpu.memory_space<vmem>>
    %dma_start3A_1066 = tpu.memref_squeeze %dma_start3A_1065 : memref<1x128xi32, #tpu.memory_space<vmem>> -> memref<128xi32, #tpu.memory_space<vmem>>
    %dma_start3A_1067 = arith.constant 0 : i32
    %dma_start3A_1068 = arith.constant 0 : i32
    %dma_start3A_1069 = tpu.memref_slice %arg4[%dma_start3A_1067, %dma_start3A_1068] : memref<1000000x32xf32, #tpu.memory_space<hbm>> -> memref<1000000x32xf32, #tpu.memory_space<hbm>>
    tpu.enqueue_indirect_dma source(%dma_start3A_1069 : memref<1000000x32xf32, #tpu.memory_space<hbm>>) target(%dma_start3A_1063 : memref<128x32xf32, #tpu.memory_space<vmem>>) offsets(%dma_start3A_1066 : memref<128xi32, #tpu.memory_space<vmem>>) semaphore(%arg9 : memref<!tpu.dma_semaphore, #tpu.memory_space<semaphore_mem>>)
    %dma_start3A_1070 = arith.constant 49 : i32
    %dma_start3A_1071 = arith.constant 0 : i32
    %dma_start3A_1072 = arith.constant 1152 : i32
    %dma_start3A_1073 = arith.constant 0 : i32
    %dma_start3A_1074 = tpu.memref_slice %arg8[%dma_start3A_1071, %dma_start3A_1072, %dma_start3A_1073] : memref<2x1280x32xf32, #tpu.memory_space<vmem>> -> memref<1x128x32xf32, #tpu.memory_space<vmem>>
    %dma_start3A_1075 = tpu.memref_squeeze %dma_start3A_1074 : memref<1x128x32xf32, #tpu.memory_space<vmem>> -> memref<128x32xf32, #tpu.memory_space<vmem>>
    %dma_start3A_1076 = arith.constant 0 : i32
    %dma_start3A_1077 = tpu.memref_slice %arg6[%dma_start3A_1070, %dma_start3A_1076] : memref<50x128xi32, #tpu.memory_space<vmem>> -> memref<1x128xi32, #tpu.memory_space<vmem>>
    %dma_start3A_1078 = tpu.memref_squeeze %dma_start3A_1077 : memref<1x128xi32, #tpu.memory_space<vmem>> -> memref<128xi32, #tpu.memory_space<vmem>>
    %dma_start3A_1079 = arith.constant 0 : i32
    %dma_start3A_1080 = arith.constant 0 : i32
    %dma_start3A_1081 = tpu.memref_slice %arg4[%dma_start3A_1079, %dma_start3A_1080] : memref<1000000x32xf32, #tpu.memory_space<hbm>> -> memref<1000000x32xf32, #tpu.memory_space<hbm>>
    tpu.enqueue_indirect_dma source(%dma_start3A_1081 : memref<1000000x32xf32, #tpu.memory_space<hbm>>) target(%dma_start3A_1075 : memref<128x32xf32, #tpu.memory_space<vmem>>) offsets(%dma_start3A_1078 : memref<128xi32, #tpu.memory_space<vmem>>) semaphore(%arg9 : memref<!tpu.dma_semaphore, #tpu.memory_space<semaphore_mem>>)
    %dma_wait3A_1082 = arith.constant 30 : i32
    %dma_wait3A_1083 = arith.constant 1 : i32
    %dma_wait3A_1084 = arith.constant 0 : i32
    %dma_wait3A_1085 = arith.constant 0 : i32
    %dma_wait3A_1086 = tpu.memref_slice %arg8[%dma_wait3A_1083, %dma_wait3A_1084, %dma_wait3A_1085] : memref<2x1280x32xf32, #tpu.memory_space<vmem>> -> memref<1x128x32xf32, #tpu.memory_space<vmem>>
    %dma_wait3A_1087 = tpu.memref_squeeze %dma_wait3A_1086 : memref<1x128x32xf32, #tpu.memory_space<vmem>> -> memref<128x32xf32, #tpu.memory_space<vmem>>
    %dma_wait3A_1088 = arith.constant 0 : i32
    %dma_wait3A_1089 = tpu.memref_slice %arg6[%dma_wait3A_1082, %dma_wait3A_1088] : memref<50x128xi32, #tpu.memory_space<vmem>> -> memref<1x128xi32, #tpu.memory_space<vmem>>
    %dma_wait3A_1090 = tpu.memref_squeeze %dma_wait3A_1089 : memref<1x128xi32, #tpu.memory_space<vmem>> -> memref<128xi32, #tpu.memory_space<vmem>>
    %dma_wait3A_1091 = arith.constant 0 : i32
    %dma_wait3A_1092 = arith.constant 0 : i32
    %dma_wait3A_1093 = tpu.memref_slice %arg4[%dma_wait3A_1091, %dma_wait3A_1092] : memref<1000000x32xf32, #tpu.memory_space<hbm>> -> memref<1000000x32xf32, #tpu.memory_space<hbm>>
    tpu.wait_indirect_dma semaphore(%arg10 : memref<!tpu.dma_semaphore, #tpu.memory_space<semaphore_mem>>) src(%dma_wait3A_1093 : memref<1000000x32xf32, #tpu.memory_space<hbm>>) dst(%dma_wait3A_1087 : memref<128x32xf32, #tpu.memory_space<vmem>>)
    %dma_wait3A_1094 = arith.constant 31 : i32
    %dma_wait3A_1095 = arith.constant 1 : i32
    %dma_wait3A_1096 = arith.constant 128 : i32
    %dma_wait3A_1097 = arith.constant 0 : i32
    %dma_wait3A_1098 = tpu.memref_slice %arg8[%dma_wait3A_1095, %dma_wait3A_1096, %dma_wait3A_1097] : memref<2x1280x32xf32, #tpu.memory_space<vmem>> -> memref<1x128x32xf32, #tpu.memory_space<vmem>>
    %dma_wait3A_1099 = tpu.memref_squeeze %dma_wait3A_1098 : memref<1x128x32xf32, #tpu.memory_space<vmem>> -> memref<128x32xf32, #tpu.memory_space<vmem>>
    %dma_wait3A_1100 = arith.constant 0 : i32
    %dma_wait3A_1101 = tpu.memref_slice %arg6[%dma_wait3A_1094, %dma_wait3A_1100] : memref<50x128xi32, #tpu.memory_space<vmem>> -> memref<1x128xi32, #tpu.memory_space<vmem>>
    %dma_wait3A_1102 = tpu.memref_squeeze %dma_wait3A_1101 : memref<1x128xi32, #tpu.memory_space<vmem>> -> memref<128xi32, #tpu.memory_space<vmem>>
    %dma_wait3A_1103 = arith.constant 0 : i32
    %dma_wait3A_1104 = arith.constant 0 : i32
    %dma_wait3A_1105 = tpu.memref_slice %arg4[%dma_wait3A_1103, %dma_wait3A_1104] : memref<1000000x32xf32, #tpu.memory_space<hbm>> -> memref<1000000x32xf32, #tpu.memory_space<hbm>>
    tpu.wait_indirect_dma semaphore(%arg10 : memref<!tpu.dma_semaphore, #tpu.memory_space<semaphore_mem>>) src(%dma_wait3A_1105 : memref<1000000x32xf32, #tpu.memory_space<hbm>>) dst(%dma_wait3A_1099 : memref<128x32xf32, #tpu.memory_space<vmem>>)
    %dma_wait3A_1106 = arith.constant 32 : i32
    %dma_wait3A_1107 = arith.constant 1 : i32
    %dma_wait3A_1108 = arith.constant 256 : i32
    %dma_wait3A_1109 = arith.constant 0 : i32
    %dma_wait3A_1110 = tpu.memref_slice %arg8[%dma_wait3A_1107, %dma_wait3A_1108, %dma_wait3A_1109] : memref<2x1280x32xf32, #tpu.memory_space<vmem>> -> memref<1x128x32xf32, #tpu.memory_space<vmem>>
    %dma_wait3A_1111 = tpu.memref_squeeze %dma_wait3A_1110 : memref<1x128x32xf32, #tpu.memory_space<vmem>> -> memref<128x32xf32, #tpu.memory_space<vmem>>
    %dma_wait3A_1112 = arith.constant 0 : i32
    %dma_wait3A_1113 = tpu.memref_slice %arg6[%dma_wait3A_1106, %dma_wait3A_1112] : memref<50x128xi32, #tpu.memory_space<vmem>> -> memref<1x128xi32, #tpu.memory_space<vmem>>
    %dma_wait3A_1114 = tpu.memref_squeeze %dma_wait3A_1113 : memref<1x128xi32, #tpu.memory_space<vmem>> -> memref<128xi32, #tpu.memory_space<vmem>>
    %dma_wait3A_1115 = arith.constant 0 : i32
    %dma_wait3A_1116 = arith.constant 0 : i32
    %dma_wait3A_1117 = tpu.memref_slice %arg4[%dma_wait3A_1115, %dma_wait3A_1116] : memref<1000000x32xf32, #tpu.memory_space<hbm>> -> memref<1000000x32xf32, #tpu.memory_space<hbm>>
    tpu.wait_indirect_dma semaphore(%arg10 : memref<!tpu.dma_semaphore, #tpu.memory_space<semaphore_mem>>) src(%dma_wait3A_1117 : memref<1000000x32xf32, #tpu.memory_space<hbm>>) dst(%dma_wait3A_1111 : memref<128x32xf32, #tpu.memory_space<vmem>>)
    %dma_wait3A_1118 = arith.constant 33 : i32
    %dma_wait3A_1119 = arith.constant 1 : i32
    %dma_wait3A_1120 = arith.constant 384 : i32
    %dma_wait3A_1121 = arith.constant 0 : i32
    %dma_wait3A_1122 = tpu.memref_slice %arg8[%dma_wait3A_1119, %dma_wait3A_1120, %dma_wait3A_1121] : memref<2x1280x32xf32, #tpu.memory_space<vmem>> -> memref<1x128x32xf32, #tpu.memory_space<vmem>>
    %dma_wait3A_1123 = tpu.memref_squeeze %dma_wait3A_1122 : memref<1x128x32xf32, #tpu.memory_space<vmem>> -> memref<128x32xf32, #tpu.memory_space<vmem>>
    %dma_wait3A_1124 = arith.constant 0 : i32
    %dma_wait3A_1125 = tpu.memref_slice %arg6[%dma_wait3A_1118, %dma_wait3A_1124] : memref<50x128xi32, #tpu.memory_space<vmem>> -> memref<1x128xi32, #tpu.memory_space<vmem>>
    %dma_wait3A_1126 = tpu.memref_squeeze %dma_wait3A_1125 : memref<1x128xi32, #tpu.memory_space<vmem>> -> memref<128xi32, #tpu.memory_space<vmem>>
    %dma_wait3A_1127 = arith.constant 0 : i32
    %dma_wait3A_1128 = arith.constant 0 : i32
    %dma_wait3A_1129 = tpu.memref_slice %arg4[%dma_wait3A_1127, %dma_wait3A_1128] : memref<1000000x32xf32, #tpu.memory_space<hbm>> -> memref<1000000x32xf32, #tpu.memory_space<hbm>>
    tpu.wait_indirect_dma semaphore(%arg10 : memref<!tpu.dma_semaphore, #tpu.memory_space<semaphore_mem>>) src(%dma_wait3A_1129 : memref<1000000x32xf32, #tpu.memory_space<hbm>>) dst(%dma_wait3A_1123 : memref<128x32xf32, #tpu.memory_space<vmem>>)
    %dma_wait3A_1130 = arith.constant 34 : i32
    %dma_wait3A_1131 = arith.constant 1 : i32
    %dma_wait3A_1132 = arith.constant 512 : i32
    %dma_wait3A_1133 = arith.constant 0 : i32
    %dma_wait3A_1134 = tpu.memref_slice %arg8[%dma_wait3A_1131, %dma_wait3A_1132, %dma_wait3A_1133] : memref<2x1280x32xf32, #tpu.memory_space<vmem>> -> memref<1x128x32xf32, #tpu.memory_space<vmem>>
    %dma_wait3A_1135 = tpu.memref_squeeze %dma_wait3A_1134 : memref<1x128x32xf32, #tpu.memory_space<vmem>> -> memref<128x32xf32, #tpu.memory_space<vmem>>
    %dma_wait3A_1136 = arith.constant 0 : i32
    %dma_wait3A_1137 = tpu.memref_slice %arg6[%dma_wait3A_1130, %dma_wait3A_1136] : memref<50x128xi32, #tpu.memory_space<vmem>> -> memref<1x128xi32, #tpu.memory_space<vmem>>
    %dma_wait3A_1138 = tpu.memref_squeeze %dma_wait3A_1137 : memref<1x128xi32, #tpu.memory_space<vmem>> -> memref<128xi32, #tpu.memory_space<vmem>>
    %dma_wait3A_1139 = arith.constant 0 : i32
    %dma_wait3A_1140 = arith.constant 0 : i32
    %dma_wait3A_1141 = tpu.memref_slice %arg4[%dma_wait3A_1139, %dma_wait3A_1140] : memref<1000000x32xf32, #tpu.memory_space<hbm>> -> memref<1000000x32xf32, #tpu.memory_space<hbm>>
    tpu.wait_indirect_dma semaphore(%arg10 : memref<!tpu.dma_semaphore, #tpu.memory_space<semaphore_mem>>) src(%dma_wait3A_1141 : memref<1000000x32xf32, #tpu.memory_space<hbm>>) dst(%dma_wait3A_1135 : memref<128x32xf32, #tpu.memory_space<vmem>>)
    %dma_wait3A_1142 = arith.constant 35 : i32
    %dma_wait3A_1143 = arith.constant 1 : i32
    %dma_wait3A_1144 = arith.constant 640 : i32
    %dma_wait3A_1145 = arith.constant 0 : i32
    %dma_wait3A_1146 = tpu.memref_slice %arg8[%dma_wait3A_1143, %dma_wait3A_1144, %dma_wait3A_1145] : memref<2x1280x32xf32, #tpu.memory_space<vmem>> -> memref<1x128x32xf32, #tpu.memory_space<vmem>>
    %dma_wait3A_1147 = tpu.memref_squeeze %dma_wait3A_1146 : memref<1x128x32xf32, #tpu.memory_space<vmem>> -> memref<128x32xf32, #tpu.memory_space<vmem>>
    %dma_wait3A_1148 = arith.constant 0 : i32
    %dma_wait3A_1149 = tpu.memref_slice %arg6[%dma_wait3A_1142, %dma_wait3A_1148] : memref<50x128xi32, #tpu.memory_space<vmem>> -> memref<1x128xi32, #tpu.memory_space<vmem>>
    %dma_wait3A_1150 = tpu.memref_squeeze %dma_wait3A_1149 : memref<1x128xi32, #tpu.memory_space<vmem>> -> memref<128xi32, #tpu.memory_space<vmem>>
    %dma_wait3A_1151 = arith.constant 0 : i32
    %dma_wait3A_1152 = arith.constant 0 : i32
    %dma_wait3A_1153 = tpu.memref_slice %arg4[%dma_wait3A_1151, %dma_wait3A_1152] : memref<1000000x32xf32, #tpu.memory_space<hbm>> -> memref<1000000x32xf32, #tpu.memory_space<hbm>>
    tpu.wait_indirect_dma semaphore(%arg10 : memref<!tpu.dma_semaphore, #tpu.memory_space<semaphore_mem>>) src(%dma_wait3A_1153 : memref<1000000x32xf32, #tpu.memory_space<hbm>>) dst(%dma_wait3A_1147 : memref<128x32xf32, #tpu.memory_space<vmem>>)
    %dma_wait3A_1154 = arith.constant 36 : i32
    %dma_wait3A_1155 = arith.constant 1 : i32
    %dma_wait3A_1156 = arith.constant 768 : i32
    %dma_wait3A_1157 = arith.constant 0 : i32
    %dma_wait3A_1158 = tpu.memref_slice %arg8[%dma_wait3A_1155, %dma_wait3A_1156, %dma_wait3A_1157] : memref<2x1280x32xf32, #tpu.memory_space<vmem>> -> memref<1x128x32xf32, #tpu.memory_space<vmem>>
    %dma_wait3A_1159 = tpu.memref_squeeze %dma_wait3A_1158 : memref<1x128x32xf32, #tpu.memory_space<vmem>> -> memref<128x32xf32, #tpu.memory_space<vmem>>
    %dma_wait3A_1160 = arith.constant 0 : i32
    %dma_wait3A_1161 = tpu.memref_slice %arg6[%dma_wait3A_1154, %dma_wait3A_1160] : memref<50x128xi32, #tpu.memory_space<vmem>> -> memref<1x128xi32, #tpu.memory_space<vmem>>
    %dma_wait3A_1162 = tpu.memref_squeeze %dma_wait3A_1161 : memref<1x128xi32, #tpu.memory_space<vmem>> -> memref<128xi32, #tpu.memory_space<vmem>>
    %dma_wait3A_1163 = arith.constant 0 : i32
    %dma_wait3A_1164 = arith.constant 0 : i32
    %dma_wait3A_1165 = tpu.memref_slice %arg4[%dma_wait3A_1163, %dma_wait3A_1164] : memref<1000000x32xf32, #tpu.memory_space<hbm>> -> memref<1000000x32xf32, #tpu.memory_space<hbm>>
    tpu.wait_indirect_dma semaphore(%arg10 : memref<!tpu.dma_semaphore, #tpu.memory_space<semaphore_mem>>) src(%dma_wait3A_1165 : memref<1000000x32xf32, #tpu.memory_space<hbm>>) dst(%dma_wait3A_1159 : memref<128x32xf32, #tpu.memory_space<vmem>>)
    %dma_wait3A_1166 = arith.constant 37 : i32
    %dma_wait3A_1167 = arith.constant 1 : i32
    %dma_wait3A_1168 = arith.constant 896 : i32
    %dma_wait3A_1169 = arith.constant 0 : i32
    %dma_wait3A_1170 = tpu.memref_slice %arg8[%dma_wait3A_1167, %dma_wait3A_1168, %dma_wait3A_1169] : memref<2x1280x32xf32, #tpu.memory_space<vmem>> -> memref<1x128x32xf32, #tpu.memory_space<vmem>>
    %dma_wait3A_1171 = tpu.memref_squeeze %dma_wait3A_1170 : memref<1x128x32xf32, #tpu.memory_space<vmem>> -> memref<128x32xf32, #tpu.memory_space<vmem>>
    %dma_wait3A_1172 = arith.constant 0 : i32
    %dma_wait3A_1173 = tpu.memref_slice %arg6[%dma_wait3A_1166, %dma_wait3A_1172] : memref<50x128xi32, #tpu.memory_space<vmem>> -> memref<1x128xi32, #tpu.memory_space<vmem>>
    %dma_wait3A_1174 = tpu.memref_squeeze %dma_wait3A_1173 : memref<1x128xi32, #tpu.memory_space<vmem>> -> memref<128xi32, #tpu.memory_space<vmem>>
    %dma_wait3A_1175 = arith.constant 0 : i32
    %dma_wait3A_1176 = arith.constant 0 : i32
    %dma_wait3A_1177 = tpu.memref_slice %arg4[%dma_wait3A_1175, %dma_wait3A_1176] : memref<1000000x32xf32, #tpu.memory_space<hbm>> -> memref<1000000x32xf32, #tpu.memory_space<hbm>>
    tpu.wait_indirect_dma semaphore(%arg10 : memref<!tpu.dma_semaphore, #tpu.memory_space<semaphore_mem>>) src(%dma_wait3A_1177 : memref<1000000x32xf32, #tpu.memory_space<hbm>>) dst(%dma_wait3A_1171 : memref<128x32xf32, #tpu.memory_space<vmem>>)
    %dma_wait3A_1178 = arith.constant 38 : i32
    %dma_wait3A_1179 = arith.constant 1 : i32
    %dma_wait3A_1180 = arith.constant 1024 : i32
    %dma_wait3A_1181 = arith.constant 0 : i32
    %dma_wait3A_1182 = tpu.memref_slice %arg8[%dma_wait3A_1179, %dma_wait3A_1180, %dma_wait3A_1181] : memref<2x1280x32xf32, #tpu.memory_space<vmem>> -> memref<1x128x32xf32, #tpu.memory_space<vmem>>
    %dma_wait3A_1183 = tpu.memref_squeeze %dma_wait3A_1182 : memref<1x128x32xf32, #tpu.memory_space<vmem>> -> memref<128x32xf32, #tpu.memory_space<vmem>>
    %dma_wait3A_1184 = arith.constant 0 : i32
    %dma_wait3A_1185 = tpu.memref_slice %arg6[%dma_wait3A_1178, %dma_wait3A_1184] : memref<50x128xi32, #tpu.memory_space<vmem>> -> memref<1x128xi32, #tpu.memory_space<vmem>>
    %dma_wait3A_1186 = tpu.memref_squeeze %dma_wait3A_1185 : memref<1x128xi32, #tpu.memory_space<vmem>> -> memref<128xi32, #tpu.memory_space<vmem>>
    %dma_wait3A_1187 = arith.constant 0 : i32
    %dma_wait3A_1188 = arith.constant 0 : i32
    %dma_wait3A_1189 = tpu.memref_slice %arg4[%dma_wait3A_1187, %dma_wait3A_1188] : memref<1000000x32xf32, #tpu.memory_space<hbm>> -> memref<1000000x32xf32, #tpu.memory_space<hbm>>
    tpu.wait_indirect_dma semaphore(%arg10 : memref<!tpu.dma_semaphore, #tpu.memory_space<semaphore_mem>>) src(%dma_wait3A_1189 : memref<1000000x32xf32, #tpu.memory_space<hbm>>) dst(%dma_wait3A_1183 : memref<128x32xf32, #tpu.memory_space<vmem>>)
    %dma_wait3A_1190 = arith.constant 39 : i32
    %dma_wait3A_1191 = arith.constant 1 : i32
    %dma_wait3A_1192 = arith.constant 1152 : i32
    %dma_wait3A_1193 = arith.constant 0 : i32
    %dma_wait3A_1194 = tpu.memref_slice %arg8[%dma_wait3A_1191, %dma_wait3A_1192, %dma_wait3A_1193] : memref<2x1280x32xf32, #tpu.memory_space<vmem>> -> memref<1x128x32xf32, #tpu.memory_space<vmem>>
    %dma_wait3A_1195 = tpu.memref_squeeze %dma_wait3A_1194 : memref<1x128x32xf32, #tpu.memory_space<vmem>> -> memref<128x32xf32, #tpu.memory_space<vmem>>
    %dma_wait3A_1196 = arith.constant 0 : i32
    %dma_wait3A_1197 = tpu.memref_slice %arg6[%dma_wait3A_1190, %dma_wait3A_1196] : memref<50x128xi32, #tpu.memory_space<vmem>> -> memref<1x128xi32, #tpu.memory_space<vmem>>
    %dma_wait3A_1198 = tpu.memref_squeeze %dma_wait3A_1197 : memref<1x128xi32, #tpu.memory_space<vmem>> -> memref<128xi32, #tpu.memory_space<vmem>>
    %dma_wait3A_1199 = arith.constant 0 : i32
    %dma_wait3A_1200 = arith.constant 0 : i32
    %dma_wait3A_1201 = tpu.memref_slice %arg4[%dma_wait3A_1199, %dma_wait3A_1200] : memref<1000000x32xf32, #tpu.memory_space<hbm>> -> memref<1000000x32xf32, #tpu.memory_space<hbm>>
    tpu.wait_indirect_dma semaphore(%arg10 : memref<!tpu.dma_semaphore, #tpu.memory_space<semaphore_mem>>) src(%dma_wait3A_1201 : memref<1000000x32xf32, #tpu.memory_space<hbm>>) dst(%dma_wait3A_1195 : memref<128x32xf32, #tpu.memory_space<vmem>>)
    %broadcast_in_dim3A_1202 = arith.constant 1 : i32
    %broadcast_in_dim3A_1203 = vector.broadcast %broadcast_in_dim3A_1202 : i32 to vector<16xi32>
    %add3A_1204 = arith.constant 3840 : i32
    %add3A_1205 = arith.addi %mul3A_2, %add3A_1204 : i32
    %scan3A_1206 = arith.constant 0 : i32
    %scan3A_1207 = arith.constant 0 : i32
    %scan3A_1208 = arith.constant 80 : i32
    %scan3A_1209 = arith.addi %scan3A_1207, %scan3A_1208 : i32
    %scan3A_1210 = arith.constant 1 : i32
    %scan3A_1211 = scf.for %scan3A_1400 = %scan3A_1207 to %scan3A_1209 step %scan3A_1210 iter_args(%scan3A_1401 = %scan3A_1206) -> (i32)  : i32 {
      %mul3A_1402 = arith.constant 16 : i32
      %mul3A_1403 = arith.muli %scan3A_1400, %mul3A_1402 : i32
      %add3A_1404 = vector.broadcast %mul3A_1403 : i32 to vector<16xi32>
      %add3A_1405 = arith.addi %add3A_1404, %iota3A : vector<16xi32>
      %add3A_1406 = vector.broadcast %add3A_1205 : i32 to vector<16xi32>
      %add3A_1407 = arith.addi %add3A_1406, %add3A_1405 : vector<16xi32>
      %rem3A = arith.remsi %add3A_1407, %broadcast_in_dim3A_5 : vector<16xi32>
      %div3A = arith.divsi %add3A_1407, %broadcast_in_dim3A_5 : vector<16xi32>
      %sub3A = vector.broadcast %mul3A_4 : i32 to vector<16xi32>
      %sub3A_1408 = arith.subi %div3A, %sub3A : vector<16xi32>
      %gather3A = tpu.vector_load_idx %arg7[%sub3A_1408] : memref<128xi32, #tpu.memory_space<vmem>>[vector<16xi32>], vector<16xi32>,
      %ge3A = arith.cmpi sge, %rem3A, %gather3A : vector<16xi32>
      %broadcast_in_dim3A_1409 = arith.constant 0 : i32
      %broadcast_in_dim3A_1410 = vector.broadcast %broadcast_in_dim3A_1409 : i32 to vector<16xi32>
      tpu.vector_store_idx %arg8[%broadcast_in_dim3A_1203, %add3A_1405, %broadcast_in_dim3A_1410], %broadcast_in_dim3A_7 masked %ge3A : memref<2x1280x32xf32, #tpu.memory_space<vmem>>[vector<16xi32>, vector<16xi32>, vector<16xi32>], vector<16xf32>, vector<16xi1>
      %broadcast_in_dim3A_1411 = arith.constant 1 : i32
      %broadcast_in_dim3A_1412 = vector.broadcast %broadcast_in_dim3A_1411 : i32 to vector<16xi32>
      tpu.vector_store_idx %arg8[%broadcast_in_dim3A_1203, %add3A_1405, %broadcast_in_dim3A_1412], %broadcast_in_dim3A_7 masked %ge3A : memref<2x1280x32xf32, #tpu.memory_space<vmem>>[vector<16xi32>, vector<16xi32>, vector<16xi32>], vector<16xf32>, vector<16xi1>
      %broadcast_in_dim3A_1413 = arith.constant 2 : i32
      %broadcast_in_dim3A_1414 = vector.broadcast %broadcast_in_dim3A_1413 : i32 to vector<16xi32>
      tpu.vector_store_idx %arg8[%broadcast_in_dim3A_1203, %add3A_1405, %broadcast_in_dim3A_1414], %broadcast_in_dim3A_7 masked %ge3A : memref<2x1280x32xf32, #tpu.memory_space<vmem>>[vector<16xi32>, vector<16xi32>, vector<16xi32>], vector<16xf32>, vector<16xi1>
      %broadcast_in_dim3A_1415 = arith.constant 3 : i32
      %broadcast_in_dim3A_1416 = vector.broadcast %broadcast_in_dim3A_1415 : i32 to vector<16xi32>
      tpu.vector_store_idx %arg8[%broadcast_in_dim3A_1203, %add3A_1405, %broadcast_in_dim3A_1416], %broadcast_in_dim3A_7 masked %ge3A : memref<2x1280x32xf32, #tpu.memory_space<vmem>>[vector<16xi32>, vector<16xi32>, vector<16xi32>], vector<16xf32>, vector<16xi1>
      %broadcast_in_dim3A_1417 = arith.constant 4 : i32
      %broadcast_in_dim3A_1418 = vector.broadcast %broadcast_in_dim3A_1417 : i32 to vector<16xi32>
      tpu.vector_store_idx %arg8[%broadcast_in_dim3A_1203, %add3A_1405, %broadcast_in_dim3A_1418], %broadcast_in_dim3A_7 masked %ge3A : memref<2x1280x32xf32, #tpu.memory_space<vmem>>[vector<16xi32>, vector<16xi32>, vector<16xi32>], vector<16xf32>, vector<16xi1>
      %broadcast_in_dim3A_1419 = arith.constant 5 : i32
      %broadcast_in_dim3A_1420 = vector.broadcast %broadcast_in_dim3A_1419 : i32 to vector<16xi32>
      tpu.vector_store_idx %arg8[%broadcast_in_dim3A_1203, %add3A_1405, %broadcast_in_dim3A_1420], %broadcast_in_dim3A_7 masked %ge3A : memref<2x1280x32xf32, #tpu.memory_space<vmem>>[vector<16xi32>, vector<16xi32>, vector<16xi32>], vector<16xf32>, vector<16xi1>
      %broadcast_in_dim3A_1421 = arith.constant 6 : i32
      %broadcast_in_dim3A_1422 = vector.broadcast %broadcast_in_dim3A_1421 : i32 to vector<16xi32>
      tpu.vector_store_idx %arg8[%broadcast_in_dim3A_1203, %add3A_1405, %broadcast_in_dim3A_1422], %broadcast_in_dim3A_7 masked %ge3A : memref<2x1280x32xf32, #tpu.memory_space<vmem>>[vector<16xi32>, vector<16xi32>, vector<16xi32>], vector<16xf32>, vector<16xi1>
      %broadcast_in_dim3A_1423 = arith.constant 7 : i32
      %broadcast_in_dim3A_1424 = vector.broadcast %broadcast_in_dim3A_1423 : i32 to vector<16xi32>
      tpu.vector_store_idx %arg8[%broadcast_in_dim3A_1203, %add3A_1405, %broadcast_in_dim3A_1424], %broadcast_in_dim3A_7 masked %ge3A : memref<2x1280x32xf32, #tpu.memory_space<vmem>>[vector<16xi32>, vector<16xi32>, vector<16xi32>], vector<16xf32>, vector<16xi1>
      %broadcast_in_dim3A_1425 = arith.constant 8 : i32
      %broadcast_in_dim3A_1426 = vector.broadcast %broadcast_in_dim3A_1425 : i32 to vector<16xi32>
      tpu.vector_store_idx %arg8[%broadcast_in_dim3A_1203, %add3A_1405, %broadcast_in_dim3A_1426], %broadcast_in_dim3A_7 masked %ge3A : memref<2x1280x32xf32, #tpu.memory_space<vmem>>[vector<16xi32>, vector<16xi32>, vector<16xi32>], vector<16xf32>, vector<16xi1>
      %broadcast_in_dim3A_1427 = arith.constant 9 : i32
      %broadcast_in_dim3A_1428 = vector.broadcast %broadcast_in_dim3A_1427 : i32 to vector<16xi32>
      tpu.vector_store_idx %arg8[%broadcast_in_dim3A_1203, %add3A_1405, %broadcast_in_dim3A_1428], %broadcast_in_dim3A_7 masked %ge3A : memref<2x1280x32xf32, #tpu.memory_space<vmem>>[vector<16xi32>, vector<16xi32>, vector<16xi32>], vector<16xf32>, vector<16xi1>
      %broadcast_in_dim3A_1429 = arith.constant 10 : i32
      %broadcast_in_dim3A_1430 = vector.broadcast %broadcast_in_dim3A_1429 : i32 to vector<16xi32>
      tpu.vector_store_idx %arg8[%broadcast_in_dim3A_1203, %add3A_1405, %broadcast_in_dim3A_1430], %broadcast_in_dim3A_7 masked %ge3A : memref<2x1280x32xf32, #tpu.memory_space<vmem>>[vector<16xi32>, vector<16xi32>, vector<16xi32>], vector<16xf32>, vector<16xi1>
      %broadcast_in_dim3A_1431 = arith.constant 11 : i32
      %broadcast_in_dim3A_1432 = vector.broadcast %broadcast_in_dim3A_1431 : i32 to vector<16xi32>
      tpu.vector_store_idx %arg8[%broadcast_in_dim3A_1203, %add3A_1405, %broadcast_in_dim3A_1432], %broadcast_in_dim3A_7 masked %ge3A : memref<2x1280x32xf32, #tpu.memory_space<vmem>>[vector<16xi32>, vector<16xi32>, vector<16xi32>], vector<16xf32>, vector<16xi1>
      %broadcast_in_dim3A_1433 = arith.constant 12 : i32
      %broadcast_in_dim3A_1434 = vector.broadcast %broadcast_in_dim3A_1433 : i32 to vector<16xi32>
      tpu.vector_store_idx %arg8[%broadcast_in_dim3A_1203, %add3A_1405, %broadcast_in_dim3A_1434], %broadcast_in_dim3A_7 masked %ge3A : memref<2x1280x32xf32, #tpu.memory_space<vmem>>[vector<16xi32>, vector<16xi32>, vector<16xi32>], vector<16xf32>, vector<16xi1>
      %broadcast_in_dim3A_1435 = arith.constant 13 : i32
      %broadcast_in_dim3A_1436 = vector.broadcast %broadcast_in_dim3A_1435 : i32 to vector<16xi32>
      tpu.vector_store_idx %arg8[%broadcast_in_dim3A_1203, %add3A_1405, %broadcast_in_dim3A_1436], %broadcast_in_dim3A_7 masked %ge3A : memref<2x1280x32xf32, #tpu.memory_space<vmem>>[vector<16xi32>, vector<16xi32>, vector<16xi32>], vector<16xf32>, vector<16xi1>
      %broadcast_in_dim3A_1437 = arith.constant 14 : i32
      %broadcast_in_dim3A_1438 = vector.broadcast %broadcast_in_dim3A_1437 : i32 to vector<16xi32>
      tpu.vector_store_idx %arg8[%broadcast_in_dim3A_1203, %add3A_1405, %broadcast_in_dim3A_1438], %broadcast_in_dim3A_7 masked %ge3A : memref<2x1280x32xf32, #tpu.memory_space<vmem>>[vector<16xi32>, vector<16xi32>, vector<16xi32>], vector<16xf32>, vector<16xi1>
      %broadcast_in_dim3A_1439 = arith.constant 15 : i32
      %broadcast_in_dim3A_1440 = vector.broadcast %broadcast_in_dim3A_1439 : i32 to vector<16xi32>
      tpu.vector_store_idx %arg8[%broadcast_in_dim3A_1203, %add3A_1405, %broadcast_in_dim3A_1440], %broadcast_in_dim3A_7 masked %ge3A : memref<2x1280x32xf32, #tpu.memory_space<vmem>>[vector<16xi32>, vector<16xi32>, vector<16xi32>], vector<16xf32>, vector<16xi1>
      %broadcast_in_dim3A_1441 = arith.constant 16 : i32
      %broadcast_in_dim3A_1442 = vector.broadcast %broadcast_in_dim3A_1441 : i32 to vector<16xi32>
      tpu.vector_store_idx %arg8[%broadcast_in_dim3A_1203, %add3A_1405, %broadcast_in_dim3A_1442], %broadcast_in_dim3A_7 masked %ge3A : memref<2x1280x32xf32, #tpu.memory_space<vmem>>[vector<16xi32>, vector<16xi32>, vector<16xi32>], vector<16xf32>, vector<16xi1>
      %broadcast_in_dim3A_1443 = arith.constant 17 : i32
      %broadcast_in_dim3A_1444 = vector.broadcast %broadcast_in_dim3A_1443 : i32 to vector<16xi32>
      tpu.vector_store_idx %arg8[%broadcast_in_dim3A_1203, %add3A_1405, %broadcast_in_dim3A_1444], %broadcast_in_dim3A_7 masked %ge3A : memref<2x1280x32xf32, #tpu.memory_space<vmem>>[vector<16xi32>, vector<16xi32>, vector<16xi32>], vector<16xf32>, vector<16xi1>
      %broadcast_in_dim3A_1445 = arith.constant 18 : i32
      %broadcast_in_dim3A_1446 = vector.broadcast %broadcast_in_dim3A_1445 : i32 to vector<16xi32>
      tpu.vector_store_idx %arg8[%broadcast_in_dim3A_1203, %add3A_1405, %broadcast_in_dim3A_1446], %broadcast_in_dim3A_7 masked %ge3A : memref<2x1280x32xf32, #tpu.memory_space<vmem>>[vector<16xi32>, vector<16xi32>, vector<16xi32>], vector<16xf32>, vector<16xi1>
      %broadcast_in_dim3A_1447 = arith.constant 19 : i32
      %broadcast_in_dim3A_1448 = vector.broadcast %broadcast_in_dim3A_1447 : i32 to vector<16xi32>
      tpu.vector_store_idx %arg8[%broadcast_in_dim3A_1203, %add3A_1405, %broadcast_in_dim3A_1448], %broadcast_in_dim3A_7 masked %ge3A : memref<2x1280x32xf32, #tpu.memory_space<vmem>>[vector<16xi32>, vector<16xi32>, vector<16xi32>], vector<16xf32>, vector<16xi1>
      %broadcast_in_dim3A_1449 = arith.constant 20 : i32
      %broadcast_in_dim3A_1450 = vector.broadcast %broadcast_in_dim3A_1449 : i32 to vector<16xi32>
      tpu.vector_store_idx %arg8[%broadcast_in_dim3A_1203, %add3A_1405, %broadcast_in_dim3A_1450], %broadcast_in_dim3A_7 masked %ge3A : memref<2x1280x32xf32, #tpu.memory_space<vmem>>[vector<16xi32>, vector<16xi32>, vector<16xi32>], vector<16xf32>, vector<16xi1>
      %broadcast_in_dim3A_1451 = arith.constant 21 : i32
      %broadcast_in_dim3A_1452 = vector.broadcast %broadcast_in_dim3A_1451 : i32 to vector<16xi32>
      tpu.vector_store_idx %arg8[%broadcast_in_dim3A_1203, %add3A_1405, %broadcast_in_dim3A_1452], %broadcast_in_dim3A_7 masked %ge3A : memref<2x1280x32xf32, #tpu.memory_space<vmem>>[vector<16xi32>, vector<16xi32>, vector<16xi32>], vector<16xf32>, vector<16xi1>
      %broadcast_in_dim3A_1453 = arith.constant 22 : i32
      %broadcast_in_dim3A_1454 = vector.broadcast %broadcast_in_dim3A_1453 : i32 to vector<16xi32>
      tpu.vector_store_idx %arg8[%broadcast_in_dim3A_1203, %add3A_1405, %broadcast_in_dim3A_1454], %broadcast_in_dim3A_7 masked %ge3A : memref<2x1280x32xf32, #tpu.memory_space<vmem>>[vector<16xi32>, vector<16xi32>, vector<16xi32>], vector<16xf32>, vector<16xi1>
      %broadcast_in_dim3A_1455 = arith.constant 23 : i32
      %broadcast_in_dim3A_1456 = vector.broadcast %broadcast_in_dim3A_1455 : i32 to vector<16xi32>
      tpu.vector_store_idx %arg8[%broadcast_in_dim3A_1203, %add3A_1405, %broadcast_in_dim3A_1456], %broadcast_in_dim3A_7 masked %ge3A : memref<2x1280x32xf32, #tpu.memory_space<vmem>>[vector<16xi32>, vector<16xi32>, vector<16xi32>], vector<16xf32>, vector<16xi1>
      %broadcast_in_dim3A_1457 = arith.constant 24 : i32
      %broadcast_in_dim3A_1458 = vector.broadcast %broadcast_in_dim3A_1457 : i32 to vector<16xi32>
      tpu.vector_store_idx %arg8[%broadcast_in_dim3A_1203, %add3A_1405, %broadcast_in_dim3A_1458], %broadcast_in_dim3A_7 masked %ge3A : memref<2x1280x32xf32, #tpu.memory_space<vmem>>[vector<16xi32>, vector<16xi32>, vector<16xi32>], vector<16xf32>, vector<16xi1>
      %broadcast_in_dim3A_1459 = arith.constant 25 : i32
      %broadcast_in_dim3A_1460 = vector.broadcast %broadcast_in_dim3A_1459 : i32 to vector<16xi32>
      tpu.vector_store_idx %arg8[%broadcast_in_dim3A_1203, %add3A_1405, %broadcast_in_dim3A_1460], %broadcast_in_dim3A_7 masked %ge3A : memref<2x1280x32xf32, #tpu.memory_space<vmem>>[vector<16xi32>, vector<16xi32>, vector<16xi32>], vector<16xf32>, vector<16xi1>
      %broadcast_in_dim3A_1461 = arith.constant 26 : i32
      %broadcast_in_dim3A_1462 = vector.broadcast %broadcast_in_dim3A_1461 : i32 to vector<16xi32>
      tpu.vector_store_idx %arg8[%broadcast_in_dim3A_1203, %add3A_1405, %broadcast_in_dim3A_1462], %broadcast_in_dim3A_7 masked %ge3A : memref<2x1280x32xf32, #tpu.memory_space<vmem>>[vector<16xi32>, vector<16xi32>, vector<16xi32>], vector<16xf32>, vector<16xi1>
      %broadcast_in_dim3A_1463 = arith.constant 27 : i32
      %broadcast_in_dim3A_1464 = vector.broadcast %broadcast_in_dim3A_1463 : i32 to vector<16xi32>
      tpu.vector_store_idx %arg8[%broadcast_in_dim3A_1203, %add3A_1405, %broadcast_in_dim3A_1464], %broadcast_in_dim3A_7 masked %ge3A : memref<2x1280x32xf32, #tpu.memory_space<vmem>>[vector<16xi32>, vector<16xi32>, vector<16xi32>], vector<16xf32>, vector<16xi1>
      %broadcast_in_dim3A_1465 = arith.constant 28 : i32
      %broadcast_in_dim3A_1466 = vector.broadcast %broadcast_in_dim3A_1465 : i32 to vector<16xi32>
      tpu.vector_store_idx %arg8[%broadcast_in_dim3A_1203, %add3A_1405, %broadcast_in_dim3A_1466], %broadcast_in_dim3A_7 masked %ge3A : memref<2x1280x32xf32, #tpu.memory_space<vmem>>[vector<16xi32>, vector<16xi32>, vector<16xi32>], vector<16xf32>, vector<16xi1>
      %broadcast_in_dim3A_1467 = arith.constant 29 : i32
      %broadcast_in_dim3A_1468 = vector.broadcast %broadcast_in_dim3A_1467 : i32 to vector<16xi32>
      tpu.vector_store_idx %arg8[%broadcast_in_dim3A_1203, %add3A_1405, %broadcast_in_dim3A_1468], %broadcast_in_dim3A_7 masked %ge3A : memref<2x1280x32xf32, #tpu.memory_space<vmem>>[vector<16xi32>, vector<16xi32>, vector<16xi32>], vector<16xf32>, vector<16xi1>
      %broadcast_in_dim3A_1469 = arith.constant 30 : i32
      %broadcast_in_dim3A_1470 = vector.broadcast %broadcast_in_dim3A_1469 : i32 to vector<16xi32>
      tpu.vector_store_idx %arg8[%broadcast_in_dim3A_1203, %add3A_1405, %broadcast_in_dim3A_1470], %broadcast_in_dim3A_7 masked %ge3A : memref<2x1280x32xf32, #tpu.memory_space<vmem>>[vector<16xi32>, vector<16xi32>, vector<16xi32>], vector<16xf32>, vector<16xi1>
      %broadcast_in_dim3A_1471 = arith.constant 31 : i32
      %broadcast_in_dim3A_1472 = vector.broadcast %broadcast_in_dim3A_1471 : i32 to vector<16xi32>
      tpu.vector_store_idx %arg8[%broadcast_in_dim3A_1203, %add3A_1405, %broadcast_in_dim3A_1472], %broadcast_in_dim3A_7 masked %ge3A : memref<2x1280x32xf32, #tpu.memory_space<vmem>>[vector<16xi32>, vector<16xi32>, vector<16xi32>], vector<16xf32>, vector<16xi1>
      %scan3A_1473 = arith.constant 0 : i32
      scf.yield %scan3A_1473 : i32
    }
    %scan3A_1212 = arith.constant 80 : i32
    %add3A_1213 = arith.constant 3840 : i32
    %add3A_1214 = arith.addi %mul3A_2, %add3A_1213 : i32
    %dma_start3A_1215 = arith.constant 1 : i32
    %dma_start3A_1216 = arith.constant 0 : i32
    %dma_start3A_1217 = arith.constant 0 : i32
    %dma_start3A_1218 = tpu.memref_slice %arg8[%dma_start3A_1215, %dma_start3A_1216, %dma_start3A_1217] : memref<2x1280x32xf32, #tpu.memory_space<vmem>> -> memref<1x1280x32xf32, #tpu.memory_space<vmem>>
    %dma_start3A_1219 = tpu.memref_squeeze %dma_start3A_1218 : memref<1x1280x32xf32, #tpu.memory_space<vmem>> -> memref<1280x32xf32, #tpu.memory_space<vmem>>
    %dma_start3A_1220 = arith.constant 0 : i32
    %dma_start3A_1221 = tpu.memref_slice %arg5[%add3A_1214, %dma_start3A_1220] : memref<204800x32xf32, #tpu.memory_space<hbm>> -> memref<1280x32xf32, #tpu.memory_space<hbm>>
    %dma_start3A_1222 = arith.constant 0 : i32
    %dma_start3A_1223 = tpu.memref_slice %arg5[%add3A_1214, %dma_start3A_1222] : memref<204800x32xf32, #tpu.memory_space<hbm>> -> memref<1280x32xf32, #tpu.memory_space<hbm>>
    %dma_start3A_1224 = arith.constant 0 : i32
    %dma_start3A_1225 = arith.constant 0 : i32
    %dma_start3A_1226 = tpu.memref_slice %arg8[%dma_start3A_1215, %dma_start3A_1224, %dma_start3A_1225] : memref<2x1280x32xf32, #tpu.memory_space<vmem>> -> memref<1x1280x32xf32, #tpu.memory_space<vmem>>
    %dma_start3A_1227 = tpu.memref_squeeze %dma_start3A_1226 : memref<1x1280x32xf32, #tpu.memory_space<vmem>> -> memref<1280x32xf32, #tpu.memory_space<vmem>>
    tpu.enqueue_dma source(%dma_start3A_1227 : memref<1280x32xf32, #tpu.memory_space<vmem>>) target(%dma_start3A_1223 : memref<1280x32xf32, #tpu.memory_space<hbm>>) target_semaphore(%arg12 : memref<!tpu.dma_semaphore, #tpu.memory_space<semaphore_mem>>)
    %dma_wait3A_1228 = arith.constant 40 : i32
    %dma_wait3A_1229 = arith.constant 0 : i32
    %dma_wait3A_1230 = arith.constant 0 : i32
    %dma_wait3A_1231 = arith.constant 0 : i32
    %dma_wait3A_1232 = tpu.memref_slice %arg8[%dma_wait3A_1229, %dma_wait3A_1230, %dma_wait3A_1231] : memref<2x1280x32xf32, #tpu.memory_space<vmem>> -> memref<1x128x32xf32, #tpu.memory_space<vmem>>
    %dma_wait3A_1233 = tpu.memref_squeeze %dma_wait3A_1232 : memref<1x128x32xf32, #tpu.memory_space<vmem>> -> memref<128x32xf32, #tpu.memory_space<vmem>>
    %dma_wait3A_1234 = arith.constant 0 : i32
    %dma_wait3A_1235 = tpu.memref_slice %arg6[%dma_wait3A_1228, %dma_wait3A_1234] : memref<50x128xi32, #tpu.memory_space<vmem>> -> memref<1x128xi32, #tpu.memory_space<vmem>>
    %dma_wait3A_1236 = tpu.memref_squeeze %dma_wait3A_1235 : memref<1x128xi32, #tpu.memory_space<vmem>> -> memref<128xi32, #tpu.memory_space<vmem>>
    %dma_wait3A_1237 = arith.constant 0 : i32
    %dma_wait3A_1238 = arith.constant 0 : i32
    %dma_wait3A_1239 = tpu.memref_slice %arg4[%dma_wait3A_1237, %dma_wait3A_1238] : memref<1000000x32xf32, #tpu.memory_space<hbm>> -> memref<1000000x32xf32, #tpu.memory_space<hbm>>
    tpu.wait_indirect_dma semaphore(%arg9 : memref<!tpu.dma_semaphore, #tpu.memory_space<semaphore_mem>>) src(%dma_wait3A_1239 : memref<1000000x32xf32, #tpu.memory_space<hbm>>) dst(%dma_wait3A_1233 : memref<128x32xf32, #tpu.memory_space<vmem>>)
    %dma_wait3A_1240 = arith.constant 41 : i32
    %dma_wait3A_1241 = arith.constant 0 : i32
    %dma_wait3A_1242 = arith.constant 128 : i32
    %dma_wait3A_1243 = arith.constant 0 : i32
    %dma_wait3A_1244 = tpu.memref_slice %arg8[%dma_wait3A_1241, %dma_wait3A_1242, %dma_wait3A_1243] : memref<2x1280x32xf32, #tpu.memory_space<vmem>> -> memref<1x128x32xf32, #tpu.memory_space<vmem>>
    %dma_wait3A_1245 = tpu.memref_squeeze %dma_wait3A_1244 : memref<1x128x32xf32, #tpu.memory_space<vmem>> -> memref<128x32xf32, #tpu.memory_space<vmem>>
    %dma_wait3A_1246 = arith.constant 0 : i32
    %dma_wait3A_1247 = tpu.memref_slice %arg6[%dma_wait3A_1240, %dma_wait3A_1246] : memref<50x128xi32, #tpu.memory_space<vmem>> -> memref<1x128xi32, #tpu.memory_space<vmem>>
    %dma_wait3A_1248 = tpu.memref_squeeze %dma_wait3A_1247 : memref<1x128xi32, #tpu.memory_space<vmem>> -> memref<128xi32, #tpu.memory_space<vmem>>
    %dma_wait3A_1249 = arith.constant 0 : i32
    %dma_wait3A_1250 = arith.constant 0 : i32
    %dma_wait3A_1251 = tpu.memref_slice %arg4[%dma_wait3A_1249, %dma_wait3A_1250] : memref<1000000x32xf32, #tpu.memory_space<hbm>> -> memref<1000000x32xf32, #tpu.memory_space<hbm>>
    tpu.wait_indirect_dma semaphore(%arg9 : memref<!tpu.dma_semaphore, #tpu.memory_space<semaphore_mem>>) src(%dma_wait3A_1251 : memref<1000000x32xf32, #tpu.memory_space<hbm>>) dst(%dma_wait3A_1245 : memref<128x32xf32, #tpu.memory_space<vmem>>)
    %dma_wait3A_1252 = arith.constant 42 : i32
    %dma_wait3A_1253 = arith.constant 0 : i32
    %dma_wait3A_1254 = arith.constant 256 : i32
    %dma_wait3A_1255 = arith.constant 0 : i32
    %dma_wait3A_1256 = tpu.memref_slice %arg8[%dma_wait3A_1253, %dma_wait3A_1254, %dma_wait3A_1255] : memref<2x1280x32xf32, #tpu.memory_space<vmem>> -> memref<1x128x32xf32, #tpu.memory_space<vmem>>
    %dma_wait3A_1257 = tpu.memref_squeeze %dma_wait3A_1256 : memref<1x128x32xf32, #tpu.memory_space<vmem>> -> memref<128x32xf32, #tpu.memory_space<vmem>>
    %dma_wait3A_1258 = arith.constant 0 : i32
    %dma_wait3A_1259 = tpu.memref_slice %arg6[%dma_wait3A_1252, %dma_wait3A_1258] : memref<50x128xi32, #tpu.memory_space<vmem>> -> memref<1x128xi32, #tpu.memory_space<vmem>>
    %dma_wait3A_1260 = tpu.memref_squeeze %dma_wait3A_1259 : memref<1x128xi32, #tpu.memory_space<vmem>> -> memref<128xi32, #tpu.memory_space<vmem>>
    %dma_wait3A_1261 = arith.constant 0 : i32
    %dma_wait3A_1262 = arith.constant 0 : i32
    %dma_wait3A_1263 = tpu.memref_slice %arg4[%dma_wait3A_1261, %dma_wait3A_1262] : memref<1000000x32xf32, #tpu.memory_space<hbm>> -> memref<1000000x32xf32, #tpu.memory_space<hbm>>
    tpu.wait_indirect_dma semaphore(%arg9 : memref<!tpu.dma_semaphore, #tpu.memory_space<semaphore_mem>>) src(%dma_wait3A_1263 : memref<1000000x32xf32, #tpu.memory_space<hbm>>) dst(%dma_wait3A_1257 : memref<128x32xf32, #tpu.memory_space<vmem>>)
    %dma_wait3A_1264 = arith.constant 43 : i32
    %dma_wait3A_1265 = arith.constant 0 : i32
    %dma_wait3A_1266 = arith.constant 384 : i32
    %dma_wait3A_1267 = arith.constant 0 : i32
    %dma_wait3A_1268 = tpu.memref_slice %arg8[%dma_wait3A_1265, %dma_wait3A_1266, %dma_wait3A_1267] : memref<2x1280x32xf32, #tpu.memory_space<vmem>> -> memref<1x128x32xf32, #tpu.memory_space<vmem>>
    %dma_wait3A_1269 = tpu.memref_squeeze %dma_wait3A_1268 : memref<1x128x32xf32, #tpu.memory_space<vmem>> -> memref<128x32xf32, #tpu.memory_space<vmem>>
    %dma_wait3A_1270 = arith.constant 0 : i32
    %dma_wait3A_1271 = tpu.memref_slice %arg6[%dma_wait3A_1264, %dma_wait3A_1270] : memref<50x128xi32, #tpu.memory_space<vmem>> -> memref<1x128xi32, #tpu.memory_space<vmem>>
    %dma_wait3A_1272 = tpu.memref_squeeze %dma_wait3A_1271 : memref<1x128xi32, #tpu.memory_space<vmem>> -> memref<128xi32, #tpu.memory_space<vmem>>
    %dma_wait3A_1273 = arith.constant 0 : i32
    %dma_wait3A_1274 = arith.constant 0 : i32
    %dma_wait3A_1275 = tpu.memref_slice %arg4[%dma_wait3A_1273, %dma_wait3A_1274] : memref<1000000x32xf32, #tpu.memory_space<hbm>> -> memref<1000000x32xf32, #tpu.memory_space<hbm>>
    tpu.wait_indirect_dma semaphore(%arg9 : memref<!tpu.dma_semaphore, #tpu.memory_space<semaphore_mem>>) src(%dma_wait3A_1275 : memref<1000000x32xf32, #tpu.memory_space<hbm>>) dst(%dma_wait3A_1269 : memref<128x32xf32, #tpu.memory_space<vmem>>)
    %dma_wait3A_1276 = arith.constant 44 : i32
    %dma_wait3A_1277 = arith.constant 0 : i32
    %dma_wait3A_1278 = arith.constant 512 : i32
    %dma_wait3A_1279 = arith.constant 0 : i32
    %dma_wait3A_1280 = tpu.memref_slice %arg8[%dma_wait3A_1277, %dma_wait3A_1278, %dma_wait3A_1279] : memref<2x1280x32xf32, #tpu.memory_space<vmem>> -> memref<1x128x32xf32, #tpu.memory_space<vmem>>
    %dma_wait3A_1281 = tpu.memref_squeeze %dma_wait3A_1280 : memref<1x128x32xf32, #tpu.memory_space<vmem>> -> memref<128x32xf32, #tpu.memory_space<vmem>>
    %dma_wait3A_1282 = arith.constant 0 : i32
    %dma_wait3A_1283 = tpu.memref_slice %arg6[%dma_wait3A_1276, %dma_wait3A_1282] : memref<50x128xi32, #tpu.memory_space<vmem>> -> memref<1x128xi32, #tpu.memory_space<vmem>>
    %dma_wait3A_1284 = tpu.memref_squeeze %dma_wait3A_1283 : memref<1x128xi32, #tpu.memory_space<vmem>> -> memref<128xi32, #tpu.memory_space<vmem>>
    %dma_wait3A_1285 = arith.constant 0 : i32
    %dma_wait3A_1286 = arith.constant 0 : i32
    %dma_wait3A_1287 = tpu.memref_slice %arg4[%dma_wait3A_1285, %dma_wait3A_1286] : memref<1000000x32xf32, #tpu.memory_space<hbm>> -> memref<1000000x32xf32, #tpu.memory_space<hbm>>
    tpu.wait_indirect_dma semaphore(%arg9 : memref<!tpu.dma_semaphore, #tpu.memory_space<semaphore_mem>>) src(%dma_wait3A_1287 : memref<1000000x32xf32, #tpu.memory_space<hbm>>) dst(%dma_wait3A_1281 : memref<128x32xf32, #tpu.memory_space<vmem>>)
    %dma_wait3A_1288 = arith.constant 45 : i32
    %dma_wait3A_1289 = arith.constant 0 : i32
    %dma_wait3A_1290 = arith.constant 640 : i32
    %dma_wait3A_1291 = arith.constant 0 : i32
    %dma_wait3A_1292 = tpu.memref_slice %arg8[%dma_wait3A_1289, %dma_wait3A_1290, %dma_wait3A_1291] : memref<2x1280x32xf32, #tpu.memory_space<vmem>> -> memref<1x128x32xf32, #tpu.memory_space<vmem>>
    %dma_wait3A_1293 = tpu.memref_squeeze %dma_wait3A_1292 : memref<1x128x32xf32, #tpu.memory_space<vmem>> -> memref<128x32xf32, #tpu.memory_space<vmem>>
    %dma_wait3A_1294 = arith.constant 0 : i32
    %dma_wait3A_1295 = tpu.memref_slice %arg6[%dma_wait3A_1288, %dma_wait3A_1294] : memref<50x128xi32, #tpu.memory_space<vmem>> -> memref<1x128xi32, #tpu.memory_space<vmem>>
    %dma_wait3A_1296 = tpu.memref_squeeze %dma_wait3A_1295 : memref<1x128xi32, #tpu.memory_space<vmem>> -> memref<128xi32, #tpu.memory_space<vmem>>
    %dma_wait3A_1297 = arith.constant 0 : i32
    %dma_wait3A_1298 = arith.constant 0 : i32
    %dma_wait3A_1299 = tpu.memref_slice %arg4[%dma_wait3A_1297, %dma_wait3A_1298] : memref<1000000x32xf32, #tpu.memory_space<hbm>> -> memref<1000000x32xf32, #tpu.memory_space<hbm>>
    tpu.wait_indirect_dma semaphore(%arg9 : memref<!tpu.dma_semaphore, #tpu.memory_space<semaphore_mem>>) src(%dma_wait3A_1299 : memref<1000000x32xf32, #tpu.memory_space<hbm>>) dst(%dma_wait3A_1293 : memref<128x32xf32, #tpu.memory_space<vmem>>)
    %dma_wait3A_1300 = arith.constant 46 : i32
    %dma_wait3A_1301 = arith.constant 0 : i32
    %dma_wait3A_1302 = arith.constant 768 : i32
    %dma_wait3A_1303 = arith.constant 0 : i32
    %dma_wait3A_1304 = tpu.memref_slice %arg8[%dma_wait3A_1301, %dma_wait3A_1302, %dma_wait3A_1303] : memref<2x1280x32xf32, #tpu.memory_space<vmem>> -> memref<1x128x32xf32, #tpu.memory_space<vmem>>
    %dma_wait3A_1305 = tpu.memref_squeeze %dma_wait3A_1304 : memref<1x128x32xf32, #tpu.memory_space<vmem>> -> memref<128x32xf32, #tpu.memory_space<vmem>>
    %dma_wait3A_1306 = arith.constant 0 : i32
    %dma_wait3A_1307 = tpu.memref_slice %arg6[%dma_wait3A_1300, %dma_wait3A_1306] : memref<50x128xi32, #tpu.memory_space<vmem>> -> memref<1x128xi32, #tpu.memory_space<vmem>>
    %dma_wait3A_1308 = tpu.memref_squeeze %dma_wait3A_1307 : memref<1x128xi32, #tpu.memory_space<vmem>> -> memref<128xi32, #tpu.memory_space<vmem>>
    %dma_wait3A_1309 = arith.constant 0 : i32
    %dma_wait3A_1310 = arith.constant 0 : i32
    %dma_wait3A_1311 = tpu.memref_slice %arg4[%dma_wait3A_1309, %dma_wait3A_1310] : memref<1000000x32xf32, #tpu.memory_space<hbm>> -> memref<1000000x32xf32, #tpu.memory_space<hbm>>
    tpu.wait_indirect_dma semaphore(%arg9 : memref<!tpu.dma_semaphore, #tpu.memory_space<semaphore_mem>>) src(%dma_wait3A_1311 : memref<1000000x32xf32, #tpu.memory_space<hbm>>) dst(%dma_wait3A_1305 : memref<128x32xf32, #tpu.memory_space<vmem>>)
    %dma_wait3A_1312 = arith.constant 47 : i32
    %dma_wait3A_1313 = arith.constant 0 : i32
    %dma_wait3A_1314 = arith.constant 896 : i32
    %dma_wait3A_1315 = arith.constant 0 : i32
    %dma_wait3A_1316 = tpu.memref_slice %arg8[%dma_wait3A_1313, %dma_wait3A_1314, %dma_wait3A_1315] : memref<2x1280x32xf32, #tpu.memory_space<vmem>> -> memref<1x128x32xf32, #tpu.memory_space<vmem>>
    %dma_wait3A_1317 = tpu.memref_squeeze %dma_wait3A_1316 : memref<1x128x32xf32, #tpu.memory_space<vmem>> -> memref<128x32xf32, #tpu.memory_space<vmem>>
    %dma_wait3A_1318 = arith.constant 0 : i32
    %dma_wait3A_1319 = tpu.memref_slice %arg6[%dma_wait3A_1312, %dma_wait3A_1318] : memref<50x128xi32, #tpu.memory_space<vmem>> -> memref<1x128xi32, #tpu.memory_space<vmem>>
    %dma_wait3A_1320 = tpu.memref_squeeze %dma_wait3A_1319 : memref<1x128xi32, #tpu.memory_space<vmem>> -> memref<128xi32, #tpu.memory_space<vmem>>
    %dma_wait3A_1321 = arith.constant 0 : i32
    %dma_wait3A_1322 = arith.constant 0 : i32
    %dma_wait3A_1323 = tpu.memref_slice %arg4[%dma_wait3A_1321, %dma_wait3A_1322] : memref<1000000x32xf32, #tpu.memory_space<hbm>> -> memref<1000000x32xf32, #tpu.memory_space<hbm>>
    tpu.wait_indirect_dma semaphore(%arg9 : memref<!tpu.dma_semaphore, #tpu.memory_space<semaphore_mem>>) src(%dma_wait3A_1323 : memref<1000000x32xf32, #tpu.memory_space<hbm>>) dst(%dma_wait3A_1317 : memref<128x32xf32, #tpu.memory_space<vmem>>)
    %dma_wait3A_1324 = arith.constant 48 : i32
    %dma_wait3A_1325 = arith.constant 0 : i32
    %dma_wait3A_1326 = arith.constant 1024 : i32
    %dma_wait3A_1327 = arith.constant 0 : i32
    %dma_wait3A_1328 = tpu.memref_slice %arg8[%dma_wait3A_1325, %dma_wait3A_1326, %dma_wait3A_1327] : memref<2x1280x32xf32, #tpu.memory_space<vmem>> -> memref<1x128x32xf32, #tpu.memory_space<vmem>>
    %dma_wait3A_1329 = tpu.memref_squeeze %dma_wait3A_1328 : memref<1x128x32xf32, #tpu.memory_space<vmem>> -> memref<128x32xf32, #tpu.memory_space<vmem>>
    %dma_wait3A_1330 = arith.constant 0 : i32
    %dma_wait3A_1331 = tpu.memref_slice %arg6[%dma_wait3A_1324, %dma_wait3A_1330] : memref<50x128xi32, #tpu.memory_space<vmem>> -> memref<1x128xi32, #tpu.memory_space<vmem>>
    %dma_wait3A_1332 = tpu.memref_squeeze %dma_wait3A_1331 : memref<1x128xi32, #tpu.memory_space<vmem>> -> memref<128xi32, #tpu.memory_space<vmem>>
    %dma_wait3A_1333 = arith.constant 0 : i32
    %dma_wait3A_1334 = arith.constant 0 : i32
    %dma_wait3A_1335 = tpu.memref_slice %arg4[%dma_wait3A_1333, %dma_wait3A_1334] : memref<1000000x32xf32, #tpu.memory_space<hbm>> -> memref<1000000x32xf32, #tpu.memory_space<hbm>>
    tpu.wait_indirect_dma semaphore(%arg9 : memref<!tpu.dma_semaphore, #tpu.memory_space<semaphore_mem>>) src(%dma_wait3A_1335 : memref<1000000x32xf32, #tpu.memory_space<hbm>>) dst(%dma_wait3A_1329 : memref<128x32xf32, #tpu.memory_space<vmem>>)
    %dma_wait3A_1336 = arith.constant 49 : i32
    %dma_wait3A_1337 = arith.constant 0 : i32
    %dma_wait3A_1338 = arith.constant 1152 : i32
    %dma_wait3A_1339 = arith.constant 0 : i32
    %dma_wait3A_1340 = tpu.memref_slice %arg8[%dma_wait3A_1337, %dma_wait3A_1338, %dma_wait3A_1339] : memref<2x1280x32xf32, #tpu.memory_space<vmem>> -> memref<1x128x32xf32, #tpu.memory_space<vmem>>
    %dma_wait3A_1341 = tpu.memref_squeeze %dma_wait3A_1340 : memref<1x128x32xf32, #tpu.memory_space<vmem>> -> memref<128x32xf32, #tpu.memory_space<vmem>>
    %dma_wait3A_1342 = arith.constant 0 : i32
    %dma_wait3A_1343 = tpu.memref_slice %arg6[%dma_wait3A_1336, %dma_wait3A_1342] : memref<50x128xi32, #tpu.memory_space<vmem>> -> memref<1x128xi32, #tpu.memory_space<vmem>>
    %dma_wait3A_1344 = tpu.memref_squeeze %dma_wait3A_1343 : memref<1x128xi32, #tpu.memory_space<vmem>> -> memref<128xi32, #tpu.memory_space<vmem>>
    %dma_wait3A_1345 = arith.constant 0 : i32
    %dma_wait3A_1346 = arith.constant 0 : i32
    %dma_wait3A_1347 = tpu.memref_slice %arg4[%dma_wait3A_1345, %dma_wait3A_1346] : memref<1000000x32xf32, #tpu.memory_space<hbm>> -> memref<1000000x32xf32, #tpu.memory_space<hbm>>
    tpu.wait_indirect_dma semaphore(%arg9 : memref<!tpu.dma_semaphore, #tpu.memory_space<semaphore_mem>>) src(%dma_wait3A_1347 : memref<1000000x32xf32, #tpu.memory_space<hbm>>) dst(%dma_wait3A_1341 : memref<128x32xf32, #tpu.memory_space<vmem>>)
    %broadcast_in_dim3A_1348 = arith.constant 0 : i32
    %broadcast_in_dim3A_1349 = vector.broadcast %broadcast_in_dim3A_1348 : i32 to vector<16xi32>
    %add3A_1350 = arith.constant 5120 : i32
    %add3A_1351 = arith.addi %mul3A_2, %add3A_1350 : i32
    %scan3A_1352 = arith.constant 0 : i32
    %scan3A_1353 = arith.constant 0 : i32
    %scan3A_1354 = arith.constant 80 : i32
    %scan3A_1355 = arith.addi %scan3A_1353, %scan3A_1354 : i32
    %scan3A_1356 = arith.constant 1 : i32
    %scan3A_1357 = scf.for %scan3A_1400 = %scan3A_1353 to %scan3A_1355 step %scan3A_1356 iter_args(%scan3A_1401 = %scan3A_1352) -> (i32)  : i32 {
      %mul3A_1402 = arith.constant 16 : i32
      %mul3A_1403 = arith.muli %scan3A_1400, %mul3A_1402 : i32
      %add3A_1404 = vector.broadcast %mul3A_1403 : i32 to vector<16xi32>
      %add3A_1405 = arith.addi %add3A_1404, %iota3A : vector<16xi32>
      %add3A_1406 = vector.broadcast %add3A_1351 : i32 to vector<16xi32>
      %add3A_1407 = arith.addi %add3A_1406, %add3A_1405 : vector<16xi32>
      %rem3A = arith.remsi %add3A_1407, %broadcast_in_dim3A_5 : vector<16xi32>
      %div3A = arith.divsi %add3A_1407, %broadcast_in_dim3A_5 : vector<16xi32>
      %sub3A = vector.broadcast %mul3A_4 : i32 to vector<16xi32>
      %sub3A_1408 = arith.subi %div3A, %sub3A : vector<16xi32>
      %gather3A = tpu.vector_load_idx %arg7[%sub3A_1408] : memref<128xi32, #tpu.memory_space<vmem>>[vector<16xi32>], vector<16xi32>,
      %ge3A = arith.cmpi sge, %rem3A, %gather3A : vector<16xi32>
      %broadcast_in_dim3A_1409 = arith.constant 0 : i32
      %broadcast_in_dim3A_1410 = vector.broadcast %broadcast_in_dim3A_1409 : i32 to vector<16xi32>
      tpu.vector_store_idx %arg8[%broadcast_in_dim3A_1349, %add3A_1405, %broadcast_in_dim3A_1410], %broadcast_in_dim3A_7 masked %ge3A : memref<2x1280x32xf32, #tpu.memory_space<vmem>>[vector<16xi32>, vector<16xi32>, vector<16xi32>], vector<16xf32>, vector<16xi1>
      %broadcast_in_dim3A_1411 = arith.constant 1 : i32
      %broadcast_in_dim3A_1412 = vector.broadcast %broadcast_in_dim3A_1411 : i32 to vector<16xi32>
      tpu.vector_store_idx %arg8[%broadcast_in_dim3A_1349, %add3A_1405, %broadcast_in_dim3A_1412], %broadcast_in_dim3A_7 masked %ge3A : memref<2x1280x32xf32, #tpu.memory_space<vmem>>[vector<16xi32>, vector<16xi32>, vector<16xi32>], vector<16xf32>, vector<16xi1>
      %broadcast_in_dim3A_1413 = arith.constant 2 : i32
      %broadcast_in_dim3A_1414 = vector.broadcast %broadcast_in_dim3A_1413 : i32 to vector<16xi32>
      tpu.vector_store_idx %arg8[%broadcast_in_dim3A_1349, %add3A_1405, %broadcast_in_dim3A_1414], %broadcast_in_dim3A_7 masked %ge3A : memref<2x1280x32xf32, #tpu.memory_space<vmem>>[vector<16xi32>, vector<16xi32>, vector<16xi32>], vector<16xf32>, vector<16xi1>
      %broadcast_in_dim3A_1415 = arith.constant 3 : i32
      %broadcast_in_dim3A_1416 = vector.broadcast %broadcast_in_dim3A_1415 : i32 to vector<16xi32>
      tpu.vector_store_idx %arg8[%broadcast_in_dim3A_1349, %add3A_1405, %broadcast_in_dim3A_1416], %broadcast_in_dim3A_7 masked %ge3A : memref<2x1280x32xf32, #tpu.memory_space<vmem>>[vector<16xi32>, vector<16xi32>, vector<16xi32>], vector<16xf32>, vector<16xi1>
      %broadcast_in_dim3A_1417 = arith.constant 4 : i32
      %broadcast_in_dim3A_1418 = vector.broadcast %broadcast_in_dim3A_1417 : i32 to vector<16xi32>
      tpu.vector_store_idx %arg8[%broadcast_in_dim3A_1349, %add3A_1405, %broadcast_in_dim3A_1418], %broadcast_in_dim3A_7 masked %ge3A : memref<2x1280x32xf32, #tpu.memory_space<vmem>>[vector<16xi32>, vector<16xi32>, vector<16xi32>], vector<16xf32>, vector<16xi1>
      %broadcast_in_dim3A_1419 = arith.constant 5 : i32
      %broadcast_in_dim3A_1420 = vector.broadcast %broadcast_in_dim3A_1419 : i32 to vector<16xi32>
      tpu.vector_store_idx %arg8[%broadcast_in_dim3A_1349, %add3A_1405, %broadcast_in_dim3A_1420], %broadcast_in_dim3A_7 masked %ge3A : memref<2x1280x32xf32, #tpu.memory_space<vmem>>[vector<16xi32>, vector<16xi32>, vector<16xi32>], vector<16xf32>, vector<16xi1>
      %broadcast_in_dim3A_1421 = arith.constant 6 : i32
      %broadcast_in_dim3A_1422 = vector.broadcast %broadcast_in_dim3A_1421 : i32 to vector<16xi32>
      tpu.vector_store_idx %arg8[%broadcast_in_dim3A_1349, %add3A_1405, %broadcast_in_dim3A_1422], %broadcast_in_dim3A_7 masked %ge3A : memref<2x1280x32xf32, #tpu.memory_space<vmem>>[vector<16xi32>, vector<16xi32>, vector<16xi32>], vector<16xf32>, vector<16xi1>
      %broadcast_in_dim3A_1423 = arith.constant 7 : i32
      %broadcast_in_dim3A_1424 = vector.broadcast %broadcast_in_dim3A_1423 : i32 to vector<16xi32>
      tpu.vector_store_idx %arg8[%broadcast_in_dim3A_1349, %add3A_1405, %broadcast_in_dim3A_1424], %broadcast_in_dim3A_7 masked %ge3A : memref<2x1280x32xf32, #tpu.memory_space<vmem>>[vector<16xi32>, vector<16xi32>, vector<16xi32>], vector<16xf32>, vector<16xi1>
      %broadcast_in_dim3A_1425 = arith.constant 8 : i32
      %broadcast_in_dim3A_1426 = vector.broadcast %broadcast_in_dim3A_1425 : i32 to vector<16xi32>
      tpu.vector_store_idx %arg8[%broadcast_in_dim3A_1349, %add3A_1405, %broadcast_in_dim3A_1426], %broadcast_in_dim3A_7 masked %ge3A : memref<2x1280x32xf32, #tpu.memory_space<vmem>>[vector<16xi32>, vector<16xi32>, vector<16xi32>], vector<16xf32>, vector<16xi1>
      %broadcast_in_dim3A_1427 = arith.constant 9 : i32
      %broadcast_in_dim3A_1428 = vector.broadcast %broadcast_in_dim3A_1427 : i32 to vector<16xi32>
      tpu.vector_store_idx %arg8[%broadcast_in_dim3A_1349, %add3A_1405, %broadcast_in_dim3A_1428], %broadcast_in_dim3A_7 masked %ge3A : memref<2x1280x32xf32, #tpu.memory_space<vmem>>[vector<16xi32>, vector<16xi32>, vector<16xi32>], vector<16xf32>, vector<16xi1>
      %broadcast_in_dim3A_1429 = arith.constant 10 : i32
      %broadcast_in_dim3A_1430 = vector.broadcast %broadcast_in_dim3A_1429 : i32 to vector<16xi32>
      tpu.vector_store_idx %arg8[%broadcast_in_dim3A_1349, %add3A_1405, %broadcast_in_dim3A_1430], %broadcast_in_dim3A_7 masked %ge3A : memref<2x1280x32xf32, #tpu.memory_space<vmem>>[vector<16xi32>, vector<16xi32>, vector<16xi32>], vector<16xf32>, vector<16xi1>
      %broadcast_in_dim3A_1431 = arith.constant 11 : i32
      %broadcast_in_dim3A_1432 = vector.broadcast %broadcast_in_dim3A_1431 : i32 to vector<16xi32>
      tpu.vector_store_idx %arg8[%broadcast_in_dim3A_1349, %add3A_1405, %broadcast_in_dim3A_1432], %broadcast_in_dim3A_7 masked %ge3A : memref<2x1280x32xf32, #tpu.memory_space<vmem>>[vector<16xi32>, vector<16xi32>, vector<16xi32>], vector<16xf32>, vector<16xi1>
      %broadcast_in_dim3A_1433 = arith.constant 12 : i32
      %broadcast_in_dim3A_1434 = vector.broadcast %broadcast_in_dim3A_1433 : i32 to vector<16xi32>
      tpu.vector_store_idx %arg8[%broadcast_in_dim3A_1349, %add3A_1405, %broadcast_in_dim3A_1434], %broadcast_in_dim3A_7 masked %ge3A : memref<2x1280x32xf32, #tpu.memory_space<vmem>>[vector<16xi32>, vector<16xi32>, vector<16xi32>], vector<16xf32>, vector<16xi1>
      %broadcast_in_dim3A_1435 = arith.constant 13 : i32
      %broadcast_in_dim3A_1436 = vector.broadcast %broadcast_in_dim3A_1435 : i32 to vector<16xi32>
      tpu.vector_store_idx %arg8[%broadcast_in_dim3A_1349, %add3A_1405, %broadcast_in_dim3A_1436], %broadcast_in_dim3A_7 masked %ge3A : memref<2x1280x32xf32, #tpu.memory_space<vmem>>[vector<16xi32>, vector<16xi32>, vector<16xi32>], vector<16xf32>, vector<16xi1>
      %broadcast_in_dim3A_1437 = arith.constant 14 : i32
      %broadcast_in_dim3A_1438 = vector.broadcast %broadcast_in_dim3A_1437 : i32 to vector<16xi32>
      tpu.vector_store_idx %arg8[%broadcast_in_dim3A_1349, %add3A_1405, %broadcast_in_dim3A_1438], %broadcast_in_dim3A_7 masked %ge3A : memref<2x1280x32xf32, #tpu.memory_space<vmem>>[vector<16xi32>, vector<16xi32>, vector<16xi32>], vector<16xf32>, vector<16xi1>
      %broadcast_in_dim3A_1439 = arith.constant 15 : i32
      %broadcast_in_dim3A_1440 = vector.broadcast %broadcast_in_dim3A_1439 : i32 to vector<16xi32>
      tpu.vector_store_idx %arg8[%broadcast_in_dim3A_1349, %add3A_1405, %broadcast_in_dim3A_1440], %broadcast_in_dim3A_7 masked %ge3A : memref<2x1280x32xf32, #tpu.memory_space<vmem>>[vector<16xi32>, vector<16xi32>, vector<16xi32>], vector<16xf32>, vector<16xi1>
      %broadcast_in_dim3A_1441 = arith.constant 16 : i32
      %broadcast_in_dim3A_1442 = vector.broadcast %broadcast_in_dim3A_1441 : i32 to vector<16xi32>
      tpu.vector_store_idx %arg8[%broadcast_in_dim3A_1349, %add3A_1405, %broadcast_in_dim3A_1442], %broadcast_in_dim3A_7 masked %ge3A : memref<2x1280x32xf32, #tpu.memory_space<vmem>>[vector<16xi32>, vector<16xi32>, vector<16xi32>], vector<16xf32>, vector<16xi1>
      %broadcast_in_dim3A_1443 = arith.constant 17 : i32
      %broadcast_in_dim3A_1444 = vector.broadcast %broadcast_in_dim3A_1443 : i32 to vector<16xi32>
      tpu.vector_store_idx %arg8[%broadcast_in_dim3A_1349, %add3A_1405, %broadcast_in_dim3A_1444], %broadcast_in_dim3A_7 masked %ge3A : memref<2x1280x32xf32, #tpu.memory_space<vmem>>[vector<16xi32>, vector<16xi32>, vector<16xi32>], vector<16xf32>, vector<16xi1>
      %broadcast_in_dim3A_1445 = arith.constant 18 : i32
      %broadcast_in_dim3A_1446 = vector.broadcast %broadcast_in_dim3A_1445 : i32 to vector<16xi32>
      tpu.vector_store_idx %arg8[%broadcast_in_dim3A_1349, %add3A_1405, %broadcast_in_dim3A_1446], %broadcast_in_dim3A_7 masked %ge3A : memref<2x1280x32xf32, #tpu.memory_space<vmem>>[vector<16xi32>, vector<16xi32>, vector<16xi32>], vector<16xf32>, vector<16xi1>
      %broadcast_in_dim3A_1447 = arith.constant 19 : i32
      %broadcast_in_dim3A_1448 = vector.broadcast %broadcast_in_dim3A_1447 : i32 to vector<16xi32>
      tpu.vector_store_idx %arg8[%broadcast_in_dim3A_1349, %add3A_1405, %broadcast_in_dim3A_1448], %broadcast_in_dim3A_7 masked %ge3A : memref<2x1280x32xf32, #tpu.memory_space<vmem>>[vector<16xi32>, vector<16xi32>, vector<16xi32>], vector<16xf32>, vector<16xi1>
      %broadcast_in_dim3A_1449 = arith.constant 20 : i32
      %broadcast_in_dim3A_1450 = vector.broadcast %broadcast_in_dim3A_1449 : i32 to vector<16xi32>
      tpu.vector_store_idx %arg8[%broadcast_in_dim3A_1349, %add3A_1405, %broadcast_in_dim3A_1450], %broadcast_in_dim3A_7 masked %ge3A : memref<2x1280x32xf32, #tpu.memory_space<vmem>>[vector<16xi32>, vector<16xi32>, vector<16xi32>], vector<16xf32>, vector<16xi1>
      %broadcast_in_dim3A_1451 = arith.constant 21 : i32
      %broadcast_in_dim3A_1452 = vector.broadcast %broadcast_in_dim3A_1451 : i32 to vector<16xi32>
      tpu.vector_store_idx %arg8[%broadcast_in_dim3A_1349, %add3A_1405, %broadcast_in_dim3A_1452], %broadcast_in_dim3A_7 masked %ge3A : memref<2x1280x32xf32, #tpu.memory_space<vmem>>[vector<16xi32>, vector<16xi32>, vector<16xi32>], vector<16xf32>, vector<16xi1>
      %broadcast_in_dim3A_1453 = arith.constant 22 : i32
      %broadcast_in_dim3A_1454 = vector.broadcast %broadcast_in_dim3A_1453 : i32 to vector<16xi32>
      tpu.vector_store_idx %arg8[%broadcast_in_dim3A_1349, %add3A_1405, %broadcast_in_dim3A_1454], %broadcast_in_dim3A_7 masked %ge3A : memref<2x1280x32xf32, #tpu.memory_space<vmem>>[vector<16xi32>, vector<16xi32>, vector<16xi32>], vector<16xf32>, vector<16xi1>
      %broadcast_in_dim3A_1455 = arith.constant 23 : i32
      %broadcast_in_dim3A_1456 = vector.broadcast %broadcast_in_dim3A_1455 : i32 to vector<16xi32>
      tpu.vector_store_idx %arg8[%broadcast_in_dim3A_1349, %add3A_1405, %broadcast_in_dim3A_1456], %broadcast_in_dim3A_7 masked %ge3A : memref<2x1280x32xf32, #tpu.memory_space<vmem>>[vector<16xi32>, vector<16xi32>, vector<16xi32>], vector<16xf32>, vector<16xi1>
      %broadcast_in_dim3A_1457 = arith.constant 24 : i32
      %broadcast_in_dim3A_1458 = vector.broadcast %broadcast_in_dim3A_1457 : i32 to vector<16xi32>
      tpu.vector_store_idx %arg8[%broadcast_in_dim3A_1349, %add3A_1405, %broadcast_in_dim3A_1458], %broadcast_in_dim3A_7 masked %ge3A : memref<2x1280x32xf32, #tpu.memory_space<vmem>>[vector<16xi32>, vector<16xi32>, vector<16xi32>], vector<16xf32>, vector<16xi1>
      %broadcast_in_dim3A_1459 = arith.constant 25 : i32
      %broadcast_in_dim3A_1460 = vector.broadcast %broadcast_in_dim3A_1459 : i32 to vector<16xi32>
      tpu.vector_store_idx %arg8[%broadcast_in_dim3A_1349, %add3A_1405, %broadcast_in_dim3A_1460], %broadcast_in_dim3A_7 masked %ge3A : memref<2x1280x32xf32, #tpu.memory_space<vmem>>[vector<16xi32>, vector<16xi32>, vector<16xi32>], vector<16xf32>, vector<16xi1>
      %broadcast_in_dim3A_1461 = arith.constant 26 : i32
      %broadcast_in_dim3A_1462 = vector.broadcast %broadcast_in_dim3A_1461 : i32 to vector<16xi32>
      tpu.vector_store_idx %arg8[%broadcast_in_dim3A_1349, %add3A_1405, %broadcast_in_dim3A_1462], %broadcast_in_dim3A_7 masked %ge3A : memref<2x1280x32xf32, #tpu.memory_space<vmem>>[vector<16xi32>, vector<16xi32>, vector<16xi32>], vector<16xf32>, vector<16xi1>
      %broadcast_in_dim3A_1463 = arith.constant 27 : i32
      %broadcast_in_dim3A_1464 = vector.broadcast %broadcast_in_dim3A_1463 : i32 to vector<16xi32>
      tpu.vector_store_idx %arg8[%broadcast_in_dim3A_1349, %add3A_1405, %broadcast_in_dim3A_1464], %broadcast_in_dim3A_7 masked %ge3A : memref<2x1280x32xf32, #tpu.memory_space<vmem>>[vector<16xi32>, vector<16xi32>, vector<16xi32>], vector<16xf32>, vector<16xi1>
      %broadcast_in_dim3A_1465 = arith.constant 28 : i32
      %broadcast_in_dim3A_1466 = vector.broadcast %broadcast_in_dim3A_1465 : i32 to vector<16xi32>
      tpu.vector_store_idx %arg8[%broadcast_in_dim3A_1349, %add3A_1405, %broadcast_in_dim3A_1466], %broadcast_in_dim3A_7 masked %ge3A : memref<2x1280x32xf32, #tpu.memory_space<vmem>>[vector<16xi32>, vector<16xi32>, vector<16xi32>], vector<16xf32>, vector<16xi1>
      %broadcast_in_dim3A_1467 = arith.constant 29 : i32
      %broadcast_in_dim3A_1468 = vector.broadcast %broadcast_in_dim3A_1467 : i32 to vector<16xi32>
      tpu.vector_store_idx %arg8[%broadcast_in_dim3A_1349, %add3A_1405, %broadcast_in_dim3A_1468], %broadcast_in_dim3A_7 masked %ge3A : memref<2x1280x32xf32, #tpu.memory_space<vmem>>[vector<16xi32>, vector<16xi32>, vector<16xi32>], vector<16xf32>, vector<16xi1>
      %broadcast_in_dim3A_1469 = arith.constant 30 : i32
      %broadcast_in_dim3A_1470 = vector.broadcast %broadcast_in_dim3A_1469 : i32 to vector<16xi32>
      tpu.vector_store_idx %arg8[%broadcast_in_dim3A_1349, %add3A_1405, %broadcast_in_dim3A_1470], %broadcast_in_dim3A_7 masked %ge3A : memref<2x1280x32xf32, #tpu.memory_space<vmem>>[vector<16xi32>, vector<16xi32>, vector<16xi32>], vector<16xf32>, vector<16xi1>
      %broadcast_in_dim3A_1471 = arith.constant 31 : i32
      %broadcast_in_dim3A_1472 = vector.broadcast %broadcast_in_dim3A_1471 : i32 to vector<16xi32>
      tpu.vector_store_idx %arg8[%broadcast_in_dim3A_1349, %add3A_1405, %broadcast_in_dim3A_1472], %broadcast_in_dim3A_7 masked %ge3A : memref<2x1280x32xf32, #tpu.memory_space<vmem>>[vector<16xi32>, vector<16xi32>, vector<16xi32>], vector<16xf32>, vector<16xi1>
      %scan3A_1473 = arith.constant 0 : i32
      scf.yield %scan3A_1473 : i32
    }
    %scan3A_1358 = arith.constant 80 : i32
    %add3A_1359 = arith.constant 5120 : i32
    %add3A_1360 = arith.addi %mul3A_2, %add3A_1359 : i32
    %dma_start3A_1361 = arith.constant 0 : i32
    %dma_start3A_1362 = arith.constant 0 : i32
    %dma_start3A_1363 = arith.constant 0 : i32
    %dma_start3A_1364 = tpu.memref_slice %arg8[%dma_start3A_1361, %dma_start3A_1362, %dma_start3A_1363] : memref<2x1280x32xf32, #tpu.memory_space<vmem>> -> memref<1x1280x32xf32, #tpu.memory_space<vmem>>
    %dma_start3A_1365 = tpu.memref_squeeze %dma_start3A_1364 : memref<1x1280x32xf32, #tpu.memory_space<vmem>> -> memref<1280x32xf32, #tpu.memory_space<vmem>>
    %dma_start3A_1366 = arith.constant 0 : i32
    %dma_start3A_1367 = tpu.memref_slice %arg5[%add3A_1360, %dma_start3A_1366] : memref<204800x32xf32, #tpu.memory_space<hbm>> -> memref<1280x32xf32, #tpu.memory_space<hbm>>
    %dma_start3A_1368 = arith.constant 0 : i32
    %dma_start3A_1369 = tpu.memref_slice %arg5[%add3A_1360, %dma_start3A_1368] : memref<204800x32xf32, #tpu.memory_space<hbm>> -> memref<1280x32xf32, #tpu.memory_space<hbm>>
    %dma_start3A_1370 = arith.constant 0 : i32
    %dma_start3A_1371 = arith.constant 0 : i32
    %dma_start3A_1372 = tpu.memref_slice %arg8[%dma_start3A_1361, %dma_start3A_1370, %dma_start3A_1371] : memref<2x1280x32xf32, #tpu.memory_space<vmem>> -> memref<1x1280x32xf32, #tpu.memory_space<vmem>>
    %dma_start3A_1373 = tpu.memref_squeeze %dma_start3A_1372 : memref<1x1280x32xf32, #tpu.memory_space<vmem>> -> memref<1280x32xf32, #tpu.memory_space<vmem>>
    tpu.enqueue_dma source(%dma_start3A_1373 : memref<1280x32xf32, #tpu.memory_space<vmem>>) target(%dma_start3A_1369 : memref<1280x32xf32, #tpu.memory_space<hbm>>) target_semaphore(%arg11 : memref<!tpu.dma_semaphore, #tpu.memory_space<semaphore_mem>>)
    %dma_wait3A_1374 = arith.constant 1 : i32
    %dma_wait3A_1375 = arith.constant 0 : i32
    %dma_wait3A_1376 = arith.constant 0 : i32
    %dma_wait3A_1377 = tpu.memref_slice %arg8[%dma_wait3A_1374, %dma_wait3A_1375, %dma_wait3A_1376] : memref<2x1280x32xf32, #tpu.memory_space<vmem>> -> memref<1x1280x32xf32, #tpu.memory_space<vmem>>
    %dma_wait3A_1378 = tpu.memref_squeeze %dma_wait3A_1377 : memref<1x1280x32xf32, #tpu.memory_space<vmem>> -> memref<1280x32xf32, #tpu.memory_space<vmem>>
    %dma_wait3A_1379 = arith.constant 0 : i32
    %dma_wait3A_1380 = tpu.memref_slice %arg5[%add3A_1214, %dma_wait3A_1379] : memref<204800x32xf32, #tpu.memory_space<hbm>> -> memref<1280x32xf32, #tpu.memory_space<hbm>>
    %dma_wait3A_1381 = arith.constant 0 : i32
    %dma_wait3A_1382 = tpu.memref_slice %arg5[%add3A_1214, %dma_wait3A_1381] : memref<204800x32xf32, #tpu.memory_space<hbm>> -> memref<1280x32xf32, #tpu.memory_space<hbm>>
    %dma_wait3A_1383 = arith.constant 0 : i32
    %dma_wait3A_1384 = arith.constant 0 : i32
    %dma_wait3A_1385 = tpu.memref_slice %arg8[%dma_wait3A_1374, %dma_wait3A_1383, %dma_wait3A_1384] : memref<2x1280x32xf32, #tpu.memory_space<vmem>> -> memref<1x1280x32xf32, #tpu.memory_space<vmem>>
    %dma_wait3A_1386 = tpu.memref_squeeze %dma_wait3A_1385 : memref<1x1280x32xf32, #tpu.memory_space<vmem>> -> memref<1280x32xf32, #tpu.memory_space<vmem>>
    tpu.wait_dma2 semaphore(%arg12 : memref<!tpu.dma_semaphore, #tpu.memory_space<semaphore_mem>>) src(%dma_wait3A_1386 : memref<1280x32xf32, #tpu.memory_space<vmem>>) dst(%dma_wait3A_1382 : memref<1280x32xf32, #tpu.memory_space<hbm>>)
    %dma_wait3A_1387 = arith.constant 0 : i32
    %dma_wait3A_1388 = arith.constant 0 : i32
    %dma_wait3A_1389 = arith.constant 0 : i32
    %dma_wait3A_1390 = tpu.memref_slice %arg8[%dma_wait3A_1387, %dma_wait3A_1388, %dma_wait3A_1389] : memref<2x1280x32xf32, #tpu.memory_space<vmem>> -> memref<1x1280x32xf32, #tpu.memory_space<vmem>>
    %dma_wait3A_1391 = tpu.memref_squeeze %dma_wait3A_1390 : memref<1x1280x32xf32, #tpu.memory_space<vmem>> -> memref<1280x32xf32, #tpu.memory_space<vmem>>
    %dma_wait3A_1392 = arith.constant 0 : i32
    %dma_wait3A_1393 = tpu.memref_slice %arg5[%add3A_1360, %dma_wait3A_1392] : memref<204800x32xf32, #tpu.memory_space<hbm>> -> memref<1280x32xf32, #tpu.memory_space<hbm>>
    %dma_wait3A_1394 = arith.constant 0 : i32
    %dma_wait3A_1395 = tpu.memref_slice %arg5[%add3A_1360, %dma_wait3A_1394] : memref<204800x32xf32, #tpu.memory_space<hbm>> -> memref<1280x32xf32, #tpu.memory_space<hbm>>
    %dma_wait3A_1396 = arith.constant 0 : i32
    %dma_wait3A_1397 = arith.constant 0 : i32
    %dma_wait3A_1398 = tpu.memref_slice %arg8[%dma_wait3A_1387, %dma_wait3A_1396, %dma_wait3A_1397] : memref<2x1280x32xf32, #tpu.memory_space<vmem>> -> memref<1x1280x32xf32, #tpu.memory_space<vmem>>
    %dma_wait3A_1399 = tpu.memref_squeeze %dma_wait3A_1398 : memref<1x1280x32xf32, #tpu.memory_space<vmem>> -> memref<1280x32xf32, #tpu.memory_space<vmem>>
    tpu.wait_dma2 semaphore(%arg11 : memref<!tpu.dma_semaphore, #tpu.memory_space<semaphore_mem>>) src(%dma_wait3A_1399 : memref<1280x32xf32, #tpu.memory_space<vmem>>) dst(%dma_wait3A_1395 : memref<1280x32xf32, #tpu.memory_space<hbm>>)
    return
  }
}

</mosaic_0001>

<sc_bundles>
// kernel: kernel.3.cloned.1.call-start
scs
__scs_entry_jumppad:
0x0: {  	(pc) =	sbr.rel $0x88, $3  }
0x1: {  	(tag) =	ssettag $0x0;
	lr =	simm.s32 $0x1  }
0x2: {  	[smem:$0x3F9E] =	sst lr;
	_ =	strace $0xD0000000  }
0x3: {  	_ = 	snop  }
0x4: {  	_ = 	snop  }
0x5: {  	_ = 	snop  }
0x6: {  	_ = 	snop  }
0x7: {  	_ = 	snop  }
__scs_overlays_trampoline_lowered:
0x8: {  	[smem:$0x3FAD] =	sst s0  }
0x9: {  	[smem:$0x3FAE] =	sst s1  }
0xa: {  	[smem:$0x3FAF] =	sst s2  }
0xb: {  	[smem:$0x3FB0] =	sst s3  }
0xc: {  	[smem:$0x3FB1] =	sst s4  }
0xd: {  	[smem:$0x3FB2] =	sst s5  }
0xe: {  	[smem:$0x3FB3] =	sst s6  }
0xf: {  	[smem:$0x3FB4] =	sst s7  }
0x10: {  	[smem:$0x3FB5] =	sst s8  }
0x11: {  	[smem:$0x3FB6] =	sst s9;
	s0 =	simm.s32 @!p0 $0x0  }
0x12: {  	s1 =	sld [smem:$0x3F9C];
	s0 =	simm.s32 @p0 $0x1  }
0x13: {  	[smem:$0x3FB7] =	sst s0;
	s0 =	simm.s32 @!p1 $0x0  }
0x14: {  	s2 =	sld [smem:$0x3F9B];
	s0 =	simm.s32 @p1 $0x1  }
0x15: {  	[smem:$0x3FB8] =	sst s0;
	s0 =	simm.s32 @!p2 $0x0  }
0x16: {  	s3 =	sld [smem:$0x3FDB];
	s0 =	simm.s32 @p2 $0x1  }
0x17: {  	s4 =	simm.s32 $0x1BF5;
	[smem:$0x3FBA] =	sst s0  }
0x18: {  	s0 =	sld [smem:$0x3F9D];
	_ =	swait.ge [sflag:s4], $0x0  }
0x19: {  	s7 =	sld [smem:$0x3F9E]  }
0x1a: {  	s8 =	sadd.s32 $0xFFFFE003, lr  }
0x1b: {  	s9 =	sadd.s32 $0xFFFFFEF7, lr;
	s5 =	simm.s32 $0xFFFFFFFF;
	p2 =	slt.u32 s8, $0xFFFFF086  }
0x1c: {  	p1 =	slt.u32 s9, $0xF7A;
	s5 =	simm.s32 @!p2 $0x0  }
0x1d: {  	s5 =	simm.s32 @p1 $0x1;
	p0 =	seq.s32 s7, s2  }
0x1e: {  	s7 =	smul.u32 @!p0 $0xF7A, s2;
	p2 =	seq.s32 @!p0 s5, $0x0  }
0x1f: {  	s9 =	smul.u32 $0xF7A, s1;
	s8 =	simm.s32 @!p0 $0x1BF5;
	p2 =	por !p2, p0  }
0x20: {  	[sflag:s8] =	ssyncset.s32 @!p0 $0xFFFFF086;
	s6 =	sadd.s32 @!p0 s3, s7;
	s7 =	simm.s32 @!p0 $0x108  }
0x21: {  	s3 =	sadd.s32 s3, s9;
	s6 =	sadd.s32 @!p0 $0x88, s6;
	s7 =	simm.s32 @p2 $0x1082  }
0x22: {  	[simem:s7], [sflag:s8] =	dma.local @!p0 [hbm:s6], $0xF7A  }
0x23: {  	s9 =	sor.u32 $0xD0000000, s2;
	s6 =	simm.s32 $0x108;
	_ =	swait.ge @!p0 [sflag:s8], $0x0  }
0x24: {  	s3 =	sadd.s32 $0x88, s3;
	s6 =	simm.s32 @!p1 $0x1082;
	[sflag:s4] =	ssyncset.s32 $0xFFFFF086  }
0x25: {  	[simem:s6], [sflag:s4] =	dma.local [hbm:s3], $0xF7A  }
0x26: {  	[smem:$0x3F9E] =	sst s1;
	(tag) =	ssettag s2;
	_ =	strace s9  }
0x27: {  	s1 =	sld [smem:$0x3FAE]  }
0x28: {  	s2 =	sld [smem:$0x3FAF]  }
0x29: {  	s4 =	sld [smem:$0x3FB1]  }
0x2a: {  	p0 =	seq.s32 s5, $0x0;
	s5 =	sld [smem:$0x3FB2]  }
0x2b: {  	s6 =	sld [smem:$0x3FB3]  }
0x2c: {  	s7 =	sld [smem:$0x3FB4]  }
0x2d: {  	s3 =	simm.s32 $0x108;
	s8 =	sld [smem:$0x3FB5]  }
0x2e: {  	s3 =	simm.s32 @!p0 $0x1082;
	s9 =	sld [smem:$0x3FB6]  }
0x2f: {  	lr =	sadd.s32 s0, s3;
	s0 =	sld [smem:$0x3FAD]  }
0x30: {  	s3 =	sld [smem:$0x3FB0]  }
0x31: {  	[smem:$0x3FB9] =	sst s10  }
0x32: {  	s10 =	sld [smem:$0x3FB7];
	_ =	sdelay $0x3  }
0x33: {  	p0 =	seq.s32 s10, $0x1;
	s10 =	sld [smem:$0x3FB9];
	_ =	sdelay $0x3  }
0x34: {  	[smem:$0x3FB9] =	sst s10  }
0x35: {  	s10 =	sld [smem:$0x3FB8];
	_ =	sdelay $0x3  }
0x36: {  	p1 =	seq.s32 s10, $0x1;
	s10 =	sld [smem:$0x3FB9];
	_ =	sdelay $0x3  }
0x37: {  	[smem:$0x3FB9] =	sst s10  }
0x38: {  	s10 =	sld [smem:$0x3FBA]  }
0x39: {  	_ = 	snop;
	(pc) =	sbr.ind lr, $3  }
0x3a: {  	_ = 	snop  }
0x3b: {  	_ = 	snop  }
0x3c: {  	p2 =	seq.s32 s10, $0x1;
	s10 =	sld [smem:$0x3FB9]  }
0x3d: {  	_ =	shalt  }
0x3e: {  	_ =	shalt  }
0x3f: {  	_ =	shalt  }
0x40: {  	_ =	shalt  }
0x41: {  	_ =	shalt  }
0x42: {  	_ =	shalt  }
0x43: {  	_ =	shalt  }
0x44: {  	_ =	shalt  }
0x45: {  	_ =	shalt  }
0x46: {  	_ =	shalt  }
0x47: {  	_ =	shalt  }
0x48: {  	_ =	shalt  }
0x49: {  	_ =	shalt  }
0x4a: {  	_ =	shalt  }
0x4b: {  	_ =	shalt  }
0x4c: {  	_ =	shalt  }
0x4d: {  	_ =	shalt  }
0x4e: {  	_ =	shalt  }
0x4f: {  	_ =	shalt  }
0x50: {  	_ =	shalt  }
0x51: {  	_ =	shalt  }
0x52: {  	_ =	shalt  }
0x53: {  	_ =	shalt  }
0x54: {  	_ =	shalt  }
0x55: {  	_ =	shalt  }
0x56: {  	_ =	shalt  }
0x57: {  	_ =	shalt  }
0x58: {  	_ =	shalt  }
0x59: {  	_ =	shalt  }
0x5a: {  	_ =	shalt  }
0x5b: {  	_ =	shalt  }
0x5c: {  	_ =	shalt  }
0x5d: {  	_ =	shalt  }
0x5e: {  	_ =	shalt  }
0x5f: {  	_ =	shalt  }
0x60: {  	_ =	shalt  }
0x61: {  	_ =	shalt  }
0x62: {  	_ =	shalt  }
0x63: {  	_ =	shalt  }
0x64: {  	_ =	shalt  }
0x65: {  	_ =	shalt  }
0x66: {  	_ =	shalt  }
0x67: {  	_ =	shalt  }
0x68: {  	_ =	shalt  }
0x69: {  	_ =	shalt  }
0x6a: {  	_ =	shalt  }
0x6b: {  	_ =	shalt  }
0x6c: {  	_ =	shalt  }
0x6d: {  	_ =	shalt  }
0x6e: {  	_ =	shalt  }
0x6f: {  	_ =	shalt  }
0x70: {  	_ =	shalt  }
0x71: {  	_ =	shalt  }
0x72: {  	_ =	shalt  }
0x73: {  	_ =	shalt  }
0x74: {  	_ =	shalt  }
0x75: {  	_ =	shalt  }
0x76: {  	_ =	shalt  }
0x77: {  	_ =	shalt  }
0x78: {  	_ =	shalt  }
0x79: {  	_ =	shalt  }
0x7a: {  	_ =	shalt  }
0x7b: {  	_ =	shalt  }
0x7c: {  	_ =	shalt  }
0x7d: {  	_ =	shalt  }
0x7e: {  	_ =	shalt  }
0x7f: {  	_ =	shalt  }
0x80: {  	_ =	shalt  }
0x81: {  	_ =	shalt  }
0x82: {  	_ =	shalt  }
0x83: {  	_ =	shalt  }
0x84: {  	_ =	shalt  }
0x85: {  	_ =	shalt  }
0x86: {  	_ =	shalt  }
0x87: {  	_ =	shalt  }
.Lfunc_end0:
.L_simem_size_0:
called_computation_lowered:
.L_overlay_start_0:
0x88: {  	s2 =	sld [smem:$0x3FD9]  }
0x89: {  	s3 =	sld [smem:$0x3FFE];
	_ =	sdelay $0x1  }
0x8a: {  	s1 =	srdreg.scid  }
0x8b: {  	s0 =	sand.u32 $0x1, s1  }
0x8c: {  	s17 =	sshll.u32 s0, $0xA;
	s2 =	sadd.s32 s3, s2  }
0x8d: {  	s2 =	sadd.s32 s2, s17  }
0x8e: {  	[smem:$0x3FC5] =	sst s2  }
0x8f: {  	_ = 	snop  }
0x90: {  	s2 =	sld [smem:$0x3FC8]  }
0x91: {  	s18 =	sld [smem:$0x3FD0];
	(tm) =	ssettm $0x1  }
0x92: {  	s4 =	sld [smem:$0x3FFB];
	_ =	sdelay $0x3  }
0x93: {  	_ =	strace s4  }
0x94: {  	s4 =	sld [smem:$0x3FFC];
	_ =	sdelay $0x3  }
0x95: {  	_ =	strace s4  }
0x96: {  	s4 =	sld [smem:$0x3FFD];
	_ =	sdelay $0x3  }
0x97: {  	_ =	strace s4  }
0x98: {  	_ =	strace $0x8FFFFFFF  }
0x99: {  	s19 =	sld [smem:$0x3FDB];
	_ =	sdelay $0x1  }
0x9a: {  	s5 =	simm.s32 $_scs_section_size  }
0x9b: {  	s6 =	simm.s32 $_size__tile_overlayer_lowered;
	s7 =	simm.s32 $_tile_overlayer_lowered  }
0x9c: {  	s22 =	simm.s32 $0x1BFF;
	s21 =	sshll.u32 s7, $0x1;
	s4 =	sadd.s32 s5, s19  }
0x9d: {  	s8 =	simm.s32 $0x0;
	s20 =	sshll.u32 s6, $0x1;
	s6 =	sadd.s32 s21, s4  }
0x9e: {  	[timem:s8], [sflag:s22] =	dma.local [hbm:s6], s20  }
0x9f: {  	_ =	swait.ge [sflag:s22], s20  }
0xa0: {  	s5 =	ssub.s32 $0x0, s20;
	[sflag:s22] =	ssyncset.done $0x0  }
0xa1: {  	[sflag:s22] =	ssyncadd.s32 s5;
	_ =	sdelay $0x1  }
0xa2: {  	s23 =	simm.s32 $0x1B8B  }
0xa3: {  	_ =	swait.ge [sflag:s23], $0x1  }
0xa4: {  	[sflag:s23] =	ssyncset.done $0x0  }
0xa5: {  	s25 =	simm.s32 $0x1B8E;
	s24 =	sld [smem:$0x3FFE];
	[sflag:s23] =	ssyncadd.s32 $0xFFFFFFFF  }
0xa6: {  	s26 =	simm.s32 $execute0_lowered;
	[smem:$0x3FD2] =	sst s25  }
0xa7: {  	s6 =	sshll.u32 s26, $0x1;
	_ =	strace $0x80000046;
	[dreg:$0x1] =	wrdreg $0xFFFFFFFF  }
0xa8: {  	s28 =	simm.s32 $_size_execute0_lowered;
	s4 =	sadd.s32 s4, s6;
	[dreg:$0x0] =	wrdreg $0x0  }
0xa9: {  	s6 =	sshll.u32 s28, $0x1;
	[dreg:$0x2] =	wrdreg s4  }
0xaa: {  	[dreg:$0x3] =	wrdreg s6  }
0xab: {  	[dreg:$0x4] =	wrdreg $0xC0  }
0xac: {  	_ =	task [dreg:s8], $0x5FFFF  }
0xad: {  	[dreg:$0x1] =	wrdreg $0xFFFFFFFF  }
0xae: {  	[dreg:$0x0] =	wrdreg $0x60  }
0xaf: {  	[dreg:$0x2] =	wrdreg s24  }
0xb0: {  	[dreg:$0x3] =	wrdreg s2  }
0xb1: {  	[dreg:$0x4] =	wrdreg s18  }
0xb2: {  	[dreg:$0x5] =	wrdreg $0x9  }
0xb3: {  	_ =	task.clear_ibuf [dreg:s8], $0x6FFFF;
	_ =	strace $0x90000046  }
0xb4: {  	s29 =	simm.s32 $0x9;
	_ =	strace $0x80000048  }
0xb5: {  	_ =	swait.ge [sflag:s29], $0x1  }
0xb6: {  	[sflag:s29] =	ssyncadd.s32 $0xFFFFFFFF  }
0xb7: {  	_ =	strace $0x90000048  }
0xb8: {  	_ =	sfence  }
0xb9: {  	s30 =	sld [smem:$0x0];
	_ =	sdelay $0x2  }
0xba: {  	s31 =	sshll.u32 s1, $0xD;
	s1 =	sshrl.u32 s1, $0x2  }
0xbb: {  	s3 =	sand.u32 $0x4000, s31;
	s1 =	sadd.s32 s1, s30  }
0xbc: {  	s0 =	sor.u32 s3, s0;
	s1 =	sshll.u32 s1, $0x11  }
0xbd: {  	s0 =	sor.u32 s1, s0  }
0xbe: {  	s0 =	sadd.s32 $0x8F2B, s0  }
0xbf: {  	[sflag:s0] =	ssyncadd.remote.s32 $0x1  }
0xc0: {  	_ =	sfence.sel $0xFFFF  }
0xc1: {  	[dreg:$0x0] =	wrdreg $0xFFFFFFFF;
	(pc) =	sbr.abs _section_cstart, $3  }
0xc2: {  	[dreg:$0x1] =	wrdreg $0xFFFFFFFF  }
0xc3: {  	_ =	task.clear_ibuf [dreg:s8], $0x2FFFF;
	_ =	strace $0x9FFFFFFF  }
0xc4: {  	(tm) =	ssettm $0x7FFFFFFF  }
0xc5: {  	_ =	shalt  }
tec
execute0_lowered:
.L_overlay_start_1:
0x0: {  	(tag) =	ssettag $0x1  }
0x1: {  	s0 =	rddreg [dreg:$0x0]  }
0x2: {  	s1 =	srdreg.scid;
	s4 =	rddreg [dreg:$0x1]  }
0x3: {  	s2 =	stileid.u32;
	s5 =	rddreg [dreg:$0x2];
	s12 =	simm.s32 $0x5  }
0x4: {  	s13 =	simm.s32 $0x1900;
	s14 =	simm.s32 $0x80;
	s15 =	simm.s32 $0x1980  }
0x5: {  	s16 =	simm.s32 $0x2980;
	s18 =	simm.s32 $0x3980;
	s29 =	simm.s32 $0x8980  }
0x6: {  	s31 =	simm.s32 $0x9980;
	s30 =	simm.s32 $0x10980;
	s17 =	simm.s32 $0x12980  }
0x7: {  	s8 =	simm.s32 $0x2;
	s1 =	sand.u32 $0x1, s1;
	s2 =	sshll.u32 s2, $0x1  }
0x8: {  	s9 =	simm.s32 $0x4;
	s6 =	sor.u32 s1, s2;
	s2 =	simm.s32 $0x0  }
0x9: {  	s1 =	ssub.s32 $0x2, s1;
	s10 =	smul.u32 $0x1900, s6;
	[smem:$0x7FF] =	sst s2  }
0xa: {  	s23 =	sshll.u32 s6, $0x7;
	s20 =	smul.u32 $0x6400, s6;
	s6 =	sshll.u32 s6, $0x4  }
0xb: {  	s19 =	sshrl.u32 s1, $0x1;
	_ =	strace $0x80000047;
	s4 =	sadd.s32 s4, s6  }
0xc: {  	s6 =	simm.s32 $0x1;
	v1 =	vmov s23;
	s23 =	simm.s32 $0x0;
	s3 =	sshrl.u32 s10, $0x3  }
0xd: {  	s11 =	sadd.s32 $0x500, s10;
	[dreg:$0xb] =	wrdreg s4;
	s28 =	sadd.s32 $0x1400, s10  }
0xe: {  	s7 =	sadd.s32 s3, s0;
	s3 =	sadd.s32 $0xF42A00, s0;
	s0 =	ssub.s32 s1, s19  }
0xf: {  	s1 =	sadd.s32 s5, s20;
	s21 =	sshll.u32 s11, $0x2;
	s26 =	sshll.u32 s28, $0x2  }
0x10: {  	s20 =	simm.s32 $0x4980;
	s7 =	sadd.s32 $0x600, s7;
	[dreg:$0x9] =	wrdreg s1  }
0x11: {  	s19 =	simm.s32 $0xB980;
	s1 =	sadd.s32 s5, s21;
	[dreg:$0xa] =	wrdreg s7  }
0x12: {  	s21 =	sadd.s32 $0xF00, s10;
	s0 =	smax.u32 s0, $0x1;
	[dreg:$0x4] =	wrdreg s1  }
0x13: {  	s1 =	sadd.s32 $0xA00, s10;
	s24 =	sshll.u32 s21, $0x2;
	[dreg:$0x8] =	wrdreg s0  }
0x14: {  	s0 =	simm.s32 $0xA980;
	s7 =	simm.s32 $0x3;
	v4 =	vmov s21;
	s21 =	rddreg [dreg:$0xb]  }
0x15: {  	v5 =	vmov s28;
	s28 =	rddreg [dreg:$0x9];
	s22 =	sshll.u32 s1, $0x2;
	s25 =	sadd.s32 s5, s24  }
0x16: {  	v2 =	vmov s11;
	s24 =	simm.s32 $0x6980;
	s11 =	rddreg [dreg:$0xa];
	s4 =	sadd.s32 s5, s22  }
0x17: {  	[dreg:$0x6] =	wrdreg s25;
	s22 =	simm.s32 $0x5980;
	s25 =	simm.s32 $0x11980  }
0x18: {  	v6 =	vlaneseq.u32;
	[dreg:$0x5] =	wrdreg s4;
	s4 =	sadd.s32 s5, s26;
	s26 =	simm.s32 $0x7980  }
0x19: {  	v7 =	vimm.f32 $0.0e+00;
	v0 =	vmov s10;
	v3 =	vmov s1;
	s5 =	simm.s32 $0x14980;
	[dreg:$0x7] =	wrdreg s4;
	s4 =	simm.s32 $0x13980  }
.LBB2_1:
0x1a: {  	[tilespmem:s2], [sflag:$0x5] =	stream.linear.gather [hbm4b:s11+s2], $0x1900, $0x38;
	[tilespmem:$0x15980] =	vst v63  }
0x1b: {  	_ =	swait.ge [sflag:s12], $0x1900  }
0x1c: {  	[sflag:s12] =	ssyncset.done $0x0  }
0x1d: {  	[sflag:s12] =	ssyncadd.s32 $0xFFFFE700  }
0x1e: {  	[tilespmem:s13], [sflag:$0x5] =	stream.linear.gather [hbm4b:s21+s2], $0x80, $0x38;
	[tilespmem:$0x15980] =	vst v63  }
0x1f: {  	_ =	swait.ge [sflag:s12], $0x80  }
0x20: {  	[sflag:s12] =	ssyncset.done $0x0  }
0x21: {  	[sflag:s12] =	ssyncadd.s32 $0xFFFFFF80  }
0x22: {  	[tilespmem:s15], [sflag:$0x1] =	stream.indirect.gather [hbm4b:s3+s14], $0x20, s2, s14, $0xb8;
	[tilespmem:$0x15980] =	vst v63  }
0x23: {  	_ = 	snop  }
0x24: {  	[tilespmem:s16], [sflag:$0x1] =	stream.indirect.gather [hbm4b:s3+s14], $0x20, s14, s14, $0xb8;
	[tilespmem:$0x15980] =	vst v63  }
0x25: {  	s1 =	simm.s32 $0x100  }
0x26: {  	[tilespmem:s18], [sflag:$0x1] =	stream.indirect.gather [hbm4b:s3+s14], $0x20, s1, s14, $0xb8;
	[tilespmem:$0x15980] =	vst v63  }
0x27: {  	s10 =	simm.s32 $0x180  }
0x28: {  	[tilespmem:s20], [sflag:$0x1] =	stream.indirect.gather [hbm4b:s3+s14], $0x20, s10, s14, $0xb8;
	[tilespmem:$0x15980] =	vst v63  }
0x29: {  	s10 =	simm.s32 $0x200  }
0x2a: {  	[tilespmem:s22], [sflag:$0x1] =	stream.indirect.gather [hbm4b:s3+s14], $0x20, s10, s14, $0xb8;
	[tilespmem:$0x15980] =	vst v63  }
0x2b: {  	s10 =	simm.s32 $0x280  }
0x2c: {  	[tilespmem:s24], [sflag:$0x1] =	stream.indirect.gather [hbm4b:s3+s14], $0x20, s10, s14, $0xb8;
	[tilespmem:$0x15980] =	vst v63  }
0x2d: {  	s10 =	simm.s32 $0x300  }
0x2e: {  	[tilespmem:s26], [sflag:$0x1] =	stream.indirect.gather [hbm4b:s3+s14], $0x20, s10, s14, $0xb8;
	[tilespmem:$0x15980] =	vst v63  }
0x2f: {  	s10 =	simm.s32 $0x380  }
0x30: {  	[tilespmem:s29], [sflag:$0x1] =	stream.indirect.gather [hbm4b:s3+s14], $0x20, s10, s14, $0xb8;
	[tilespmem:$0x15980] =	vst v63  }
0x31: {  	s10 =	simm.s32 $0x400  }
0x32: {  	[tilespmem:s31], [sflag:$0x1] =	stream.indirect.gather [hbm4b:s3+s14], $0x20, s10, s14, $0xb8;
	[tilespmem:$0x15980] =	vst v63  }
0x33: {  	s10 =	simm.s32 $0x480  }
0x34: {  	[tilespmem:s0], [sflag:$0x1] =	stream.indirect.gather [hbm4b:s3+s14], $0x20, s10, s14, $0xb8;
	[tilespmem:$0x15980] =	vst v63  }
0x35: {  	s10 =	simm.s32 $0x500  }
0x36: {  	[tilespmem:s19], [sflag:$0x2] =	stream.indirect.gather [hbm4b:s3+s14], $0x20, s10, s14, $0xb8;
	[tilespmem:$0x15980] =	vst v63  }
0x37: {  	s1 =	simm.s32 $0x580;
	s10 =	simm.s32 $0xC980  }
0x38: {  	[tilespmem:s10], [sflag:$0x2] =	stream.indirect.gather [hbm4b:s3+s14], $0x20, s1, s14, $0xb8;
	[tilespmem:$0x15980] =	vst v63  }
0x39: {  	s1 =	simm.s32 $0x600;
	s10 =	simm.s32 $0xD980  }
0x3a: {  	[tilespmem:s10], [sflag:$0x2] =	stream.indirect.gather [hbm4b:s3+s14], $0x20, s1, s14, $0xb8;
	[tilespmem:$0x15980] =	vst v63  }
0x3b: {  	s1 =	simm.s32 $0x680;
	s10 =	simm.s32 $0xE980  }
0x3c: {  	[tilespmem:s10], [sflag:$0x2] =	stream.indirect.gather [hbm4b:s3+s14], $0x20, s1, s14, $0xb8;
	[tilespmem:$0x15980] =	vst v63  }
0x3d: {  	s1 =	simm.s32 $0x700;
	s10 =	simm.s32 $0xF980  }
0x3e: {  	[tilespmem:s10], [sflag:$0x2] =	stream.indirect.gather [hbm4b:s3+s14], $0x20, s1, s14, $0xb8;
	[tilespmem:$0x15980] =	vst v63  }
0x3f: {  	s10 =	simm.s32 $0x780  }
0x40: {  	[tilespmem:s30], [sflag:$0x2] =	stream.indirect.gather [hbm4b:s3+s14], $0x20, s10, s14, $0xb8;
	[tilespmem:$0x15980] =	vst v63  }
0x41: {  	s30 =	simm.s32 $0x800  }
0x42: {  	[tilespmem:s25], [sflag:$0x2] =	stream.indirect.gather [hbm4b:s3+s14], $0x20, s30, s14, $0xb8;
	[tilespmem:$0x15980] =	vst v63  }
0x43: {  	s10 =	simm.s32 $0x880  }
0x44: {  	[tilespmem:s17], [sflag:$0x2] =	stream.indirect.gather [hbm4b:s3+s14], $0x20, s10, s14, $0xb8;
	[tilespmem:$0x15980] =	vst v63  }
0x45: {  	s30 =	simm.s32 $0x900  }
0x46: {  	[tilespmem:s4], [sflag:$0x2] =	stream.indirect.gather [hbm4b:s3+s14], $0x20, s30, s14, $0xb8;
	[tilespmem:$0x15980] =	vst v63  }
0x47: {  	s10 =	simm.s32 $0x980  }
0x48: {  	[tilespmem:s5], [sflag:$0x2] =	stream.indirect.gather [hbm4b:s3+s14], $0x20, s10, s14, $0xb8;
	[tilespmem:$0x15980] =	vst v63  }
0x49: {  	_ =	swait.ge [sflag:s6], $0x1000  }
0x4a: {  	[sflag:s6] =	ssyncset.done $0x0  }
0x4b: {  	[sflag:s6] =	ssyncadd.s32 $0xFFFFF000  }
0x4c: {  	_ =	swait.ge [sflag:s6], $0x1000  }
0x4d: {  	[sflag:s6] =	ssyncset.done $0x0  }
0x4e: {  	[sflag:s6] =	ssyncadd.s32 $0xFFFFF000  }
0x4f: {  	_ =	swait.ge [sflag:s6], $0x1000  }
0x50: {  	[sflag:s6] =	ssyncset.done $0x0  }
0x51: {  	[sflag:s6] =	ssyncadd.s32 $0xFFFFF000  }
0x52: {  	_ =	swait.ge [sflag:s6], $0x1000  }
0x53: {  	[sflag:s6] =	ssyncset.done $0x0  }
0x54: {  	[sflag:s6] =	ssyncadd.s32 $0xFFFFF000  }
0x55: {  	_ =	swait.ge [sflag:s6], $0x1000  }
0x56: {  	[sflag:s6] =	ssyncset.done $0x0  }
0x57: {  	[sflag:s6] =	ssyncadd.s32 $0xFFFFF000  }
0x58: {  	_ =	swait.ge [sflag:s6], $0x1000  }
0x59: {  	[sflag:s6] =	ssyncset.done $0x0  }
0x5a: {  	[sflag:s6] =	ssyncadd.s32 $0xFFFFF000  }
0x5b: {  	v8 =	vor.u32 s2, v6;
	_ =	swait.ge [sflag:s6], $0x1000  }
0x5c: {  	v9 =	vadd.s32 v0, v8;
	[sflag:s6] =	ssyncset.done $0x0  }
0x5d: {  	v10 =	vmulhi.u32 $0x51EB851F, v9;
	[sflag:s6] =	ssyncadd.s32 $0xFFFFF000  }
0x5e: {  	_ =	swait.ge [sflag:s6], $0x1000  }
0x5f: {  	v10 =	vshrl.u32 v10, $0x4;
	[sflag:s6] =	ssyncset.done $0x0  }
0x60: {  	v11 =	vsub.s32 v10, v1;
	[sflag:s6] =	ssyncadd.s32 $0xFFFFF000  }
0x61: {  	v12 =	vand.u32 $0x7, v10;
	v11 =	vand.u32 $0xFFFFFFF8, v11;
	_ =	swait.ge [sflag:s6], $0x1000  }
0x62: {  	v11 =	vor.u32 v12, v11;
	[sflag:s6] =	ssyncset.done $0x0  }
0x63: {  	[sflag:s6] =	ssyncadd.s32 $0xFFFFF000  }
0x64: {  	_ =	swait.ge [sflag:s6], $0x1000  }
0x65: {  	[sflag:s6] =	ssyncset.done $0x0  }
0x66: {  	[sflag:s6] =	ssyncadd.s32 $0xFFFFF000  }
0x67: {  	v11 =	vld.idx.msk [tilespmem:v11+s13+$0x0], $0xffff;
	_ =	sdelay $0x1  }
0x68: {  	v10 =	vmul.u32 $0xFFFFFFCE, v10;
	_ =	sdelay $0x1  }
0x69: {  	v9 =	vadd.s32 v9, v10  }
0x6a: {  	vm0 =	vge.s32 v9, v11  }
0x6b: {  	v9 =	vshll.u32 v8, $0x5  }
0x6c: {  	v8 =	vor.u32 $0x1, v9  }
0x6d: {  	v10 =	vor.u32 $0x2, v9  }
0x6e: {  	v11 =	vor.u32 $0x3, v9  }
0x6f: {  	v52 =	vor.u32 $0x4, v9  }
0x70: {  	v13 =	vor.u32 $0x5, v9;
	[tilespmem:v9+s15+$0x0] =	vst.idx.msk vm0, v7  }
0x71: {  	[tilespmem:v8+s15+$0x0] =	vst.idx.msk vm0, v7;
	v8 =	vor.u32 $0x6, v9  }
0x72: {  	[tilespmem:v10+s15+$0x0] =	vst.idx.msk vm0, v7;
	v10 =	vor.u32 $0x7, v9  }
0x73: {  	[tilespmem:v11+s15+$0x0] =	vst.idx.msk vm0, v7;
	v11 =	vor.u32 $0x8, v9  }
0x74: {  	v53 =	vor.u32 $0x9, v9;
	[tilespmem:v52+s15+$0x0] =	vst.idx.msk vm0, v7  }
0x75: {  	v54 =	vor.u32 $0xA, v9;
	[tilespmem:v13+s15+$0x0] =	vst.idx.msk vm0, v7  }
0x76: {  	[tilespmem:v8+s15+$0x0] =	vst.idx.msk vm0, v7;
	v8 =	vor.u32 $0xB, v9  }
0x77: {  	[tilespmem:v10+s15+$0x0] =	vst.idx.msk vm0, v7;
	v10 =	vor.u32 $0xC, v9  }
0x78: {  	[tilespmem:v11+s15+$0x0] =	vst.idx.msk vm0, v7;
	v11 =	vor.u32 $0xD, v9  }
0x79: {  	v55 =	vor.u32 $0xE, v9;
	[tilespmem:v53+s15+$0x0] =	vst.idx.msk vm0, v7  }
0x7a: {  	v56 =	vor.u32 $0xF, v9;
	[tilespmem:v54+s15+$0x0] =	vst.idx.msk vm0, v7  }
0x7b: {  	[tilespmem:v8+s15+$0x0] =	vst.idx.msk vm0, v7;
	v8 =	vor.u32 $0x10, v9  }
0x7c: {  	[tilespmem:v10+s15+$0x0] =	vst.idx.msk vm0, v7;
	v10 =	vor.u32 $0x11, v9  }
0x7d: {  	[tilespmem:v11+s15+$0x0] =	vst.idx.msk vm0, v7;
	v11 =	vor.u32 $0x12, v9  }
0x7e: {  	v57 =	vor.u32 $0x13, v9;
	[tilespmem:v55+s15+$0x0] =	vst.idx.msk vm0, v7  }
0x7f: {  	v58 =	vor.u32 $0x14, v9;
	[tilespmem:v56+s15+$0x0] =	vst.idx.msk vm0, v7  }
0x80: {  	[tilespmem:v8+s15+$0x0] =	vst.idx.msk vm0, v7;
	v8 =	vor.u32 $0x15, v9  }
0x81: {  	[tilespmem:v10+s15+$0x0] =	vst.idx.msk vm0, v7;
	v10 =	vor.u32 $0x16, v9  }
0x82: {  	[tilespmem:v11+s15+$0x0] =	vst.idx.msk vm0, v7;
	v11 =	vor.u32 $0x17, v9  }
0x83: {  	v59 =	vor.u32 $0x18, v9;
	[tilespmem:v57+s15+$0x0] =	vst.idx.msk vm0, v7  }
0x84: {  	v60 =	vor.u32 $0x19, v9;
	[tilespmem:v58+s15+$0x0] =	vst.idx.msk vm0, v7  }
0x85: {  	s30 =	simm.s32 $0x10;
	v14 =	vor.u32 $0x1A, v9;
	[tilespmem:v8+s15+$0x0] =	vst.idx.msk vm0, v7  }
0x86: {  	v8 =	vor.u32 s30, v6;
	[tilespmem:v10+s15+$0x0] =	vst.idx.msk vm0, v7;
	v10 =	vor.u32 $0x1B, v9  }
0x87: {  	v15 =	vadd.s32 v0, v8;
	[tilespmem:v11+s15+$0x0] =	vst.idx.msk vm0, v7;
	v11 =	vor.u32 $0x1C, v9  }
0x88: {  	v16 =	vmulhi.u32 $0x51EB851F, v15;
	[tilespmem:v59+s15+$0x0] =	vst.idx.msk vm0, v7  }
0x89: {  	[tilespmem:v60+s15+$0x0] =	vst.idx.msk vm0, v7  }
0x8a: {  	v61 =	vor.u32 $0x1D, v9;
	v63 =	vshrl.u32 v16, $0x4;
	[tilespmem:v14+s15+$0x0] =	vst.idx.msk vm0, v7  }
0x8b: {  	v62 =	vor.u32 $0x1E, v9;
	[tilespmem:v10+s15+$0x0] =	vst.idx.msk vm0, v7;
	v10 =	vsub.s32 v63, v1  }
0x8c: {  	v14 =	vand.u32 $0x7, v63;
	[tilespmem:v11+s15+$0x0] =	vst.idx.msk vm0, v7;
	v11 =	vand.u32 $0xFFFFFFF8, v10;
	v10 =	vor.u32 $0x1F, v9  }
0x8d: {  	v11 =	vor.u32 v14, v11  }
0x8e: {  	v16 =	vmul.u32 $0xFFFFFFCE, v63  }
0x8f: {  	[tilespmem:v61+s15+$0x0] =	vst.idx.msk vm0, v7  }
0x90: {  	s10 =	simm.s32 $0x20;
	v9 =	vadd.s32 v15, v16;
	[tilespmem:v62+s15+$0x0] =	vst.idx.msk vm0, v7  }
.LBB2_2:
0x91: {  	p0 =	sne.s32 s10, $0x4F0;
	[tilespmem:v10+s15+$0x0] =	vst.idx.msk vm0, v7;
	s1 =	smov.u32 s10;
	s10 =	sadd.s32 $0x10, s10  }
0x92: {  	v10 =	vld.idx.msk [tilespmem:v11+s13+$0x0], $0xffff;
	_ =	sdelay $0x5  }
0x93: {  	vm0 =	vge.s32 v9, v10  }
0x94: {  	v9 =	vshll.u32 v8, $0x5  }
0x95: {  	v8 =	vor.u32 $0x1, v9  }
0x96: {  	v10 =	vor.u32 $0x2, v9  }
0x97: {  	v11 =	vor.u32 $0x3, v9  }
0x98: {  	v12 =	vor.u32 $0x4, v9  }
0x99: {  	v13 =	vor.u32 $0x5, v9;
	[tilespmem:v9+s15+$0x0] =	vst.idx.msk vm0, v7  }
0x9a: {  	[tilespmem:v8+s15+$0x0] =	vst.idx.msk vm0, v7;
	v8 =	vor.u32 $0x6, v9  }
0x9b: {  	[tilespmem:v10+s15+$0x0] =	vst.idx.msk vm0, v7;
	v10 =	vor.u32 $0x7, v9  }
0x9c: {  	[tilespmem:v11+s15+$0x0] =	vst.idx.msk vm0, v7;
	v11 =	vor.u32 $0x8, v9  }
0x9d: {  	[tilespmem:v12+s15+$0x0] =	vst.idx.msk vm0, v7;
	v12 =	vor.u32 $0x9, v9  }
0x9e: {  	[tilespmem:v13+s15+$0x0] =	vst.idx.msk vm0, v7;
	v13 =	vor.u32 $0xA, v9  }
0x9f: {  	[tilespmem:v8+s15+$0x0] =	vst.idx.msk vm0, v7;
	v8 =	vor.u32 $0xB, v9  }
0xa0: {  	[tilespmem:v10+s15+$0x0] =	vst.idx.msk vm0, v7;
	v10 =	vor.u32 $0xC, v9  }
0xa1: {  	[tilespmem:v11+s15+$0x0] =	vst.idx.msk vm0, v7;
	v11 =	vor.u32 $0xD, v9  }
0xa2: {  	[tilespmem:v12+s15+$0x0] =	vst.idx.msk vm0, v7;
	v12 =	vor.u32 $0xE, v9  }
0xa3: {  	[tilespmem:v13+s15+$0x0] =	vst.idx.msk vm0, v7;
	v13 =	vor.u32 $0xF, v9  }
0xa4: {  	[tilespmem:v8+s15+$0x0] =	vst.idx.msk vm0, v7;
	v8 =	vor.u32 $0x10, v9  }
0xa5: {  	[tilespmem:v10+s15+$0x0] =	vst.idx.msk vm0, v7;
	v10 =	vor.u32 $0x11, v9  }
0xa6: {  	[tilespmem:v11+s15+$0x0] =	vst.idx.msk vm0, v7;
	v11 =	vor.u32 $0x12, v9  }
0xa7: {  	[tilespmem:v12+s15+$0x0] =	vst.idx.msk vm0, v7;
	v12 =	vor.u32 $0x13, v9  }
0xa8: {  	[tilespmem:v13+s15+$0x0] =	vst.idx.msk vm0, v7;
	v13 =	vor.u32 $0x14, v9  }
0xa9: {  	v14 =	vor.u32 $0x15, v9;
	[tilespmem:v8+s15+$0x0] =	vst.idx.msk vm0, v7  }
0xaa: {  	[tilespmem:v10+s15+$0x0] =	vst.idx.msk vm0, v7;
	v10 =	vor.u32 $0x16, v9  }
0xab: {  	[tilespmem:v11+s15+$0x0] =	vst.idx.msk vm0, v7;
	v11 =	vor.u32 $0x17, v9  }
0xac: {  	[tilespmem:v12+s15+$0x0] =	vst.idx.msk vm0, v7;
	v12 =	vor.u32 $0x18, v9  }
0xad: {  	v8 =	vor.u32 s1, v6;
	[tilespmem:v13+s15+$0x0] =	vst.idx.msk vm0, v7;
	v13 =	vor.u32 $0x19, v9  }
0xae: {  	v15 =	vadd.s32 v0, v8;
	[tilespmem:v14+s15+$0x0] =	vst.idx.msk vm0, v7;
	v14 =	vor.u32 $0x1A, v9  }
0xaf: {  	v17 =	vor.u32 $0x1B, v9;
	v16 =	vmulhi.u32 $0x51EB851F, v15;
	[tilespmem:v10+s15+$0x0] =	vst.idx.msk vm0, v7  }
0xb0: {  	v18 =	vor.u32 $0x1C, v9;
	[tilespmem:v11+s15+$0x0] =	vst.idx.msk vm0, v7  }
0xb1: {  	v10 =	vshrl.u32 v16, $0x4;
	[tilespmem:v12+s15+$0x0] =	vst.idx.msk vm0, v7;
	v12 =	vor.u32 $0x1D, v9  }
0xb2: {  	v11 =	vmul.u32 $0xFFFFFFCE, v10;
	v16 =	vsub.s32 v10, v1;
	[tilespmem:v13+s15+$0x0] =	vst.idx.msk vm0, v7;
	v13 =	vor.u32 $0x1E, v9  }
.Ltmp0:
0xb3: {  	v19 =	vand.u32 $0x7, v10;
	v10 =	vor.u32 $0x1F, v9;
	v16 =	vand.u32 $0xFFFFFFF8, v16;
	[tilespmem:v14+s15+$0x0] =	vst.idx.msk vm0, v7;
	(pc) =	sbr.rel @p0 .LBB2_2-.Ltmp0, $4  }
0xb4: {  	v9 =	vadd.s32 v15, v11;
	v11 =	vor.u32 v19, v16;
	[tilespmem:v17+s15+$0x0] =	vst.idx.msk vm0, v7  }
0xb5: {  	[tilespmem:v18+s15+$0x0] =	vst.idx.msk vm0, v7  }
0xb6: {  	[tilespmem:v12+s15+$0x0] =	vst.idx.msk vm0, v7  }
0xb7: {  	[tilespmem:v13+s15+$0x0] =	vst.idx.msk vm0, v7  }
0xb8: {  	_ =	sdelay $0x4  }
0xb9: {  	[tilespmem:v10+s15+$0x0] =	vst.idx.msk vm0, v7  }
0xba: {  	v10 =	vld.idx.msk [tilespmem:v11+s13+$0x0], $0xffff;
	_ =	sdelay $0x4  }
0xbb: {  	vm0 =	vge.s32 v9, v10  }
0xbc: {  	v8 =	vshll.u32 v8, $0x5  }
0xbd: {  	v9 =	vor.u32 $0x1, v8  }
0xbe: {  	v10 =	vor.u32 $0x2, v8  }
0xbf: {  	v11 =	vor.u32 $0x3, v8  }
0xc0: {  	v12 =	vor.u32 $0x4, v8  }
0xc1: {  	v13 =	vor.u32 $0x5, v8;
	[tilespmem:v8+s15+$0x0] =	vst.idx.msk vm0, v7  }
0xc2: {  	[tilespmem:v9+s15+$0x0] =	vst.idx.msk vm0, v7;
	v9 =	vor.u32 $0x6, v8  }
0xc3: {  	[tilespmem:v10+s15+$0x0] =	vst.idx.msk vm0, v7;
	v10 =	vor.u32 $0x7, v8  }
0xc4: {  	[tilespmem:v11+s15+$0x0] =	vst.idx.msk vm0, v7;
	v11 =	vor.u32 $0x8, v8  }
0xc5: {  	v39 =	vor.u32 $0x9, v8;
	[tilespmem:v12+s15+$0x0] =	vst.idx.msk vm0, v7  }
0xc6: {  	v40 =	vor.u32 $0xA, v8;
	[tilespmem:v13+s15+$0x0] =	vst.idx.msk vm0, v7  }
0xc7: {  	[tilespmem:v9+s15+$0x0] =	vst.idx.msk vm0, v7;
	v9 =	vor.u32 $0xB, v8  }
0xc8: {  	[tilespmem:v10+s15+$0x0] =	vst.idx.msk vm0, v7;
	v10 =	vor.u32 $0xC, v8  }
0xc9: {  	[tilespmem:v11+s15+$0x0] =	vst.idx.msk vm0, v7;
	v11 =	vor.u32 $0xD, v8  }
0xca: {  	v41 =	vor.u32 $0xE, v8;
	[tilespmem:v39+s15+$0x0] =	vst.idx.msk vm0, v7  }
0xcb: {  	v42 =	vor.u32 $0xF, v8;
	[tilespmem:v40+s15+$0x0] =	vst.idx.msk vm0, v7  }
0xcc: {  	[tilespmem:v9+s15+$0x0] =	vst.idx.msk vm0, v7;
	v9 =	vor.u32 $0x10, v8  }
0xcd: {  	[tilespmem:v10+s15+$0x0] =	vst.idx.msk vm0, v7;
	v10 =	vor.u32 $0x11, v8  }
0xce: {  	[tilespmem:v11+s15+$0x0] =	vst.idx.msk vm0, v7;
	v11 =	vor.u32 $0x12, v8  }
0xcf: {  	v43 =	vor.u32 $0x13, v8;
	[tilespmem:v41+s15+$0x0] =	vst.idx.msk vm0, v7  }
0xd0: {  	v44 =	vor.u32 $0x14, v8;
	[tilespmem:v42+s15+$0x0] =	vst.idx.msk vm0, v7  }
0xd1: {  	[tilespmem:v9+s15+$0x0] =	vst.idx.msk vm0, v7;
	v9 =	vor.u32 $0x15, v8  }
0xd2: {  	[tilespmem:v10+s15+$0x0] =	vst.idx.msk vm0, v7;
	v10 =	vor.u32 $0x16, v8  }
0xd3: {  	[tilespmem:v11+s15+$0x0] =	vst.idx.msk vm0, v7;
	v11 =	vor.u32 $0x17, v8  }
0xd4: {  	v45 =	vor.u32 $0x18, v8;
	[tilespmem:v43+s15+$0x0] =	vst.idx.msk vm0, v7  }
0xd5: {  	v46 =	vor.u32 $0x19, v8;
	[tilespmem:v44+s15+$0x0] =	vst.idx.msk vm0, v7  }
0xd6: {  	[tilespmem:v9+s15+$0x0] =	vst.idx.msk vm0, v7;
	v9 =	vor.u32 $0x1A, v8  }
0xd7: {  	[tilespmem:v10+s15+$0x0] =	vst.idx.msk vm0, v7;
	v10 =	vor.u32 $0x1B, v8  }
0xd8: {  	[tilespmem:v11+s15+$0x0] =	vst.idx.msk vm0, v7;
	v11 =	vor.u32 $0x1C, v8  }
0xd9: {  	v47 =	vor.u32 $0x1D, v8;
	[tilespmem:v45+s15+$0x0] =	vst.idx.msk vm0, v7  }
0xda: {  	v48 =	vor.u32 $0x1E, v8;
	[tilespmem:v46+s15+$0x0] =	vst.idx.msk vm0, v7  }
0xdb: {  	v8 =	vor.u32 $0x1F, v8;
	[tilespmem:v9+s15+$0x0] =	vst.idx.msk vm0, v7  }
0xdc: {  	[tilespmem:v10+s15+$0x0] =	vst.idx.msk vm0, v7  }
0xdd: {  	[tilespmem:v11+s15+$0x0] =	vst.idx.msk vm0, v7  }
0xde: {  	[tilespmem:v47+s15+$0x0] =	vst.idx.msk vm0, v7  }
0xdf: {  	[tilespmem:v48+s15+$0x0] =	vst.idx.msk vm0, v7  }
0xe0: {  	s1 =	simm.s32 $0x0;
	[tilespmem:v8+s15+$0x0] =	vst.idx.msk vm0, v7  }
0xe1: {  	[hbm4b:s28+s1] =	stream.linear.scatter [tilespmem:s15], [sflag:$0x3], $0xA000, $0x38;
	[tilespmem:$0x15980] =	vst v63  }
0xe2: {  	_ =	swait.ge [sflag:s7], $0xA000  }
0xe3: {  	[sflag:s7] =	ssyncset.done $0x0  }
0xe4: {  	s10 =	simm.s32 $0xA00;
	[sflag:s7] =	ssyncadd.s32 $0xFFFF6000  }
0xe5: {  	[tilespmem:s15], [sflag:$0x1] =	stream.indirect.gather [hbm4b:s3+s14], $0x20, s10, s14, $0xb8;
	[tilespmem:$0x15980] =	vst v63  }
0xe6: {  	s30 =	simm.s32 $0xA80  }
0xe7: {  	[tilespmem:s16], [sflag:$0x1] =	stream.indirect.gather [hbm4b:s3+s14], $0x20, s30, s14, $0xb8;
	[tilespmem:$0x15980] =	vst v63  }
0xe8: {  	s30 =	simm.s32 $0xB00  }
0xe9: {  	[tilespmem:s18], [sflag:$0x1] =	stream.indirect.gather [hbm4b:s3+s14], $0x20, s30, s14, $0xb8;
	[tilespmem:$0x15980] =	vst v63  }
0xea: {  	s30 =	simm.s32 $0xB80  }
0xeb: {  	[tilespmem:s20], [sflag:$0x1] =	stream.indirect.gather [hbm4b:s3+s14], $0x20, s30, s14, $0xb8;
	[tilespmem:$0x15980] =	vst v63  }
0xec: {  	s30 =	simm.s32 $0xC00  }
0xed: {  	[tilespmem:s22], [sflag:$0x1] =	stream.indirect.gather [hbm4b:s3+s14], $0x20, s30, s14, $0xb8;
	[tilespmem:$0x15980] =	vst v63  }
0xee: {  	s30 =	simm.s32 $0xC80  }
0xef: {  	[tilespmem:s24], [sflag:$0x1] =	stream.indirect.gather [hbm4b:s3+s14], $0x20, s30, s14, $0xb8;
	[tilespmem:$0x15980] =	vst v63  }
0xf0: {  	s30 =	simm.s32 $0xD00  }
0xf1: {  	[tilespmem:s26], [sflag:$0x1] =	stream.indirect.gather [hbm4b:s3+s14], $0x20, s30, s14, $0xb8;
	[tilespmem:$0x15980] =	vst v63  }
0xf2: {  	s30 =	simm.s32 $0xD80  }
0xf3: {  	[tilespmem:s29], [sflag:$0x1] =	stream.indirect.gather [hbm4b:s3+s14], $0x20, s30, s14, $0xb8;
	[tilespmem:$0x15980] =	vst v63  }
0xf4: {  	s30 =	simm.s32 $0xE00  }
0xf5: {  	[tilespmem:s31], [sflag:$0x1] =	stream.indirect.gather [hbm4b:s3+s14], $0x20, s30, s14, $0xb8;
	[tilespmem:$0x15980] =	vst v63  }
0xf6: {  	s30 =	simm.s32 $0xE80  }
0xf7: {  	[tilespmem:s0], [sflag:$0x1] =	stream.indirect.gather [hbm4b:s3+s14], $0x20, s30, s14, $0xb8;
	[tilespmem:$0x15980] =	vst v63  }
0xf8: {  	_ =	swait.ge [sflag:s8], $0x1000  }
0xf9: {  	[sflag:s8] =	ssyncset.done $0x0  }
0xfa: {  	[sflag:s8] =	ssyncadd.s32 $0xFFFFF000  }
0xfb: {  	_ =	swait.ge [sflag:s8], $0x1000  }
0xfc: {  	[sflag:s8] =	ssyncset.done $0x0  }
0xfd: {  	[sflag:s8] =	ssyncadd.s32 $0xFFFFF000  }
0xfe: {  	_ =	swait.ge [sflag:s8], $0x1000  }
0xff: {  	[sflag:s8] =	ssyncset.done $0x0  }
0x100: {  	[sflag:s8] =	ssyncadd.s32 $0xFFFFF000  }
0x101: {  	_ =	swait.ge [sflag:s8], $0x1000  }
0x102: {  	[sflag:s8] =	ssyncset.done $0x0  }
0x103: {  	[sflag:s8] =	ssyncadd.s32 $0xFFFFF000  }
0x104: {  	_ =	swait.ge [sflag:s8], $0x1000  }
0x105: {  	[sflag:s8] =	ssyncset.done $0x0  }
0x106: {  	[sflag:s8] =	ssyncadd.s32 $0xFFFFF000  }
0x107: {  	_ =	swait.ge [sflag:s8], $0x1000  }
0x108: {  	[sflag:s8] =	ssyncset.done $0x0  }
0x109: {  	[sflag:s8] =	ssyncadd.s32 $0xFFFFF000  }
0x10a: {  	v8 =	vor.u32 s1, v6;
	_ =	swait.ge [sflag:s8], $0x1000  }
0x10b: {  	v9 =	vadd.s32 v2, v8;
	[sflag:s8] =	ssyncset.done $0x0  }
0x10c: {  	v10 =	vmulhi.u32 $0x51EB851F, v9;
	[sflag:s8] =	ssyncadd.s32 $0xFFFFF000  }
0x10d: {  	_ =	swait.ge [sflag:s8], $0x1000  }
0x10e: {  	v10 =	vshrl.u32 v10, $0x4;
	[sflag:s8] =	ssyncset.done $0x0  }
0x10f: {  	v11 =	vsub.s32 v10, v1;
	[sflag:s8] =	ssyncadd.s32 $0xFFFFF000  }
0x110: {  	v49 =	vand.u32 $0x7, v10;
	v11 =	vand.u32 $0xFFFFFFF8, v11;
	_ =	swait.ge [sflag:s8], $0x1000  }
0x111: {  	v11 =	vor.u32 v49, v11;
	[sflag:s8] =	ssyncset.done $0x0  }
0x112: {  	[sflag:s8] =	ssyncadd.s32 $0xFFFFF000  }
0x113: {  	_ =	swait.ge [sflag:s8], $0x1000  }
0x114: {  	[sflag:s8] =	ssyncset.done $0x0  }
0x115: {  	[sflag:s8] =	ssyncadd.s32 $0xFFFFF000  }
0x116: {  	v11 =	vld.idx.msk [tilespmem:v11+s13+$0x0], $0xffff;
	_ =	sdelay $0x1  }
0x117: {  	v10 =	vmul.u32 $0xFFFFFFCE, v10;
	_ =	sdelay $0x1  }
0x118: {  	v9 =	vadd.s32 v9, v10  }
0x119: {  	v10 =	vshll.u32 v8, $0x5;
	vm0 =	vge.s32 v9, v11  }
0x11a: {  	v8 =	vadd.s32 $0xA000, v10  }
0x11b: {  	v9 =	vadd.s32 $0xA001, v10  }
0x11c: {  	v11 =	vadd.s32 $0xA002, v10  }
0x11d: {  	v50 =	vadd.s32 $0xA003, v10  }
0x11e: {  	v51 =	vadd.s32 $0xA004, v10  }
0x11f: {  	[tilespmem:v8+s15+$0x0] =	vst.idx.msk vm0, v7;
	v8 =	vadd.s32 $0xA005, v10  }
0x120: {  	[tilespmem:v9+s15+$0x0] =	vst.idx.msk vm0, v7;
	v9 =	vadd.s32 $0xA006, v10  }
0x121: {  	[tilespmem:v11+s15+$0x0] =	vst.idx.msk vm0, v7;
	v11 =	vadd.s32 $0xA007, v10  }
0x122: {  	v52 =	vadd.s32 $0xA008, v10;
	[tilespmem:v50+s15+$0x0] =	vst.idx.msk vm0, v7  }
0x123: {  	v53 =	vadd.s32 $0xA009, v10;
	[tilespmem:v51+s15+$0x0] =	vst.idx.msk vm0, v7  }
0x124: {  	[tilespmem:v8+s15+$0x0] =	vst.idx.msk vm0, v7;
	v8 =	vadd.s32 $0xA00A, v10  }
0x125: {  	[tilespmem:v9+s15+$0x0] =	vst.idx.msk vm0, v7;
	v9 =	vadd.s32 $0xA00B, v10  }
0x126: {  	[tilespmem:v11+s15+$0x0] =	vst.idx.msk vm0, v7;
	v11 =	vadd.s32 $0xA00C, v10  }
0x127: {  	v54 =	vadd.s32 $0xA00D, v10;
	[tilespmem:v52+s15+$0x0] =	vst.idx.msk vm0, v7  }
0x128: {  	v55 =	vadd.s32 $0xA00E, v10;
	[tilespmem:v53+s15+$0x0] =	vst.idx.msk vm0, v7  }
0x129: {  	[tilespmem:v8+s15+$0x0] =	vst.idx.msk vm0, v7;
	v8 =	vadd.s32 $0xA00F, v10  }
0x12a: {  	[tilespmem:v9+s15+$0x0] =	vst.idx.msk vm0, v7;
	v9 =	vadd.s32 $0xA010, v10  }
0x12b: {  	[tilespmem:v11+s15+$0x0] =	vst.idx.msk vm0, v7;
	v11 =	vadd.s32 $0xA011, v10  }
0x12c: {  	v56 =	vadd.s32 $0xA012, v10;
	[tilespmem:v54+s15+$0x0] =	vst.idx.msk vm0, v7  }
0x12d: {  	v57 =	vadd.s32 $0xA013, v10;
	[tilespmem:v55+s15+$0x0] =	vst.idx.msk vm0, v7  }
0x12e: {  	[tilespmem:v8+s15+$0x0] =	vst.idx.msk vm0, v7;
	v8 =	vadd.s32 $0xA014, v10  }
0x12f: {  	[tilespmem:v9+s15+$0x0] =	vst.idx.msk vm0, v7;
	v9 =	vadd.s32 $0xA015, v10  }
0x130: {  	[tilespmem:v11+s15+$0x0] =	vst.idx.msk vm0, v7;
	v11 =	vadd.s32 $0xA016, v10  }
0x131: {  	v58 =	vadd.s32 $0xA017, v10;
	[tilespmem:v56+s15+$0x0] =	vst.idx.msk vm0, v7  }
0x132: {  	v59 =	vadd.s32 $0xA018, v10;
	[tilespmem:v57+s15+$0x0] =	vst.idx.msk vm0, v7  }
0x133: {  	[tilespmem:v8+s15+$0x0] =	vst.idx.msk vm0, v7;
	v8 =	vadd.s32 $0xA019, v10  }
0x134: {  	s30 =	simm.s32 $0x10;
	[tilespmem:v9+s15+$0x0] =	vst.idx.msk vm0, v7;
	v9 =	vadd.s32 $0xA01A, v10  }
0x135: {  	v14 =	vor.u32 s30, v6;
	[tilespmem:v11+s15+$0x0] =	vst.idx.msk vm0, v7;
	v11 =	vadd.s32 $0xA01B, v10  }
0x136: {  	v15 =	vadd.s32 v2, v14;
	[tilespmem:v58+s15+$0x0] =	vst.idx.msk vm0, v7  }
0x137: {  	v16 =	vmulhi.u32 $0x51EB851F, v15;
	[tilespmem:v59+s15+$0x0] =	vst.idx.msk vm0, v7  }
0x138: {  	v60 =	vadd.s32 $0xA01C, v10;
	[tilespmem:v8+s15+$0x0] =	vst.idx.msk vm0, v7  }
0x139: {  	v61 =	vadd.s32 $0xA01D, v10;
	[tilespmem:v9+s15+$0x0] =	vst.idx.msk vm0, v7;
	v9 =	vshrl.u32 v16, $0x4  }
0x13a: {  	v17 =	vadd.s32 $0xA01E, v10;
	[tilespmem:v11+s15+$0x0] =	vst.idx.msk vm0, v7;
	v11 =	vmul.u32 $0xFFFFFFCE, v9;
	v16 =	vsub.s32 v9, v1  }
0x13b: {  	v10 =	vadd.s32 $0xA01F, v10;
	v63 =	vand.u32 $0x7, v9;
	v62 =	vand.u32 $0xFFFFFFF8, v16  }
0x13c: {  	v9 =	vadd.s32 v15, v11;
	v11 =	vor.u32 v63, v62  }
0x13d: {  	[tilespmem:v60+s15+$0x0] =	vst.idx.msk vm0, v7  }
0x13e: {  	[tilespmem:v61+s15+$0x0] =	vst.idx.msk vm0, v7  }
0x13f: {  	s10 =	simm.s32 $0x20;
	v8 =	vshll.u32 v14, $0x5;
	[tilespmem:v17+s15+$0x0] =	vst.idx.msk vm0, v7  }
.LBB2_4:
0x140: {  	p0 =	sne.s32 s10, $0x4F0;
	[tilespmem:v10+s15+$0x0] =	vst.idx.msk vm0, v7;
	s1 =	smov.u32 s10;
	s10 =	sadd.s32 $0x10, s10  }
0x141: {  	v10 =	vld.idx.msk [tilespmem:v11+s13+$0x0], $0xffff;
	_ =	sdelay $0x5  }
0x142: {  	vm0 =	vge.s32 v9, v10  }
0x143: {  	v9 =	vadd.s32 $0xA000, v8  }
0x144: {  	v10 =	vadd.s32 $0xA001, v8  }
0x145: {  	v11 =	vadd.s32 $0xA002, v8  }
0x146: {  	v12 =	vadd.s32 $0xA003, v8  }
0x147: {  	v13 =	vadd.s32 $0xA004, v8  }
0x148: {  	[tilespmem:v9+s15+$0x0] =	vst.idx.msk vm0, v7;
	v9 =	vadd.s32 $0xA005, v8  }
0x149: {  	[tilespmem:v10+s15+$0x0] =	vst.idx.msk vm0, v7;
	v10 =	vadd.s32 $0xA006, v8  }
0x14a: {  	[tilespmem:v11+s15+$0x0] =	vst.idx.msk vm0, v7;
	v11 =	vadd.s32 $0xA007, v8  }
0x14b: {  	[tilespmem:v12+s15+$0x0] =	vst.idx.msk vm0, v7;
	v12 =	vadd.s32 $0xA008, v8  }
0x14c: {  	[tilespmem:v13+s15+$0x0] =	vst.idx.msk vm0, v7;
	v13 =	vadd.s32 $0xA009, v8  }
0x14d: {  	[tilespmem:v9+s15+$0x0] =	vst.idx.msk vm0, v7;
	v9 =	vadd.s32 $0xA00A, v8  }
0x14e: {  	[tilespmem:v10+s15+$0x0] =	vst.idx.msk vm0, v7;
	v10 =	vadd.s32 $0xA00B, v8  }
0x14f: {  	[tilespmem:v11+s15+$0x0] =	vst.idx.msk vm0, v7;
	v11 =	vadd.s32 $0xA00C, v8  }
0x150: {  	[tilespmem:v12+s15+$0x0] =	vst.idx.msk vm0, v7;
	v12 =	vadd.s32 $0xA00D, v8  }
0x151: {  	[tilespmem:v13+s15+$0x0] =	vst.idx.msk vm0, v7;
	v13 =	vadd.s32 $0xA00E, v8  }
0x152: {  	[tilespmem:v9+s15+$0x0] =	vst.idx.msk vm0, v7;
	v9 =	vadd.s32 $0xA00F, v8  }
0x153: {  	[tilespmem:v10+s15+$0x0] =	vst.idx.msk vm0, v7;
	v10 =	vadd.s32 $0xA010, v8  }
0x154: {  	[tilespmem:v11+s15+$0x0] =	vst.idx.msk vm0, v7;
	v11 =	vadd.s32 $0xA011, v8  }
0x155: {  	[tilespmem:v12+s15+$0x0] =	vst.idx.msk vm0, v7;
	v12 =	vadd.s32 $0xA012, v8  }
0x156: {  	[tilespmem:v13+s15+$0x0] =	vst.idx.msk vm0, v7;
	v13 =	vadd.s32 $0xA013, v8  }
0x157: {  	[tilespmem:v9+s15+$0x0] =	vst.idx.msk vm0, v7;
	v9 =	vadd.s32 $0xA014, v8  }
0x158: {  	[tilespmem:v10+s15+$0x0] =	vst.idx.msk vm0, v7;
	v10 =	vadd.s32 $0xA015, v8  }
0x159: {  	[tilespmem:v11+s15+$0x0] =	vst.idx.msk vm0, v7;
	v11 =	vadd.s32 $0xA016, v8  }
0x15a: {  	[tilespmem:v12+s15+$0x0] =	vst.idx.msk vm0, v7;
	v12 =	vadd.s32 $0xA017, v8  }
0x15b: {  	[tilespmem:v13+s15+$0x0] =	vst.idx.msk vm0, v7;
	v13 =	vadd.s32 $0xA018, v8  }
0x15c: {  	v14 =	vor.u32 s1, v6;
	[tilespmem:v9+s15+$0x0] =	vst.idx.msk vm0, v7;
	v9 =	vadd.s32 $0xA019, v8  }
0x15d: {  	v15 =	vadd.s32 v2, v14;
	v14 =	vshll.u32 v14, $0x5;
	[tilespmem:v10+s15+$0x0] =	vst.idx.msk vm0, v7;
	v10 =	vadd.s32 $0xA01A, v8  }
0x15e: {  	v17 =	vadd.s32 $0xA01B, v8;
	v16 =	vmulhi.u32 $0x51EB851F, v15;
	[tilespmem:v11+s15+$0x0] =	vst.idx.msk vm0, v7  }
0x15f: {  	[tilespmem:v12+s15+$0x0] =	vst.idx.msk vm0, v7;
	v12 =	vadd.s32 $0xA01C, v8  }
0x160: {  	v11 =	vshrl.u32 v16, $0x4;
	[tilespmem:v13+s15+$0x0] =	vst.idx.msk vm0, v7;
	v13 =	vadd.s32 $0xA01D, v8  }
0x161: {  	v19 =	vadd.s32 $0xA01E, v8;
	v16 =	vmul.u32 $0xFFFFFFCE, v11;
	v18 =	vsub.s32 v11, v1;
	[tilespmem:v9+s15+$0x0] =	vst.idx.msk vm0, v7  }
.Ltmp1:
0x162: {  	v11 =	vand.u32 $0x7, v11;
	v18 =	vand.u32 $0xFFFFFFF8, v18;
	[tilespmem:v10+s15+$0x0] =	vst.idx.msk vm0, v7;
	v10 =	vadd.s32 $0xA01F, v8;
	v8 =	vmovc v14;
	(pc) =	sbr.rel @p0 .LBB2_4-.Ltmp1, $4  }
0x163: {  	v9 =	vadd.s32 v15, v16;
	v11 =	vor.u32 v11, v18;
	[tilespmem:v17+s15+$0x0] =	vst.idx.msk vm0, v7  }
0x164: {  	[tilespmem:v12+s15+$0x0] =	vst.idx.msk vm0, v7  }
0x165: {  	[tilespmem:v13+s15+$0x0] =	vst.idx.msk vm0, v7  }
0x166: {  	[tilespmem:v19+s15+$0x0] =	vst.idx.msk vm0, v7  }
0x167: {  	_ =	sdelay $0x4  }
0x168: {  	[tilespmem:v10+s15+$0x0] =	vst.idx.msk vm0, v7  }
0x169: {  	v10 =	vld.idx.msk [tilespmem:v11+s13+$0x0], $0xffff;
	_ =	sdelay $0x4  }
0x16a: {  	vm0 =	vge.s32 v9, v10  }
0x16b: {  	v9 =	vadd.s32 $0xA000, v8  }
0x16c: {  	v10 =	vadd.s32 $0xA001, v8  }
0x16d: {  	v11 =	vadd.s32 $0xA002, v8  }
0x16e: {  	v12 =	vadd.s32 $0xA003, v8  }
0x16f: {  	v13 =	vadd.s32 $0xA004, v8  }
0x170: {  	[tilespmem:v9+s15+$0x0] =	vst.idx.msk vm0, v7;
	v9 =	vadd.s32 $0xA005, v8  }
0x171: {  	[tilespmem:v10+s15+$0x0] =	vst.idx.msk vm0, v7;
	v10 =	vadd.s32 $0xA006, v8  }
0x172: {  	[tilespmem:v11+s15+$0x0] =	vst.idx.msk vm0, v7;
	v11 =	vadd.s32 $0xA007, v8  }
0x173: {  	v40 =	vadd.s32 $0xA008, v8;
	[tilespmem:v12+s15+$0x0] =	vst.idx.msk vm0, v7  }
0x174: {  	v41 =	vadd.s32 $0xA009, v8;
	[tilespmem:v13+s15+$0x0] =	vst.idx.msk vm0, v7  }
0x175: {  	[tilespmem:v9+s15+$0x0] =	vst.idx.msk vm0, v7;
	v9 =	vadd.s32 $0xA00A, v8  }
0x176: {  	[tilespmem:v10+s15+$0x0] =	vst.idx.msk vm0, v7;
	v10 =	vadd.s32 $0xA00B, v8  }
0x177: {  	[tilespmem:v11+s15+$0x0] =	vst.idx.msk vm0, v7;
	v11 =	vadd.s32 $0xA00C, v8  }
0x178: {  	v42 =	vadd.s32 $0xA00D, v8;
	[tilespmem:v40+s15+$0x0] =	vst.idx.msk vm0, v7  }
0x179: {  	v43 =	vadd.s32 $0xA00E, v8;
	[tilespmem:v41+s15+$0x0] =	vst.idx.msk vm0, v7  }
0x17a: {  	[tilespmem:v9+s15+$0x0] =	vst.idx.msk vm0, v7;
	v9 =	vadd.s32 $0xA00F, v8  }
0x17b: {  	[tilespmem:v10+s15+$0x0] =	vst.idx.msk vm0, v7;
	v10 =	vadd.s32 $0xA010, v8  }
0x17c: {  	[tilespmem:v11+s15+$0x0] =	vst.idx.msk vm0, v7;
	v11 =	vadd.s32 $0xA011, v8  }
0x17d: {  	v44 =	vadd.s32 $0xA012, v8;
	[tilespmem:v42+s15+$0x0] =	vst.idx.msk vm0, v7  }
0x17e: {  	v45 =	vadd.s32 $0xA013, v8;
	[tilespmem:v43+s15+$0x0] =	vst.idx.msk vm0, v7  }
0x17f: {  	[tilespmem:v9+s15+$0x0] =	vst.idx.msk vm0, v7;
	v9 =	vadd.s32 $0xA014, v8  }
0x180: {  	[tilespmem:v10+s15+$0x0] =	vst.idx.msk vm0, v7;
	v10 =	vadd.s32 $0xA015, v8  }
0x181: {  	[tilespmem:v11+s15+$0x0] =	vst.idx.msk vm0, v7;
	v11 =	vadd.s32 $0xA016, v8  }
0x182: {  	v46 =	vadd.s32 $0xA017, v8;
	[tilespmem:v44+s15+$0x0] =	vst.idx.msk vm0, v7  }
0x183: {  	v47 =	vadd.s32 $0xA018, v8;
	[tilespmem:v45+s15+$0x0] =	vst.idx.msk vm0, v7  }
0x184: {  	[tilespmem:v9+s15+$0x0] =	vst.idx.msk vm0, v7;
	v9 =	vadd.s32 $0xA019, v8  }
0x185: {  	[tilespmem:v10+s15+$0x0] =	vst.idx.msk vm0, v7;
	v10 =	vadd.s32 $0xA01A, v8  }
0x186: {  	[tilespmem:v11+s15+$0x0] =	vst.idx.msk vm0, v7;
	v11 =	vadd.s32 $0xA01B, v8  }
0x187: {  	v48 =	vadd.s32 $0xA01C, v8;
	[tilespmem:v46+s15+$0x0] =	vst.idx.msk vm0, v7  }
0x188: {  	v49 =	vadd.s32 $0xA01D, v8;
	[tilespmem:v47+s15+$0x0] =	vst.idx.msk vm0, v7  }
0x189: {  	[tilespmem:v9+s15+$0x0] =	vst.idx.msk vm0, v7;
	v9 =	vadd.s32 $0xA01E, v8  }
0x18a: {  	v8 =	vadd.s32 $0xA01F, v8;
	[tilespmem:v10+s15+$0x0] =	vst.idx.msk vm0, v7  }
0x18b: {  	[tilespmem:v11+s15+$0x0] =	vst.idx.msk vm0, v7  }
0x18c: {  	[tilespmem:v48+s15+$0x0] =	vst.idx.msk vm0, v7  }
0x18d: {  	[tilespmem:v49+s15+$0x0] =	vst.idx.msk vm0, v7  }
0x18e: {  	[tilespmem:v9+s15+$0x0] =	vst.idx.msk vm0, v7  }
0x18f: {  	s1 =	simm.s32 $0x0;
	s10 =	rddreg [dreg:$0x4];
	[tilespmem:v8+s15+$0x0] =	vst.idx.msk vm0, v7  }
0x190: {  	[hbm4b:s10+s1] =	stream.linear.scatter [tilespmem:s19], [sflag:$0x4], $0xA000, $0x38;
	[tilespmem:$0x15980] =	vst v63  }
0x191: {  	_ =	swait.ge [sflag:s9], $0xA000  }
0x192: {  	[sflag:s9] =	ssyncset.done $0x0  }
0x193: {  	s10 =	simm.s32 $0xF00;
	[sflag:s9] =	ssyncadd.s32 $0xFFFF6000  }
0x194: {  	[tilespmem:s19], [sflag:$0x2] =	stream.indirect.gather [hbm4b:s3+s14], $0x20, s10, s14, $0xb8;
	[tilespmem:$0x15980] =	vst v63  }
0x195: {  	s30 =	simm.s32 $0xF80;
	s10 =	simm.s32 $0xC980  }
0x196: {  	[tilespmem:s10], [sflag:$0x2] =	stream.indirect.gather [hbm4b:s3+s14], $0x20, s30, s14, $0xb8;
	[tilespmem:$0x15980] =	vst v63  }
0x197: {  	s10 =	simm.s32 $0xD980;
	s30 =	simm.s32 $0x1000  }
0x198: {  	[tilespmem:s10], [sflag:$0x2] =	stream.indirect.gather [hbm4b:s3+s14], $0x20, s30, s14, $0xb8;
	[tilespmem:$0x15980] =	vst v63  }
0x199: {  	s10 =	simm.s32 $0xE980;
	s30 =	simm.s32 $0x1080  }
0x19a: {  	[tilespmem:s10], [sflag:$0x2] =	stream.indirect.gather [hbm4b:s3+s14], $0x20, s30, s14, $0xb8;
	[tilespmem:$0x15980] =	vst v63  }
0x19b: {  	s10 =	simm.s32 $0xF980;
	s30 =	simm.s32 $0x1100  }
0x19c: {  	[tilespmem:s10], [sflag:$0x2] =	stream.indirect.gather [hbm4b:s3+s14], $0x20, s30, s14, $0xb8;
	[tilespmem:$0x15980] =	vst v63  }
0x19d: {  	s30 =	simm.s32 $0x10980;
	s10 =	simm.s32 $0x1180  }
0x19e: {  	[tilespmem:s30], [sflag:$0x2] =	stream.indirect.gather [hbm4b:s3+s14], $0x20, s10, s14, $0xb8;
	[tilespmem:$0x15980] =	vst v63  }
0x19f: {  	s10 =	simm.s32 $0x1200  }
0x1a0: {  	[tilespmem:s25], [sflag:$0x2] =	stream.indirect.gather [hbm4b:s3+s14], $0x20, s10, s14, $0xb8;
	[tilespmem:$0x15980] =	vst v63  }
0x1a1: {  	s10 =	simm.s32 $0x1280  }
0x1a2: {  	[tilespmem:s17], [sflag:$0x2] =	stream.indirect.gather [hbm4b:s3+s14], $0x20, s10, s14, $0xb8;
	[tilespmem:$0x15980] =	vst v63  }
0x1a3: {  	s10 =	simm.s32 $0x1300  }
0x1a4: {  	[tilespmem:s4], [sflag:$0x2] =	stream.indirect.gather [hbm4b:s3+s14], $0x20, s10, s14, $0xb8;
	[tilespmem:$0x15980] =	vst v63  }
0x1a5: {  	s10 =	simm.s32 $0x1380  }
0x1a6: {  	[tilespmem:s5], [sflag:$0x2] =	stream.indirect.gather [hbm4b:s3+s14], $0x20, s10, s14, $0xb8;
	[tilespmem:$0x15980] =	vst v63  }
0x1a7: {  	_ =	swait.ge [sflag:s6], $0x1000  }
0x1a8: {  	[sflag:s6] =	ssyncset.done $0x0  }
0x1a9: {  	[sflag:s6] =	ssyncadd.s32 $0xFFFFF000  }
0x1aa: {  	_ =	swait.ge [sflag:s6], $0x1000  }
0x1ab: {  	[sflag:s6] =	ssyncset.done $0x0  }
0x1ac: {  	[sflag:s6] =	ssyncadd.s32 $0xFFFFF000  }
0x1ad: {  	_ =	swait.ge [sflag:s6], $0x1000  }
0x1ae: {  	[sflag:s6] =	ssyncset.done $0x0  }
0x1af: {  	[sflag:s6] =	ssyncadd.s32 $0xFFFFF000  }
0x1b0: {  	_ =	swait.ge [sflag:s6], $0x1000  }
0x1b1: {  	[sflag:s6] =	ssyncset.done $0x0  }
0x1b2: {  	[sflag:s6] =	ssyncadd.s32 $0xFFFFF000  }
0x1b3: {  	_ =	swait.ge [sflag:s6], $0x1000  }
0x1b4: {  	[sflag:s6] =	ssyncset.done $0x0  }
0x1b5: {  	[sflag:s6] =	ssyncadd.s32 $0xFFFFF000  }
0x1b6: {  	_ =	swait.ge [sflag:s6], $0x1000  }
0x1b7: {  	[sflag:s6] =	ssyncset.done $0x0  }
0x1b8: {  	[sflag:s6] =	ssyncadd.s32 $0xFFFFF000  }
0x1b9: {  	v8 =	vor.u32 s1, v6;
	_ =	swait.ge [sflag:s6], $0x1000  }
0x1ba: {  	v9 =	vadd.s32 v3, v8;
	[sflag:s6] =	ssyncset.done $0x0  }
0x1bb: {  	v10 =	vmulhi.u32 $0x51EB851F, v9;
	[sflag:s6] =	ssyncadd.s32 $0xFFFFF000  }
0x1bc: {  	_ =	swait.ge [sflag:s6], $0x1000  }
0x1bd: {  	v10 =	vshrl.u32 v10, $0x4;
	[sflag:s6] =	ssyncset.done $0x0  }
0x1be: {  	v11 =	vsub.s32 v10, v1;
	[sflag:s6] =	ssyncadd.s32 $0xFFFFF000  }
0x1bf: {  	v50 =	vand.u32 $0x7, v10;
	v11 =	vand.u32 $0xFFFFFFF8, v11;
	_ =	swait.ge [sflag:s6], $0x1000  }
0x1c0: {  	v11 =	vor.u32 v50, v11;
	[sflag:s6] =	ssyncset.done $0x0  }
0x1c1: {  	[sflag:s6] =	ssyncadd.s32 $0xFFFFF000  }
0x1c2: {  	_ =	swait.ge [sflag:s6], $0x1000  }
0x1c3: {  	[sflag:s6] =	ssyncset.done $0x0  }
0x1c4: {  	[sflag:s6] =	ssyncadd.s32 $0xFFFFF000  }
0x1c5: {  	v11 =	vld.idx.msk [tilespmem:v11+s13+$0x0], $0xffff;
	_ =	sdelay $0x1  }
0x1c6: {  	v10 =	vmul.u32 $0xFFFFFFCE, v10;
	_ =	sdelay $0x1  }
0x1c7: {  	v9 =	vadd.s32 v9, v10  }
0x1c8: {  	vm0 =	vge.s32 v9, v11  }
0x1c9: {  	v9 =	vshll.u32 v8, $0x5  }
0x1ca: {  	v8 =	vor.u32 $0x1, v9  }
0x1cb: {  	v10 =	vor.u32 $0x2, v9  }
0x1cc: {  	v11 =	vor.u32 $0x3, v9  }
0x1cd: {  	v51 =	vor.u32 $0x4, v9  }
0x1ce: {  	v52 =	vor.u32 $0x5, v9;
	[tilespmem:v9+s15+$0x0] =	vst.idx.msk vm0, v7  }
0x1cf: {  	[tilespmem:v8+s15+$0x0] =	vst.idx.msk vm0, v7;
	v8 =	vor.u32 $0x6, v9  }
0x1d0: {  	[tilespmem:v10+s15+$0x0] =	vst.idx.msk vm0, v7;
	v10 =	vor.u32 $0x7, v9  }
0x1d1: {  	[tilespmem:v11+s15+$0x0] =	vst.idx.msk vm0, v7;
	v11 =	vor.u32 $0x8, v9  }
0x1d2: {  	v53 =	vor.u32 $0x9, v9;
	[tilespmem:v51+s15+$0x0] =	vst.idx.msk vm0, v7  }
0x1d3: {  	v54 =	vor.u32 $0xA, v9;
	[tilespmem:v52+s15+$0x0] =	vst.idx.msk vm0, v7  }
0x1d4: {  	[tilespmem:v8+s15+$0x0] =	vst.idx.msk vm0, v7;
	v8 =	vor.u32 $0xB, v9  }
0x1d5: {  	[tilespmem:v10+s15+$0x0] =	vst.idx.msk vm0, v7;
	v10 =	vor.u32 $0xC, v9  }
0x1d6: {  	[tilespmem:v11+s15+$0x0] =	vst.idx.msk vm0, v7;
	v11 =	vor.u32 $0xD, v9  }
0x1d7: {  	v55 =	vor.u32 $0xE, v9;
	[tilespmem:v53+s15+$0x0] =	vst.idx.msk vm0, v7  }
0x1d8: {  	v56 =	vor.u32 $0xF, v9;
	[tilespmem:v54+s15+$0x0] =	vst.idx.msk vm0, v7  }
0x1d9: {  	[tilespmem:v8+s15+$0x0] =	vst.idx.msk vm0, v7;
	v8 =	vor.u32 $0x10, v9  }
0x1da: {  	[tilespmem:v10+s15+$0x0] =	vst.idx.msk vm0, v7;
	v10 =	vor.u32 $0x11, v9  }
0x1db: {  	[tilespmem:v11+s15+$0x0] =	vst.idx.msk vm0, v7;
	v11 =	vor.u32 $0x12, v9  }
0x1dc: {  	v57 =	vor.u32 $0x13, v9;
	[tilespmem:v55+s15+$0x0] =	vst.idx.msk vm0, v7  }
0x1dd: {  	v58 =	vor.u32 $0x14, v9;
	[tilespmem:v56+s15+$0x0] =	vst.idx.msk vm0, v7  }
0x1de: {  	[tilespmem:v8+s15+$0x0] =	vst.idx.msk vm0, v7;
	v8 =	vor.u32 $0x15, v9  }
0x1df: {  	[tilespmem:v10+s15+$0x0] =	vst.idx.msk vm0, v7;
	v10 =	vor.u32 $0x16, v9  }
0x1e0: {  	[tilespmem:v11+s15+$0x0] =	vst.idx.msk vm0, v7;
	v11 =	vor.u32 $0x17, v9  }
0x1e1: {  	v59 =	vor.u32 $0x18, v9;
	[tilespmem:v57+s15+$0x0] =	vst.idx.msk vm0, v7  }
0x1e2: {  	v60 =	vor.u32 $0x19, v9;
	[tilespmem:v58+s15+$0x0] =	vst.idx.msk vm0, v7  }
0x1e3: {  	s10 =	simm.s32 $0x10;
	v14 =	vor.u32 $0x1A, v9;
	[tilespmem:v8+s15+$0x0] =	vst.idx.msk vm0, v7  }
0x1e4: {  	v8 =	vor.u32 s10, v6;
	[tilespmem:v10+s15+$0x0] =	vst.idx.msk vm0, v7;
	v10 =	vor.u32 $0x1B, v9  }
0x1e5: {  	v15 =	vadd.s32 v3, v8;
	[tilespmem:v11+s15+$0x0] =	vst.idx.msk vm0, v7;
	v11 =	vor.u32 $0x1C, v9  }
0x1e6: {  	v16 =	vmulhi.u32 $0x51EB851F, v15;
	[tilespmem:v59+s15+$0x0] =	vst.idx.msk vm0, v7  }
0x1e7: {  	[tilespmem:v60+s15+$0x0] =	vst.idx.msk vm0, v7  }
0x1e8: {  	v61 =	vor.u32 $0x1D, v9;
	v63 =	vshrl.u32 v16, $0x4;
	[tilespmem:v14+s15+$0x0] =	vst.idx.msk vm0, v7  }
0x1e9: {  	v62 =	vor.u32 $0x1E, v9;
	[tilespmem:v10+s15+$0x0] =	vst.idx.msk vm0, v7;
	v10 =	vsub.s32 v63, v1  }
0x1ea: {  	v14 =	vand.u32 $0x7, v63;
	[tilespmem:v11+s15+$0x0] =	vst.idx.msk vm0, v7;
	v11 =	vand.u32 $0xFFFFFFF8, v10;
	v10 =	vor.u32 $0x1F, v9  }
0x1eb: {  	v11 =	vor.u32 v14, v11  }
0x1ec: {  	v16 =	vmul.u32 $0xFFFFFFCE, v63  }
0x1ed: {  	[tilespmem:v61+s15+$0x0] =	vst.idx.msk vm0, v7  }
0x1ee: {  	s10 =	simm.s32 $0x20;
	v9 =	vadd.s32 v15, v16;
	[tilespmem:v62+s15+$0x0] =	vst.idx.msk vm0, v7  }
.LBB2_6:
0x1ef: {  	p0 =	sne.s32 s10, $0x4F0;
	[tilespmem:v10+s15+$0x0] =	vst.idx.msk vm0, v7;
	s1 =	smov.u32 s10;
	s10 =	sadd.s32 $0x10, s10  }
0x1f0: {  	v10 =	vld.idx.msk [tilespmem:v11+s13+$0x0], $0xffff;
	_ =	sdelay $0x5  }
0x1f1: {  	vm0 =	vge.s32 v9, v10  }
0x1f2: {  	v9 =	vshll.u32 v8, $0x5  }
0x1f3: {  	v8 =	vor.u32 $0x1, v9  }
0x1f4: {  	v10 =	vor.u32 $0x2, v9  }
0x1f5: {  	v11 =	vor.u32 $0x3, v9  }
0x1f6: {  	v12 =	vor.u32 $0x4, v9  }
0x1f7: {  	v13 =	vor.u32 $0x5, v9;
	[tilespmem:v9+s15+$0x0] =	vst.idx.msk vm0, v7  }
0x1f8: {  	[tilespmem:v8+s15+$0x0] =	vst.idx.msk vm0, v7;
	v8 =	vor.u32 $0x6, v9  }
0x1f9: {  	[tilespmem:v10+s15+$0x0] =	vst.idx.msk vm0, v7;
	v10 =	vor.u32 $0x7, v9  }
0x1fa: {  	[tilespmem:v11+s15+$0x0] =	vst.idx.msk vm0, v7;
	v11 =	vor.u32 $0x8, v9  }
0x1fb: {  	[tilespmem:v12+s15+$0x0] =	vst.idx.msk vm0, v7;
	v12 =	vor.u32 $0x9, v9  }
0x1fc: {  	[tilespmem:v13+s15+$0x0] =	vst.idx.msk vm0, v7;
	v13 =	vor.u32 $0xA, v9  }
0x1fd: {  	[tilespmem:v8+s15+$0x0] =	vst.idx.msk vm0, v7;
	v8 =	vor.u32 $0xB, v9  }
0x1fe: {  	[tilespmem:v10+s15+$0x0] =	vst.idx.msk vm0, v7;
	v10 =	vor.u32 $0xC, v9  }
0x1ff: {  	[tilespmem:v11+s15+$0x0] =	vst.idx.msk vm0, v7;
	v11 =	vor.u32 $0xD, v9  }
0x200: {  	[tilespmem:v12+s15+$0x0] =	vst.idx.msk vm0, v7;
	v12 =	vor.u32 $0xE, v9  }
0x201: {  	[tilespmem:v13+s15+$0x0] =	vst.idx.msk vm0, v7;
	v13 =	vor.u32 $0xF, v9  }
0x202: {  	[tilespmem:v8+s15+$0x0] =	vst.idx.msk vm0, v7;
	v8 =	vor.u32 $0x10, v9  }
0x203: {  	[tilespmem:v10+s15+$0x0] =	vst.idx.msk vm0, v7;
	v10 =	vor.u32 $0x11, v9  }
0x204: {  	[tilespmem:v11+s15+$0x0] =	vst.idx.msk vm0, v7;
	v11 =	vor.u32 $0x12, v9  }
0x205: {  	[tilespmem:v12+s15+$0x0] =	vst.idx.msk vm0, v7;
	v12 =	vor.u32 $0x13, v9  }
0x206: {  	[tilespmem:v13+s15+$0x0] =	vst.idx.msk vm0, v7;
	v13 =	vor.u32 $0x14, v9  }
0x207: {  	v14 =	vor.u32 $0x15, v9;
	[tilespmem:v8+s15+$0x0] =	vst.idx.msk vm0, v7  }
0x208: {  	[tilespmem:v10+s15+$0x0] =	vst.idx.msk vm0, v7;
	v10 =	vor.u32 $0x16, v9  }
0x209: {  	[tilespmem:v11+s15+$0x0] =	vst.idx.msk vm0, v7;
	v11 =	vor.u32 $0x17, v9  }
0x20a: {  	[tilespmem:v12+s15+$0x0] =	vst.idx.msk vm0, v7;
	v12 =	vor.u32 $0x18, v9  }
0x20b: {  	v8 =	vor.u32 s1, v6;
	[tilespmem:v13+s15+$0x0] =	vst.idx.msk vm0, v7;
	v13 =	vor.u32 $0x19, v9  }
0x20c: {  	v15 =	vadd.s32 v3, v8;
	[tilespmem:v14+s15+$0x0] =	vst.idx.msk vm0, v7;
	v14 =	vor.u32 $0x1A, v9  }
0x20d: {  	v17 =	vor.u32 $0x1B, v9;
	v16 =	vmulhi.u32 $0x51EB851F, v15;
	[tilespmem:v10+s15+$0x0] =	vst.idx.msk vm0, v7  }
0x20e: {  	v18 =	vor.u32 $0x1C, v9;
	[tilespmem:v11+s15+$0x0] =	vst.idx.msk vm0, v7  }
0x20f: {  	v10 =	vshrl.u32 v16, $0x4;
	[tilespmem:v12+s15+$0x0] =	vst.idx.msk vm0, v7;
	v12 =	vor.u32 $0x1D, v9  }
0x210: {  	v11 =	vmul.u32 $0xFFFFFFCE, v10;
	v16 =	vsub.s32 v10, v1;
	[tilespmem:v13+s15+$0x0] =	vst.idx.msk vm0, v7;
	v13 =	vor.u32 $0x1E, v9  }
.Ltmp2:
0x211: {  	v19 =	vand.u32 $0x7, v10;
	v10 =	vor.u32 $0x1F, v9;
	v16 =	vand.u32 $0xFFFFFFF8, v16;
	[tilespmem:v14+s15+$0x0] =	vst.idx.msk vm0, v7;
	(pc) =	sbr.rel @p0 .LBB2_6-.Ltmp2, $4  }
0x212: {  	v9 =	vadd.s32 v15, v11;
	v11 =	vor.u32 v19, v16;
	[tilespmem:v17+s15+$0x0] =	vst.idx.msk vm0, v7  }
0x213: {  	[tilespmem:v18+s15+$0x0] =	vst.idx.msk vm0, v7  }
0x214: {  	[tilespmem:v12+s15+$0x0] =	vst.idx.msk vm0, v7  }
0x215: {  	[tilespmem:v13+s15+$0x0] =	vst.idx.msk vm0, v7  }
0x216: {  	_ =	sdelay $0x4  }
0x217: {  	[tilespmem:v10+s15+$0x0] =	vst.idx.msk vm0, v7  }
0x218: {  	v10 =	vld.idx.msk [tilespmem:v11+s13+$0x0], $0xffff;
	_ =	sdelay $0x4  }
0x219: {  	vm0 =	vge.s32 v9, v10  }
0x21a: {  	v8 =	vshll.u32 v8, $0x5  }
0x21b: {  	v9 =	vor.u32 $0x1, v8  }
0x21c: {  	v10 =	vor.u32 $0x2, v8  }
0x21d: {  	v11 =	vor.u32 $0x3, v8  }
0x21e: {  	v12 =	vor.u32 $0x4, v8  }
0x21f: {  	v13 =	vor.u32 $0x5, v8;
	[tilespmem:v8+s15+$0x0] =	vst.idx.msk vm0, v7  }
0x220: {  	[tilespmem:v9+s15+$0x0] =	vst.idx.msk vm0, v7;
	v9 =	vor.u32 $0x6, v8  }
0x221: {  	[tilespmem:v10+s15+$0x0] =	vst.idx.msk vm0, v7;
	v10 =	vor.u32 $0x7, v8  }
0x222: {  	[tilespmem:v11+s15+$0x0] =	vst.idx.msk vm0, v7;
	v11 =	vor.u32 $0x8, v8  }
0x223: {  	v39 =	vor.u32 $0x9, v8;
	[tilespmem:v12+s15+$0x0] =	vst.idx.msk vm0, v7  }
0x224: {  	v40 =	vor.u32 $0xA, v8;
	[tilespmem:v13+s15+$0x0] =	vst.idx.msk vm0, v7  }
0x225: {  	[tilespmem:v9+s15+$0x0] =	vst.idx.msk vm0, v7;
	v9 =	vor.u32 $0xB, v8  }
0x226: {  	[tilespmem:v10+s15+$0x0] =	vst.idx.msk vm0, v7;
	v10 =	vor.u32 $0xC, v8  }
0x227: {  	[tilespmem:v11+s15+$0x0] =	vst.idx.msk vm0, v7;
	v11 =	vor.u32 $0xD, v8  }
0x228: {  	v41 =	vor.u32 $0xE, v8;
	[tilespmem:v39+s15+$0x0] =	vst.idx.msk vm0, v7  }
0x229: {  	v42 =	vor.u32 $0xF, v8;
	[tilespmem:v40+s15+$0x0] =	vst.idx.msk vm0, v7  }
0x22a: {  	[tilespmem:v9+s15+$0x0] =	vst.idx.msk vm0, v7;
	v9 =	vor.u32 $0x10, v8  }
0x22b: {  	[tilespmem:v10+s15+$0x0] =	vst.idx.msk vm0, v7;
	v10 =	vor.u32 $0x11, v8  }
0x22c: {  	[tilespmem:v11+s15+$0x0] =	vst.idx.msk vm0, v7;
	v11 =	vor.u32 $0x12, v8  }
0x22d: {  	v43 =	vor.u32 $0x13, v8;
	[tilespmem:v41+s15+$0x0] =	vst.idx.msk vm0, v7  }
0x22e: {  	v44 =	vor.u32 $0x14, v8;
	[tilespmem:v42+s15+$0x0] =	vst.idx.msk vm0, v7  }
0x22f: {  	[tilespmem:v9+s15+$0x0] =	vst.idx.msk vm0, v7;
	v9 =	vor.u32 $0x15, v8  }
0x230: {  	[tilespmem:v10+s15+$0x0] =	vst.idx.msk vm0, v7;
	v10 =	vor.u32 $0x16, v8  }
0x231: {  	[tilespmem:v11+s15+$0x0] =	vst.idx.msk vm0, v7;
	v11 =	vor.u32 $0x17, v8  }
0x232: {  	v45 =	vor.u32 $0x18, v8;
	[tilespmem:v43+s15+$0x0] =	vst.idx.msk vm0, v7  }
0x233: {  	v46 =	vor.u32 $0x19, v8;
	[tilespmem:v44+s15+$0x0] =	vst.idx.msk vm0, v7  }
0x234: {  	[tilespmem:v9+s15+$0x0] =	vst.idx.msk vm0, v7;
	v9 =	vor.u32 $0x1A, v8  }
0x235: {  	[tilespmem:v10+s15+$0x0] =	vst.idx.msk vm0, v7;
	v10 =	vor.u32 $0x1B, v8  }
0x236: {  	[tilespmem:v11+s15+$0x0] =	vst.idx.msk vm0, v7;
	v11 =	vor.u32 $0x1C, v8  }
0x237: {  	v47 =	vor.u32 $0x1D, v8;
	[tilespmem:v45+s15+$0x0] =	vst.idx.msk vm0, v7  }
0x238: {  	v48 =	vor.u32 $0x1E, v8;
	[tilespmem:v46+s15+$0x0] =	vst.idx.msk vm0, v7  }
0x239: {  	v8 =	vor.u32 $0x1F, v8;
	[tilespmem:v9+s15+$0x0] =	vst.idx.msk vm0, v7  }
0x23a: {  	[tilespmem:v10+s15+$0x0] =	vst.idx.msk vm0, v7  }
0x23b: {  	[tilespmem:v11+s15+$0x0] =	vst.idx.msk vm0, v7  }
0x23c: {  	[tilespmem:v47+s15+$0x0] =	vst.idx.msk vm0, v7  }
0x23d: {  	[tilespmem:v48+s15+$0x0] =	vst.idx.msk vm0, v7  }
0x23e: {  	s1 =	simm.s32 $0x0;
	s10 =	rddreg [dreg:$0x5];
	[tilespmem:v8+s15+$0x0] =	vst.idx.msk vm0, v7  }
0x23f: {  	[hbm4b:s10+s1] =	stream.linear.scatter [tilespmem:s15], [sflag:$0x3], $0xA000, $0x38;
	[tilespmem:$0x15980] =	vst v63  }
0x240: {  	_ =	swait.ge [sflag:s7], $0xA000  }
0x241: {  	[sflag:s7] =	ssyncset.done $0x0  }
0x242: {  	s10 =	simm.s32 $0x1400;
	[sflag:s7] =	ssyncadd.s32 $0xFFFF6000  }
0x243: {  	[tilespmem:s15], [sflag:$0x1] =	stream.indirect.gather [hbm4b:s3+s14], $0x20, s10, s14, $0xb8;
	[tilespmem:$0x15980] =	vst v63  }
0x244: {  	s10 =	simm.s32 $0x1480  }
0x245: {  	[tilespmem:s16], [sflag:$0x1] =	stream.indirect.gather [hbm4b:s3+s14], $0x20, s10, s14, $0xb8;
	[tilespmem:$0x15980] =	vst v63  }
0x246: {  	s10 =	simm.s32 $0x1500  }
0x247: {  	[tilespmem:s18], [sflag:$0x1] =	stream.indirect.gather [hbm4b:s3+s14], $0x20, s10, s14, $0xb8;
	[tilespmem:$0x15980] =	vst v63  }
0x248: {  	s10 =	simm.s32 $0x1580  }
0x249: {  	[tilespmem:s20], [sflag:$0x1] =	stream.indirect.gather [hbm4b:s3+s14], $0x20, s10, s14, $0xb8;
	[tilespmem:$0x15980] =	vst v63  }
0x24a: {  	s10 =	simm.s32 $0x1600  }
0x24b: {  	[tilespmem:s22], [sflag:$0x1] =	stream.indirect.gather [hbm4b:s3+s14], $0x20, s10, s14, $0xb8;
	[tilespmem:$0x15980] =	vst v63  }
0x24c: {  	s10 =	simm.s32 $0x1680  }
0x24d: {  	[tilespmem:s24], [sflag:$0x1] =	stream.indirect.gather [hbm4b:s3+s14], $0x20, s10, s14, $0xb8;
	[tilespmem:$0x15980] =	vst v63  }
0x24e: {  	s10 =	simm.s32 $0x1700  }
0x24f: {  	[tilespmem:s26], [sflag:$0x1] =	stream.indirect.gather [hbm4b:s3+s14], $0x20, s10, s14, $0xb8;
	[tilespmem:$0x15980] =	vst v63  }
0x250: {  	s10 =	simm.s32 $0x1780  }
0x251: {  	[tilespmem:s29], [sflag:$0x1] =	stream.indirect.gather [hbm4b:s3+s14], $0x20, s10, s14, $0xb8;
	[tilespmem:$0x15980] =	vst v63  }
0x252: {  	s10 =	simm.s32 $0x1800  }
0x253: {  	[tilespmem:s31], [sflag:$0x1] =	stream.indirect.gather [hbm4b:s3+s14], $0x20, s10, s14, $0xb8;
	[tilespmem:$0x15980] =	vst v63  }
0x254: {  	s10 =	simm.s32 $0x1880  }
0x255: {  	[tilespmem:s0], [sflag:$0x1] =	stream.indirect.gather [hbm4b:s3+s14], $0x20, s10, s14, $0xb8;
	[tilespmem:$0x15980] =	vst v63  }
0x256: {  	_ =	swait.ge [sflag:s8], $0x1000  }
0x257: {  	[sflag:s8] =	ssyncset.done $0x0  }
0x258: {  	[sflag:s8] =	ssyncadd.s32 $0xFFFFF000  }
0x259: {  	_ =	swait.ge [sflag:s8], $0x1000  }
0x25a: {  	[sflag:s8] =	ssyncset.done $0x0  }
0x25b: {  	[sflag:s8] =	ssyncadd.s32 $0xFFFFF000  }
0x25c: {  	_ =	swait.ge [sflag:s8], $0x1000  }
0x25d: {  	[sflag:s8] =	ssyncset.done $0x0  }
0x25e: {  	[sflag:s8] =	ssyncadd.s32 $0xFFFFF000  }
0x25f: {  	_ =	swait.ge [sflag:s8], $0x1000  }
0x260: {  	[sflag:s8] =	ssyncset.done $0x0  }
0x261: {  	[sflag:s8] =	ssyncadd.s32 $0xFFFFF000  }
0x262: {  	_ =	swait.ge [sflag:s8], $0x1000  }
0x263: {  	[sflag:s8] =	ssyncset.done $0x0  }
0x264: {  	[sflag:s8] =	ssyncadd.s32 $0xFFFFF000  }
0x265: {  	_ =	swait.ge [sflag:s8], $0x1000  }
0x266: {  	[sflag:s8] =	ssyncset.done $0x0  }
0x267: {  	[sflag:s8] =	ssyncadd.s32 $0xFFFFF000  }
0x268: {  	v8 =	vor.u32 s1, v6;
	_ =	swait.ge [sflag:s8], $0x1000  }
0x269: {  	v9 =	vadd.s32 v4, v8;
	[sflag:s8] =	ssyncset.done $0x0  }
0x26a: {  	v10 =	vmulhi.u32 $0x51EB851F, v9;
	[sflag:s8] =	ssyncadd.s32 $0xFFFFF000  }
0x26b: {  	_ =	swait.ge [sflag:s8], $0x1000  }
0x26c: {  	v10 =	vshrl.u32 v10, $0x4;
	[sflag:s8] =	ssyncset.done $0x0  }
0x26d: {  	v11 =	vsub.s32 v10, v1;
	[sflag:s8] =	ssyncadd.s32 $0xFFFFF000  }
0x26e: {  	v49 =	vand.u32 $0x7, v10;
	v11 =	vand.u32 $0xFFFFFFF8, v11;
	_ =	swait.ge [sflag:s8], $0x1000  }
0x26f: {  	v11 =	vor.u32 v49, v11;
	[sflag:s8] =	ssyncset.done $0x0  }
0x270: {  	[sflag:s8] =	ssyncadd.s32 $0xFFFFF000  }
0x271: {  	_ =	swait.ge [sflag:s8], $0x1000  }
0x272: {  	[sflag:s8] =	ssyncset.done $0x0  }
0x273: {  	[sflag:s8] =	ssyncadd.s32 $0xFFFFF000  }
0x274: {  	v11 =	vld.idx.msk [tilespmem:v11+s13+$0x0], $0xffff;
	_ =	sdelay $0x1  }
0x275: {  	v10 =	vmul.u32 $0xFFFFFFCE, v10;
	_ =	sdelay $0x1  }
0x276: {  	v9 =	vadd.s32 v9, v10  }
0x277: {  	v10 =	vshll.u32 v8, $0x5;
	vm0 =	vge.s32 v9, v11  }
0x278: {  	v8 =	vadd.s32 $0xA000, v10  }
0x279: {  	v9 =	vadd.s32 $0xA001, v10  }
0x27a: {  	v11 =	vadd.s32 $0xA002, v10  }
0x27b: {  	v50 =	vadd.s32 $0xA003, v10  }
0x27c: {  	v51 =	vadd.s32 $0xA004, v10  }
0x27d: {  	[tilespmem:v8+s15+$0x0] =	vst.idx.msk vm0, v7;
	v8 =	vadd.s32 $0xA005, v10  }
0x27e: {  	[tilespmem:v9+s15+$0x0] =	vst.idx.msk vm0, v7;
	v9 =	vadd.s32 $0xA006, v10  }
0x27f: {  	[tilespmem:v11+s15+$0x0] =	vst.idx.msk vm0, v7;
	v11 =	vadd.s32 $0xA007, v10  }
0x280: {  	v52 =	vadd.s32 $0xA008, v10;
	[tilespmem:v50+s15+$0x0] =	vst.idx.msk vm0, v7  }
0x281: {  	v53 =	vadd.s32 $0xA009, v10;
	[tilespmem:v51+s15+$0x0] =	vst.idx.msk vm0, v7  }
0x282: {  	[tilespmem:v8+s15+$0x0] =	vst.idx.msk vm0, v7;
	v8 =	vadd.s32 $0xA00A, v10  }
0x283: {  	[tilespmem:v9+s15+$0x0] =	vst.idx.msk vm0, v7;
	v9 =	vadd.s32 $0xA00B, v10  }
0x284: {  	[tilespmem:v11+s15+$0x0] =	vst.idx.msk vm0, v7;
	v11 =	vadd.s32 $0xA00C, v10  }
0x285: {  	v54 =	vadd.s32 $0xA00D, v10;
	[tilespmem:v52+s15+$0x0] =	vst.idx.msk vm0, v7  }
0x286: {  	v55 =	vadd.s32 $0xA00E, v10;
	[tilespmem:v53+s15+$0x0] =	vst.idx.msk vm0, v7  }
0x287: {  	[tilespmem:v8+s15+$0x0] =	vst.idx.msk vm0, v7;
	v8 =	vadd.s32 $0xA00F, v10  }
0x288: {  	[tilespmem:v9+s15+$0x0] =	vst.idx.msk vm0, v7;
	v9 =	vadd.s32 $0xA010, v10  }
0x289: {  	[tilespmem:v11+s15+$0x0] =	vst.idx.msk vm0, v7;
	v11 =	vadd.s32 $0xA011, v10  }
0x28a: {  	v56 =	vadd.s32 $0xA012, v10;
	[tilespmem:v54+s15+$0x0] =	vst.idx.msk vm0, v7  }
0x28b: {  	v57 =	vadd.s32 $0xA013, v10;
	[tilespmem:v55+s15+$0x0] =	vst.idx.msk vm0, v7  }
0x28c: {  	[tilespmem:v8+s15+$0x0] =	vst.idx.msk vm0, v7;
	v8 =	vadd.s32 $0xA014, v10  }
0x28d: {  	[tilespmem:v9+s15+$0x0] =	vst.idx.msk vm0, v7;
	v9 =	vadd.s32 $0xA015, v10  }
0x28e: {  	[tilespmem:v11+s15+$0x0] =	vst.idx.msk vm0, v7;
	v11 =	vadd.s32 $0xA016, v10  }
0x28f: {  	v58 =	vadd.s32 $0xA017, v10;
	[tilespmem:v56+s15+$0x0] =	vst.idx.msk vm0, v7  }
0x290: {  	v59 =	vadd.s32 $0xA018, v10;
	[tilespmem:v57+s15+$0x0] =	vst.idx.msk vm0, v7  }
0x291: {  	[tilespmem:v8+s15+$0x0] =	vst.idx.msk vm0, v7;
	v8 =	vadd.s32 $0xA019, v10  }
0x292: {  	s10 =	simm.s32 $0x10;
	[tilespmem:v9+s15+$0x0] =	vst.idx.msk vm0, v7;
	v9 =	vadd.s32 $0xA01A, v10  }
0x293: {  	v14 =	vor.u32 s10, v6;
	[tilespmem:v11+s15+$0x0] =	vst.idx.msk vm0, v7;
	v11 =	vadd.s32 $0xA01B, v10  }
0x294: {  	v15 =	vadd.s32 v4, v14;
	[tilespmem:v58+s15+$0x0] =	vst.idx.msk vm0, v7  }
0x295: {  	v16 =	vmulhi.u32 $0x51EB851F, v15;
	[tilespmem:v59+s15+$0x0] =	vst.idx.msk vm0, v7  }
0x296: {  	v60 =	vadd.s32 $0xA01C, v10;
	[tilespmem:v8+s15+$0x0] =	vst.idx.msk vm0, v7  }
0x297: {  	v61 =	vadd.s32 $0xA01D, v10;
	[tilespmem:v9+s15+$0x0] =	vst.idx.msk vm0, v7;
	v9 =	vshrl.u32 v16, $0x4  }
0x298: {  	v17 =	vadd.s32 $0xA01E, v10;
	[tilespmem:v11+s15+$0x0] =	vst.idx.msk vm0, v7;
	v11 =	vmul.u32 $0xFFFFFFCE, v9;
	v16 =	vsub.s32 v9, v1  }
0x299: {  	v10 =	vadd.s32 $0xA01F, v10;
	v63 =	vand.u32 $0x7, v9;
	v62 =	vand.u32 $0xFFFFFFF8, v16  }
0x29a: {  	v9 =	vadd.s32 v15, v11;
	v11 =	vor.u32 v63, v62  }
0x29b: {  	[tilespmem:v60+s15+$0x0] =	vst.idx.msk vm0, v7  }
0x29c: {  	[tilespmem:v61+s15+$0x0] =	vst.idx.msk vm0, v7  }
0x29d: {  	s10 =	simm.s32 $0x20;
	v8 =	vshll.u32 v14, $0x5;
	[tilespmem:v17+s15+$0x0] =	vst.idx.msk vm0, v7  }
.LBB2_8:
0x29e: {  	p0 =	sne.s32 s10, $0x4F0;
	[tilespmem:v10+s15+$0x0] =	vst.idx.msk vm0, v7;
	s1 =	smov.u32 s10;
	s10 =	sadd.s32 $0x10, s10  }
0x29f: {  	v10 =	vld.idx.msk [tilespmem:v11+s13+$0x0], $0xffff;
	_ =	sdelay $0x5  }
0x2a0: {  	vm0 =	vge.s32 v9, v10  }
0x2a1: {  	v9 =	vadd.s32 $0xA000, v8  }
0x2a2: {  	v10 =	vadd.s32 $0xA001, v8  }
0x2a3: {  	v11 =	vadd.s32 $0xA002, v8  }
0x2a4: {  	v12 =	vadd.s32 $0xA003, v8  }
0x2a5: {  	v13 =	vadd.s32 $0xA004, v8  }
0x2a6: {  	[tilespmem:v9+s15+$0x0] =	vst.idx.msk vm0, v7;
	v9 =	vadd.s32 $0xA005, v8  }
0x2a7: {  	[tilespmem:v10+s15+$0x0] =	vst.idx.msk vm0, v7;
	v10 =	vadd.s32 $0xA006, v8  }
0x2a8: {  	[tilespmem:v11+s15+$0x0] =	vst.idx.msk vm0, v7;
	v11 =	vadd.s32 $0xA007, v8  }
0x2a9: {  	[tilespmem:v12+s15+$0x0] =	vst.idx.msk vm0, v7;
	v12 =	vadd.s32 $0xA008, v8  }
0x2aa: {  	[tilespmem:v13+s15+$0x0] =	vst.idx.msk vm0, v7;
	v13 =	vadd.s32 $0xA009, v8  }
0x2ab: {  	[tilespmem:v9+s15+$0x0] =	vst.idx.msk vm0, v7;
	v9 =	vadd.s32 $0xA00A, v8  }
0x2ac: {  	[tilespmem:v10+s15+$0x0] =	vst.idx.msk vm0, v7;
	v10 =	vadd.s32 $0xA00B, v8  }
0x2ad: {  	[tilespmem:v11+s15+$0x0] =	vst.idx.msk vm0, v7;
	v11 =	vadd.s32 $0xA00C, v8  }
0x2ae: {  	[tilespmem:v12+s15+$0x0] =	vst.idx.msk vm0, v7;
	v12 =	vadd.s32 $0xA00D, v8  }
0x2af: {  	[tilespmem:v13+s15+$0x0] =	vst.idx.msk vm0, v7;
	v13 =	vadd.s32 $0xA00E, v8  }
0x2b0: {  	[tilespmem:v9+s15+$0x0] =	vst.idx.msk vm0, v7;
	v9 =	vadd.s32 $0xA00F, v8  }
0x2b1: {  	[tilespmem:v10+s15+$0x0] =	vst.idx.msk vm0, v7;
	v10 =	vadd.s32 $0xA010, v8  }
0x2b2: {  	[tilespmem:v11+s15+$0x0] =	vst.idx.msk vm0, v7;
	v11 =	vadd.s32 $0xA011, v8  }
0x2b3: {  	[tilespmem:v12+s15+$0x0] =	vst.idx.msk vm0, v7;
	v12 =	vadd.s32 $0xA012, v8  }
0x2b4: {  	[tilespmem:v13+s15+$0x0] =	vst.idx.msk vm0, v7;
	v13 =	vadd.s32 $0xA013, v8  }
0x2b5: {  	[tilespmem:v9+s15+$0x0] =	vst.idx.msk vm0, v7;
	v9 =	vadd.s32 $0xA014, v8  }
0x2b6: {  	[tilespmem:v10+s15+$0x0] =	vst.idx.msk vm0, v7;
	v10 =	vadd.s32 $0xA015, v8  }
0x2b7: {  	[tilespmem:v11+s15+$0x0] =	vst.idx.msk vm0, v7;
	v11 =	vadd.s32 $0xA016, v8  }
0x2b8: {  	[tilespmem:v12+s15+$0x0] =	vst.idx.msk vm0, v7;
	v12 =	vadd.s32 $0xA017, v8  }
0x2b9: {  	[tilespmem:v13+s15+$0x0] =	vst.idx.msk vm0, v7;
	v13 =	vadd.s32 $0xA018, v8  }
0x2ba: {  	v14 =	vor.u32 s1, v6;
	[tilespmem:v9+s15+$0x0] =	vst.idx.msk vm0, v7;
	v9 =	vadd.s32 $0xA019, v8  }
0x2bb: {  	v15 =	vadd.s32 v4, v14;
	v14 =	vshll.u32 v14, $0x5;
	[tilespmem:v10+s15+$0x0] =	vst.idx.msk vm0, v7;
	v10 =	vadd.s32 $0xA01A, v8  }
0x2bc: {  	v17 =	vadd.s32 $0xA01B, v8;
	v16 =	vmulhi.u32 $0x51EB851F, v15;
	[tilespmem:v11+s15+$0x0] =	vst.idx.msk vm0, v7  }
0x2bd: {  	[tilespmem:v12+s15+$0x0] =	vst.idx.msk vm0, v7;
	v12 =	vadd.s32 $0xA01C, v8  }
0x2be: {  	v11 =	vshrl.u32 v16, $0x4;
	[tilespmem:v13+s15+$0x0] =	vst.idx.msk vm0, v7;
	v13 =	vadd.s32 $0xA01D, v8  }
0x2bf: {  	v19 =	vadd.s32 $0xA01E, v8;
	v16 =	vmul.u32 $0xFFFFFFCE, v11;
	v18 =	vsub.s32 v11, v1;
	[tilespmem:v9+s15+$0x0] =	vst.idx.msk vm0, v7  }
.Ltmp3:
0x2c0: {  	v11 =	vand.u32 $0x7, v11;
	v18 =	vand.u32 $0xFFFFFFF8, v18;
	[tilespmem:v10+s15+$0x0] =	vst.idx.msk vm0, v7;
	v10 =	vadd.s32 $0xA01F, v8;
	v8 =	vmovc v14;
	(pc) =	sbr.rel @p0 .LBB2_8-.Ltmp3, $4  }
0x2c1: {  	v9 =	vadd.s32 v15, v16;
	v11 =	vor.u32 v11, v18;
	[tilespmem:v17+s15+$0x0] =	vst.idx.msk vm0, v7  }
0x2c2: {  	[tilespmem:v12+s15+$0x0] =	vst.idx.msk vm0, v7  }
0x2c3: {  	[tilespmem:v13+s15+$0x0] =	vst.idx.msk vm0, v7  }
0x2c4: {  	[tilespmem:v19+s15+$0x0] =	vst.idx.msk vm0, v7  }
0x2c5: {  	_ =	sdelay $0x4  }
0x2c6: {  	[tilespmem:v10+s15+$0x0] =	vst.idx.msk vm0, v7  }
0x2c7: {  	v10 =	vld.idx.msk [tilespmem:v11+s13+$0x0], $0xffff;
	_ =	sdelay $0x4  }
0x2c8: {  	vm0 =	vge.s32 v9, v10  }
0x2c9: {  	v9 =	vadd.s32 $0xA000, v8  }
0x2ca: {  	v10 =	vadd.s32 $0xA001, v8  }
0x2cb: {  	v11 =	vadd.s32 $0xA002, v8  }
0x2cc: {  	v12 =	vadd.s32 $0xA003, v8  }
0x2cd: {  	v13 =	vadd.s32 $0xA004, v8  }
0x2ce: {  	[tilespmem:v9+s15+$0x0] =	vst.idx.msk vm0, v7;
	v9 =	vadd.s32 $0xA005, v8  }
0x2cf: {  	[tilespmem:v10+s15+$0x0] =	vst.idx.msk vm0, v7;
	v10 =	vadd.s32 $0xA006, v8  }
0x2d0: {  	[tilespmem:v11+s15+$0x0] =	vst.idx.msk vm0, v7;
	v11 =	vadd.s32 $0xA007, v8  }
0x2d1: {  	v40 =	vadd.s32 $0xA008, v8;
	[tilespmem:v12+s15+$0x0] =	vst.idx.msk vm0, v7  }
0x2d2: {  	v41 =	vadd.s32 $0xA009, v8;
	[tilespmem:v13+s15+$0x0] =	vst.idx.msk vm0, v7  }
0x2d3: {  	[tilespmem:v9+s15+$0x0] =	vst.idx.msk vm0, v7;
	v9 =	vadd.s32 $0xA00A, v8  }
0x2d4: {  	[tilespmem:v10+s15+$0x0] =	vst.idx.msk vm0, v7;
	v10 =	vadd.s32 $0xA00B, v8  }
0x2d5: {  	[tilespmem:v11+s15+$0x0] =	vst.idx.msk vm0, v7;
	v11 =	vadd.s32 $0xA00C, v8  }
0x2d6: {  	v42 =	vadd.s32 $0xA00D, v8;
	[tilespmem:v40+s15+$0x0] =	vst.idx.msk vm0, v7  }
0x2d7: {  	v43 =	vadd.s32 $0xA00E, v8;
	[tilespmem:v41+s15+$0x0] =	vst.idx.msk vm0, v7  }
0x2d8: {  	[tilespmem:v9+s15+$0x0] =	vst.idx.msk vm0, v7;
	v9 =	vadd.s32 $0xA00F, v8  }
0x2d9: {  	[tilespmem:v10+s15+$0x0] =	vst.idx.msk vm0, v7;
	v10 =	vadd.s32 $0xA010, v8  }
0x2da: {  	[tilespmem:v11+s15+$0x0] =	vst.idx.msk vm0, v7;
	v11 =	vadd.s32 $0xA011, v8  }
0x2db: {  	v44 =	vadd.s32 $0xA012, v8;
	[tilespmem:v42+s15+$0x0] =	vst.idx.msk vm0, v7  }
0x2dc: {  	v45 =	vadd.s32 $0xA013, v8;
	[tilespmem:v43+s15+$0x0] =	vst.idx.msk vm0, v7  }
0x2dd: {  	[tilespmem:v9+s15+$0x0] =	vst.idx.msk vm0, v7;
	v9 =	vadd.s32 $0xA014, v8  }
0x2de: {  	[tilespmem:v10+s15+$0x0] =	vst.idx.msk vm0, v7;
	v10 =	vadd.s32 $0xA015, v8  }
0x2df: {  	[tilespmem:v11+s15+$0x0] =	vst.idx.msk vm0, v7;
	v11 =	vadd.s32 $0xA016, v8  }
0x2e0: {  	v46 =	vadd.s32 $0xA017, v8;
	[tilespmem:v44+s15+$0x0] =	vst.idx.msk vm0, v7  }
0x2e1: {  	v47 =	vadd.s32 $0xA018, v8;
	[tilespmem:v45+s15+$0x0] =	vst.idx.msk vm0, v7  }
0x2e2: {  	[tilespmem:v9+s15+$0x0] =	vst.idx.msk vm0, v7;
	v9 =	vadd.s32 $0xA019, v8  }
0x2e3: {  	[tilespmem:v10+s15+$0x0] =	vst.idx.msk vm0, v7;
	v10 =	vadd.s32 $0xA01A, v8  }
0x2e4: {  	[tilespmem:v11+s15+$0x0] =	vst.idx.msk vm0, v7;
	v11 =	vadd.s32 $0xA01B, v8  }
0x2e5: {  	v48 =	vadd.s32 $0xA01C, v8;
	[tilespmem:v46+s15+$0x0] =	vst.idx.msk vm0, v7  }
0x2e6: {  	v49 =	vadd.s32 $0xA01D, v8;
	[tilespmem:v47+s15+$0x0] =	vst.idx.msk vm0, v7  }
0x2e7: {  	[tilespmem:v9+s15+$0x0] =	vst.idx.msk vm0, v7;
	v9 =	vadd.s32 $0xA01E, v8  }
0x2e8: {  	v8 =	vadd.s32 $0xA01F, v8;
	[tilespmem:v10+s15+$0x0] =	vst.idx.msk vm0, v7  }
0x2e9: {  	[tilespmem:v11+s15+$0x0] =	vst.idx.msk vm0, v7  }
0x2ea: {  	[tilespmem:v48+s15+$0x0] =	vst.idx.msk vm0, v7  }
0x2eb: {  	[tilespmem:v49+s15+$0x0] =	vst.idx.msk vm0, v7  }
0x2ec: {  	[tilespmem:v9+s15+$0x0] =	vst.idx.msk vm0, v7  }
0x2ed: {  	s1 =	simm.s32 $0x0;
	s10 =	rddreg [dreg:$0x6];
	[tilespmem:v8+s15+$0x0] =	vst.idx.msk vm0, v7  }
0x2ee: {  	[hbm4b:s10+s1] =	stream.linear.scatter [tilespmem:s19], [sflag:$0x4], $0xA000, $0x38;
	[tilespmem:$0x15980] =	vst v63  }
0x2ef: {  	_ =	swait.ge [sflag:s6], $0x1000  }
0x2f0: {  	[sflag:s6] =	ssyncset.done $0x0  }
0x2f1: {  	[sflag:s6] =	ssyncadd.s32 $0xFFFFF000  }
0x2f2: {  	_ =	swait.ge [sflag:s6], $0x1000  }
0x2f3: {  	[sflag:s6] =	ssyncset.done $0x0  }
0x2f4: {  	[sflag:s6] =	ssyncadd.s32 $0xFFFFF000  }
0x2f5: {  	_ =	swait.ge [sflag:s6], $0x1000  }
0x2f6: {  	[sflag:s6] =	ssyncset.done $0x0  }
0x2f7: {  	[sflag:s6] =	ssyncadd.s32 $0xFFFFF000  }
0x2f8: {  	_ =	swait.ge [sflag:s6], $0x1000  }
0x2f9: {  	[sflag:s6] =	ssyncset.done $0x0  }
0x2fa: {  	[sflag:s6] =	ssyncadd.s32 $0xFFFFF000  }
0x2fb: {  	_ =	swait.ge [sflag:s6], $0x1000  }
0x2fc: {  	[sflag:s6] =	ssyncset.done $0x0  }
0x2fd: {  	[sflag:s6] =	ssyncadd.s32 $0xFFFFF000  }
0x2fe: {  	_ =	swait.ge [sflag:s6], $0x1000  }
0x2ff: {  	[sflag:s6] =	ssyncset.done $0x0  }
0x300: {  	[sflag:s6] =	ssyncadd.s32 $0xFFFFF000  }
0x301: {  	v8 =	vor.u32 s1, v6;
	_ =	swait.ge [sflag:s6], $0x1000  }
0x302: {  	v9 =	vadd.s32 v5, v8;
	[sflag:s6] =	ssyncset.done $0x0  }
0x303: {  	v10 =	vmulhi.u32 $0x51EB851F, v9;
	[sflag:s6] =	ssyncadd.s32 $0xFFFFF000  }
0x304: {  	_ =	swait.ge [sflag:s6], $0x1000  }
0x305: {  	v10 =	vshrl.u32 v10, $0x4;
	[sflag:s6] =	ssyncset.done $0x0  }
0x306: {  	v11 =	vsub.s32 v10, v1;
	[sflag:s6] =	ssyncadd.s32 $0xFFFFF000  }
0x307: {  	v50 =	vand.u32 $0x7, v10;
	v11 =	vand.u32 $0xFFFFFFF8, v11;
	_ =	swait.ge [sflag:s6], $0x1000  }
0x308: {  	v11 =	vor.u32 v50, v11;
	[sflag:s6] =	ssyncset.done $0x0  }
0x309: {  	[sflag:s6] =	ssyncadd.s32 $0xFFFFF000  }
0x30a: {  	_ =	swait.ge [sflag:s6], $0x1000  }
0x30b: {  	[sflag:s6] =	ssyncset.done $0x0  }
0x30c: {  	[sflag:s6] =	ssyncadd.s32 $0xFFFFF000  }
0x30d: {  	v11 =	vld.idx.msk [tilespmem:v11+s13+$0x0], $0xffff;
	_ =	sdelay $0x1  }
0x30e: {  	v10 =	vmul.u32 $0xFFFFFFCE, v10;
	_ =	sdelay $0x1  }
0x30f: {  	v9 =	vadd.s32 v9, v10  }
0x310: {  	vm0 =	vge.s32 v9, v11  }
0x311: {  	v9 =	vshll.u32 v8, $0x5  }
0x312: {  	v8 =	vor.u32 $0x1, v9  }
0x313: {  	v10 =	vor.u32 $0x2, v9  }
0x314: {  	v11 =	vor.u32 $0x3, v9  }
0x315: {  	v51 =	vor.u32 $0x4, v9  }
0x316: {  	v52 =	vor.u32 $0x5, v9;
	[tilespmem:v9+s15+$0x0] =	vst.idx.msk vm0, v7  }
0x317: {  	[tilespmem:v8+s15+$0x0] =	vst.idx.msk vm0, v7;
	v8 =	vor.u32 $0x6, v9  }
0x318: {  	[tilespmem:v10+s15+$0x0] =	vst.idx.msk vm0, v7;
	v10 =	vor.u32 $0x7, v9  }
0x319: {  	[tilespmem:v11+s15+$0x0] =	vst.idx.msk vm0, v7;
	v11 =	vor.u32 $0x8, v9  }
0x31a: {  	v53 =	vor.u32 $0x9, v9;
	[tilespmem:v51+s15+$0x0] =	vst.idx.msk vm0, v7  }
0x31b: {  	v54 =	vor.u32 $0xA, v9;
	[tilespmem:v52+s15+$0x0] =	vst.idx.msk vm0, v7  }
0x31c: {  	[tilespmem:v8+s15+$0x0] =	vst.idx.msk vm0, v7;
	v8 =	vor.u32 $0xB, v9  }
0x31d: {  	[tilespmem:v10+s15+$0x0] =	vst.idx.msk vm0, v7;
	v10 =	vor.u32 $0xC, v9  }
0x31e: {  	[tilespmem:v11+s15+$0x0] =	vst.idx.msk vm0, v7;
	v11 =	vor.u32 $0xD, v9  }
0x31f: {  	v55 =	vor.u32 $0xE, v9;
	[tilespmem:v53+s15+$0x0] =	vst.idx.msk vm0, v7  }
0x320: {  	v56 =	vor.u32 $0xF, v9;
	[tilespmem:v54+s15+$0x0] =	vst.idx.msk vm0, v7  }
0x321: {  	[tilespmem:v8+s15+$0x0] =	vst.idx.msk vm0, v7;
	v8 =	vor.u32 $0x10, v9  }
0x322: {  	[tilespmem:v10+s15+$0x0] =	vst.idx.msk vm0, v7;
	v10 =	vor.u32 $0x11, v9  }
0x323: {  	[tilespmem:v11+s15+$0x0] =	vst.idx.msk vm0, v7;
	v11 =	vor.u32 $0x12, v9  }
0x324: {  	v57 =	vor.u32 $0x13, v9;
	[tilespmem:v55+s15+$0x0] =	vst.idx.msk vm0, v7  }
0x325: {  	v58 =	vor.u32 $0x14, v9;
	[tilespmem:v56+s15+$0x0] =	vst.idx.msk vm0, v7  }
0x326: {  	[tilespmem:v8+s15+$0x0] =	vst.idx.msk vm0, v7;
	v8 =	vor.u32 $0x15, v9  }
0x327: {  	[tilespmem:v10+s15+$0x0] =	vst.idx.msk vm0, v7;
	v10 =	vor.u32 $0x16, v9  }
0x328: {  	[tilespmem:v11+s15+$0x0] =	vst.idx.msk vm0, v7;
	v11 =	vor.u32 $0x17, v9  }
0x329: {  	v59 =	vor.u32 $0x18, v9;
	[tilespmem:v57+s15+$0x0] =	vst.idx.msk vm0, v7  }
0x32a: {  	v60 =	vor.u32 $0x19, v9;
	[tilespmem:v58+s15+$0x0] =	vst.idx.msk vm0, v7  }
0x32b: {  	s10 =	simm.s32 $0x10;
	v14 =	vor.u32 $0x1A, v9;
	[tilespmem:v8+s15+$0x0] =	vst.idx.msk vm0, v7  }
0x32c: {  	v8 =	vor.u32 s10, v6;
	[tilespmem:v10+s15+$0x0] =	vst.idx.msk vm0, v7;
	v10 =	vor.u32 $0x1B, v9  }
0x32d: {  	v15 =	vadd.s32 v5, v8;
	[tilespmem:v11+s15+$0x0] =	vst.idx.msk vm0, v7;
	v11 =	vor.u32 $0x1C, v9  }
0x32e: {  	v16 =	vmulhi.u32 $0x51EB851F, v15;
	[tilespmem:v59+s15+$0x0] =	vst.idx.msk vm0, v7  }
0x32f: {  	[tilespmem:v60+s15+$0x0] =	vst.idx.msk vm0, v7  }
0x330: {  	v61 =	vor.u32 $0x1D, v9;
	v63 =	vshrl.u32 v16, $0x4;
	[tilespmem:v14+s15+$0x0] =	vst.idx.msk vm0, v7  }
0x331: {  	v62 =	vor.u32 $0x1E, v9;
	[tilespmem:v10+s15+$0x0] =	vst.idx.msk vm0, v7;
	v10 =	vsub.s32 v63, v1  }
0x332: {  	v14 =	vand.u32 $0x7, v63;
	[tilespmem:v11+s15+$0x0] =	vst.idx.msk vm0, v7;
	v11 =	vand.u32 $0xFFFFFFF8, v10;
	v10 =	vor.u32 $0x1F, v9  }
0x333: {  	v11 =	vor.u32 v14, v11  }
0x334: {  	v16 =	vmul.u32 $0xFFFFFFCE, v63  }
0x335: {  	[tilespmem:v61+s15+$0x0] =	vst.idx.msk vm0, v7  }
0x336: {  	s10 =	simm.s32 $0x20;
	v9 =	vadd.s32 v15, v16;
	[tilespmem:v62+s15+$0x0] =	vst.idx.msk vm0, v7  }
.LBB2_10:
0x337: {  	p0 =	sne.s32 s10, $0x4F0;
	[tilespmem:v10+s15+$0x0] =	vst.idx.msk vm0, v7;
	s1 =	smov.u32 s10;
	s10 =	sadd.s32 $0x10, s10  }
0x338: {  	v10 =	vld.idx.msk [tilespmem:v11+s13+$0x0], $0xffff;
	_ =	sdelay $0x5  }
0x339: {  	vm0 =	vge.s32 v9, v10  }
0x33a: {  	v9 =	vshll.u32 v8, $0x5  }
0x33b: {  	v8 =	vor.u32 $0x1, v9  }
0x33c: {  	v10 =	vor.u32 $0x2, v9  }
0x33d: {  	v11 =	vor.u32 $0x3, v9  }
0x33e: {  	v12 =	vor.u32 $0x4, v9  }
0x33f: {  	v13 =	vor.u32 $0x5, v9;
	[tilespmem:v9+s15+$0x0] =	vst.idx.msk vm0, v7  }
0x340: {  	[tilespmem:v8+s15+$0x0] =	vst.idx.msk vm0, v7;
	v8 =	vor.u32 $0x6, v9  }
0x341: {  	[tilespmem:v10+s15+$0x0] =	vst.idx.msk vm0, v7;
	v10 =	vor.u32 $0x7, v9  }
0x342: {  	[tilespmem:v11+s15+$0x0] =	vst.idx.msk vm0, v7;
	v11 =	vor.u32 $0x8, v9  }
0x343: {  	[tilespmem:v12+s15+$0x0] =	vst.idx.msk vm0, v7;
	v12 =	vor.u32 $0x9, v9  }
0x344: {  	[tilespmem:v13+s15+$0x0] =	vst.idx.msk vm0, v7;
	v13 =	vor.u32 $0xA, v9  }
0x345: {  	[tilespmem:v8+s15+$0x0] =	vst.idx.msk vm0, v7;
	v8 =	vor.u32 $0xB, v9  }
0x346: {  	[tilespmem:v10+s15+$0x0] =	vst.idx.msk vm0, v7;
	v10 =	vor.u32 $0xC, v9  }
0x347: {  	[tilespmem:v11+s15+$0x0] =	vst.idx.msk vm0, v7;
	v11 =	vor.u32 $0xD, v9  }
0x348: {  	[tilespmem:v12+s15+$0x0] =	vst.idx.msk vm0, v7;
	v12 =	vor.u32 $0xE, v9  }
0x349: {  	[tilespmem:v13+s15+$0x0] =	vst.idx.msk vm0, v7;
	v13 =	vor.u32 $0xF, v9  }
0x34a: {  	[tilespmem:v8+s15+$0x0] =	vst.idx.msk vm0, v7;
	v8 =	vor.u32 $0x10, v9  }
0x34b: {  	[tilespmem:v10+s15+$0x0] =	vst.idx.msk vm0, v7;
	v10 =	vor.u32 $0x11, v9  }
0x34c: {  	[tilespmem:v11+s15+$0x0] =	vst.idx.msk vm0, v7;
	v11 =	vor.u32 $0x12, v9  }
0x34d: {  	[tilespmem:v12+s15+$0x0] =	vst.idx.msk vm0, v7;
	v12 =	vor.u32 $0x13, v9  }
0x34e: {  	[tilespmem:v13+s15+$0x0] =	vst.idx.msk vm0, v7;
	v13 =	vor.u32 $0x14, v9  }
0x34f: {  	v14 =	vor.u32 $0x15, v9;
	[tilespmem:v8+s15+$0x0] =	vst.idx.msk vm0, v7  }
0x350: {  	[tilespmem:v10+s15+$0x0] =	vst.idx.msk vm0, v7;
	v10 =	vor.u32 $0x16, v9  }
0x351: {  	[tilespmem:v11+s15+$0x0] =	vst.idx.msk vm0, v7;
	v11 =	vor.u32 $0x17, v9  }
0x352: {  	[tilespmem:v12+s15+$0x0] =	vst.idx.msk vm0, v7;
	v12 =	vor.u32 $0x18, v9  }
0x353: {  	v8 =	vor.u32 s1, v6;
	[tilespmem:v13+s15+$0x0] =	vst.idx.msk vm0, v7;
	v13 =	vor.u32 $0x19, v9  }
0x354: {  	v15 =	vadd.s32 v5, v8;
	[tilespmem:v14+s15+$0x0] =	vst.idx.msk vm0, v7;
	v14 =	vor.u32 $0x1A, v9  }
0x355: {  	v17 =	vor.u32 $0x1B, v9;
	v16 =	vmulhi.u32 $0x51EB851F, v15;
	[tilespmem:v10+s15+$0x0] =	vst.idx.msk vm0, v7  }
0x356: {  	v18 =	vor.u32 $0x1C, v9;
	[tilespmem:v11+s15+$0x0] =	vst.idx.msk vm0, v7  }
0x357: {  	v10 =	vshrl.u32 v16, $0x4;
	[tilespmem:v12+s15+$0x0] =	vst.idx.msk vm0, v7;
	v12 =	vor.u32 $0x1D, v9  }
0x358: {  	v11 =	vmul.u32 $0xFFFFFFCE, v10;
	v16 =	vsub.s32 v10, v1;
	[tilespmem:v13+s15+$0x0] =	vst.idx.msk vm0, v7;
	v13 =	vor.u32 $0x1E, v9  }
.Ltmp4:
0x359: {  	v19 =	vand.u32 $0x7, v10;
	v10 =	vor.u32 $0x1F, v9;
	v16 =	vand.u32 $0xFFFFFFF8, v16;
	[tilespmem:v14+s15+$0x0] =	vst.idx.msk vm0, v7;
	(pc) =	sbr.rel @p0 .LBB2_10-.Ltmp4, $4  }
0x35a: {  	v9 =	vadd.s32 v15, v11;
	v11 =	vor.u32 v19, v16;
	[tilespmem:v17+s15+$0x0] =	vst.idx.msk vm0, v7  }
0x35b: {  	[tilespmem:v18+s15+$0x0] =	vst.idx.msk vm0, v7  }
0x35c: {  	[tilespmem:v12+s15+$0x0] =	vst.idx.msk vm0, v7  }
0x35d: {  	[tilespmem:v13+s15+$0x0] =	vst.idx.msk vm0, v7  }
0x35e: {  	_ =	sdelay $0x4  }
0x35f: {  	[tilespmem:v10+s15+$0x0] =	vst.idx.msk vm0, v7  }
0x360: {  	v10 =	vld.idx.msk [tilespmem:v11+s13+$0x0], $0xffff;
	_ =	sdelay $0x4  }
0x361: {  	vm15 =	vge.s32 v9, v10  }
0x362: {  	v8 =	vshll.u32 v8, $0x5  }
0x363: {  	v36 =	vor.u32 $0x1, v8  }
0x364: {  	v37 =	vor.u32 $0x2, v8  }
0x365: {  	v38 =	vor.u32 $0x3, v8  }
0x366: {  	v12 =	vor.u32 $0x4, v8  }
0x367: {  	v13 =	vor.u32 $0x5, v8;
	[tilespmem:v8+s15+$0x0] =	vst.idx.msk vm15, v7  }
0x368: {  	v39 =	vor.u32 $0x6, v8;
	[tilespmem:v36+s15+$0x0] =	vst.idx.msk vm15, v7  }
0x369: {  	v40 =	vor.u32 $0x7, v8;
	[tilespmem:v37+s15+$0x0] =	vst.idx.msk vm15, v7  }
0x36a: {  	v41 =	vor.u32 $0x8, v8;
	[tilespmem:v38+s15+$0x0] =	vst.idx.msk vm15, v7  }
0x36b: {  	v42 =	vor.u32 $0x9, v8;
	[tilespmem:v12+s15+$0x0] =	vst.idx.msk vm15, v7  }
0x36c: {  	v43 =	vor.u32 $0xA, v8;
	[tilespmem:v13+s15+$0x0] =	vst.idx.msk vm15, v7  }
0x36d: {  	v44 =	vor.u32 $0xB, v8;
	[tilespmem:v39+s15+$0x0] =	vst.idx.msk vm15, v7  }
0x36e: {  	v45 =	vor.u32 $0xC, v8;
	[tilespmem:v40+s15+$0x0] =	vst.idx.msk vm15, v7  }
0x36f: {  	v46 =	vor.u32 $0xD, v8;
	[tilespmem:v41+s15+$0x0] =	vst.idx.msk vm15, v7  }
0x370: {  	v47 =	vor.u32 $0xE, v8;
	[tilespmem:v42+s15+$0x0] =	vst.idx.msk vm15, v7  }
0x371: {  	v48 =	vor.u32 $0xF, v8;
	[tilespmem:v43+s15+$0x0] =	vst.idx.msk vm15, v7  }
0x372: {  	v49 =	vor.u32 $0x10, v8;
	[tilespmem:v44+s15+$0x0] =	vst.idx.msk vm15, v7  }
0x373: {  	v50 =	vor.u32 $0x11, v8;
	[tilespmem:v45+s15+$0x0] =	vst.idx.msk vm15, v7  }
0x374: {  	v51 =	vor.u32 $0x12, v8;
	[tilespmem:v46+s15+$0x0] =	vst.idx.msk vm15, v7  }
0x375: {  	v52 =	vor.u32 $0x13, v8;
	[tilespmem:v47+s15+$0x0] =	vst.idx.msk vm15, v7  }
0x376: {  	v53 =	vor.u32 $0x14, v8;
	[tilespmem:v48+s15+$0x0] =	vst.idx.msk vm15, v7  }
0x377: {  	v54 =	vor.u32 $0x15, v8;
	[tilespmem:v49+s15+$0x0] =	vst.idx.msk vm15, v7  }
0x378: {  	v55 =	vor.u32 $0x16, v8;
	[tilespmem:v50+s15+$0x0] =	vst.idx.msk vm15, v7  }
0x379: {  	v56 =	vor.u32 $0x17, v8;
	[tilespmem:v51+s15+$0x0] =	vst.idx.msk vm15, v7  }
0x37a: {  	v57 =	vor.u32 $0x18, v8;
	[tilespmem:v52+s15+$0x0] =	vst.idx.msk vm15, v7  }
0x37b: {  	v58 =	vor.u32 $0x19, v8;
	[tilespmem:v53+s15+$0x0] =	vst.idx.msk vm15, v7  }
0x37c: {  	v59 =	vor.u32 $0x1A, v8;
	[tilespmem:v54+s15+$0x0] =	vst.idx.msk vm15, v7  }
0x37d: {  	v60 =	vor.u32 $0x1B, v8;
	[tilespmem:v55+s15+$0x0] =	vst.idx.msk vm15, v7  }
0x37e: {  	v61 =	vor.u32 $0x1C, v8;
	[tilespmem:v56+s15+$0x0] =	vst.idx.msk vm15, v7  }
0x37f: {  	v62 =	vor.u32 $0x1D, v8;
	[tilespmem:v57+s15+$0x0] =	vst.idx.msk vm15, v7  }
0x380: {  	v63 =	vor.u32 $0x1E, v8;
	[tilespmem:v58+s15+$0x0] =	vst.idx.msk vm15, v7  }
0x381: {  	v8 =	vor.u32 $0x1F, v8;
	[tilespmem:v59+s15+$0x0] =	vst.idx.msk vm15, v7  }
0x382: {  	[tilespmem:v60+s15+$0x0] =	vst.idx.msk vm15, v7  }
0x383: {  	[tilespmem:v61+s15+$0x0] =	vst.idx.msk vm15, v7  }
0x384: {  	[tilespmem:v62+s15+$0x0] =	vst.idx.msk vm15, v7  }
0x385: {  	[tilespmem:v63+s15+$0x0] =	vst.idx.msk vm15, v7  }
0x386: {  	s1 =	rddreg [dreg:$0x7];
	[tilespmem:v8+s15+$0x0] =	vst.idx.msk vm15, v7  }
0x387: {  	[hbm4b:s1+s2] =	stream.linear.scatter [tilespmem:s15], [sflag:$0x3], $0xA000, $0x38;
	[tilespmem:$0x15980] =	vst v63  }
0x388: {  	_ =	swait.ge [sflag:s9], $0xA000  }
0x389: {  	[sflag:s9] =	ssyncset.done $0x0  }
0x38a: {  	[sflag:s9] =	ssyncadd.s32 $0xFFFF6000  }
0x38b: {  	_ =	swait.ge [sflag:s7], $0xA000  }
0x38c: {  	s23 =	sadd.s32 $0x1, s23;
	s10 =	rddreg [dreg:$0x8]  }
0x38d: {  	p0 =	sne.s32 s23, s10  }
.Ltmp5:
0x38e: {  	_ = 	snop;
	(pc) =	sbr.rel @p0 .LBB2_1-.Ltmp5, $3  }
0x38f: {  	_ =	sdelay $0x1  }
0x390: {  	[sflag:s7] =	ssyncset.done $0x0  }
0x391: {  	[sflag:s7] =	ssyncadd.s32 $0xFFFF6000  }
0x392: {  	_ =	sfence.sel $0x180000  }
0x393: {  	[bflag:$0x0] =	sbarrier.arrive $0xFFFF  }
0x394: {  	_ =	strace $0x90000047  }
0x395: {  	s0 =	stileid.u32;
	[bflag:$0x2] =	sbarrier.arrive $0xFFFF  }
0x396: {  	p0 =	sne.s32 s0, $0x0;
	s0 =	rddreg [dreg:$0x3]  }
0x397: {  	s0 =	sadd.s32 @!p0 $0x100000, s0  }
0x398: {  	[sflag:s0] =	ssyncadd.tile.s32 @!p0 $0x1;
	_ =	shalt  }
.Lfunc_end2:
_tile_overlayer_lowered:
.L_overlay_start_2:
0x399: {  	(tag) =	ssettag $0x2  }
0x39a: {  	s0 =	rddreg [dreg:$0x0];
	s2 =	stileid.u32  }
0x39b: {  	s1 =	rddreg [dreg:$0x1];
	p0 =	sne.s32 s2, $0x0  }
0x39c: {  	s3 =	rddreg [dreg:$0x2];
	[bflag:$0x3] =	sbarrier.arrive $0xFFFF;
	s2 =	simm.s32 @!p0 $0x1C05  }
0x39d: {  	[timem:s3], [sflag:s2] =	dma.local @!p0 [hbm:s0], s1  }
0x39e: {  	s0 =	simm.s32 @!p0 $0x5  }
0x39f: {  	_ =	swait.ge @!p0 [sflag:s0], s1  }
0x3a0: {  	s1 =	ssub.s32 @!p0 $0x0, s1;
	[sflag:s0] =	ssyncset.done @!p0 $0x0  }
0x3a1: {  	[sflag:s0] =	ssyncadd.s32 @!p0 s1  }
0x3a2: {  	[bflag:$0x3] =	sbarrier.arrive $0xFFFF  }
0x3a3: {  	_ =	shalt  }

</sc_bundles>
